<compile_context>
chip_gen: v7x
topology: tpu7x:2x2x1
jax: 0.10.2.dev20260603
libtpu: 0.0.44.dev20260713+nightly
codegen_flags: <defaults>
</compile_context>

<pallas_src>
import functools

import jax
import jax.numpy as jnp
from jax import lax
from jax.experimental import pallas as pl
from jax.experimental.pallas import tpu as pltpu
from jax.experimental.pallas import tpu_sc as plsc

N_NODE = 10000
N_EDGE = 320000
D = 128
NH = 8
DH = 16
ACC_W = 144

N_SUBCORES = 16
EDGES_PER_TILE = N_EDGE // N_SUBCORES
CHUNK = 80
N_CHUNKS = EDGES_PER_TILE // CHUNK
HALF = 5008
DUMMY = HALF
ACC_ROWS = 5024
ZROWS = 112
TBL_ROWS_PER_TILE = 2 * N_NODE // N_SUBCORES
SWEEP_ROWS = (HALF, N_NODE - HALF)


def _proj_body(x_ref, w_ref, b_ref, a_ref, h_ref, al_ref):
    h = jnp.dot(x_ref[...], w_ref[...], preferred_element_type=jnp.float32)
    h = h + b_ref[...]
    h_ref[...] = h
    al_ref[...] = jnp.dot(h, a_ref[...], preferred_element_type=jnp.float32)


def _project(x, w, b, a):
    blk = 1000
    grid = (N_NODE // blk,)
    return pl.pallas_call(
        _proj_body,
        grid=grid,
        in_specs=[
            pl.BlockSpec((blk, D), lambda i: (i, 0)),
            pl.BlockSpec((D, D), lambda i: (0, 0)),
            pl.BlockSpec((1, D), lambda i: (0, 0)),
            pl.BlockSpec((D, 32), lambda i: (0, 0)),
        ],
        out_specs=[
            pl.BlockSpec((blk, D), lambda i: (i, 0)),
            pl.BlockSpec((blk, 32), lambda i: (i, 0)),
        ],
        out_shape=[
            jax.ShapeDtypeStruct((N_NODE, D), jnp.float32),
            jax.ShapeDtypeStruct((N_NODE, 32), jnp.float32),
        ],
    )(x, w, b.reshape(1, D), a)


def _sc_edge_kernel(h_cat, table_cat, src1d, dst1d, raw,
                    zbuf_v, h_v0, h_v1, msg_v, ad_v0, ad_v1,
                    idx_src0, idx_src1, idx_dst0, idx_dst1, idx_srcp0,
                    idx_srcp1, idx_dstd0, idx_dstd1, idx_dstt0, idx_dstt1,
                    acc_sp, sem_b0, sem_b1, sem_c0, sem_c1):
    h_v = (h_v0, h_v1)
    ad_v = (ad_v0, ad_v1)
    idx_src = (idx_src0, idx_src1)
    idx_dst = (idx_dst0, idx_dst1)
    idx_srcp = (idx_srcp0, idx_srcp1)
    idx_dstd = (idx_dstd0, idx_dstd1)
    idx_dstt = (idx_dstt0, idx_dstt1)
    sem_b = (sem_b0, sem_b1)
    sem_c = (sem_c0, sem_c1)
    c = lax.axis_index("c")
    s = lax.axis_index("s")

    zero16 = jnp.zeros((DH,), jnp.float32)
    head_idx = [jnp.full((DH,), h, jnp.int32) for h in range(NH)]

    def _zero_row(r, _):
        for j in range(ACC_W // DH):
            zbuf_v[r, pl.ds(j * DH, DH)] = zero16
        return 0
    lax.fori_loop(0, ZROWS, _zero_row, 0)

    ebase0 = c * N_EDGE + s * EDGES_PER_TILE
    c10k = c * N_NODE

    for p in range(2):
        z0 = s * (ACC_ROWS // N_SUBCORES)
        for zr, zn in ((0, ZROWS), (ZROWS, ZROWS), (2 * ZROWS, 90)):
            pltpu.sync_copy(zbuf_v.at[pl.ds(0, zn)], acc_sp.at[pl.ds(z0 + zr, zn)])
        plsc.subcore_barrier()

        lo = p * HALF

        def _stage(ch, b):
            ebase = ebase0 + ch * CHUNK
            pltpu.sync_copy(src1d.at[pl.ds(ebase, CHUNK)], idx_src[b])
            pltpu.sync_copy(dst1d.at[pl.ds(ebase, CHUNK)], idx_dst[b])
            for j in range(CHUNK // DH):
                sl = pl.ds(j * DH, DH)
                idx_srcp[b][sl] = idx_src[b][sl] + c10k
                idx_dstt[b][sl] = idx_dst[b][sl] + c10k
                t = idx_dst[b][sl] - lo
                if p == 0:
                    idx_dstd[b][sl] = jnp.minimum(t, DUMMY)
                else:
                    idx_dstd[b][sl] = jnp.where(t >= 0, t, DUMMY)
            return (pltpu.async_copy(table_cat.at[idx_dstt[b]], ad_v[b], sem_b[b]),
                    pltpu.async_copy(h_cat.at[idx_srcp[b]], h_v[b], sem_c[b]))

        def _process(b, dmas):
            for d in dmas:
                d.wait()

            @plsc.parallel_loop(0, CHUNK, unroll=8)
            def _edge(e):
                a = h_v[b][e, pl.ds(D, DH)] + ad_v[b][e, :]
                a = jnp.maximum(a, a * 0.2)
                ev = jnp.exp(a)
                msg_v[e, pl.ds(D, DH)] = ev
                for h in range(NH):
                    ebc = ev.at[head_idx[h]].get(mode='promise_in_bounds')
                    sl = pl.ds(h * DH, DH)
                    msg_v[e, sl] = h_v[b][e, sl] * ebc

            pltpu.sync_copy(msg_v, acc_sp.at[idx_dstd[b]], add=True)

        def _chunk2(ch2, _):
            d0 = _stage(2 * ch2, 0)
            d1 = _stage(2 * ch2 + 1, 1)
            _process(0, d0)
            _process(1, d1)
            return 0
        lax.fori_loop(0, N_CHUNKS // 2, _chunk2, 0)
        plsc.subcore_barrier()

        rp = SWEEP_ROWS[p] // N_SUBCORES
        r0 = s * rp
        pltpu.sync_copy(acc_sp.at[pl.ds(r0, rp)],
                        raw.at[pl.ds(c * N_NODE + lo + r0, rp)])
        plsc.subcore_barrier()


def _sc_edge_phase(h_cat, table_cat, src1d, dst1d):
    mesh = plsc.VectorSubcoreMesh(core_axis_name="c", subcore_axis_name="s")
    run = functools.partial(
        pl.kernel,
        mesh=mesh,
        compiler_params=pltpu.CompilerParams(use_tc_tiling_on_sc=False,
                                             needs_layout_passes=False),
        out_type=jax.ShapeDtypeStruct((2 * N_NODE, ACC_W), jnp.float32),
        scratch_types=[
            pltpu.VMEM((ZROWS, ACC_W), jnp.float32),
            pltpu.VMEM((CHUNK, ACC_W), jnp.float32),
            pltpu.VMEM((CHUNK, ACC_W), jnp.float32),
            pltpu.VMEM((CHUNK, ACC_W), jnp.float32),
            pltpu.VMEM((CHUNK, DH), jnp.float32),
            pltpu.VMEM((CHUNK, DH), jnp.float32),
            pltpu.VMEM((CHUNK,), jnp.int32),
            pltpu.VMEM((CHUNK,), jnp.int32),
            pltpu.VMEM((CHUNK,), jnp.int32),
            pltpu.VMEM((CHUNK,), jnp.int32),
            pltpu.VMEM((CHUNK,), jnp.int32),
            pltpu.VMEM((CHUNK,), jnp.int32),
            pltpu.VMEM((CHUNK,), jnp.int32),
            pltpu.VMEM((CHUNK,), jnp.int32),
            pltpu.VMEM((CHUNK,), jnp.int32),
            pltpu.VMEM((CHUNK,), jnp.int32),
            pltpu.VMEM_SHARED((ACC_ROWS, ACC_W), jnp.float32),
            pltpu.SemaphoreType.DMA,
            pltpu.SemaphoreType.DMA,
            pltpu.SemaphoreType.DMA,
            pltpu.SemaphoreType.DMA,
        ],
    )(_sc_edge_kernel)
    return run(h_cat, table_cat, src1d, dst1d)


def _norm_body(rt_ref, raw_ref, out_ref):
    raw = raw_ref[...]
    msg = raw[:, 0:D]
    den = raw[:, D:D + NH]
    drep = jnp.dot(den, rt_ref[...], preferred_element_type=jnp.float32)
    out_ref[...] = jnp.maximum(msg / (drep + 1e-16), 0.0)


def _normalize(raw, rt):
    blk = 1000
    grid = (2 * N_NODE // blk,)
    return pl.pallas_call(
        _norm_body,
        grid=grid,
        in_specs=[
            pl.BlockSpec((NH, D), lambda i: (0, 0)),
            pl.BlockSpec((blk, ACC_W), lambda i: (i, 0)),
        ],
        out_specs=pl.BlockSpec((blk, D), lambda i: (i, 0)),
        out_shape=jax.ShapeDtypeStruct((2 * N_NODE, D), jnp.float32),
    )(rt, raw)


def kernel(x_user, x_item, edge_index_ut, edge_index_tu, W_user, b_user,
           W_item, b_item, att_src_ut, att_dst_ut, att_src_tu, att_dst_tu,
           k_W, k_b, q):
    f32 = jnp.float32
    rep = jnp.repeat(jnp.eye(NH, dtype=f32), DH, axis=0)
    z8 = jnp.zeros((D, NH), f32)

    def att_cols(att):
        return rep * att.reshape(D)[:, None]

    A_user = jnp.concatenate(
        [att_cols(att_src_ut), z8, att_cols(att_dst_tu), z8], axis=1)
    A_item = jnp.concatenate(
        [att_cols(att_src_tu), z8, att_cols(att_dst_ut), z8], axis=1)

    h_u, al_u = _project(x_user, W_user, b_user, A_user)
    h_i, al_i = _project(x_item, W_item, b_item, A_item)

    h_cat = jnp.concatenate(
        [jnp.concatenate([h_i, al_i[:, 0:16]], axis=1),
         jnp.concatenate([h_u, al_u[:, 0:16]], axis=1)], axis=0)
    table_cat = jnp.concatenate([al_u[:, 16:32], al_i[:, 16:32]], axis=0)

    ei_tu = jnp.asarray(edge_index_tu, jnp.int32)
    ei_ut = jnp.asarray(edge_index_ut, jnp.int32)
    src1d = jnp.concatenate([ei_tu[0], ei_ut[0]])
    dst1d = jnp.concatenate([ei_tu[1], ei_ut[1]])

    raw = _sc_edge_phase(h_cat, table_cat, src1d, dst1d)
    return _normalize(raw, rep.T)

# --- scband reference (transcript-rebuilt; emitter-appended) ---
"""Pipeline reference for scband-han-16174846836856 (READ-ONLY COPY).

The authoritative reference and input builder live on the scoring server;
editing this copy changes nothing except your own understanding.
"""

import jax, jax.numpy as jnp
import numpy as np

N_U = 10000
N_I = 10000
E = 320000
D_IN = 128
C = 128
H = 8
Dh = C // H


def setup_inputs(seed: int = 0) -> dict:
    key = jax.random.key(seed)
    ks = jax.random.split(key, 16)
    inp = {}
    inp["x_user"] = jax.random.normal(ks[0], (N_U, D_IN), dtype=jnp.float32)
    inp["x_item"] = jax.random.normal(ks[1], (N_I, D_IN), dtype=jnp.float32)
    inp["edge_index_ut"] = jax.random.randint(ks[2], (2, E), 0, N_U, dtype=jnp.int64 if jax.config.jax_enable_x64 else jnp.int32)
    inp["edge_index_tu"] = jax.random.randint(ks[3], (2, E), 0, N_I, dtype=jnp.int64 if jax.config.jax_enable_x64 else jnp.int32)
    s = 1.0 / np.sqrt(D_IN)
    inp["W_user"] = jax.random.normal(ks[4], (D_IN, C), dtype=jnp.float32) * s
    inp["b_user"] = jnp.zeros((C,), dtype=jnp.float32)
    inp["W_item"] = jax.random.normal(ks[5], (D_IN, C), dtype=jnp.float32) * s
    inp["b_item"] = jnp.zeros((C,), dtype=jnp.float32)
    inp["att_src_ut"] = jax.random.normal(ks[6], (H, Dh), dtype=jnp.float32) * 0.1
    inp["att_dst_ut"] = jax.random.normal(ks[7], (H, Dh), dtype=jnp.float32) * 0.1
    inp["att_src_tu"] = jax.random.normal(ks[8], (H, Dh), dtype=jnp.float32) * 0.1
    inp["att_dst_tu"] = jax.random.normal(ks[9], (H, Dh), dtype=jnp.float32) * 0.1
    inp["k_W"] = jax.random.normal(ks[10], (C, C), dtype=jnp.float32) * (1.0 / np.sqrt(C))
    inp["k_b"] = jnp.zeros((C,), dtype=jnp.float32)
    inp["q"] = jax.random.normal(ks[11], (C,), dtype=jnp.float32) * 0.1
    return inp


def _seg_softmax(alpha, seg, num):
    m = jax.ops.segment_max(alpha, seg, num_segments=num)
    m = jnp.where(jnp.isfinite(m), m, 0.0)
    e = jnp.exp(alpha - m[seg])
    s = jax.ops.segment_sum(e, seg, num_segments=num)
    return e / (s[seg] + 1e-16)


def reference(x_user, x_item, edge_index_ut, edge_index_tu, W_user, b_user, W_item, b_item, att_src_ut, att_dst_ut, att_src_tu, att_dst_tu, k_W, k_b, q):
    # HANConv: per-node-type projection -> per-metapath GAT-style attention -> semantic attention.
    h_u = (x_user @ W_user + b_user).reshape(N_U, H, Dh)
    h_i = (x_item @ W_item + b_item).reshape(N_I, H, Dh)

    def metapath(h_src, h_dst, ei, a_s, a_d, num_dst):
        src, dst = ei[0], ei[1]
        al_s = (h_src * a_s[None, :, :]).sum(-1)  # [N_src, H]
        al_d = (h_dst * a_d[None, :, :]).sum(-1)  # [N_dst, H]
        alpha = al_s[src] + al_d[dst]             # gather -> [E, H]
        alpha = jax.nn.leaky_relu(alpha, 0.2)
        alpha = _seg_softmax(alpha, dst, num_dst)  # softmax over incoming edges per dst
        # dropout(0.2) omitted (eval mode)
        msg = h_src[src] * alpha[:, :, None]       # [E, H, Dh]
        out = jax.ops.segment_sum(msg, dst, num_segments=num_dst)  # scatter-add
        return jax.nn.relu(out.reshape(num_dst, C))

    out_i = metapath(h_u, h_i, edge_index_ut, att_src_ut, att_dst_ut, N_I)
    out_u = metapath(h_i, h_u, edge_index_tu, att_src_tu, att_dst_tu, N_U)

    def semantic(xs):
        out = jnp.stack(xs)  # [M, N, C]
        score = (q * jnp.tanh(out @ k_W + k_b)).sum(-1).mean(axis=1)  # [M]
        attn = jax.nn.softmax(score, axis=0)
        return (out * attn[:, None, None]).sum(0)

    z_u = semantic([out_u])
    z_i = semantic([out_i])
    return jnp.concatenate([z_u, z_i], axis=0)

if __name__ == "__main__":
    import jax
    _d = setup_inputs()
    print(jax.jit(kernel)(*tuple(_d.values())))

</pallas_src>

<mosaic_0001>
#map = affine_map<(d0, d1) -> (0, 0)>
#map1 = affine_map<(d0, d1) -> (0)>
module attributes {stable_mosaic.version = 14 : i64} {
  func.func @_sc_edge_kernel(%arg0: i32, %arg1: i32, %arg2: memref<20000x144xf32, #tpu.memory_space<hbm>>, %arg3: memref<20000x16xf32, #tpu.memory_space<hbm>>, %arg4: memref<640000xi32, #tpu.memory_space<hbm>>, %arg5: memref<640000xi32, #tpu.memory_space<hbm>>, %arg6: memref<20000x144xf32, #tpu.memory_space<hbm>>, %arg7: memref<112x144xf32, #tpu.memory_space<vmem>>, %arg8: memref<80x144xf32, #tpu.memory_space<vmem>>, %arg9: memref<80x144xf32, #tpu.memory_space<vmem>>, %arg10: memref<80x144xf32, #tpu.memory_space<vmem>>, %arg11: memref<80x16xf32, #tpu.memory_space<vmem>>, %arg12: memref<80x16xf32, #tpu.memory_space<vmem>>, %arg13: memref<80xi32, #tpu.memory_space<vmem>>, %arg14: memref<80xi32, #tpu.memory_space<vmem>>, %arg15: memref<80xi32, #tpu.memory_space<vmem>>, %arg16: memref<80xi32, #tpu.memory_space<vmem>>, %arg17: memref<80xi32, #tpu.memory_space<vmem>>, %arg18: memref<80xi32, #tpu.memory_space<vmem>>, %arg19: memref<80xi32, #tpu.memory_space<vmem>>, %arg20: memref<80xi32, #tpu.memory_space<vmem>>, %arg21: memref<80xi32, #tpu.memory_space<vmem>>, %arg22: memref<80xi32, #tpu.memory_space<vmem>>, %arg23: memref<5024x144xf32, #tpu.memory_space<vmem_shared>>, %arg24: memref<!tpu.dma_semaphore, #tpu.memory_space<semaphore_mem>>, %arg25: memref<!tpu.dma_semaphore, #tpu.memory_space<semaphore_mem>>, %arg26: memref<!tpu.dma_semaphore, #tpu.memory_space<semaphore_mem>>, %arg27: memref<!tpu.dma_semaphore, #tpu.memory_space<semaphore_mem>>) attributes {dimension_semantics = [#tpu.dimension_semantics<core_parallel>, #tpu.dimension_semantics<subcore_parallel>], iteration_bounds = array<i64: 2, 16>, scalar_prefetch = 0 : i64, scratch_operands = 21 : i64, tpu.core_type = #tpu.core_type<sc_vector_subcore>, window_params = [{transform_indices = #map}, {transform_indices = #map}, {transform_indices = #map1}, {transform_indices = #map1}, {transform_indices = #map}]} {
    %broadcast_in_dim3A = arith.constant 0.000000e+00 : f32
    %broadcast_in_dim3A_0 = vector.broadcast %broadcast_in_dim3A : f32 to vector<16xf32>
    %broadcast_in_dim3A_1 = arith.constant 0 : i32
    %broadcast_in_dim3A_2 = vector.broadcast %broadcast_in_dim3A_1 : i32 to vector<16xi32>
    %broadcast_in_dim3A_3 = arith.constant 1 : i32
    %broadcast_in_dim3A_4 = vector.broadcast %broadcast_in_dim3A_3 : i32 to vector<16xi32>
    %broadcast_in_dim3A_5 = arith.constant 2 : i32
    %broadcast_in_dim3A_6 = vector.broadcast %broadcast_in_dim3A_5 : i32 to vector<16xi32>
    %broadcast_in_dim3A_7 = arith.constant 3 : i32
    %broadcast_in_dim3A_8 = vector.broadcast %broadcast_in_dim3A_7 : i32 to vector<16xi32>
    %broadcast_in_dim3A_9 = arith.constant 4 : i32
    %broadcast_in_dim3A_10 = vector.broadcast %broadcast_in_dim3A_9 : i32 to vector<16xi32>
    %broadcast_in_dim3A_11 = arith.constant 5 : i32
    %broadcast_in_dim3A_12 = vector.broadcast %broadcast_in_dim3A_11 : i32 to vector<16xi32>
    %broadcast_in_dim3A_13 = arith.constant 6 : i32
    %broadcast_in_dim3A_14 = vector.broadcast %broadcast_in_dim3A_13 : i32 to vector<16xi32>
    %broadcast_in_dim3A_15 = arith.constant 7 : i32
    %broadcast_in_dim3A_16 = vector.broadcast %broadcast_in_dim3A_15 : i32 to vector<16xi32>
    %scan3A = arith.constant 0 : i32
    %scan3A_17 = arith.constant 0 : i32
    %scan3A_18 = arith.constant 112 : i32
    %scan3A_19 = arith.addi %scan3A_17, %scan3A_18 : i32
    %scan3A_20 = arith.constant 1 : i32
    %scan3A_21 = scf.for %scan3A_77 = %scan3A_17 to %scan3A_19 step %scan3A_20 iter_args(%scan3A_78 = %scan3A) -> (i32)  : i32 {
      %swap3A = arith.index_cast %scan3A_77 : i32 to index
      %swap3A_79 = arith.constant 0 : index
      %swap3A_80 = tpu.vector_load %arg7[%swap3A, %swap3A_79] {strides = array<i32>} : memref<112x144xf32, #tpu.memory_space<vmem>>, vector<16xf32>,
      tpu.vector_store %arg7[%swap3A, %swap3A_79], %broadcast_in_dim3A_0 {strides = array<i32>} : memref<112x144xf32, #tpu.memory_space<vmem>>, vector<16xf32>,
      %swap3A_81 = arith.index_cast %scan3A_77 : i32 to index
      %swap3A_82 = arith.constant 16 : index
      %swap3A_83 = tpu.vector_load %arg7[%swap3A_81, %swap3A_82] {strides = array<i32>} : memref<112x144xf32, #tpu.memory_space<vmem>>, vector<16xf32>,
      tpu.vector_store %arg7[%swap3A_81, %swap3A_82], %broadcast_in_dim3A_0 {strides = array<i32>} : memref<112x144xf32, #tpu.memory_space<vmem>>, vector<16xf32>,
      %swap3A_84 = arith.index_cast %scan3A_77 : i32 to index
      %swap3A_85 = arith.constant 32 : index
      %swap3A_86 = tpu.vector_load %arg7[%swap3A_84, %swap3A_85] {strides = array<i32>} : memref<112x144xf32, #tpu.memory_space<vmem>>, vector<16xf32>,
      tpu.vector_store %arg7[%swap3A_84, %swap3A_85], %broadcast_in_dim3A_0 {strides = array<i32>} : memref<112x144xf32, #tpu.memory_space<vmem>>, vector<16xf32>,
      %swap3A_87 = arith.index_cast %scan3A_77 : i32 to index
      %swap3A_88 = arith.constant 48 : index
      %swap3A_89 = tpu.vector_load %arg7[%swap3A_87, %swap3A_88] {strides = array<i32>} : memref<112x144xf32, #tpu.memory_space<vmem>>, vector<16xf32>,
      tpu.vector_store %arg7[%swap3A_87, %swap3A_88], %broadcast_in_dim3A_0 {strides = array<i32>} : memref<112x144xf32, #tpu.memory_space<vmem>>, vector<16xf32>,
      %swap3A_90 = arith.index_cast %scan3A_77 : i32 to index
      %swap3A_91 = arith.constant 64 : index
      %swap3A_92 = tpu.vector_load %arg7[%swap3A_90, %swap3A_91] {strides = array<i32>} : memref<112x144xf32, #tpu.memory_space<vmem>>, vector<16xf32>,
      tpu.vector_store %arg7[%swap3A_90, %swap3A_91], %broadcast_in_dim3A_0 {strides = array<i32>} : memref<112x144xf32, #tpu.memory_space<vmem>>, vector<16xf32>,
      %swap3A_93 = arith.index_cast %scan3A_77 : i32 to index
      %swap3A_94 = arith.constant 80 : index
      %swap3A_95 = tpu.vector_load %arg7[%swap3A_93, %swap3A_94] {strides = array<i32>} : memref<112x144xf32, #tpu.memory_space<vmem>>, vector<16xf32>,
      tpu.vector_store %arg7[%swap3A_93, %swap3A_94], %broadcast_in_dim3A_0 {strides = array<i32>} : memref<112x144xf32, #tpu.memory_space<vmem>>, vector<16xf32>,
      %swap3A_96 = arith.index_cast %scan3A_77 : i32 to index
      %swap3A_97 = arith.constant 96 : index
      %swap3A_98 = tpu.vector_load %arg7[%swap3A_96, %swap3A_97] {strides = array<i32>} : memref<112x144xf32, #tpu.memory_space<vmem>>, vector<16xf32>,
      tpu.vector_store %arg7[%swap3A_96, %swap3A_97], %broadcast_in_dim3A_0 {strides = array<i32>} : memref<112x144xf32, #tpu.memory_space<vmem>>, vector<16xf32>,
      %swap3A_99 = arith.index_cast %scan3A_77 : i32 to index
      %swap3A_100 = arith.constant 112 : index
      %swap3A_101 = tpu.vector_load %arg7[%swap3A_99, %swap3A_100] {strides = array<i32>} : memref<112x144xf32, #tpu.memory_space<vmem>>, vector<16xf32>,
      tpu.vector_store %arg7[%swap3A_99, %swap3A_100], %broadcast_in_dim3A_0 {strides = array<i32>} : memref<112x144xf32, #tpu.memory_space<vmem>>, vector<16xf32>,
      %swap3A_102 = arith.index_cast %scan3A_77 : i32 to index
      %swap3A_103 = arith.constant 128 : index
      %swap3A_104 = tpu.vector_load %arg7[%swap3A_102, %swap3A_103] {strides = array<i32>} : memref<112x144xf32, #tpu.memory_space<vmem>>, vector<16xf32>,
      tpu.vector_store %arg7[%swap3A_102, %swap3A_103], %broadcast_in_dim3A_0 {strides = array<i32>} : memref<112x144xf32, #tpu.memory_space<vmem>>, vector<16xf32>,
      %scan3A_105 = arith.constant 0 : i32
      scf.yield %scan3A_105 : i32
    }
    %scan3A_22 = arith.constant 112 : i32
    %mul3A = arith.constant 320000 : i32
    %mul3A_23 = arith.muli %arg0, %mul3A : i32
    %mul3A_24 = arith.constant 20000 : i32
    %mul3A_25 = arith.muli %arg1, %mul3A_24 : i32
    %add3A = arith.addi %mul3A_23, %mul3A_25 : i32
    %mul3A_26 = arith.constant 10000 : i32
    %mul3A_27 = arith.muli %arg0, %mul3A_26 : i32
    %mul3A_28 = arith.constant 314 : i32
    %mul3A_29 = arith.muli %arg1, %mul3A_28 : i32
    %add3A_30 = arith.constant 0 : i32
    %add3A_31 = arith.addi %mul3A_29, %add3A_30 : i32
    "tpu.region"() ({
      %run_scoped3A = tpu.sem_alloc : memref<!tpu.dma_semaphore, #tpu.memory_space<semaphore_mem>>
      %dma_start3A = arith.constant 0 : i32
      %dma_start3A_77 = arith.constant 0 : i32
      %dma_start3A_78 = tpu.memref_slice %arg7[%dma_start3A, %dma_start3A_77] : memref<112x144xf32, #tpu.memory_space<vmem>> -> memref<112x144xf32, #tpu.memory_space<vmem>>
      %dma_start3A_79 = arith.constant 0 : i32
      %dma_start3A_80 = tpu.memref_slice %arg23[%add3A_31, %dma_start3A_79] : memref<5024x144xf32, #tpu.memory_space<vmem_shared>> -> memref<112x144xf32, #tpu.memory_space<vmem_shared>>
      %dma_start3A_81 = arith.constant 0 : i32
      %dma_start3A_82 = tpu.memref_slice %arg23[%add3A_31, %dma_start3A_81] : memref<5024x144xf32, #tpu.memory_space<vmem_shared>> -> memref<112x144xf32, #tpu.memory_space<vmem_shared>>
      %dma_start3A_83 = arith.constant 0 : i32
      %dma_start3A_84 = arith.constant 0 : i32
      %dma_start3A_85 = tpu.memref_slice %arg7[%dma_start3A_83, %dma_start3A_84] : memref<112x144xf32, #tpu.memory_space<vmem>> -> memref<112x144xf32, #tpu.memory_space<vmem>>
      tpu.enqueue_dma source(%dma_start3A_85 : memref<112x144xf32, #tpu.memory_space<vmem>>) target(%dma_start3A_82 : memref<112x144xf32, #tpu.memory_space<vmem_shared>>) target_semaphore(%run_scoped3A : memref<!tpu.dma_semaphore, #tpu.memory_space<semaphore_mem>>)
      %dma_wait3A = arith.constant 0 : i32
      %dma_wait3A_86 = arith.constant 0 : i32
      %dma_wait3A_87 = tpu.memref_slice %arg7[%dma_wait3A, %dma_wait3A_86] : memref<112x144xf32, #tpu.memory_space<vmem>> -> memref<112x144xf32, #tpu.memory_space<vmem>>
      %dma_wait3A_88 = arith.constant 0 : i32
      %dma_wait3A_89 = tpu.memref_slice %arg23[%add3A_31, %dma_wait3A_88] : memref<5024x144xf32, #tpu.memory_space<vmem_shared>> -> memref<112x144xf32, #tpu.memory_space<vmem_shared>>
      %dma_wait3A_90 = arith.constant 0 : i32
      %dma_wait3A_91 = tpu.memref_slice %arg23[%add3A_31, %dma_wait3A_90] : memref<5024x144xf32, #tpu.memory_space<vmem_shared>> -> memref<112x144xf32, #tpu.memory_space<vmem_shared>>
      %dma_wait3A_92 = arith.constant 0 : i32
      %dma_wait3A_93 = arith.constant 0 : i32
      %dma_wait3A_94 = tpu.memref_slice %arg7[%dma_wait3A_92, %dma_wait3A_93] : memref<112x144xf32, #tpu.memory_space<vmem>> -> memref<112x144xf32, #tpu.memory_space<vmem>>
      tpu.wait_dma2 semaphore(%run_scoped3A : memref<!tpu.dma_semaphore, #tpu.memory_space<semaphore_mem>>) src(%dma_wait3A_94 : memref<112x144xf32, #tpu.memory_space<vmem>>) dst(%dma_wait3A_91 : memref<112x144xf32, #tpu.memory_space<vmem_shared>>)
      tpu.yield
    }) : () -> ()
    %add3A_32 = arith.constant 112 : i32
    %add3A_33 = arith.addi %mul3A_29, %add3A_32 : i32
    "tpu.region"() ({
      %run_scoped3A = tpu.sem_alloc : memref<!tpu.dma_semaphore, #tpu.memory_space<semaphore_mem>>
      %dma_start3A = arith.constant 0 : i32
      %dma_start3A_77 = arith.constant 0 : i32
      %dma_start3A_78 = tpu.memref_slice %arg7[%dma_start3A, %dma_start3A_77] : memref<112x144xf32, #tpu.memory_space<vmem>> -> memref<112x144xf32, #tpu.memory_space<vmem>>
      %dma_start3A_79 = arith.constant 0 : i32
      %dma_start3A_80 = tpu.memref_slice %arg23[%add3A_33, %dma_start3A_79] : memref<5024x144xf32, #tpu.memory_space<vmem_shared>> -> memref<112x144xf32, #tpu.memory_space<vmem_shared>>
      %dma_start3A_81 = arith.constant 0 : i32
      %dma_start3A_82 = tpu.memref_slice %arg23[%add3A_33, %dma_start3A_81] : memref<5024x144xf32, #tpu.memory_space<vmem_shared>> -> memref<112x144xf32, #tpu.memory_space<vmem_shared>>
      %dma_start3A_83 = arith.constant 0 : i32
      %dma_start3A_84 = arith.constant 0 : i32
      %dma_start3A_85 = tpu.memref_slice %arg7[%dma_start3A_83, %dma_start3A_84] : memref<112x144xf32, #tpu.memory_space<vmem>> -> memref<112x144xf32, #tpu.memory_space<vmem>>
      tpu.enqueue_dma source(%dma_start3A_85 : memref<112x144xf32, #tpu.memory_space<vmem>>) target(%dma_start3A_82 : memref<112x144xf32, #tpu.memory_space<vmem_shared>>) target_semaphore(%run_scoped3A : memref<!tpu.dma_semaphore, #tpu.memory_space<semaphore_mem>>)
      %dma_wait3A = arith.constant 0 : i32
      %dma_wait3A_86 = arith.constant 0 : i32
      %dma_wait3A_87 = tpu.memref_slice %arg7[%dma_wait3A, %dma_wait3A_86] : memref<112x144xf32, #tpu.memory_space<vmem>> -> memref<112x144xf32, #tpu.memory_space<vmem>>
      %dma_wait3A_88 = arith.constant 0 : i32
      %dma_wait3A_89 = tpu.memref_slice %arg23[%add3A_33, %dma_wait3A_88] : memref<5024x144xf32, #tpu.memory_space<vmem_shared>> -> memref<112x144xf32, #tpu.memory_space<vmem_shared>>
      %dma_wait3A_90 = arith.constant 0 : i32
      %dma_wait3A_91 = tpu.memref_slice %arg23[%add3A_33, %dma_wait3A_90] : memref<5024x144xf32, #tpu.memory_space<vmem_shared>> -> memref<112x144xf32, #tpu.memory_space<vmem_shared>>
      %dma_wait3A_92 = arith.constant 0 : i32
      %dma_wait3A_93 = arith.constant 0 : i32
      %dma_wait3A_94 = tpu.memref_slice %arg7[%dma_wait3A_92, %dma_wait3A_93] : memref<112x144xf32, #tpu.memory_space<vmem>> -> memref<112x144xf32, #tpu.memory_space<vmem>>
      tpu.wait_dma2 semaphore(%run_scoped3A : memref<!tpu.dma_semaphore, #tpu.memory_space<semaphore_mem>>) src(%dma_wait3A_94 : memref<112x144xf32, #tpu.memory_space<vmem>>) dst(%dma_wait3A_91 : memref<112x144xf32, #tpu.memory_space<vmem_shared>>)
      tpu.yield
    }) : () -> ()
    %add3A_34 = arith.constant 224 : i32
    %add3A_35 = arith.addi %mul3A_29, %add3A_34 : i32
    "tpu.region"() ({
      %run_scoped3A = tpu.sem_alloc : memref<!tpu.dma_semaphore, #tpu.memory_space<semaphore_mem>>
      %dma_start3A = arith.constant 0 : i32
      %dma_start3A_77 = arith.constant 0 : i32
      %dma_start3A_78 = tpu.memref_slice %arg7[%dma_start3A, %dma_start3A_77] : memref<112x144xf32, #tpu.memory_space<vmem>> -> memref<90x144xf32, #tpu.memory_space<vmem>>
      %dma_start3A_79 = arith.constant 0 : i32
      %dma_start3A_80 = tpu.memref_slice %arg23[%add3A_35, %dma_start3A_79] : memref<5024x144xf32, #tpu.memory_space<vmem_shared>> -> memref<90x144xf32, #tpu.memory_space<vmem_shared>>
      %dma_start3A_81 = arith.constant 0 : i32
      %dma_start3A_82 = tpu.memref_slice %arg23[%add3A_35, %dma_start3A_81] : memref<5024x144xf32, #tpu.memory_space<vmem_shared>> -> memref<90x144xf32, #tpu.memory_space<vmem_shared>>
      %dma_start3A_83 = arith.constant 0 : i32
      %dma_start3A_84 = arith.constant 0 : i32
      %dma_start3A_85 = tpu.memref_slice %arg7[%dma_start3A_83, %dma_start3A_84] : memref<112x144xf32, #tpu.memory_space<vmem>> -> memref<90x144xf32, #tpu.memory_space<vmem>>
      tpu.enqueue_dma source(%dma_start3A_85 : memref<90x144xf32, #tpu.memory_space<vmem>>) target(%dma_start3A_82 : memref<90x144xf32, #tpu.memory_space<vmem_shared>>) target_semaphore(%run_scoped3A : memref<!tpu.dma_semaphore, #tpu.memory_space<semaphore_mem>>)
      %dma_wait3A = arith.constant 0 : i32
      %dma_wait3A_86 = arith.constant 0 : i32
      %dma_wait3A_87 = tpu.memref_slice %arg7[%dma_wait3A, %dma_wait3A_86] : memref<112x144xf32, #tpu.memory_space<vmem>> -> memref<90x144xf32, #tpu.memory_space<vmem>>
      %dma_wait3A_88 = arith.constant 0 : i32
      %dma_wait3A_89 = tpu.memref_slice %arg23[%add3A_35, %dma_wait3A_88] : memref<5024x144xf32, #tpu.memory_space<vmem_shared>> -> memref<90x144xf32, #tpu.memory_space<vmem_shared>>
      %dma_wait3A_90 = arith.constant 0 : i32
      %dma_wait3A_91 = tpu.memref_slice %arg23[%add3A_35, %dma_wait3A_90] : memref<5024x144xf32, #tpu.memory_space<vmem_shared>> -> memref<90x144xf32, #tpu.memory_space<vmem_shared>>
      %dma_wait3A_92 = arith.constant 0 : i32
      %dma_wait3A_93 = arith.constant 0 : i32
      %dma_wait3A_94 = tpu.memref_slice %arg7[%dma_wait3A_92, %dma_wait3A_93] : memref<112x144xf32, #tpu.memory_space<vmem>> -> memref<90x144xf32, #tpu.memory_space<vmem>>
      tpu.wait_dma2 semaphore(%run_scoped3A : memref<!tpu.dma_semaphore, #tpu.memory_space<semaphore_mem>>) src(%dma_wait3A_94 : memref<90x144xf32, #tpu.memory_space<vmem>>) dst(%dma_wait3A_91 : memref<90x144xf32, #tpu.memory_space<vmem_shared>>)
      tpu.yield
    }) : () -> ()
    %barrier3A = arith.constant 0 : index
    tpu.barrier barrier_id(%barrier3A)
    %scan3A_36 = arith.constant 0 : i32
    %scan3A_37 = arith.constant 0 : i32
    %scan3A_38 = arith.constant 125 : i32
    %scan3A_39 = arith.addi %scan3A_37, %scan3A_38 : i32
    %scan3A_40 = arith.constant 1 : i32
    %scan3A_41 = scf.for %scan3A_77 = %scan3A_37 to %scan3A_39 step %scan3A_40 iter_args(%scan3A_78 = %scan3A_36) -> (i32)  : i32 {
      %mul3A_79 = arith.constant 2 : i32
      %mul3A_80 = arith.muli %mul3A_79, %scan3A_77 : i32
      %mul3A_81 = arith.constant 80 : i32
      %mul3A_82 = arith.muli %mul3A_80, %mul3A_81 : i32
      %add3A_83 = arith.addi %add3A, %mul3A_82 : i32
      "tpu.region"() ({
        %run_scoped3A = tpu.sem_alloc : memref<!tpu.dma_semaphore, #tpu.memory_space<semaphore_mem>>
        %dma_start3A_335 = tpu.memref_slice %arg4[%add3A_83] : memref<640000xi32, #tpu.memory_space<hbm>> -> memref<80xi32, #tpu.memory_space<hbm>>
        %dma_start3A_336 = tpu.memref_slice %arg4[%add3A_83] : memref<640000xi32, #tpu.memory_space<hbm>> -> memref<80xi32, #tpu.memory_space<hbm>>
        tpu.enqueue_dma source(%dma_start3A_336 : memref<80xi32, #tpu.memory_space<hbm>>) target(%arg13 : memref<80xi32, #tpu.memory_space<vmem>>) target_semaphore(%run_scoped3A : memref<!tpu.dma_semaphore, #tpu.memory_space<semaphore_mem>>)
        %dma_wait3A_337 = tpu.memref_slice %arg4[%add3A_83] : memref<640000xi32, #tpu.memory_space<hbm>> -> memref<80xi32, #tpu.memory_space<hbm>>
        %dma_wait3A_338 = tpu.memref_slice %arg4[%add3A_83] : memref<640000xi32, #tpu.memory_space<hbm>> -> memref<80xi32, #tpu.memory_space<hbm>>
        tpu.wait_dma2 semaphore(%run_scoped3A : memref<!tpu.dma_semaphore, #tpu.memory_space<semaphore_mem>>) src(%dma_wait3A_338 : memref<80xi32, #tpu.memory_space<hbm>>) dst(%arg13 : memref<80xi32, #tpu.memory_space<vmem>>)
        tpu.yield
      }) : () -> ()
      "tpu.region"() ({
        %run_scoped3A = tpu.sem_alloc : memref<!tpu.dma_semaphore, #tpu.memory_space<semaphore_mem>>
        %dma_start3A_335 = tpu.memref_slice %arg5[%add3A_83] : memref<640000xi32, #tpu.memory_space<hbm>> -> memref<80xi32, #tpu.memory_space<hbm>>
        %dma_start3A_336 = tpu.memref_slice %arg5[%add3A_83] : memref<640000xi32, #tpu.memory_space<hbm>> -> memref<80xi32, #tpu.memory_space<hbm>>
        tpu.enqueue_dma source(%dma_start3A_336 : memref<80xi32, #tpu.memory_space<hbm>>) target(%arg15 : memref<80xi32, #tpu.memory_space<vmem>>) target_semaphore(%run_scoped3A : memref<!tpu.dma_semaphore, #tpu.memory_space<semaphore_mem>>)
        %dma_wait3A_337 = tpu.memref_slice %arg5[%add3A_83] : memref<640000xi32, #tpu.memory_space<hbm>> -> memref<80xi32, #tpu.memory_space<hbm>>
        %dma_wait3A_338 = tpu.memref_slice %arg5[%add3A_83] : memref<640000xi32, #tpu.memory_space<hbm>> -> memref<80xi32, #tpu.memory_space<hbm>>
        tpu.wait_dma2 semaphore(%run_scoped3A : memref<!tpu.dma_semaphore, #tpu.memory_space<semaphore_mem>>) src(%dma_wait3A_338 : memref<80xi32, #tpu.memory_space<hbm>>) dst(%arg15 : memref<80xi32, #tpu.memory_space<vmem>>)
        tpu.yield
      }) : () -> ()
      %get3A = arith.constant 0 : index
      %get3A_84 = tpu.vector_load %arg13[%get3A] {strides = array<i32>} : memref<80xi32, #tpu.memory_space<vmem>>, vector<16xi32>,
      %add3A_85 = vector.broadcast %mul3A_27 : i32 to vector<16xi32>
      %add3A_86 = arith.addi %get3A_84, %add3A_85 : vector<16xi32>
      %swap3A = arith.constant 0 : index
      %swap3A_87 = tpu.vector_load %arg17[%swap3A] {strides = array<i32>} : memref<80xi32, #tpu.memory_space<vmem>>, vector<16xi32>,
      tpu.vector_store %arg17[%swap3A], %add3A_86 {strides = array<i32>} : memref<80xi32, #tpu.memory_space<vmem>>, vector<16xi32>,
      %get3A_88 = arith.constant 0 : index
      %get3A_89 = tpu.vector_load %arg15[%get3A_88] {strides = array<i32>} : memref<80xi32, #tpu.memory_space<vmem>>, vector<16xi32>,
      %add3A_90 = vector.broadcast %mul3A_27 : i32 to vector<16xi32>
      %add3A_91 = arith.addi %get3A_89, %add3A_90 : vector<16xi32>
      %swap3A_92 = arith.constant 0 : index
      %swap3A_93 = tpu.vector_load %arg21[%swap3A_92] {strides = array<i32>} : memref<80xi32, #tpu.memory_space<vmem>>, vector<16xi32>,
      tpu.vector_store %arg21[%swap3A_92], %add3A_91 {strides = array<i32>} : memref<80xi32, #tpu.memory_space<vmem>>, vector<16xi32>,
      %get3A_94 = arith.constant 0 : index
      %get3A_95 = tpu.vector_load %arg15[%get3A_94] {strides = array<i32>} : memref<80xi32, #tpu.memory_space<vmem>>, vector<16xi32>,
      %sub3A = arith.constant 0 : i32
      %sub3A_96 = vector.broadcast %sub3A : i32 to vector<16xi32>
      %sub3A_97 = arith.subi %get3A_95, %sub3A_96 : vector<16xi32>
      %min3A = arith.constant 5008 : i32
      %min3A_98 = vector.broadcast %min3A : i32 to vector<16xi32>
      %min3A_99 = arith.minsi %sub3A_97, %min3A_98 : vector<16xi32>
      %swap3A_100 = arith.constant 0 : index
      %swap3A_101 = tpu.vector_load %arg19[%swap3A_100] {strides = array<i32>} : memref<80xi32, #tpu.memory_space<vmem>>, vector<16xi32>,
      tpu.vector_store %arg19[%swap3A_100], %min3A_99 {strides = array<i32>} : memref<80xi32, #tpu.memory_space<vmem>>, vector<16xi32>,
      %get3A_102 = arith.constant 16 : index
      %get3A_103 = tpu.vector_load %arg13[%get3A_102] {strides = array<i32>} : memref<80xi32, #tpu.memory_space<vmem>>, vector<16xi32>,
      %add3A_104 = vector.broadcast %mul3A_27 : i32 to vector<16xi32>
      %add3A_105 = arith.addi %get3A_103, %add3A_104 : vector<16xi32>
      %swap3A_106 = arith.constant 16 : index
      %swap3A_107 = tpu.vector_load %arg17[%swap3A_106] {strides = array<i32>} : memref<80xi32, #tpu.memory_space<vmem>>, vector<16xi32>,
      tpu.vector_store %arg17[%swap3A_106], %add3A_105 {strides = array<i32>} : memref<80xi32, #tpu.memory_space<vmem>>, vector<16xi32>,
      %get3A_108 = arith.constant 16 : index
      %get3A_109 = tpu.vector_load %arg15[%get3A_108] {strides = array<i32>} : memref<80xi32, #tpu.memory_space<vmem>>, vector<16xi32>,
      %add3A_110 = vector.broadcast %mul3A_27 : i32 to vector<16xi32>
      %add3A_111 = arith.addi %get3A_109, %add3A_110 : vector<16xi32>
      %swap3A_112 = arith.constant 16 : index
      %swap3A_113 = tpu.vector_load %arg21[%swap3A_112] {strides = array<i32>} : memref<80xi32, #tpu.memory_space<vmem>>, vector<16xi32>,
      tpu.vector_store %arg21[%swap3A_112], %add3A_111 {strides = array<i32>} : memref<80xi32, #tpu.memory_space<vmem>>, vector<16xi32>,
      %get3A_114 = arith.constant 16 : index
      %get3A_115 = tpu.vector_load %arg15[%get3A_114] {strides = array<i32>} : memref<80xi32, #tpu.memory_space<vmem>>, vector<16xi32>,
      %sub3A_116 = arith.constant 0 : i32
      %sub3A_117 = vector.broadcast %sub3A_116 : i32 to vector<16xi32>
      %sub3A_118 = arith.subi %get3A_115, %sub3A_117 : vector<16xi32>
      %min3A_119 = arith.constant 5008 : i32
      %min3A_120 = vector.broadcast %min3A_119 : i32 to vector<16xi32>
      %min3A_121 = arith.minsi %sub3A_118, %min3A_120 : vector<16xi32>
      %swap3A_122 = arith.constant 16 : index
      %swap3A_123 = tpu.vector_load %arg19[%swap3A_122] {strides = array<i32>} : memref<80xi32, #tpu.memory_space<vmem>>, vector<16xi32>,
      tpu.vector_store %arg19[%swap3A_122], %min3A_121 {strides = array<i32>} : memref<80xi32, #tpu.memory_space<vmem>>, vector<16xi32>,
      %get3A_124 = arith.constant 32 : index
      %get3A_125 = tpu.vector_load %arg13[%get3A_124] {strides = array<i32>} : memref<80xi32, #tpu.memory_space<vmem>>, vector<16xi32>,
      %add3A_126 = vector.broadcast %mul3A_27 : i32 to vector<16xi32>
      %add3A_127 = arith.addi %get3A_125, %add3A_126 : vector<16xi32>
      %swap3A_128 = arith.constant 32 : index
      %swap3A_129 = tpu.vector_load %arg17[%swap3A_128] {strides = array<i32>} : memref<80xi32, #tpu.memory_space<vmem>>, vector<16xi32>,
      tpu.vector_store %arg17[%swap3A_128], %add3A_127 {strides = array<i32>} : memref<80xi32, #tpu.memory_space<vmem>>, vector<16xi32>,
      %get3A_130 = arith.constant 32 : index
      %get3A_131 = tpu.vector_load %arg15[%get3A_130] {strides = array<i32>} : memref<80xi32, #tpu.memory_space<vmem>>, vector<16xi32>,
      %add3A_132 = vector.broadcast %mul3A_27 : i32 to vector<16xi32>
      %add3A_133 = arith.addi %get3A_131, %add3A_132 : vector<16xi32>
      %swap3A_134 = arith.constant 32 : index
      %swap3A_135 = tpu.vector_load %arg21[%swap3A_134] {strides = array<i32>} : memref<80xi32, #tpu.memory_space<vmem>>, vector<16xi32>,
      tpu.vector_store %arg21[%swap3A_134], %add3A_133 {strides = array<i32>} : memref<80xi32, #tpu.memory_space<vmem>>, vector<16xi32>,
      %get3A_136 = arith.constant 32 : index
      %get3A_137 = tpu.vector_load %arg15[%get3A_136] {strides = array<i32>} : memref<80xi32, #tpu.memory_space<vmem>>, vector<16xi32>,
      %sub3A_138 = arith.constant 0 : i32
      %sub3A_139 = vector.broadcast %sub3A_138 : i32 to vector<16xi32>
      %sub3A_140 = arith.subi %get3A_137, %sub3A_139 : vector<16xi32>
      %min3A_141 = arith.constant 5008 : i32
      %min3A_142 = vector.broadcast %min3A_141 : i32 to vector<16xi32>
      %min3A_143 = arith.minsi %sub3A_140, %min3A_142 : vector<16xi32>
      %swap3A_144 = arith.constant 32 : index
      %swap3A_145 = tpu.vector_load %arg19[%swap3A_144] {strides = array<i32>} : memref<80xi32, #tpu.memory_space<vmem>>, vector<16xi32>,
      tpu.vector_store %arg19[%swap3A_144], %min3A_143 {strides = array<i32>} : memref<80xi32, #tpu.memory_space<vmem>>, vector<16xi32>,
      %get3A_146 = arith.constant 48 : index
      %get3A_147 = tpu.vector_load %arg13[%get3A_146] {strides = array<i32>} : memref<80xi32, #tpu.memory_space<vmem>>, vector<16xi32>,
      %add3A_148 = vector.broadcast %mul3A_27 : i32 to vector<16xi32>
      %add3A_149 = arith.addi %get3A_147, %add3A_148 : vector<16xi32>
      %swap3A_150 = arith.constant 48 : index
      %swap3A_151 = tpu.vector_load %arg17[%swap3A_150] {strides = array<i32>} : memref<80xi32, #tpu.memory_space<vmem>>, vector<16xi32>,
      tpu.vector_store %arg17[%swap3A_150], %add3A_149 {strides = array<i32>} : memref<80xi32, #tpu.memory_space<vmem>>, vector<16xi32>,
      %get3A_152 = arith.constant 48 : index
      %get3A_153 = tpu.vector_load %arg15[%get3A_152] {strides = array<i32>} : memref<80xi32, #tpu.memory_space<vmem>>, vector<16xi32>,
      %add3A_154 = vector.broadcast %mul3A_27 : i32 to vector<16xi32>
      %add3A_155 = arith.addi %get3A_153, %add3A_154 : vector<16xi32>
      %swap3A_156 = arith.constant 48 : index
      %swap3A_157 = tpu.vector_load %arg21[%swap3A_156] {strides = array<i32>} : memref<80xi32, #tpu.memory_space<vmem>>, vector<16xi32>,
      tpu.vector_store %arg21[%swap3A_156], %add3A_155 {strides = array<i32>} : memref<80xi32, #tpu.memory_space<vmem>>, vector<16xi32>,
      %get3A_158 = arith.constant 48 : index
      %get3A_159 = tpu.vector_load %arg15[%get3A_158] {strides = array<i32>} : memref<80xi32, #tpu.memory_space<vmem>>, vector<16xi32>,
      %sub3A_160 = arith.constant 0 : i32
      %sub3A_161 = vector.broadcast %sub3A_160 : i32 to vector<16xi32>
      %sub3A_162 = arith.subi %get3A_159, %sub3A_161 : vector<16xi32>
      %min3A_163 = arith.constant 5008 : i32
      %min3A_164 = vector.broadcast %min3A_163 : i32 to vector<16xi32>
      %min3A_165 = arith.minsi %sub3A_162, %min3A_164 : vector<16xi32>
      %swap3A_166 = arith.constant 48 : index
      %swap3A_167 = tpu.vector_load %arg19[%swap3A_166] {strides = array<i32>} : memref<80xi32, #tpu.memory_space<vmem>>, vector<16xi32>,
      tpu.vector_store %arg19[%swap3A_166], %min3A_165 {strides = array<i32>} : memref<80xi32, #tpu.memory_space<vmem>>, vector<16xi32>,
      %get3A_168 = arith.constant 64 : index
      %get3A_169 = tpu.vector_load %arg13[%get3A_168] {strides = array<i32>} : memref<80xi32, #tpu.memory_space<vmem>>, vector<16xi32>,
      %add3A_170 = vector.broadcast %mul3A_27 : i32 to vector<16xi32>
      %add3A_171 = arith.addi %get3A_169, %add3A_170 : vector<16xi32>
      %swap3A_172 = arith.constant 64 : index
      %swap3A_173 = tpu.vector_load %arg17[%swap3A_172] {strides = array<i32>} : memref<80xi32, #tpu.memory_space<vmem>>, vector<16xi32>,
      tpu.vector_store %arg17[%swap3A_172], %add3A_171 {strides = array<i32>} : memref<80xi32, #tpu.memory_space<vmem>>, vector<16xi32>,
      %get3A_174 = arith.constant 64 : index
      %get3A_175 = tpu.vector_load %arg15[%get3A_174] {strides = array<i32>} : memref<80xi32, #tpu.memory_space<vmem>>, vector<16xi32>,
      %add3A_176 = vector.broadcast %mul3A_27 : i32 to vector<16xi32>
      %add3A_177 = arith.addi %get3A_175, %add3A_176 : vector<16xi32>
      %swap3A_178 = arith.constant 64 : index
      %swap3A_179 = tpu.vector_load %arg21[%swap3A_178] {strides = array<i32>} : memref<80xi32, #tpu.memory_space<vmem>>, vector<16xi32>,
      tpu.vector_store %arg21[%swap3A_178], %add3A_177 {strides = array<i32>} : memref<80xi32, #tpu.memory_space<vmem>>, vector<16xi32>,
      %get3A_180 = arith.constant 64 : index
      %get3A_181 = tpu.vector_load %arg15[%get3A_180] {strides = array<i32>} : memref<80xi32, #tpu.memory_space<vmem>>, vector<16xi32>,
      %sub3A_182 = arith.constant 0 : i32
      %sub3A_183 = vector.broadcast %sub3A_182 : i32 to vector<16xi32>
      %sub3A_184 = arith.subi %get3A_181, %sub3A_183 : vector<16xi32>
      %min3A_185 = arith.constant 5008 : i32
      %min3A_186 = vector.broadcast %min3A_185 : i32 to vector<16xi32>
      %min3A_187 = arith.minsi %sub3A_184, %min3A_186 : vector<16xi32>
      %swap3A_188 = arith.constant 64 : index
      %swap3A_189 = tpu.vector_load %arg19[%swap3A_188] {strides = array<i32>} : memref<80xi32, #tpu.memory_space<vmem>>, vector<16xi32>,
      tpu.vector_store %arg19[%swap3A_188], %min3A_187 {strides = array<i32>} : memref<80xi32, #tpu.memory_space<vmem>>, vector<16xi32>,
      %dma_start3A = arith.constant 0 : i32
      %dma_start3A_190 = arith.constant 0 : i32
      %dma_start3A_191 = tpu.memref_slice %arg3[%dma_start3A, %dma_start3A_190] : memref<20000x16xf32, #tpu.memory_space<hbm>> -> memref<20000x16xf32, #tpu.memory_space<hbm>>
      tpu.enqueue_indirect_dma source(%dma_start3A_191 : memref<20000x16xf32, #tpu.memory_space<hbm>>) target(%arg11 : memref<80x16xf32, #tpu.memory_space<vmem>>) offsets(%arg21 : memref<80xi32, #tpu.memory_space<vmem>>) semaphore(%arg24 : memref<!tpu.dma_semaphore, #tpu.memory_space<semaphore_mem>>)
      %dma_start3A_192 = arith.constant 0 : i32
      %dma_start3A_193 = arith.constant 0 : i32
      %dma_start3A_194 = tpu.memref_slice %arg2[%dma_start3A_192, %dma_start3A_193] : memref<20000x144xf32, #tpu.memory_space<hbm>> -> memref<20000x144xf32, #tpu.memory_space<hbm>>
      tpu.enqueue_indirect_dma source(%dma_start3A_194 : memref<20000x144xf32, #tpu.memory_space<hbm>>) target(%arg8 : memref<80x144xf32, #tpu.memory_space<vmem>>) offsets(%arg17 : memref<80xi32, #tpu.memory_space<vmem>>) semaphore(%arg26 : memref<!tpu.dma_semaphore, #tpu.memory_space<semaphore_mem>>)
      %mul3A_195 = arith.constant 2 : i32
      %mul3A_196 = arith.muli %mul3A_195, %scan3A_77 : i32
      %add3A_197 = arith.constant 1 : i32
      %add3A_198 = arith.addi %mul3A_196, %add3A_197 : i32
      %mul3A_199 = arith.constant 80 : i32
      %mul3A_200 = arith.muli %add3A_198, %mul3A_199 : i32
      %add3A_201 = arith.addi %add3A, %mul3A_200 : i32
      "tpu.region"() ({
        %run_scoped3A = tpu.sem_alloc : memref<!tpu.dma_semaphore, #tpu.memory_space<semaphore_mem>>
        %dma_start3A_335 = tpu.memref_slice %arg4[%add3A_201] : memref<640000xi32, #tpu.memory_space<hbm>> -> memref<80xi32, #tpu.memory_space<hbm>>
        %dma_start3A_336 = tpu.memref_slice %arg4[%add3A_201] : memref<640000xi32, #tpu.memory_space<hbm>> -> memref<80xi32, #tpu.memory_space<hbm>>
        tpu.enqueue_dma source(%dma_start3A_336 : memref<80xi32, #tpu.memory_space<hbm>>) target(%arg14 : memref<80xi32, #tpu.memory_space<vmem>>) target_semaphore(%run_scoped3A : memref<!tpu.dma_semaphore, #tpu.memory_space<semaphore_mem>>)
        %dma_wait3A_337 = tpu.memref_slice %arg4[%add3A_201] : memref<640000xi32, #tpu.memory_space<hbm>> -> memref<80xi32, #tpu.memory_space<hbm>>
        %dma_wait3A_338 = tpu.memref_slice %arg4[%add3A_201] : memref<640000xi32, #tpu.memory_space<hbm>> -> memref<80xi32, #tpu.memory_space<hbm>>
        tpu.wait_dma2 semaphore(%run_scoped3A : memref<!tpu.dma_semaphore, #tpu.memory_space<semaphore_mem>>) src(%dma_wait3A_338 : memref<80xi32, #tpu.memory_space<hbm>>) dst(%arg14 : memref<80xi32, #tpu.memory_space<vmem>>)
        tpu.yield
      }) : () -> ()
      "tpu.region"() ({
        %run_scoped3A = tpu.sem_alloc : memref<!tpu.dma_semaphore, #tpu.memory_space<semaphore_mem>>
        %dma_start3A_335 = tpu.memref_slice %arg5[%add3A_201] : memref<640000xi32, #tpu.memory_space<hbm>> -> memref<80xi32, #tpu.memory_space<hbm>>
        %dma_start3A_336 = tpu.memref_slice %arg5[%add3A_201] : memref<640000xi32, #tpu.memory_space<hbm>> -> memref<80xi32, #tpu.memory_space<hbm>>
        tpu.enqueue_dma source(%dma_start3A_336 : memref<80xi32, #tpu.memory_space<hbm>>) target(%arg16 : memref<80xi32, #tpu.memory_space<vmem>>) target_semaphore(%run_scoped3A : memref<!tpu.dma_semaphore, #tpu.memory_space<semaphore_mem>>)
        %dma_wait3A_337 = tpu.memref_slice %arg5[%add3A_201] : memref<640000xi32, #tpu.memory_space<hbm>> -> memref<80xi32, #tpu.memory_space<hbm>>
        %dma_wait3A_338 = tpu.memref_slice %arg5[%add3A_201] : memref<640000xi32, #tpu.memory_space<hbm>> -> memref<80xi32, #tpu.memory_space<hbm>>
        tpu.wait_dma2 semaphore(%run_scoped3A : memref<!tpu.dma_semaphore, #tpu.memory_space<semaphore_mem>>) src(%dma_wait3A_338 : memref<80xi32, #tpu.memory_space<hbm>>) dst(%arg16 : memref<80xi32, #tpu.memory_space<vmem>>)
        tpu.yield
      }) : () -> ()
      %get3A_202 = arith.constant 0 : index
      %get3A_203 = tpu.vector_load %arg14[%get3A_202] {strides = array<i32>} : memref<80xi32, #tpu.memory_space<vmem>>, vector<16xi32>,
      %add3A_204 = vector.broadcast %mul3A_27 : i32 to vector<16xi32>
      %add3A_205 = arith.addi %get3A_203, %add3A_204 : vector<16xi32>
      %swap3A_206 = arith.constant 0 : index
      %swap3A_207 = tpu.vector_load %arg18[%swap3A_206] {strides = array<i32>} : memref<80xi32, #tpu.memory_space<vmem>>, vector<16xi32>,
      tpu.vector_store %arg18[%swap3A_206], %add3A_205 {strides = array<i32>} : memref<80xi32, #tpu.memory_space<vmem>>, vector<16xi32>,
      %get3A_208 = arith.constant 0 : index
      %get3A_209 = tpu.vector_load %arg16[%get3A_208] {strides = array<i32>} : memref<80xi32, #tpu.memory_space<vmem>>, vector<16xi32>,
      %add3A_210 = vector.broadcast %mul3A_27 : i32 to vector<16xi32>
      %add3A_211 = arith.addi %get3A_209, %add3A_210 : vector<16xi32>
      %swap3A_212 = arith.constant 0 : index
      %swap3A_213 = tpu.vector_load %arg22[%swap3A_212] {strides = array<i32>} : memref<80xi32, #tpu.memory_space<vmem>>, vector<16xi32>,
      tpu.vector_store %arg22[%swap3A_212], %add3A_211 {strides = array<i32>} : memref<80xi32, #tpu.memory_space<vmem>>, vector<16xi32>,
      %get3A_214 = arith.constant 0 : index
      %get3A_215 = tpu.vector_load %arg16[%get3A_214] {strides = array<i32>} : memref<80xi32, #tpu.memory_space<vmem>>, vector<16xi32>,
      %sub3A_216 = arith.constant 0 : i32
      %sub3A_217 = vector.broadcast %sub3A_216 : i32 to vector<16xi32>
      %sub3A_218 = arith.subi %get3A_215, %sub3A_217 : vector<16xi32>
      %min3A_219 = arith.constant 5008 : i32
      %min3A_220 = vector.broadcast %min3A_219 : i32 to vector<16xi32>
      %min3A_221 = arith.minsi %sub3A_218, %min3A_220 : vector<16xi32>
      %swap3A_222 = arith.constant 0 : index
      %swap3A_223 = tpu.vector_load %arg20[%swap3A_222] {strides = array<i32>} : memref<80xi32, #tpu.memory_space<vmem>>, vector<16xi32>,
      tpu.vector_store %arg20[%swap3A_222], %min3A_221 {strides = array<i32>} : memref<80xi32, #tpu.memory_space<vmem>>, vector<16xi32>,
      %get3A_224 = arith.constant 16 : index
      %get3A_225 = tpu.vector_load %arg14[%get3A_224] {strides = array<i32>} : memref<80xi32, #tpu.memory_space<vmem>>, vector<16xi32>,
      %add3A_226 = vector.broadcast %mul3A_27 : i32 to vector<16xi32>
      %add3A_227 = arith.addi %get3A_225, %add3A_226 : vector<16xi32>
      %swap3A_228 = arith.constant 16 : index
      %swap3A_229 = tpu.vector_load %arg18[%swap3A_228] {strides = array<i32>} : memref<80xi32, #tpu.memory_space<vmem>>, vector<16xi32>,
      tpu.vector_store %arg18[%swap3A_228], %add3A_227 {strides = array<i32>} : memref<80xi32, #tpu.memory_space<vmem>>, vector<16xi32>,
      %get3A_230 = arith.constant 16 : index
      %get3A_231 = tpu.vector_load %arg16[%get3A_230] {strides = array<i32>} : memref<80xi32, #tpu.memory_space<vmem>>, vector<16xi32>,
      %add3A_232 = vector.broadcast %mul3A_27 : i32 to vector<16xi32>
      %add3A_233 = arith.addi %get3A_231, %add3A_232 : vector<16xi32>
      %swap3A_234 = arith.constant 16 : index
      %swap3A_235 = tpu.vector_load %arg22[%swap3A_234] {strides = array<i32>} : memref<80xi32, #tpu.memory_space<vmem>>, vector<16xi32>,
      tpu.vector_store %arg22[%swap3A_234], %add3A_233 {strides = array<i32>} : memref<80xi32, #tpu.memory_space<vmem>>, vector<16xi32>,
      %get3A_236 = arith.constant 16 : index
      %get3A_237 = tpu.vector_load %arg16[%get3A_236] {strides = array<i32>} : memref<80xi32, #tpu.memory_space<vmem>>, vector<16xi32>,
      %sub3A_238 = arith.constant 0 : i32
      %sub3A_239 = vector.broadcast %sub3A_238 : i32 to vector<16xi32>
      %sub3A_240 = arith.subi %get3A_237, %sub3A_239 : vector<16xi32>
      %min3A_241 = arith.constant 5008 : i32
      %min3A_242 = vector.broadcast %min3A_241 : i32 to vector<16xi32>
      %min3A_243 = arith.minsi %sub3A_240, %min3A_242 : vector<16xi32>
      %swap3A_244 = arith.constant 16 : index
      %swap3A_245 = tpu.vector_load %arg20[%swap3A_244] {strides = array<i32>} : memref<80xi32, #tpu.memory_space<vmem>>, vector<16xi32>,
      tpu.vector_store %arg20[%swap3A_244], %min3A_243 {strides = array<i32>} : memref<80xi32, #tpu.memory_space<vmem>>, vector<16xi32>,
      %get3A_246 = arith.constant 32 : index
      %get3A_247 = tpu.vector_load %arg14[%get3A_246] {strides = array<i32>} : memref<80xi32, #tpu.memory_space<vmem>>, vector<16xi32>,
      %add3A_248 = vector.broadcast %mul3A_27 : i32 to vector<16xi32>
      %add3A_249 = arith.addi %get3A_247, %add3A_248 : vector<16xi32>
      %swap3A_250 = arith.constant 32 : index
      %swap3A_251 = tpu.vector_load %arg18[%swap3A_250] {strides = array<i32>} : memref<80xi32, #tpu.memory_space<vmem>>, vector<16xi32>,
      tpu.vector_store %arg18[%swap3A_250], %add3A_249 {strides = array<i32>} : memref<80xi32, #tpu.memory_space<vmem>>, vector<16xi32>,
      %get3A_252 = arith.constant 32 : index
      %get3A_253 = tpu.vector_load %arg16[%get3A_252] {strides = array<i32>} : memref<80xi32, #tpu.memory_space<vmem>>, vector<16xi32>,
      %add3A_254 = vector.broadcast %mul3A_27 : i32 to vector<16xi32>
      %add3A_255 = arith.addi %get3A_253, %add3A_254 : vector<16xi32>
      %swap3A_256 = arith.constant 32 : index
      %swap3A_257 = tpu.vector_load %arg22[%swap3A_256] {strides = array<i32>} : memref<80xi32, #tpu.memory_space<vmem>>, vector<16xi32>,
      tpu.vector_store %arg22[%swap3A_256], %add3A_255 {strides = array<i32>} : memref<80xi32, #tpu.memory_space<vmem>>, vector<16xi32>,
      %get3A_258 = arith.constant 32 : index
      %get3A_259 = tpu.vector_load %arg16[%get3A_258] {strides = array<i32>} : memref<80xi32, #tpu.memory_space<vmem>>, vector<16xi32>,
      %sub3A_260 = arith.constant 0 : i32
      %sub3A_261 = vector.broadcast %sub3A_260 : i32 to vector<16xi32>
      %sub3A_262 = arith.subi %get3A_259, %sub3A_261 : vector<16xi32>
      %min3A_263 = arith.constant 5008 : i32
      %min3A_264 = vector.broadcast %min3A_263 : i32 to vector<16xi32>
      %min3A_265 = arith.minsi %sub3A_262, %min3A_264 : vector<16xi32>
      %swap3A_266 = arith.constant 32 : index
      %swap3A_267 = tpu.vector_load %arg20[%swap3A_266] {strides = array<i32>} : memref<80xi32, #tpu.memory_space<vmem>>, vector<16xi32>,
      tpu.vector_store %arg20[%swap3A_266], %min3A_265 {strides = array<i32>} : memref<80xi32, #tpu.memory_space<vmem>>, vector<16xi32>,
      %get3A_268 = arith.constant 48 : index
      %get3A_269 = tpu.vector_load %arg14[%get3A_268] {strides = array<i32>} : memref<80xi32, #tpu.memory_space<vmem>>, vector<16xi32>,
      %add3A_270 = vector.broadcast %mul3A_27 : i32 to vector<16xi32>
      %add3A_271 = arith.addi %get3A_269, %add3A_270 : vector<16xi32>
      %swap3A_272 = arith.constant 48 : index
      %swap3A_273 = tpu.vector_load %arg18[%swap3A_272] {strides = array<i32>} : memref<80xi32, #tpu.memory_space<vmem>>, vector<16xi32>,
      tpu.vector_store %arg18[%swap3A_272], %add3A_271 {strides = array<i32>} : memref<80xi32, #tpu.memory_space<vmem>>, vector<16xi32>,
      %get3A_274 = arith.constant 48 : index
      %get3A_275 = tpu.vector_load %arg16[%get3A_274] {strides = array<i32>} : memref<80xi32, #tpu.memory_space<vmem>>, vector<16xi32>,
      %add3A_276 = vector.broadcast %mul3A_27 : i32 to vector<16xi32>
      %add3A_277 = arith.addi %get3A_275, %add3A_276 : vector<16xi32>
      %swap3A_278 = arith.constant 48 : index
      %swap3A_279 = tpu.vector_load %arg22[%swap3A_278] {strides = array<i32>} : memref<80xi32, #tpu.memory_space<vmem>>, vector<16xi32>,
      tpu.vector_store %arg22[%swap3A_278], %add3A_277 {strides = array<i32>} : memref<80xi32, #tpu.memory_space<vmem>>, vector<16xi32>,
      %get3A_280 = arith.constant 48 : index
      %get3A_281 = tpu.vector_load %arg16[%get3A_280] {strides = array<i32>} : memref<80xi32, #tpu.memory_space<vmem>>, vector<16xi32>,
      %sub3A_282 = arith.constant 0 : i32
      %sub3A_283 = vector.broadcast %sub3A_282 : i32 to vector<16xi32>
      %sub3A_284 = arith.subi %get3A_281, %sub3A_283 : vector<16xi32>
      %min3A_285 = arith.constant 5008 : i32
      %min3A_286 = vector.broadcast %min3A_285 : i32 to vector<16xi32>
      %min3A_287 = arith.minsi %sub3A_284, %min3A_286 : vector<16xi32>
      %swap3A_288 = arith.constant 48 : index
      %swap3A_289 = tpu.vector_load %arg20[%swap3A_288] {strides = array<i32>} : memref<80xi32, #tpu.memory_space<vmem>>, vector<16xi32>,
      tpu.vector_store %arg20[%swap3A_288], %min3A_287 {strides = array<i32>} : memref<80xi32, #tpu.memory_space<vmem>>, vector<16xi32>,
      %get3A_290 = arith.constant 64 : index
      %get3A_291 = tpu.vector_load %arg14[%get3A_290] {strides = array<i32>} : memref<80xi32, #tpu.memory_space<vmem>>, vector<16xi32>,
      %add3A_292 = vector.broadcast %mul3A_27 : i32 to vector<16xi32>
      %add3A_293 = arith.addi %get3A_291, %add3A_292 : vector<16xi32>
      %swap3A_294 = arith.constant 64 : index
      %swap3A_295 = tpu.vector_load %arg18[%swap3A_294] {strides = array<i32>} : memref<80xi32, #tpu.memory_space<vmem>>, vector<16xi32>,
      tpu.vector_store %arg18[%swap3A_294], %add3A_293 {strides = array<i32>} : memref<80xi32, #tpu.memory_space<vmem>>, vector<16xi32>,
      %get3A_296 = arith.constant 64 : index
      %get3A_297 = tpu.vector_load %arg16[%get3A_296] {strides = array<i32>} : memref<80xi32, #tpu.memory_space<vmem>>, vector<16xi32>,
      %add3A_298 = vector.broadcast %mul3A_27 : i32 to vector<16xi32>
      %add3A_299 = arith.addi %get3A_297, %add3A_298 : vector<16xi32>
      %swap3A_300 = arith.constant 64 : index
      %swap3A_301 = tpu.vector_load %arg22[%swap3A_300] {strides = array<i32>} : memref<80xi32, #tpu.memory_space<vmem>>, vector<16xi32>,
      tpu.vector_store %arg22[%swap3A_300], %add3A_299 {strides = array<i32>} : memref<80xi32, #tpu.memory_space<vmem>>, vector<16xi32>,
      %get3A_302 = arith.constant 64 : index
      %get3A_303 = tpu.vector_load %arg16[%get3A_302] {strides = array<i32>} : memref<80xi32, #tpu.memory_space<vmem>>, vector<16xi32>,
      %sub3A_304 = arith.constant 0 : i32
      %sub3A_305 = vector.broadcast %sub3A_304 : i32 to vector<16xi32>
      %sub3A_306 = arith.subi %get3A_303, %sub3A_305 : vector<16xi32>
      %min3A_307 = arith.constant 5008 : i32
      %min3A_308 = vector.broadcast %min3A_307 : i32 to vector<16xi32>
      %min3A_309 = arith.minsi %sub3A_306, %min3A_308 : vector<16xi32>
      %swap3A_310 = arith.constant 64 : index
      %swap3A_311 = tpu.vector_load %arg20[%swap3A_310] {strides = array<i32>} : memref<80xi32, #tpu.memory_space<vmem>>, vector<16xi32>,
      tpu.vector_store %arg20[%swap3A_310], %min3A_309 {strides = array<i32>} : memref<80xi32, #tpu.memory_space<vmem>>, vector<16xi32>,
      %dma_start3A_312 = arith.constant 0 : i32
      %dma_start3A_313 = arith.constant 0 : i32
      %dma_start3A_314 = tpu.memref_slice %arg3[%dma_start3A_312, %dma_start3A_313] : memref<20000x16xf32, #tpu.memory_space<hbm>> -> memref<20000x16xf32, #tpu.memory_space<hbm>>
      tpu.enqueue_indirect_dma source(%dma_start3A_314 : memref<20000x16xf32, #tpu.memory_space<hbm>>) target(%arg12 : memref<80x16xf32, #tpu.memory_space<vmem>>) offsets(%arg22 : memref<80xi32, #tpu.memory_space<vmem>>) semaphore(%arg25 : memref<!tpu.dma_semaphore, #tpu.memory_space<semaphore_mem>>)
      %dma_start3A_315 = arith.constant 0 : i32
      %dma_start3A_316 = arith.constant 0 : i32
      %dma_start3A_317 = tpu.memref_slice %arg2[%dma_start3A_315, %dma_start3A_316] : memref<20000x144xf32, #tpu.memory_space<hbm>> -> memref<20000x144xf32, #tpu.memory_space<hbm>>
      tpu.enqueue_indirect_dma source(%dma_start3A_317 : memref<20000x144xf32, #tpu.memory_space<hbm>>) target(%arg9 : memref<80x144xf32, #tpu.memory_space<vmem>>) offsets(%arg18 : memref<80xi32, #tpu.memory_space<vmem>>) semaphore(%arg27 : memref<!tpu.dma_semaphore, #tpu.memory_space<semaphore_mem>>)
      %dma_wait3A = arith.constant 0 : i32
      %dma_wait3A_318 = arith.constant 0 : i32
      %dma_wait3A_319 = tpu.memref_slice %arg3[%dma_wait3A, %dma_wait3A_318] : memref<20000x16xf32, #tpu.memory_space<hbm>> -> memref<20000x16xf32, #tpu.memory_space<hbm>>
      tpu.wait_indirect_dma semaphore(%arg24 : memref<!tpu.dma_semaphore, #tpu.memory_space<semaphore_mem>>) src(%dma_wait3A_319 : memref<20000x16xf32, #tpu.memory_space<hbm>>) dst(%arg11 : memref<80x16xf32, #tpu.memory_space<vmem>>)
      %dma_wait3A_320 = arith.constant 0 : i32
      %dma_wait3A_321 = arith.constant 0 : i32
      %dma_wait3A_322 = tpu.memref_slice %arg2[%dma_wait3A_320, %dma_wait3A_321] : memref<20000x144xf32, #tpu.memory_space<hbm>> -> memref<20000x144xf32, #tpu.memory_space<hbm>>
      tpu.wait_indirect_dma semaphore(%arg26 : memref<!tpu.dma_semaphore, #tpu.memory_space<semaphore_mem>>) src(%dma_wait3A_322 : memref<20000x144xf32, #tpu.memory_space<hbm>>) dst(%arg8 : memref<80x144xf32, #tpu.memory_space<vmem>>)
      %parallel_loop3A = arith.constant 0 : i32
      %parallel_loop3A_323 = arith.constant 80 : i32
      %parallel_loop3A_324 = arith.constant 1 : i32
      scf.for %parallel_loop3A_335 = %parallel_loop3A to %parallel_loop3A_323 step %parallel_loop3A_324  : i32 {
        %parallel_loop3A_336 = arith.index_cast %parallel_loop3A_335 : i32 to index
        %parallel_loop3A_337 = arith.constant 128 : index
        %parallel_loop3A_338 = tpu.vector_load %arg8[%parallel_loop3A_336, %parallel_loop3A_337] {strides = array<i32>} : memref<80x144xf32, #tpu.memory_space<vmem>>, vector<16xf32>,
        %parallel_loop3A_339 = arith.index_cast %parallel_loop3A_335 : i32 to index
        %parallel_loop3A_340 = arith.constant 0 : index
        %parallel_loop3A_341 = tpu.vector_load %arg11[%parallel_loop3A_339, %parallel_loop3A_340] {strides = array<i32>} : memref<80x16xf32, #tpu.memory_space<vmem>>, vector<16xf32>,
        %parallel_loop3A_342 = arith.addf %parallel_loop3A_338, %parallel_loop3A_341 : vector<16xf32>
        %parallel_loop3A_343 = arith.constant 2.000000e-01 : f32
        %parallel_loop3A_344 = vector.broadcast %parallel_loop3A_343 : f32 to vector<16xf32>
        %parallel_loop3A_345 = arith.mulf %parallel_loop3A_342, %parallel_loop3A_344 : vector<16xf32>
        %parallel_loop3A_346 = arith.maximumf %parallel_loop3A_342, %parallel_loop3A_345 : vector<16xf32>
        %parallel_loop3A_347 = math.exp %parallel_loop3A_346 : vector<16xf32>
        %parallel_loop3A_348 = arith.index_cast %parallel_loop3A_335 : i32 to index
        %parallel_loop3A_349 = arith.constant 128 : index
        %parallel_loop3A_350 = tpu.vector_load %arg10[%parallel_loop3A_348, %parallel_loop3A_349] {strides = array<i32>} : memref<80x144xf32, #tpu.memory_space<vmem>>, vector<16xf32>,
        tpu.vector_store %arg10[%parallel_loop3A_348, %parallel_loop3A_349], %parallel_loop3A_347 {strides = array<i32>} : memref<80x144xf32, #tpu.memory_space<vmem>>, vector<16xf32>,
        %parallel_loop3A_351 = arith.constant 0 : i32
        %parallel_loop3A_352 = vector.broadcast %parallel_loop3A_351 : i32 to vector<16xi32>
        %parallel_loop3A_353 = arith.cmpi slt, %broadcast_in_dim3A_2, %parallel_loop3A_352 : vector<16xi32>
        %parallel_loop3A_354 = arith.constant 16 : i32
        %parallel_loop3A_355 = vector.broadcast %parallel_loop3A_354 : i32 to vector<16xi32>
        %parallel_loop3A_356 = arith.addi %broadcast_in_dim3A_2, %parallel_loop3A_355 : vector<16xi32>
        %parallel_loop3A_357 = arith.select %parallel_loop3A_353, %parallel_loop3A_356, %broadcast_in_dim3A_2 : vector<16xi1>, vector<16xi32>
        %parallel_loop3A_358 = vector.shape_cast %parallel_loop3A_357 : vector<16xi32> to vector<16x1xi32>
        %parallel_loop3A_359 = vector.shape_cast %parallel_loop3A_358 : vector<16x1xi32> to vector<16xi32>
        %parallel_loop3A_360 = tpu.dynamic_gather %parallel_loop3A_347[%parallel_loop3A_359] in [0] : vector<16xf32>, vector<16xi32> -> vector<16xf32>
        %parallel_loop3A_361 = arith.index_cast %parallel_loop3A_335 : i32 to index
        %parallel_loop3A_362 = arith.constant 0 : index
        %parallel_loop3A_363 = tpu.vector_load %arg8[%parallel_loop3A_361, %parallel_loop3A_362] {strides = array<i32>} : memref<80x144xf32, #tpu.memory_space<vmem>>, vector<16xf32>,
        %parallel_loop3A_364 = arith.mulf %parallel_loop3A_363, %parallel_loop3A_360 : vector<16xf32>
        %parallel_loop3A_365 = arith.index_cast %parallel_loop3A_335 : i32 to index
        %parallel_loop3A_366 = arith.constant 0 : index
        %parallel_loop3A_367 = tpu.vector_load %arg10[%parallel_loop3A_365, %parallel_loop3A_366] {strides = array<i32>} : memref<80x144xf32, #tpu.memory_space<vmem>>, vector<16xf32>,
        tpu.vector_store %arg10[%parallel_loop3A_365, %parallel_loop3A_366], %parallel_loop3A_364 {strides = array<i32>} : memref<80x144xf32, #tpu.memory_space<vmem>>, vector<16xf32>,
        %parallel_loop3A_368 = arith.constant 0 : i32
        %parallel_loop3A_369 = vector.broadcast %parallel_loop3A_368 : i32 to vector<16xi32>
        %parallel_loop3A_370 = arith.cmpi slt, %broadcast_in_dim3A_4, %parallel_loop3A_369 : vector<16xi32>
        %parallel_loop3A_371 = arith.constant 16 : i32
        %parallel_loop3A_372 = vector.broadcast %parallel_loop3A_371 : i32 to vector<16xi32>
        %parallel_loop3A_373 = arith.addi %broadcast_in_dim3A_4, %parallel_loop3A_372 : vector<16xi32>
        %parallel_loop3A_374 = arith.select %parallel_loop3A_370, %parallel_loop3A_373, %broadcast_in_dim3A_4 : vector<16xi1>, vector<16xi32>
        %parallel_loop3A_375 = vector.shape_cast %parallel_loop3A_374 : vector<16xi32> to vector<16x1xi32>
        %parallel_loop3A_376 = vector.shape_cast %parallel_loop3A_375 : vector<16x1xi32> to vector<16xi32>
        %parallel_loop3A_377 = tpu.dynamic_gather %parallel_loop3A_347[%parallel_loop3A_376] in [0] : vector<16xf32>, vector<16xi32> -> vector<16xf32>
        %parallel_loop3A_378 = arith.index_cast %parallel_loop3A_335 : i32 to index
        %parallel_loop3A_379 = arith.constant 16 : index
        %parallel_loop3A_380 = tpu.vector_load %arg8[%parallel_loop3A_378, %parallel_loop3A_379] {strides = array<i32>} : memref<80x144xf32, #tpu.memory_space<vmem>>, vector<16xf32>,
        %parallel_loop3A_381 = arith.mulf %parallel_loop3A_380, %parallel_loop3A_377 : vector<16xf32>
        %parallel_loop3A_382 = arith.index_cast %parallel_loop3A_335 : i32 to index
        %parallel_loop3A_383 = arith.constant 16 : index
        %parallel_loop3A_384 = tpu.vector_load %arg10[%parallel_loop3A_382, %parallel_loop3A_383] {strides = array<i32>} : memref<80x144xf32, #tpu.memory_space<vmem>>, vector<16xf32>,
        tpu.vector_store %arg10[%parallel_loop3A_382, %parallel_loop3A_383], %parallel_loop3A_381 {strides = array<i32>} : memref<80x144xf32, #tpu.memory_space<vmem>>, vector<16xf32>,
        %parallel_loop3A_385 = arith.constant 0 : i32
        %parallel_loop3A_386 = vector.broadcast %parallel_loop3A_385 : i32 to vector<16xi32>
        %parallel_loop3A_387 = arith.cmpi slt, %broadcast_in_dim3A_6, %parallel_loop3A_386 : vector<16xi32>
        %parallel_loop3A_388 = arith.constant 16 : i32
        %parallel_loop3A_389 = vector.broadcast %parallel_loop3A_388 : i32 to vector<16xi32>
        %parallel_loop3A_390 = arith.addi %broadcast_in_dim3A_6, %parallel_loop3A_389 : vector<16xi32>
        %parallel_loop3A_391 = arith.select %parallel_loop3A_387, %parallel_loop3A_390, %broadcast_in_dim3A_6 : vector<16xi1>, vector<16xi32>
        %parallel_loop3A_392 = vector.shape_cast %parallel_loop3A_391 : vector<16xi32> to vector<16x1xi32>
        %parallel_loop3A_393 = vector.shape_cast %parallel_loop3A_392 : vector<16x1xi32> to vector<16xi32>
        %parallel_loop3A_394 = tpu.dynamic_gather %parallel_loop3A_347[%parallel_loop3A_393] in [0] : vector<16xf32>, vector<16xi32> -> vector<16xf32>
        %parallel_loop3A_395 = arith.index_cast %parallel_loop3A_335 : i32 to index
        %parallel_loop3A_396 = arith.constant 32 : index
        %parallel_loop3A_397 = tpu.vector_load %arg8[%parallel_loop3A_395, %parallel_loop3A_396] {strides = array<i32>} : memref<80x144xf32, #tpu.memory_space<vmem>>, vector<16xf32>,
        %parallel_loop3A_398 = arith.mulf %parallel_loop3A_397, %parallel_loop3A_394 : vector<16xf32>
        %parallel_loop3A_399 = arith.index_cast %parallel_loop3A_335 : i32 to index
        %parallel_loop3A_400 = arith.constant 32 : index
        %parallel_loop3A_401 = tpu.vector_load %arg10[%parallel_loop3A_399, %parallel_loop3A_400] {strides = array<i32>} : memref<80x144xf32, #tpu.memory_space<vmem>>, vector<16xf32>,
        tpu.vector_store %arg10[%parallel_loop3A_399, %parallel_loop3A_400], %parallel_loop3A_398 {strides = array<i32>} : memref<80x144xf32, #tpu.memory_space<vmem>>, vector<16xf32>,
        %parallel_loop3A_402 = arith.constant 0 : i32
        %parallel_loop3A_403 = vector.broadcast %parallel_loop3A_402 : i32 to vector<16xi32>
        %parallel_loop3A_404 = arith.cmpi slt, %broadcast_in_dim3A_8, %parallel_loop3A_403 : vector<16xi32>
        %parallel_loop3A_405 = arith.constant 16 : i32
        %parallel_loop3A_406 = vector.broadcast %parallel_loop3A_405 : i32 to vector<16xi32>
        %parallel_loop3A_407 = arith.addi %broadcast_in_dim3A_8, %parallel_loop3A_406 : vector<16xi32>
        %parallel_loop3A_408 = arith.select %parallel_loop3A_404, %parallel_loop3A_407, %broadcast_in_dim3A_8 : vector<16xi1>, vector<16xi32>
        %parallel_loop3A_409 = vector.shape_cast %parallel_loop3A_408 : vector<16xi32> to vector<16x1xi32>
        %parallel_loop3A_410 = vector.shape_cast %parallel_loop3A_409 : vector<16x1xi32> to vector<16xi32>
        %parallel_loop3A_411 = tpu.dynamic_gather %parallel_loop3A_347[%parallel_loop3A_410] in [0] : vector<16xf32>, vector<16xi32> -> vector<16xf32>
        %parallel_loop3A_412 = arith.index_cast %parallel_loop3A_335 : i32 to index
        %parallel_loop3A_413 = arith.constant 48 : index
        %parallel_loop3A_414 = tpu.vector_load %arg8[%parallel_loop3A_412, %parallel_loop3A_413] {strides = array<i32>} : memref<80x144xf32, #tpu.memory_space<vmem>>, vector<16xf32>,
        %parallel_loop3A_415 = arith.mulf %parallel_loop3A_414, %parallel_loop3A_411 : vector<16xf32>
        %parallel_loop3A_416 = arith.index_cast %parallel_loop3A_335 : i32 to index
        %parallel_loop3A_417 = arith.constant 48 : index
        %parallel_loop3A_418 = tpu.vector_load %arg10[%parallel_loop3A_416, %parallel_loop3A_417] {strides = array<i32>} : memref<80x144xf32, #tpu.memory_space<vmem>>, vector<16xf32>,
        tpu.vector_store %arg10[%parallel_loop3A_416, %parallel_loop3A_417], %parallel_loop3A_415 {strides = array<i32>} : memref<80x144xf32, #tpu.memory_space<vmem>>, vector<16xf32>,
        %parallel_loop3A_419 = arith.constant 0 : i32
        %parallel_loop3A_420 = vector.broadcast %parallel_loop3A_419 : i32 to vector<16xi32>
        %parallel_loop3A_421 = arith.cmpi slt, %broadcast_in_dim3A_10, %parallel_loop3A_420 : vector<16xi32>
        %parallel_loop3A_422 = arith.constant 16 : i32
        %parallel_loop3A_423 = vector.broadcast %parallel_loop3A_422 : i32 to vector<16xi32>
        %parallel_loop3A_424 = arith.addi %broadcast_in_dim3A_10, %parallel_loop3A_423 : vector<16xi32>
        %parallel_loop3A_425 = arith.select %parallel_loop3A_421, %parallel_loop3A_424, %broadcast_in_dim3A_10 : vector<16xi1>, vector<16xi32>
        %parallel_loop3A_426 = vector.shape_cast %parallel_loop3A_425 : vector<16xi32> to vector<16x1xi32>
        %parallel_loop3A_427 = vector.shape_cast %parallel_loop3A_426 : vector<16x1xi32> to vector<16xi32>
        %parallel_loop3A_428 = tpu.dynamic_gather %parallel_loop3A_347[%parallel_loop3A_427] in [0] : vector<16xf32>, vector<16xi32> -> vector<16xf32>
        %parallel_loop3A_429 = arith.index_cast %parallel_loop3A_335 : i32 to index
        %parallel_loop3A_430 = arith.constant 64 : index
        %parallel_loop3A_431 = tpu.vector_load %arg8[%parallel_loop3A_429, %parallel_loop3A_430] {strides = array<i32>} : memref<80x144xf32, #tpu.memory_space<vmem>>, vector<16xf32>,
        %parallel_loop3A_432 = arith.mulf %parallel_loop3A_431, %parallel_loop3A_428 : vector<16xf32>
        %parallel_loop3A_433 = arith.index_cast %parallel_loop3A_335 : i32 to index
        %parallel_loop3A_434 = arith.constant 64 : index
        %parallel_loop3A_435 = tpu.vector_load %arg10[%parallel_loop3A_433, %parallel_loop3A_434] {strides = array<i32>} : memref<80x144xf32, #tpu.memory_space<vmem>>, vector<16xf32>,
        tpu.vector_store %arg10[%parallel_loop3A_433, %parallel_loop3A_434], %parallel_loop3A_432 {strides = array<i32>} : memref<80x144xf32, #tpu.memory_space<vmem>>, vector<16xf32>,
        %parallel_loop3A_436 = arith.constant 0 : i32
        %parallel_loop3A_437 = vector.broadcast %parallel_loop3A_436 : i32 to vector<16xi32>
        %parallel_loop3A_438 = arith.cmpi slt, %broadcast_in_dim3A_12, %parallel_loop3A_437 : vector<16xi32>
        %parallel_loop3A_439 = arith.constant 16 : i32
        %parallel_loop3A_440 = vector.broadcast %parallel_loop3A_439 : i32 to vector<16xi32>
        %parallel_loop3A_441 = arith.addi %broadcast_in_dim3A_12, %parallel_loop3A_440 : vector<16xi32>
        %parallel_loop3A_442 = arith.select %parallel_loop3A_438, %parallel_loop3A_441, %broadcast_in_dim3A_12 : vector<16xi1>, vector<16xi32>
        %parallel_loop3A_443 = vector.shape_cast %parallel_loop3A_442 : vector<16xi32> to vector<16x1xi32>
        %parallel_loop3A_444 = vector.shape_cast %parallel_loop3A_443 : vector<16x1xi32> to vector<16xi32>
        %parallel_loop3A_445 = tpu.dynamic_gather %parallel_loop3A_347[%parallel_loop3A_444] in [0] : vector<16xf32>, vector<16xi32> -> vector<16xf32>
        %parallel_loop3A_446 = arith.index_cast %parallel_loop3A_335 : i32 to index
        %parallel_loop3A_447 = arith.constant 80 : index
        %parallel_loop3A_448 = tpu.vector_load %arg8[%parallel_loop3A_446, %parallel_loop3A_447] {strides = array<i32>} : memref<80x144xf32, #tpu.memory_space<vmem>>, vector<16xf32>,
        %parallel_loop3A_449 = arith.mulf %parallel_loop3A_448, %parallel_loop3A_445 : vector<16xf32>
        %parallel_loop3A_450 = arith.index_cast %parallel_loop3A_335 : i32 to index
        %parallel_loop3A_451 = arith.constant 80 : index
        %parallel_loop3A_452 = tpu.vector_load %arg10[%parallel_loop3A_450, %parallel_loop3A_451] {strides = array<i32>} : memref<80x144xf32, #tpu.memory_space<vmem>>, vector<16xf32>,
        tpu.vector_store %arg10[%parallel_loop3A_450, %parallel_loop3A_451], %parallel_loop3A_449 {strides = array<i32>} : memref<80x144xf32, #tpu.memory_space<vmem>>, vector<16xf32>,
        %parallel_loop3A_453 = arith.constant 0 : i32
        %parallel_loop3A_454 = vector.broadcast %parallel_loop3A_453 : i32 to vector<16xi32>
        %parallel_loop3A_455 = arith.cmpi slt, %broadcast_in_dim3A_14, %parallel_loop3A_454 : vector<16xi32>
        %parallel_loop3A_456 = arith.constant 16 : i32
        %parallel_loop3A_457 = vector.broadcast %parallel_loop3A_456 : i32 to vector<16xi32>
        %parallel_loop3A_458 = arith.addi %broadcast_in_dim3A_14, %parallel_loop3A_457 : vector<16xi32>
        %parallel_loop3A_459 = arith.select %parallel_loop3A_455, %parallel_loop3A_458, %broadcast_in_dim3A_14 : vector<16xi1>, vector<16xi32>
        %parallel_loop3A_460 = vector.shape_cast %parallel_loop3A_459 : vector<16xi32> to vector<16x1xi32>
        %parallel_loop3A_461 = vector.shape_cast %parallel_loop3A_460 : vector<16x1xi32> to vector<16xi32>
        %parallel_loop3A_462 = tpu.dynamic_gather %parallel_loop3A_347[%parallel_loop3A_461] in [0] : vector<16xf32>, vector<16xi32> -> vector<16xf32>
        %parallel_loop3A_463 = arith.index_cast %parallel_loop3A_335 : i32 to index
        %parallel_loop3A_464 = arith.constant 96 : index
        %parallel_loop3A_465 = tpu.vector_load %arg8[%parallel_loop3A_463, %parallel_loop3A_464] {strides = array<i32>} : memref<80x144xf32, #tpu.memory_space<vmem>>, vector<16xf32>,
        %parallel_loop3A_466 = arith.mulf %parallel_loop3A_465, %parallel_loop3A_462 : vector<16xf32>
        %parallel_loop3A_467 = arith.index_cast %parallel_loop3A_335 : i32 to index
        %parallel_loop3A_468 = arith.constant 96 : index
        %parallel_loop3A_469 = tpu.vector_load %arg10[%parallel_loop3A_467, %parallel_loop3A_468] {strides = array<i32>} : memref<80x144xf32, #tpu.memory_space<vmem>>, vector<16xf32>,
        tpu.vector_store %arg10[%parallel_loop3A_467, %parallel_loop3A_468], %parallel_loop3A_466 {strides = array<i32>} : memref<80x144xf32, #tpu.memory_space<vmem>>, vector<16xf32>,
        %parallel_loop3A_470 = arith.constant 0 : i32
        %parallel_loop3A_471 = vector.broadcast %parallel_loop3A_470 : i32 to vector<16xi32>
        %parallel_loop3A_472 = arith.cmpi slt, %broadcast_in_dim3A_16, %parallel_loop3A_471 : vector<16xi32>
        %parallel_loop3A_473 = arith.constant 16 : i32
        %parallel_loop3A_474 = vector.broadcast %parallel_loop3A_473 : i32 to vector<16xi32>
        %parallel_loop3A_475 = arith.addi %broadcast_in_dim3A_16, %parallel_loop3A_474 : vector<16xi32>
        %parallel_loop3A_476 = arith.select %parallel_loop3A_472, %parallel_loop3A_475, %broadcast_in_dim3A_16 : vector<16xi1>, vector<16xi32>
        %parallel_loop3A_477 = vector.shape_cast %parallel_loop3A_476 : vector<16xi32> to vector<16x1xi32>
        %parallel_loop3A_478 = vector.shape_cast %parallel_loop3A_477 : vector<16x1xi32> to vector<16xi32>
        %parallel_loop3A_479 = tpu.dynamic_gather %parallel_loop3A_347[%parallel_loop3A_478] in [0] : vector<16xf32>, vector<16xi32> -> vector<16xf32>
        %parallel_loop3A_480 = arith.index_cast %parallel_loop3A_335 : i32 to index
        %parallel_loop3A_481 = arith.constant 112 : index
        %parallel_loop3A_482 = tpu.vector_load %arg8[%parallel_loop3A_480, %parallel_loop3A_481] {strides = array<i32>} : memref<80x144xf32, #tpu.memory_space<vmem>>, vector<16xf32>,
        %parallel_loop3A_483 = arith.mulf %parallel_loop3A_482, %parallel_loop3A_479 : vector<16xf32>
        %parallel_loop3A_484 = arith.index_cast %parallel_loop3A_335 : i32 to index
        %parallel_loop3A_485 = arith.constant 112 : index
        %parallel_loop3A_486 = tpu.vector_load %arg10[%parallel_loop3A_484, %parallel_loop3A_485] {strides = array<i32>} : memref<80x144xf32, #tpu.memory_space<vmem>>, vector<16xf32>,
        tpu.vector_store %arg10[%parallel_loop3A_484, %parallel_loop3A_485], %parallel_loop3A_483 {strides = array<i32>} : memref<80x144xf32, #tpu.memory_space<vmem>>, vector<16xf32>,
      } {sc.loop_unroll_factor = 8 : i64, sc.parallel_access}
      "tpu.region"() ({
        %run_scoped3A = tpu.sem_alloc : memref<!tpu.dma_semaphore, #tpu.memory_space<semaphore_mem>>
        %dma_start3A_335 = arith.constant 0 : i32
        %dma_start3A_336 = arith.constant 0 : i32
        %dma_start3A_337 = tpu.memref_slice %arg23[%dma_start3A_335, %dma_start3A_336] : memref<5024x144xf32, #tpu.memory_space<vmem_shared>> -> memref<5024x144xf32, #tpu.memory_space<vmem_shared>>
        tpu.enqueue_indirect_dma source(%arg10 : memref<80x144xf32, #tpu.memory_space<vmem>>) target(%dma_start3A_337 : memref<5024x144xf32, #tpu.memory_space<vmem_shared>>) offsets(%arg19 : memref<80xi32, #tpu.memory_space<vmem>>) semaphore(%run_scoped3A : memref<!tpu.dma_semaphore, #tpu.memory_space<semaphore_mem>>) {add = true}
        %dma_wait3A_338 = arith.constant 0 : i32
        %dma_wait3A_339 = arith.constant 0 : i32
        %dma_wait3A_340 = tpu.memref_slice %arg23[%dma_wait3A_338, %dma_wait3A_339] : memref<5024x144xf32, #tpu.memory_space<vmem_shared>> -> memref<5024x144xf32, #tpu.memory_space<vmem_shared>>
        tpu.wait_indirect_dma semaphore(%run_scoped3A : memref<!tpu.dma_semaphore, #tpu.memory_space<semaphore_mem>>) src(%arg10 : memref<80x144xf32, #tpu.memory_space<vmem>>) dst(%dma_wait3A_340 : memref<5024x144xf32, #tpu.memory_space<vmem_shared>>)
        tpu.yield
      }) : () -> ()
      %dma_wait3A_325 = arith.constant 0 : i32
      %dma_wait3A_326 = arith.constant 0 : i32
      %dma_wait3A_327 = tpu.memref_slice %arg3[%dma_wait3A_325, %dma_wait3A_326] : memref<20000x16xf32, #tpu.memory_space<hbm>> -> memref<20000x16xf32, #tpu.memory_space<hbm>>
      tpu.wait_indirect_dma semaphore(%arg25 : memref<!tpu.dma_semaphore, #tpu.memory_space<semaphore_mem>>) src(%dma_wait3A_327 : memref<20000x16xf32, #tpu.memory_space<hbm>>) dst(%arg12 : memref<80x16xf32, #tpu.memory_space<vmem>>)
      %dma_wait3A_328 = arith.constant 0 : i32
      %dma_wait3A_329 = arith.constant 0 : i32
      %dma_wait3A_330 = tpu.memref_slice %arg2[%dma_wait3A_328, %dma_wait3A_329] : memref<20000x144xf32, #tpu.memory_space<hbm>> -> memref<20000x144xf32, #tpu.memory_space<hbm>>
      tpu.wait_indirect_dma semaphore(%arg27 : memref<!tpu.dma_semaphore, #tpu.memory_space<semaphore_mem>>) src(%dma_wait3A_330 : memref<20000x144xf32, #tpu.memory_space<hbm>>) dst(%arg9 : memref<80x144xf32, #tpu.memory_space<vmem>>)
      %parallel_loop3A_331 = arith.constant 0 : i32
      %parallel_loop3A_332 = arith.constant 80 : i32
      %parallel_loop3A_333 = arith.constant 1 : i32
      scf.for %parallel_loop3A_335 = %parallel_loop3A_331 to %parallel_loop3A_332 step %parallel_loop3A_333  : i32 {
        %parallel_loop3A_336 = arith.index_cast %parallel_loop3A_335 : i32 to index
        %parallel_loop3A_337 = arith.constant 128 : index
        %parallel_loop3A_338 = tpu.vector_load %arg9[%parallel_loop3A_336, %parallel_loop3A_337] {strides = array<i32>} : memref<80x144xf32, #tpu.memory_space<vmem>>, vector<16xf32>,
        %parallel_loop3A_339 = arith.index_cast %parallel_loop3A_335 : i32 to index
        %parallel_loop3A_340 = arith.constant 0 : index
        %parallel_loop3A_341 = tpu.vector_load %arg12[%parallel_loop3A_339, %parallel_loop3A_340] {strides = array<i32>} : memref<80x16xf32, #tpu.memory_space<vmem>>, vector<16xf32>,
        %parallel_loop3A_342 = arith.addf %parallel_loop3A_338, %parallel_loop3A_341 : vector<16xf32>
        %parallel_loop3A_343 = arith.constant 2.000000e-01 : f32
        %parallel_loop3A_344 = vector.broadcast %parallel_loop3A_343 : f32 to vector<16xf32>
        %parallel_loop3A_345 = arith.mulf %parallel_loop3A_342, %parallel_loop3A_344 : vector<16xf32>
        %parallel_loop3A_346 = arith.maximumf %parallel_loop3A_342, %parallel_loop3A_345 : vector<16xf32>
        %parallel_loop3A_347 = math.exp %parallel_loop3A_346 : vector<16xf32>
        %parallel_loop3A_348 = arith.index_cast %parallel_loop3A_335 : i32 to index
        %parallel_loop3A_349 = arith.constant 128 : index
        %parallel_loop3A_350 = tpu.vector_load %arg10[%parallel_loop3A_348, %parallel_loop3A_349] {strides = array<i32>} : memref<80x144xf32, #tpu.memory_space<vmem>>, vector<16xf32>,
        tpu.vector_store %arg10[%parallel_loop3A_348, %parallel_loop3A_349], %parallel_loop3A_347 {strides = array<i32>} : memref<80x144xf32, #tpu.memory_space<vmem>>, vector<16xf32>,
        %parallel_loop3A_351 = arith.constant 0 : i32
        %parallel_loop3A_352 = vector.broadcast %parallel_loop3A_351 : i32 to vector<16xi32>
        %parallel_loop3A_353 = arith.cmpi slt, %broadcast_in_dim3A_2, %parallel_loop3A_352 : vector<16xi32>
        %parallel_loop3A_354 = arith.constant 16 : i32
        %parallel_loop3A_355 = vector.broadcast %parallel_loop3A_354 : i32 to vector<16xi32>
        %parallel_loop3A_356 = arith.addi %broadcast_in_dim3A_2, %parallel_loop3A_355 : vector<16xi32>
        %parallel_loop3A_357 = arith.select %parallel_loop3A_353, %parallel_loop3A_356, %broadcast_in_dim3A_2 : vector<16xi1>, vector<16xi32>
        %parallel_loop3A_358 = vector.shape_cast %parallel_loop3A_357 : vector<16xi32> to vector<16x1xi32>
        %parallel_loop3A_359 = vector.shape_cast %parallel_loop3A_358 : vector<16x1xi32> to vector<16xi32>
        %parallel_loop3A_360 = tpu.dynamic_gather %parallel_loop3A_347[%parallel_loop3A_359] in [0] : vector<16xf32>, vector<16xi32> -> vector<16xf32>
        %parallel_loop3A_361 = arith.index_cast %parallel_loop3A_335 : i32 to index
        %parallel_loop3A_362 = arith.constant 0 : index
        %parallel_loop3A_363 = tpu.vector_load %arg9[%parallel_loop3A_361, %parallel_loop3A_362] {strides = array<i32>} : memref<80x144xf32, #tpu.memory_space<vmem>>, vector<16xf32>,
        %parallel_loop3A_364 = arith.mulf %parallel_loop3A_363, %parallel_loop3A_360 : vector<16xf32>
        %parallel_loop3A_365 = arith.index_cast %parallel_loop3A_335 : i32 to index
        %parallel_loop3A_366 = arith.constant 0 : index
        %parallel_loop3A_367 = tpu.vector_load %arg10[%parallel_loop3A_365, %parallel_loop3A_366] {strides = array<i32>} : memref<80x144xf32, #tpu.memory_space<vmem>>, vector<16xf32>,
        tpu.vector_store %arg10[%parallel_loop3A_365, %parallel_loop3A_366], %parallel_loop3A_364 {strides = array<i32>} : memref<80x144xf32, #tpu.memory_space<vmem>>, vector<16xf32>,
        %parallel_loop3A_368 = arith.constant 0 : i32
        %parallel_loop3A_369 = vector.broadcast %parallel_loop3A_368 : i32 to vector<16xi32>
        %parallel_loop3A_370 = arith.cmpi slt, %broadcast_in_dim3A_4, %parallel_loop3A_369 : vector<16xi32>
        %parallel_loop3A_371 = arith.constant 16 : i32
        %parallel_loop3A_372 = vector.broadcast %parallel_loop3A_371 : i32 to vector<16xi32>
        %parallel_loop3A_373 = arith.addi %broadcast_in_dim3A_4, %parallel_loop3A_372 : vector<16xi32>
        %parallel_loop3A_374 = arith.select %parallel_loop3A_370, %parallel_loop3A_373, %broadcast_in_dim3A_4 : vector<16xi1>, vector<16xi32>
        %parallel_loop3A_375 = vector.shape_cast %parallel_loop3A_374 : vector<16xi32> to vector<16x1xi32>
        %parallel_loop3A_376 = vector.shape_cast %parallel_loop3A_375 : vector<16x1xi32> to vector<16xi32>
        %parallel_loop3A_377 = tpu.dynamic_gather %parallel_loop3A_347[%parallel_loop3A_376] in [0] : vector<16xf32>, vector<16xi32> -> vector<16xf32>
        %parallel_loop3A_378 = arith.index_cast %parallel_loop3A_335 : i32 to index
        %parallel_loop3A_379 = arith.constant 16 : index
        %parallel_loop3A_380 = tpu.vector_load %arg9[%parallel_loop3A_378, %parallel_loop3A_379] {strides = array<i32>} : memref<80x144xf32, #tpu.memory_space<vmem>>, vector<16xf32>,
        %parallel_loop3A_381 = arith.mulf %parallel_loop3A_380, %parallel_loop3A_377 : vector<16xf32>
        %parallel_loop3A_382 = arith.index_cast %parallel_loop3A_335 : i32 to index
        %parallel_loop3A_383 = arith.constant 16 : index
        %parallel_loop3A_384 = tpu.vector_load %arg10[%parallel_loop3A_382, %parallel_loop3A_383] {strides = array<i32>} : memref<80x144xf32, #tpu.memory_space<vmem>>, vector<16xf32>,
        tpu.vector_store %arg10[%parallel_loop3A_382, %parallel_loop3A_383], %parallel_loop3A_381 {strides = array<i32>} : memref<80x144xf32, #tpu.memory_space<vmem>>, vector<16xf32>,
        %parallel_loop3A_385 = arith.constant 0 : i32
        %parallel_loop3A_386 = vector.broadcast %parallel_loop3A_385 : i32 to vector<16xi32>
        %parallel_loop3A_387 = arith.cmpi slt, %broadcast_in_dim3A_6, %parallel_loop3A_386 : vector<16xi32>
        %parallel_loop3A_388 = arith.constant 16 : i32
        %parallel_loop3A_389 = vector.broadcast %parallel_loop3A_388 : i32 to vector<16xi32>
        %parallel_loop3A_390 = arith.addi %broadcast_in_dim3A_6, %parallel_loop3A_389 : vector<16xi32>
        %parallel_loop3A_391 = arith.select %parallel_loop3A_387, %parallel_loop3A_390, %broadcast_in_dim3A_6 : vector<16xi1>, vector<16xi32>
        %parallel_loop3A_392 = vector.shape_cast %parallel_loop3A_391 : vector<16xi32> to vector<16x1xi32>
        %parallel_loop3A_393 = vector.shape_cast %parallel_loop3A_392 : vector<16x1xi32> to vector<16xi32>
        %parallel_loop3A_394 = tpu.dynamic_gather %parallel_loop3A_347[%parallel_loop3A_393] in [0] : vector<16xf32>, vector<16xi32> -> vector<16xf32>
        %parallel_loop3A_395 = arith.index_cast %parallel_loop3A_335 : i32 to index
        %parallel_loop3A_396 = arith.constant 32 : index
        %parallel_loop3A_397 = tpu.vector_load %arg9[%parallel_loop3A_395, %parallel_loop3A_396] {strides = array<i32>} : memref<80x144xf32, #tpu.memory_space<vmem>>, vector<16xf32>,
        %parallel_loop3A_398 = arith.mulf %parallel_loop3A_397, %parallel_loop3A_394 : vector<16xf32>
        %parallel_loop3A_399 = arith.index_cast %parallel_loop3A_335 : i32 to index
        %parallel_loop3A_400 = arith.constant 32 : index
        %parallel_loop3A_401 = tpu.vector_load %arg10[%parallel_loop3A_399, %parallel_loop3A_400] {strides = array<i32>} : memref<80x144xf32, #tpu.memory_space<vmem>>, vector<16xf32>,
        tpu.vector_store %arg10[%parallel_loop3A_399, %parallel_loop3A_400], %parallel_loop3A_398 {strides = array<i32>} : memref<80x144xf32, #tpu.memory_space<vmem>>, vector<16xf32>,
        %parallel_loop3A_402 = arith.constant 0 : i32
        %parallel_loop3A_403 = vector.broadcast %parallel_loop3A_402 : i32 to vector<16xi32>
        %parallel_loop3A_404 = arith.cmpi slt, %broadcast_in_dim3A_8, %parallel_loop3A_403 : vector<16xi32>
        %parallel_loop3A_405 = arith.constant 16 : i32
        %parallel_loop3A_406 = vector.broadcast %parallel_loop3A_405 : i32 to vector<16xi32>
        %parallel_loop3A_407 = arith.addi %broadcast_in_dim3A_8, %parallel_loop3A_406 : vector<16xi32>
        %parallel_loop3A_408 = arith.select %parallel_loop3A_404, %parallel_loop3A_407, %broadcast_in_dim3A_8 : vector<16xi1>, vector<16xi32>
        %parallel_loop3A_409 = vector.shape_cast %parallel_loop3A_408 : vector<16xi32> to vector<16x1xi32>
        %parallel_loop3A_410 = vector.shape_cast %parallel_loop3A_409 : vector<16x1xi32> to vector<16xi32>
        %parallel_loop3A_411 = tpu.dynamic_gather %parallel_loop3A_347[%parallel_loop3A_410] in [0] : vector<16xf32>, vector<16xi32> -> vector<16xf32>
        %parallel_loop3A_412 = arith.index_cast %parallel_loop3A_335 : i32 to index
        %parallel_loop3A_413 = arith.constant 48 : index
        %parallel_loop3A_414 = tpu.vector_load %arg9[%parallel_loop3A_412, %parallel_loop3A_413] {strides = array<i32>} : memref<80x144xf32, #tpu.memory_space<vmem>>, vector<16xf32>,
        %parallel_loop3A_415 = arith.mulf %parallel_loop3A_414, %parallel_loop3A_411 : vector<16xf32>
        %parallel_loop3A_416 = arith.index_cast %parallel_loop3A_335 : i32 to index
        %parallel_loop3A_417 = arith.constant 48 : index
        %parallel_loop3A_418 = tpu.vector_load %arg10[%parallel_loop3A_416, %parallel_loop3A_417] {strides = array<i32>} : memref<80x144xf32, #tpu.memory_space<vmem>>, vector<16xf32>,
        tpu.vector_store %arg10[%parallel_loop3A_416, %parallel_loop3A_417], %parallel_loop3A_415 {strides = array<i32>} : memref<80x144xf32, #tpu.memory_space<vmem>>, vector<16xf32>,
        %parallel_loop3A_419 = arith.constant 0 : i32
        %parallel_loop3A_420 = vector.broadcast %parallel_loop3A_419 : i32 to vector<16xi32>
        %parallel_loop3A_421 = arith.cmpi slt, %broadcast_in_dim3A_10, %parallel_loop3A_420 : vector<16xi32>
        %parallel_loop3A_422 = arith.constant 16 : i32
        %parallel_loop3A_423 = vector.broadcast %parallel_loop3A_422 : i32 to vector<16xi32>
        %parallel_loop3A_424 = arith.addi %broadcast_in_dim3A_10, %parallel_loop3A_423 : vector<16xi32>
        %parallel_loop3A_425 = arith.select %parallel_loop3A_421, %parallel_loop3A_424, %broadcast_in_dim3A_10 : vector<16xi1>, vector<16xi32>
        %parallel_loop3A_426 = vector.shape_cast %parallel_loop3A_425 : vector<16xi32> to vector<16x1xi32>
        %parallel_loop3A_427 = vector.shape_cast %parallel_loop3A_426 : vector<16x1xi32> to vector<16xi32>
        %parallel_loop3A_428 = tpu.dynamic_gather %parallel_loop3A_347[%parallel_loop3A_427] in [0] : vector<16xf32>, vector<16xi32> -> vector<16xf32>
        %parallel_loop3A_429 = arith.index_cast %parallel_loop3A_335 : i32 to index
        %parallel_loop3A_430 = arith.constant 64 : index
        %parallel_loop3A_431 = tpu.vector_load %arg9[%parallel_loop3A_429, %parallel_loop3A_430] {strides = array<i32>} : memref<80x144xf32, #tpu.memory_space<vmem>>, vector<16xf32>,
        %parallel_loop3A_432 = arith.mulf %parallel_loop3A_431, %parallel_loop3A_428 : vector<16xf32>
        %parallel_loop3A_433 = arith.index_cast %parallel_loop3A_335 : i32 to index
        %parallel_loop3A_434 = arith.constant 64 : index
        %parallel_loop3A_435 = tpu.vector_load %arg10[%parallel_loop3A_433, %parallel_loop3A_434] {strides = array<i32>} : memref<80x144xf32, #tpu.memory_space<vmem>>, vector<16xf32>,
        tpu.vector_store %arg10[%parallel_loop3A_433, %parallel_loop3A_434], %parallel_loop3A_432 {strides = array<i32>} : memref<80x144xf32, #tpu.memory_space<vmem>>, vector<16xf32>,
        %parallel_loop3A_436 = arith.constant 0 : i32
        %parallel_loop3A_437 = vector.broadcast %parallel_loop3A_436 : i32 to vector<16xi32>
        %parallel_loop3A_438 = arith.cmpi slt, %broadcast_in_dim3A_12, %parallel_loop3A_437 : vector<16xi32>
        %parallel_loop3A_439 = arith.constant 16 : i32
        %parallel_loop3A_440 = vector.broadcast %parallel_loop3A_439 : i32 to vector<16xi32>
        %parallel_loop3A_441 = arith.addi %broadcast_in_dim3A_12, %parallel_loop3A_440 : vector<16xi32>
        %parallel_loop3A_442 = arith.select %parallel_loop3A_438, %parallel_loop3A_441, %broadcast_in_dim3A_12 : vector<16xi1>, vector<16xi32>
        %parallel_loop3A_443 = vector.shape_cast %parallel_loop3A_442 : vector<16xi32> to vector<16x1xi32>
        %parallel_loop3A_444 = vector.shape_cast %parallel_loop3A_443 : vector<16x1xi32> to vector<16xi32>
        %parallel_loop3A_445 = tpu.dynamic_gather %parallel_loop3A_347[%parallel_loop3A_444] in [0] : vector<16xf32>, vector<16xi32> -> vector<16xf32>
        %parallel_loop3A_446 = arith.index_cast %parallel_loop3A_335 : i32 to index
        %parallel_loop3A_447 = arith.constant 80 : index
        %parallel_loop3A_448 = tpu.vector_load %arg9[%parallel_loop3A_446, %parallel_loop3A_447] {strides = array<i32>} : memref<80x144xf32, #tpu.memory_space<vmem>>, vector<16xf32>,
        %parallel_loop3A_449 = arith.mulf %parallel_loop3A_448, %parallel_loop3A_445 : vector<16xf32>
        %parallel_loop3A_450 = arith.index_cast %parallel_loop3A_335 : i32 to index
        %parallel_loop3A_451 = arith.constant 80 : index
        %parallel_loop3A_452 = tpu.vector_load %arg10[%parallel_loop3A_450, %parallel_loop3A_451] {strides = array<i32>} : memref<80x144xf32, #tpu.memory_space<vmem>>, vector<16xf32>,
        tpu.vector_store %arg10[%parallel_loop3A_450, %parallel_loop3A_451], %parallel_loop3A_449 {strides = array<i32>} : memref<80x144xf32, #tpu.memory_space<vmem>>, vector<16xf32>,
        %parallel_loop3A_453 = arith.constant 0 : i32
        %parallel_loop3A_454 = vector.broadcast %parallel_loop3A_453 : i32 to vector<16xi32>
        %parallel_loop3A_455 = arith.cmpi slt, %broadcast_in_dim3A_14, %parallel_loop3A_454 : vector<16xi32>
        %parallel_loop3A_456 = arith.constant 16 : i32
        %parallel_loop3A_457 = vector.broadcast %parallel_loop3A_456 : i32 to vector<16xi32>
        %parallel_loop3A_458 = arith.addi %broadcast_in_dim3A_14, %parallel_loop3A_457 : vector<16xi32>
        %parallel_loop3A_459 = arith.select %parallel_loop3A_455, %parallel_loop3A_458, %broadcast_in_dim3A_14 : vector<16xi1>, vector<16xi32>
        %parallel_loop3A_460 = vector.shape_cast %parallel_loop3A_459 : vector<16xi32> to vector<16x1xi32>
        %parallel_loop3A_461 = vector.shape_cast %parallel_loop3A_460 : vector<16x1xi32> to vector<16xi32>
        %parallel_loop3A_462 = tpu.dynamic_gather %parallel_loop3A_347[%parallel_loop3A_461] in [0] : vector<16xf32>, vector<16xi32> -> vector<16xf32>
        %parallel_loop3A_463 = arith.index_cast %parallel_loop3A_335 : i32 to index
        %parallel_loop3A_464 = arith.constant 96 : index
        %parallel_loop3A_465 = tpu.vector_load %arg9[%parallel_loop3A_463, %parallel_loop3A_464] {strides = array<i32>} : memref<80x144xf32, #tpu.memory_space<vmem>>, vector<16xf32>,
        %parallel_loop3A_466 = arith.mulf %parallel_loop3A_465, %parallel_loop3A_462 : vector<16xf32>
        %parallel_loop3A_467 = arith.index_cast %parallel_loop3A_335 : i32 to index
        %parallel_loop3A_468 = arith.constant 96 : index
        %parallel_loop3A_469 = tpu.vector_load %arg10[%parallel_loop3A_467, %parallel_loop3A_468] {strides = array<i32>} : memref<80x144xf32, #tpu.memory_space<vmem>>, vector<16xf32>,
        tpu.vector_store %arg10[%parallel_loop3A_467, %parallel_loop3A_468], %parallel_loop3A_466 {strides = array<i32>} : memref<80x144xf32, #tpu.memory_space<vmem>>, vector<16xf32>,
        %parallel_loop3A_470 = arith.constant 0 : i32
        %parallel_loop3A_471 = vector.broadcast %parallel_loop3A_470 : i32 to vector<16xi32>
        %parallel_loop3A_472 = arith.cmpi slt, %broadcast_in_dim3A_16, %parallel_loop3A_471 : vector<16xi32>
        %parallel_loop3A_473 = arith.constant 16 : i32
        %parallel_loop3A_474 = vector.broadcast %parallel_loop3A_473 : i32 to vector<16xi32>
        %parallel_loop3A_475 = arith.addi %broadcast_in_dim3A_16, %parallel_loop3A_474 : vector<16xi32>
        %parallel_loop3A_476 = arith.select %parallel_loop3A_472, %parallel_loop3A_475, %broadcast_in_dim3A_16 : vector<16xi1>, vector<16xi32>
        %parallel_loop3A_477 = vector.shape_cast %parallel_loop3A_476 : vector<16xi32> to vector<16x1xi32>
        %parallel_loop3A_478 = vector.shape_cast %parallel_loop3A_477 : vector<16x1xi32> to vector<16xi32>
        %parallel_loop3A_479 = tpu.dynamic_gather %parallel_loop3A_347[%parallel_loop3A_478] in [0] : vector<16xf32>, vector<16xi32> -> vector<16xf32>
        %parallel_loop3A_480 = arith.index_cast %parallel_loop3A_335 : i32 to index
        %parallel_loop3A_481 = arith.constant 112 : index
        %parallel_loop3A_482 = tpu.vector_load %arg9[%parallel_loop3A_480, %parallel_loop3A_481] {strides = array<i32>} : memref<80x144xf32, #tpu.memory_space<vmem>>, vector<16xf32>,
        %parallel_loop3A_483 = arith.mulf %parallel_loop3A_482, %parallel_loop3A_479 : vector<16xf32>
        %parallel_loop3A_484 = arith.index_cast %parallel_loop3A_335 : i32 to index
        %parallel_loop3A_485 = arith.constant 112 : index
        %parallel_loop3A_486 = tpu.vector_load %arg10[%parallel_loop3A_484, %parallel_loop3A_485] {strides = array<i32>} : memref<80x144xf32, #tpu.memory_space<vmem>>, vector<16xf32>,
        tpu.vector_store %arg10[%parallel_loop3A_484, %parallel_loop3A_485], %parallel_loop3A_483 {strides = array<i32>} : memref<80x144xf32, #tpu.memory_space<vmem>>, vector<16xf32>,
      } {sc.loop_unroll_factor = 8 : i64, sc.parallel_access}
      "tpu.region"() ({
        %run_scoped3A = tpu.sem_alloc : memref<!tpu.dma_semaphore, #tpu.memory_space<semaphore_mem>>
        %dma_start3A_335 = arith.constant 0 : i32
        %dma_start3A_336 = arith.constant 0 : i32
        %dma_start3A_337 = tpu.memref_slice %arg23[%dma_start3A_335, %dma_start3A_336] : memref<5024x144xf32, #tpu.memory_space<vmem_shared>> -> memref<5024x144xf32, #tpu.memory_space<vmem_shared>>
        tpu.enqueue_indirect_dma source(%arg10 : memref<80x144xf32, #tpu.memory_space<vmem>>) target(%dma_start3A_337 : memref<5024x144xf32, #tpu.memory_space<vmem_shared>>) offsets(%arg20 : memref<80xi32, #tpu.memory_space<vmem>>) semaphore(%run_scoped3A : memref<!tpu.dma_semaphore, #tpu.memory_space<semaphore_mem>>) {add = true}
        %dma_wait3A_338 = arith.constant 0 : i32
        %dma_wait3A_339 = arith.constant 0 : i32
        %dma_wait3A_340 = tpu.memref_slice %arg23[%dma_wait3A_338, %dma_wait3A_339] : memref<5024x144xf32, #tpu.memory_space<vmem_shared>> -> memref<5024x144xf32, #tpu.memory_space<vmem_shared>>
        tpu.wait_indirect_dma semaphore(%run_scoped3A : memref<!tpu.dma_semaphore, #tpu.memory_space<semaphore_mem>>) src(%arg10 : memref<80x144xf32, #tpu.memory_space<vmem>>) dst(%dma_wait3A_340 : memref<5024x144xf32, #tpu.memory_space<vmem_shared>>)
        tpu.yield
      }) : () -> ()
      %scan3A_334 = arith.constant 0 : i32
      scf.yield %scan3A_334 : i32
    }
    %scan3A_42 = arith.constant 125 : i32
    %barrier3A_43 = arith.constant 0 : index
    tpu.barrier barrier_id(%barrier3A_43)
    %mul3A_44 = arith.constant 313 : i32
    %mul3A_45 = arith.muli %arg1, %mul3A_44 : i32
    %mul3A_46 = arith.constant 10000 : i32
    %mul3A_47 = arith.muli %arg0, %mul3A_46 : i32
    %add3A_48 = arith.constant 0 : i32
    %add3A_49 = arith.addi %mul3A_47, %add3A_48 : i32
    %add3A_50 = arith.addi %add3A_49, %mul3A_45 : i32
    "tpu.region"() ({
      %run_scoped3A = tpu.sem_alloc : memref<!tpu.dma_semaphore, #tpu.memory_space<semaphore_mem>>
      %dma_start3A = arith.constant 0 : i32
      %dma_start3A_77 = tpu.memref_slice %arg6[%add3A_50, %dma_start3A] : memref<20000x144xf32, #tpu.memory_space<hbm>> -> memref<313x144xf32, #tpu.memory_space<hbm>>
      %dma_start3A_78 = arith.constant 0 : i32
      %dma_start3A_79 = tpu.memref_slice %arg23[%mul3A_45, %dma_start3A_78] : memref<5024x144xf32, #tpu.memory_space<vmem_shared>> -> memref<313x144xf32, #tpu.memory_space<vmem_shared>>
      tpu.enqueue_dma source(%dma_start3A_79 : memref<313x144xf32, #tpu.memory_space<vmem_shared>>) target(%dma_start3A_77 : memref<313x144xf32, #tpu.memory_space<hbm>>) target_semaphore(%run_scoped3A : memref<!tpu.dma_semaphore, #tpu.memory_space<semaphore_mem>>)
      %dma_wait3A = arith.constant 0 : i32
      %dma_wait3A_80 = tpu.memref_slice %arg6[%add3A_50, %dma_wait3A] : memref<20000x144xf32, #tpu.memory_space<hbm>> -> memref<313x144xf32, #tpu.memory_space<hbm>>
      %dma_wait3A_81 = arith.constant 0 : i32
      %dma_wait3A_82 = tpu.memref_slice %arg23[%mul3A_45, %dma_wait3A_81] : memref<5024x144xf32, #tpu.memory_space<vmem_shared>> -> memref<313x144xf32, #tpu.memory_space<vmem_shared>>
      tpu.wait_dma2 semaphore(%run_scoped3A : memref<!tpu.dma_semaphore, #tpu.memory_space<semaphore_mem>>) src(%dma_wait3A_82 : memref<313x144xf32, #tpu.memory_space<vmem_shared>>) dst(%dma_wait3A_80 : memref<313x144xf32, #tpu.memory_space<hbm>>)
      tpu.yield
    }) : () -> ()
    %barrier3A_51 = arith.constant 0 : index
    tpu.barrier barrier_id(%barrier3A_51)
    %mul3A_52 = arith.constant 314 : i32
    %mul3A_53 = arith.muli %arg1, %mul3A_52 : i32
    %add3A_54 = arith.constant 0 : i32
    %add3A_55 = arith.addi %mul3A_53, %add3A_54 : i32
    "tpu.region"() ({
      %run_scoped3A = tpu.sem_alloc : memref<!tpu.dma_semaphore, #tpu.memory_space<semaphore_mem>>
      %dma_start3A = arith.constant 0 : i32
      %dma_start3A_77 = arith.constant 0 : i32
      %dma_start3A_78 = tpu.memref_slice %arg7[%dma_start3A, %dma_start3A_77] : memref<112x144xf32, #tpu.memory_space<vmem>> -> memref<112x144xf32, #tpu.memory_space<vmem>>
      %dma_start3A_79 = arith.constant 0 : i32
      %dma_start3A_80 = tpu.memref_slice %arg23[%add3A_55, %dma_start3A_79] : memref<5024x144xf32, #tpu.memory_space<vmem_shared>> -> memref<112x144xf32, #tpu.memory_space<vmem_shared>>
      %dma_start3A_81 = arith.constant 0 : i32
      %dma_start3A_82 = tpu.memref_slice %arg23[%add3A_55, %dma_start3A_81] : memref<5024x144xf32, #tpu.memory_space<vmem_shared>> -> memref<112x144xf32, #tpu.memory_space<vmem_shared>>
      %dma_start3A_83 = arith.constant 0 : i32
      %dma_start3A_84 = arith.constant 0 : i32
      %dma_start3A_85 = tpu.memref_slice %arg7[%dma_start3A_83, %dma_start3A_84] : memref<112x144xf32, #tpu.memory_space<vmem>> -> memref<112x144xf32, #tpu.memory_space<vmem>>
      tpu.enqueue_dma source(%dma_start3A_85 : memref<112x144xf32, #tpu.memory_space<vmem>>) target(%dma_start3A_82 : memref<112x144xf32, #tpu.memory_space<vmem_shared>>) target_semaphore(%run_scoped3A : memref<!tpu.dma_semaphore, #tpu.memory_space<semaphore_mem>>)
      %dma_wait3A = arith.constant 0 : i32
      %dma_wait3A_86 = arith.constant 0 : i32
      %dma_wait3A_87 = tpu.memref_slice %arg7[%dma_wait3A, %dma_wait3A_86] : memref<112x144xf32, #tpu.memory_space<vmem>> -> memref<112x144xf32, #tpu.memory_space<vmem>>
      %dma_wait3A_88 = arith.constant 0 : i32
      %dma_wait3A_89 = tpu.memref_slice %arg23[%add3A_55, %dma_wait3A_88] : memref<5024x144xf32, #tpu.memory_space<vmem_shared>> -> memref<112x144xf32, #tpu.memory_space<vmem_shared>>
      %dma_wait3A_90 = arith.constant 0 : i32
      %dma_wait3A_91 = tpu.memref_slice %arg23[%add3A_55, %dma_wait3A_90] : memref<5024x144xf32, #tpu.memory_space<vmem_shared>> -> memref<112x144xf32, #tpu.memory_space<vmem_shared>>
      %dma_wait3A_92 = arith.constant 0 : i32
      %dma_wait3A_93 = arith.constant 0 : i32
      %dma_wait3A_94 = tpu.memref_slice %arg7[%dma_wait3A_92, %dma_wait3A_93] : memref<112x144xf32, #tpu.memory_space<vmem>> -> memref<112x144xf32, #tpu.memory_space<vmem>>
      tpu.wait_dma2 semaphore(%run_scoped3A : memref<!tpu.dma_semaphore, #tpu.memory_space<semaphore_mem>>) src(%dma_wait3A_94 : memref<112x144xf32, #tpu.memory_space<vmem>>) dst(%dma_wait3A_91 : memref<112x144xf32, #tpu.memory_space<vmem_shared>>)
      tpu.yield
    }) : () -> ()
    %add3A_56 = arith.constant 112 : i32
    %add3A_57 = arith.addi %mul3A_53, %add3A_56 : i32
    "tpu.region"() ({
      %run_scoped3A = tpu.sem_alloc : memref<!tpu.dma_semaphore, #tpu.memory_space<semaphore_mem>>
      %dma_start3A = arith.constant 0 : i32
      %dma_start3A_77 = arith.constant 0 : i32
      %dma_start3A_78 = tpu.memref_slice %arg7[%dma_start3A, %dma_start3A_77] : memref<112x144xf32, #tpu.memory_space<vmem>> -> memref<112x144xf32, #tpu.memory_space<vmem>>
      %dma_start3A_79 = arith.constant 0 : i32
      %dma_start3A_80 = tpu.memref_slice %arg23[%add3A_57, %dma_start3A_79] : memref<5024x144xf32, #tpu.memory_space<vmem_shared>> -> memref<112x144xf32, #tpu.memory_space<vmem_shared>>
      %dma_start3A_81 = arith.constant 0 : i32
      %dma_start3A_82 = tpu.memref_slice %arg23[%add3A_57, %dma_start3A_81] : memref<5024x144xf32, #tpu.memory_space<vmem_shared>> -> memref<112x144xf32, #tpu.memory_space<vmem_shared>>
      %dma_start3A_83 = arith.constant 0 : i32
      %dma_start3A_84 = arith.constant 0 : i32
      %dma_start3A_85 = tpu.memref_slice %arg7[%dma_start3A_83, %dma_start3A_84] : memref<112x144xf32, #tpu.memory_space<vmem>> -> memref<112x144xf32, #tpu.memory_space<vmem>>
      tpu.enqueue_dma source(%dma_start3A_85 : memref<112x144xf32, #tpu.memory_space<vmem>>) target(%dma_start3A_82 : memref<112x144xf32, #tpu.memory_space<vmem_shared>>) target_semaphore(%run_scoped3A : memref<!tpu.dma_semaphore, #tpu.memory_space<semaphore_mem>>)
      %dma_wait3A = arith.constant 0 : i32
      %dma_wait3A_86 = arith.constant 0 : i32
      %dma_wait3A_87 = tpu.memref_slice %arg7[%dma_wait3A, %dma_wait3A_86] : memref<112x144xf32, #tpu.memory_space<vmem>> -> memref<112x144xf32, #tpu.memory_space<vmem>>
      %dma_wait3A_88 = arith.constant 0 : i32
      %dma_wait3A_89 = tpu.memref_slice %arg23[%add3A_57, %dma_wait3A_88] : memref<5024x144xf32, #tpu.memory_space<vmem_shared>> -> memref<112x144xf32, #tpu.memory_space<vmem_shared>>
      %dma_wait3A_90 = arith.constant 0 : i32
      %dma_wait3A_91 = tpu.memref_slice %arg23[%add3A_57, %dma_wait3A_90] : memref<5024x144xf32, #tpu.memory_space<vmem_shared>> -> memref<112x144xf32, #tpu.memory_space<vmem_shared>>
      %dma_wait3A_92 = arith.constant 0 : i32
      %dma_wait3A_93 = arith.constant 0 : i32
      %dma_wait3A_94 = tpu.memref_slice %arg7[%dma_wait3A_92, %dma_wait3A_93] : memref<112x144xf32, #tpu.memory_space<vmem>> -> memref<112x144xf32, #tpu.memory_space<vmem>>
      tpu.wait_dma2 semaphore(%run_scoped3A : memref<!tpu.dma_semaphore, #tpu.memory_space<semaphore_mem>>) src(%dma_wait3A_94 : memref<112x144xf32, #tpu.memory_space<vmem>>) dst(%dma_wait3A_91 : memref<112x144xf32, #tpu.memory_space<vmem_shared>>)
      tpu.yield
    }) : () -> ()
    %add3A_58 = arith.constant 224 : i32
    %add3A_59 = arith.addi %mul3A_53, %add3A_58 : i32
    "tpu.region"() ({
      %run_scoped3A = tpu.sem_alloc : memref<!tpu.dma_semaphore, #tpu.memory_space<semaphore_mem>>
      %dma_start3A = arith.constant 0 : i32
      %dma_start3A_77 = arith.constant 0 : i32
      %dma_start3A_78 = tpu.memref_slice %arg7[%dma_start3A, %dma_start3A_77] : memref<112x144xf32, #tpu.memory_space<vmem>> -> memref<90x144xf32, #tpu.memory_space<vmem>>
      %dma_start3A_79 = arith.constant 0 : i32
      %dma_start3A_80 = tpu.memref_slice %arg23[%add3A_59, %dma_start3A_79] : memref<5024x144xf32, #tpu.memory_space<vmem_shared>> -> memref<90x144xf32, #tpu.memory_space<vmem_shared>>
      %dma_start3A_81 = arith.constant 0 : i32
      %dma_start3A_82 = tpu.memref_slice %arg23[%add3A_59, %dma_start3A_81] : memref<5024x144xf32, #tpu.memory_space<vmem_shared>> -> memref<90x144xf32, #tpu.memory_space<vmem_shared>>
      %dma_start3A_83 = arith.constant 0 : i32
      %dma_start3A_84 = arith.constant 0 : i32
      %dma_start3A_85 = tpu.memref_slice %arg7[%dma_start3A_83, %dma_start3A_84] : memref<112x144xf32, #tpu.memory_space<vmem>> -> memref<90x144xf32, #tpu.memory_space<vmem>>
      tpu.enqueue_dma source(%dma_start3A_85 : memref<90x144xf32, #tpu.memory_space<vmem>>) target(%dma_start3A_82 : memref<90x144xf32, #tpu.memory_space<vmem_shared>>) target_semaphore(%run_scoped3A : memref<!tpu.dma_semaphore, #tpu.memory_space<semaphore_mem>>)
      %dma_wait3A = arith.constant 0 : i32
      %dma_wait3A_86 = arith.constant 0 : i32
      %dma_wait3A_87 = tpu.memref_slice %arg7[%dma_wait3A, %dma_wait3A_86] : memref<112x144xf32, #tpu.memory_space<vmem>> -> memref<90x144xf32, #tpu.memory_space<vmem>>
      %dma_wait3A_88 = arith.constant 0 : i32
      %dma_wait3A_89 = tpu.memref_slice %arg23[%add3A_59, %dma_wait3A_88] : memref<5024x144xf32, #tpu.memory_space<vmem_shared>> -> memref<90x144xf32, #tpu.memory_space<vmem_shared>>
      %dma_wait3A_90 = arith.constant 0 : i32
      %dma_wait3A_91 = tpu.memref_slice %arg23[%add3A_59, %dma_wait3A_90] : memref<5024x144xf32, #tpu.memory_space<vmem_shared>> -> memref<90x144xf32, #tpu.memory_space<vmem_shared>>
      %dma_wait3A_92 = arith.constant 0 : i32
      %dma_wait3A_93 = arith.constant 0 : i32
      %dma_wait3A_94 = tpu.memref_slice %arg7[%dma_wait3A_92, %dma_wait3A_93] : memref<112x144xf32, #tpu.memory_space<vmem>> -> memref<90x144xf32, #tpu.memory_space<vmem>>
      tpu.wait_dma2 semaphore(%run_scoped3A : memref<!tpu.dma_semaphore, #tpu.memory_space<semaphore_mem>>) src(%dma_wait3A_94 : memref<90x144xf32, #tpu.memory_space<vmem>>) dst(%dma_wait3A_91 : memref<90x144xf32, #tpu.memory_space<vmem_shared>>)
      tpu.yield
    }) : () -> ()
    %barrier3A_60 = arith.constant 0 : index
    tpu.barrier barrier_id(%barrier3A_60)
    %scan3A_61 = arith.constant 0 : i32
    %scan3A_62 = arith.constant 0 : i32
    %scan3A_63 = arith.constant 125 : i32
    %scan3A_64 = arith.addi %scan3A_62, %scan3A_63 : i32
    %scan3A_65 = arith.constant 1 : i32
    %scan3A_66 = scf.for %scan3A_77 = %scan3A_62 to %scan3A_64 step %scan3A_65 iter_args(%scan3A_78 = %scan3A_61) -> (i32)  : i32 {
      %mul3A_79 = arith.constant 2 : i32
      %mul3A_80 = arith.muli %mul3A_79, %scan3A_77 : i32
      %mul3A_81 = arith.constant 80 : i32
      %mul3A_82 = arith.muli %mul3A_80, %mul3A_81 : i32
      %add3A_83 = arith.addi %add3A, %mul3A_82 : i32
      "tpu.region"() ({
        %run_scoped3A = tpu.sem_alloc : memref<!tpu.dma_semaphore, #tpu.memory_space<semaphore_mem>>
        %dma_start3A_363 = tpu.memref_slice %arg4[%add3A_83] : memref<640000xi32, #tpu.memory_space<hbm>> -> memref<80xi32, #tpu.memory_space<hbm>>
        %dma_start3A_364 = tpu.memref_slice %arg4[%add3A_83] : memref<640000xi32, #tpu.memory_space<hbm>> -> memref<80xi32, #tpu.memory_space<hbm>>
        tpu.enqueue_dma source(%dma_start3A_364 : memref<80xi32, #tpu.memory_space<hbm>>) target(%arg13 : memref<80xi32, #tpu.memory_space<vmem>>) target_semaphore(%run_scoped3A : memref<!tpu.dma_semaphore, #tpu.memory_space<semaphore_mem>>)
        %dma_wait3A_365 = tpu.memref_slice %arg4[%add3A_83] : memref<640000xi32, #tpu.memory_space<hbm>> -> memref<80xi32, #tpu.memory_space<hbm>>
        %dma_wait3A_366 = tpu.memref_slice %arg4[%add3A_83] : memref<640000xi32, #tpu.memory_space<hbm>> -> memref<80xi32, #tpu.memory_space<hbm>>
        tpu.wait_dma2 semaphore(%run_scoped3A : memref<!tpu.dma_semaphore, #tpu.memory_space<semaphore_mem>>) src(%dma_wait3A_366 : memref<80xi32, #tpu.memory_space<hbm>>) dst(%arg13 : memref<80xi32, #tpu.memory_space<vmem>>)
        tpu.yield
      }) : () -> ()
      "tpu.region"() ({
        %run_scoped3A = tpu.sem_alloc : memref<!tpu.dma_semaphore, #tpu.memory_space<semaphore_mem>>
        %dma_start3A_363 = tpu.memref_slice %arg5[%add3A_83] : memref<640000xi32, #tpu.memory_space<hbm>> -> memref<80xi32, #tpu.memory_space<hbm>>
        %dma_start3A_364 = tpu.memref_slice %arg5[%add3A_83] : memref<640000xi32, #tpu.memory_space<hbm>> -> memref<80xi32, #tpu.memory_space<hbm>>
        tpu.enqueue_dma source(%dma_start3A_364 : memref<80xi32, #tpu.memory_space<hbm>>) target(%arg15 : memref<80xi32, #tpu.memory_space<vmem>>) target_semaphore(%run_scoped3A : memref<!tpu.dma_semaphore, #tpu.memory_space<semaphore_mem>>)
        %dma_wait3A_365 = tpu.memref_slice %arg5[%add3A_83] : memref<640000xi32, #tpu.memory_space<hbm>> -> memref<80xi32, #tpu.memory_space<hbm>>
        %dma_wait3A_366 = tpu.memref_slice %arg5[%add3A_83] : memref<640000xi32, #tpu.memory_space<hbm>> -> memref<80xi32, #tpu.memory_space<hbm>>
        tpu.wait_dma2 semaphore(%run_scoped3A : memref<!tpu.dma_semaphore, #tpu.memory_space<semaphore_mem>>) src(%dma_wait3A_366 : memref<80xi32, #tpu.memory_space<hbm>>) dst(%arg15 : memref<80xi32, #tpu.memory_space<vmem>>)
        tpu.yield
      }) : () -> ()
      %get3A = arith.constant 0 : index
      %get3A_84 = tpu.vector_load %arg13[%get3A] {strides = array<i32>} : memref<80xi32, #tpu.memory_space<vmem>>, vector<16xi32>,
      %add3A_85 = vector.broadcast %mul3A_27 : i32 to vector<16xi32>
      %add3A_86 = arith.addi %get3A_84, %add3A_85 : vector<16xi32>
      %swap3A = arith.constant 0 : index
      %swap3A_87 = tpu.vector_load %arg17[%swap3A] {strides = array<i32>} : memref<80xi32, #tpu.memory_space<vmem>>, vector<16xi32>,
      tpu.vector_store %arg17[%swap3A], %add3A_86 {strides = array<i32>} : memref<80xi32, #tpu.memory_space<vmem>>, vector<16xi32>,
      %get3A_88 = arith.constant 0 : index
      %get3A_89 = tpu.vector_load %arg15[%get3A_88] {strides = array<i32>} : memref<80xi32, #tpu.memory_space<vmem>>, vector<16xi32>,
      %add3A_90 = vector.broadcast %mul3A_27 : i32 to vector<16xi32>
      %add3A_91 = arith.addi %get3A_89, %add3A_90 : vector<16xi32>
      %swap3A_92 = arith.constant 0 : index
      %swap3A_93 = tpu.vector_load %arg21[%swap3A_92] {strides = array<i32>} : memref<80xi32, #tpu.memory_space<vmem>>, vector<16xi32>,
      tpu.vector_store %arg21[%swap3A_92], %add3A_91 {strides = array<i32>} : memref<80xi32, #tpu.memory_space<vmem>>, vector<16xi32>,
      %get3A_94 = arith.constant 0 : index
      %get3A_95 = tpu.vector_load %arg15[%get3A_94] {strides = array<i32>} : memref<80xi32, #tpu.memory_space<vmem>>, vector<16xi32>,
      %sub3A = arith.constant 5008 : i32
      %sub3A_96 = vector.broadcast %sub3A : i32 to vector<16xi32>
      %sub3A_97 = arith.subi %get3A_95, %sub3A_96 : vector<16xi32>
      %ge3A = arith.constant 0 : i32
      %ge3A_98 = vector.broadcast %ge3A : i32 to vector<16xi32>
      %ge3A_99 = arith.cmpi sge, %sub3A_97, %ge3A_98 : vector<16xi32>
      %jit3A = arith.constant 5008 : i32
      %broadcast_in_dim3A_100 = vector.broadcast %jit3A : i32 to vector<16xi32>
      %select_n3A = arith.select %ge3A_99, %sub3A_97, %broadcast_in_dim3A_100 : vector<16xi1>, vector<16xi32>
      %swap3A_101 = arith.constant 0 : index
      %swap3A_102 = tpu.vector_load %arg19[%swap3A_101] {strides = array<i32>} : memref<80xi32, #tpu.memory_space<vmem>>, vector<16xi32>,
      tpu.vector_store %arg19[%swap3A_101], %select_n3A {strides = array<i32>} : memref<80xi32, #tpu.memory_space<vmem>>, vector<16xi32>,
      %get3A_103 = arith.constant 16 : index
      %get3A_104 = tpu.vector_load %arg13[%get3A_103] {strides = array<i32>} : memref<80xi32, #tpu.memory_space<vmem>>, vector<16xi32>,
      %add3A_105 = vector.broadcast %mul3A_27 : i32 to vector<16xi32>
      %add3A_106 = arith.addi %get3A_104, %add3A_105 : vector<16xi32>
      %swap3A_107 = arith.constant 16 : index
      %swap3A_108 = tpu.vector_load %arg17[%swap3A_107] {strides = array<i32>} : memref<80xi32, #tpu.memory_space<vmem>>, vector<16xi32>,
      tpu.vector_store %arg17[%swap3A_107], %add3A_106 {strides = array<i32>} : memref<80xi32, #tpu.memory_space<vmem>>, vector<16xi32>,
      %get3A_109 = arith.constant 16 : index
      %get3A_110 = tpu.vector_load %arg15[%get3A_109] {strides = array<i32>} : memref<80xi32, #tpu.memory_space<vmem>>, vector<16xi32>,
      %add3A_111 = vector.broadcast %mul3A_27 : i32 to vector<16xi32>
      %add3A_112 = arith.addi %get3A_110, %add3A_111 : vector<16xi32>
      %swap3A_113 = arith.constant 16 : index
      %swap3A_114 = tpu.vector_load %arg21[%swap3A_113] {strides = array<i32>} : memref<80xi32, #tpu.memory_space<vmem>>, vector<16xi32>,
      tpu.vector_store %arg21[%swap3A_113], %add3A_112 {strides = array<i32>} : memref<80xi32, #tpu.memory_space<vmem>>, vector<16xi32>,
      %get3A_115 = arith.constant 16 : index
      %get3A_116 = tpu.vector_load %arg15[%get3A_115] {strides = array<i32>} : memref<80xi32, #tpu.memory_space<vmem>>, vector<16xi32>,
      %sub3A_117 = arith.constant 5008 : i32
      %sub3A_118 = vector.broadcast %sub3A_117 : i32 to vector<16xi32>
      %sub3A_119 = arith.subi %get3A_116, %sub3A_118 : vector<16xi32>
      %ge3A_120 = arith.constant 0 : i32
      %ge3A_121 = vector.broadcast %ge3A_120 : i32 to vector<16xi32>
      %ge3A_122 = arith.cmpi sge, %sub3A_119, %ge3A_121 : vector<16xi32>
      %jit3A_123 = arith.constant 5008 : i32
      %broadcast_in_dim3A_124 = vector.broadcast %jit3A_123 : i32 to vector<16xi32>
      %select_n3A_125 = arith.select %ge3A_122, %sub3A_119, %broadcast_in_dim3A_124 : vector<16xi1>, vector<16xi32>
      %swap3A_126 = arith.constant 16 : index
      %swap3A_127 = tpu.vector_load %arg19[%swap3A_126] {strides = array<i32>} : memref<80xi32, #tpu.memory_space<vmem>>, vector<16xi32>,
      tpu.vector_store %arg19[%swap3A_126], %select_n3A_125 {strides = array<i32>} : memref<80xi32, #tpu.memory_space<vmem>>, vector<16xi32>,
      %get3A_128 = arith.constant 32 : index
      %get3A_129 = tpu.vector_load %arg13[%get3A_128] {strides = array<i32>} : memref<80xi32, #tpu.memory_space<vmem>>, vector<16xi32>,
      %add3A_130 = vector.broadcast %mul3A_27 : i32 to vector<16xi32>
      %add3A_131 = arith.addi %get3A_129, %add3A_130 : vector<16xi32>
      %swap3A_132 = arith.constant 32 : index
      %swap3A_133 = tpu.vector_load %arg17[%swap3A_132] {strides = array<i32>} : memref<80xi32, #tpu.memory_space<vmem>>, vector<16xi32>,
      tpu.vector_store %arg17[%swap3A_132], %add3A_131 {strides = array<i32>} : memref<80xi32, #tpu.memory_space<vmem>>, vector<16xi32>,
      %get3A_134 = arith.constant 32 : index
      %get3A_135 = tpu.vector_load %arg15[%get3A_134] {strides = array<i32>} : memref<80xi32, #tpu.memory_space<vmem>>, vector<16xi32>,
      %add3A_136 = vector.broadcast %mul3A_27 : i32 to vector<16xi32>
      %add3A_137 = arith.addi %get3A_135, %add3A_136 : vector<16xi32>
      %swap3A_138 = arith.constant 32 : index
      %swap3A_139 = tpu.vector_load %arg21[%swap3A_138] {strides = array<i32>} : memref<80xi32, #tpu.memory_space<vmem>>, vector<16xi32>,
      tpu.vector_store %arg21[%swap3A_138], %add3A_137 {strides = array<i32>} : memref<80xi32, #tpu.memory_space<vmem>>, vector<16xi32>,
      %get3A_140 = arith.constant 32 : index
      %get3A_141 = tpu.vector_load %arg15[%get3A_140] {strides = array<i32>} : memref<80xi32, #tpu.memory_space<vmem>>, vector<16xi32>,
      %sub3A_142 = arith.constant 5008 : i32
      %sub3A_143 = vector.broadcast %sub3A_142 : i32 to vector<16xi32>
      %sub3A_144 = arith.subi %get3A_141, %sub3A_143 : vector<16xi32>
      %ge3A_145 = arith.constant 0 : i32
      %ge3A_146 = vector.broadcast %ge3A_145 : i32 to vector<16xi32>
      %ge3A_147 = arith.cmpi sge, %sub3A_144, %ge3A_146 : vector<16xi32>
      %jit3A_148 = arith.constant 5008 : i32
      %broadcast_in_dim3A_149 = vector.broadcast %jit3A_148 : i32 to vector<16xi32>
      %select_n3A_150 = arith.select %ge3A_147, %sub3A_144, %broadcast_in_dim3A_149 : vector<16xi1>, vector<16xi32>
      %swap3A_151 = arith.constant 32 : index
      %swap3A_152 = tpu.vector_load %arg19[%swap3A_151] {strides = array<i32>} : memref<80xi32, #tpu.memory_space<vmem>>, vector<16xi32>,
      tpu.vector_store %arg19[%swap3A_151], %select_n3A_150 {strides = array<i32>} : memref<80xi32, #tpu.memory_space<vmem>>, vector<16xi32>,
      %get3A_153 = arith.constant 48 : index
      %get3A_154 = tpu.vector_load %arg13[%get3A_153] {strides = array<i32>} : memref<80xi32, #tpu.memory_space<vmem>>, vector<16xi32>,
      %add3A_155 = vector.broadcast %mul3A_27 : i32 to vector<16xi32>
      %add3A_156 = arith.addi %get3A_154, %add3A_155 : vector<16xi32>
      %swap3A_157 = arith.constant 48 : index
      %swap3A_158 = tpu.vector_load %arg17[%swap3A_157] {strides = array<i32>} : memref<80xi32, #tpu.memory_space<vmem>>, vector<16xi32>,
      tpu.vector_store %arg17[%swap3A_157], %add3A_156 {strides = array<i32>} : memref<80xi32, #tpu.memory_space<vmem>>, vector<16xi32>,
      %get3A_159 = arith.constant 48 : index
      %get3A_160 = tpu.vector_load %arg15[%get3A_159] {strides = array<i32>} : memref<80xi32, #tpu.memory_space<vmem>>, vector<16xi32>,
      %add3A_161 = vector.broadcast %mul3A_27 : i32 to vector<16xi32>
      %add3A_162 = arith.addi %get3A_160, %add3A_161 : vector<16xi32>
      %swap3A_163 = arith.constant 48 : index
      %swap3A_164 = tpu.vector_load %arg21[%swap3A_163] {strides = array<i32>} : memref<80xi32, #tpu.memory_space<vmem>>, vector<16xi32>,
      tpu.vector_store %arg21[%swap3A_163], %add3A_162 {strides = array<i32>} : memref<80xi32, #tpu.memory_space<vmem>>, vector<16xi32>,
      %get3A_165 = arith.constant 48 : index
      %get3A_166 = tpu.vector_load %arg15[%get3A_165] {strides = array<i32>} : memref<80xi32, #tpu.memory_space<vmem>>, vector<16xi32>,
      %sub3A_167 = arith.constant 5008 : i32
      %sub3A_168 = vector.broadcast %sub3A_167 : i32 to vector<16xi32>
      %sub3A_169 = arith.subi %get3A_166, %sub3A_168 : vector<16xi32>
      %ge3A_170 = arith.constant 0 : i32
      %ge3A_171 = vector.broadcast %ge3A_170 : i32 to vector<16xi32>
      %ge3A_172 = arith.cmpi sge, %sub3A_169, %ge3A_171 : vector<16xi32>
      %jit3A_173 = arith.constant 5008 : i32
      %broadcast_in_dim3A_174 = vector.broadcast %jit3A_173 : i32 to vector<16xi32>
      %select_n3A_175 = arith.select %ge3A_172, %sub3A_169, %broadcast_in_dim3A_174 : vector<16xi1>, vector<16xi32>
      %swap3A_176 = arith.constant 48 : index
      %swap3A_177 = tpu.vector_load %arg19[%swap3A_176] {strides = array<i32>} : memref<80xi32, #tpu.memory_space<vmem>>, vector<16xi32>,
      tpu.vector_store %arg19[%swap3A_176], %select_n3A_175 {strides = array<i32>} : memref<80xi32, #tpu.memory_space<vmem>>, vector<16xi32>,
      %get3A_178 = arith.constant 64 : index
      %get3A_179 = tpu.vector_load %arg13[%get3A_178] {strides = array<i32>} : memref<80xi32, #tpu.memory_space<vmem>>, vector<16xi32>,
      %add3A_180 = vector.broadcast %mul3A_27 : i32 to vector<16xi32>
      %add3A_181 = arith.addi %get3A_179, %add3A_180 : vector<16xi32>
      %swap3A_182 = arith.constant 64 : index
      %swap3A_183 = tpu.vector_load %arg17[%swap3A_182] {strides = array<i32>} : memref<80xi32, #tpu.memory_space<vmem>>, vector<16xi32>,
      tpu.vector_store %arg17[%swap3A_182], %add3A_181 {strides = array<i32>} : memref<80xi32, #tpu.memory_space<vmem>>, vector<16xi32>,
      %get3A_184 = arith.constant 64 : index
      %get3A_185 = tpu.vector_load %arg15[%get3A_184] {strides = array<i32>} : memref<80xi32, #tpu.memory_space<vmem>>, vector<16xi32>,
      %add3A_186 = vector.broadcast %mul3A_27 : i32 to vector<16xi32>
      %add3A_187 = arith.addi %get3A_185, %add3A_186 : vector<16xi32>
      %swap3A_188 = arith.constant 64 : index
      %swap3A_189 = tpu.vector_load %arg21[%swap3A_188] {strides = array<i32>} : memref<80xi32, #tpu.memory_space<vmem>>, vector<16xi32>,
      tpu.vector_store %arg21[%swap3A_188], %add3A_187 {strides = array<i32>} : memref<80xi32, #tpu.memory_space<vmem>>, vector<16xi32>,
      %get3A_190 = arith.constant 64 : index
      %get3A_191 = tpu.vector_load %arg15[%get3A_190] {strides = array<i32>} : memref<80xi32, #tpu.memory_space<vmem>>, vector<16xi32>,
      %sub3A_192 = arith.constant 5008 : i32
      %sub3A_193 = vector.broadcast %sub3A_192 : i32 to vector<16xi32>
      %sub3A_194 = arith.subi %get3A_191, %sub3A_193 : vector<16xi32>
      %ge3A_195 = arith.constant 0 : i32
      %ge3A_196 = vector.broadcast %ge3A_195 : i32 to vector<16xi32>
      %ge3A_197 = arith.cmpi sge, %sub3A_194, %ge3A_196 : vector<16xi32>
      %jit3A_198 = arith.constant 5008 : i32
      %broadcast_in_dim3A_199 = vector.broadcast %jit3A_198 : i32 to vector<16xi32>
      %select_n3A_200 = arith.select %ge3A_197, %sub3A_194, %broadcast_in_dim3A_199 : vector<16xi1>, vector<16xi32>
      %swap3A_201 = arith.constant 64 : index
      %swap3A_202 = tpu.vector_load %arg19[%swap3A_201] {strides = array<i32>} : memref<80xi32, #tpu.memory_space<vmem>>, vector<16xi32>,
      tpu.vector_store %arg19[%swap3A_201], %select_n3A_200 {strides = array<i32>} : memref<80xi32, #tpu.memory_space<vmem>>, vector<16xi32>,
      %dma_start3A = arith.constant 0 : i32
      %dma_start3A_203 = arith.constant 0 : i32
      %dma_start3A_204 = tpu.memref_slice %arg3[%dma_start3A, %dma_start3A_203] : memref<20000x16xf32, #tpu.memory_space<hbm>> -> memref<20000x16xf32, #tpu.memory_space<hbm>>
      tpu.enqueue_indirect_dma source(%dma_start3A_204 : memref<20000x16xf32, #tpu.memory_space<hbm>>) target(%arg11 : memref<80x16xf32, #tpu.memory_space<vmem>>) offsets(%arg21 : memref<80xi32, #tpu.memory_space<vmem>>) semaphore(%arg24 : memref<!tpu.dma_semaphore, #tpu.memory_space<semaphore_mem>>)
      %dma_start3A_205 = arith.constant 0 : i32
      %dma_start3A_206 = arith.constant 0 : i32
      %dma_start3A_207 = tpu.memref_slice %arg2[%dma_start3A_205, %dma_start3A_206] : memref<20000x144xf32, #tpu.memory_space<hbm>> -> memref<20000x144xf32, #tpu.memory_space<hbm>>
      tpu.enqueue_indirect_dma source(%dma_start3A_207 : memref<20000x144xf32, #tpu.memory_space<hbm>>) target(%arg8 : memref<80x144xf32, #tpu.memory_space<vmem>>) offsets(%arg17 : memref<80xi32, #tpu.memory_space<vmem>>) semaphore(%arg26 : memref<!tpu.dma_semaphore, #tpu.memory_space<semaphore_mem>>)
      %mul3A_208 = arith.constant 2 : i32
      %mul3A_209 = arith.muli %mul3A_208, %scan3A_77 : i32
      %add3A_210 = arith.constant 1 : i32
      %add3A_211 = arith.addi %mul3A_209, %add3A_210 : i32
      %mul3A_212 = arith.constant 80 : i32
      %mul3A_213 = arith.muli %add3A_211, %mul3A_212 : i32
      %add3A_214 = arith.addi %add3A, %mul3A_213 : i32
      "tpu.region"() ({
        %run_scoped3A = tpu.sem_alloc : memref<!tpu.dma_semaphore, #tpu.memory_space<semaphore_mem>>
        %dma_start3A_363 = tpu.memref_slice %arg4[%add3A_214] : memref<640000xi32, #tpu.memory_space<hbm>> -> memref<80xi32, #tpu.memory_space<hbm>>
        %dma_start3A_364 = tpu.memref_slice %arg4[%add3A_214] : memref<640000xi32, #tpu.memory_space<hbm>> -> memref<80xi32, #tpu.memory_space<hbm>>
        tpu.enqueue_dma source(%dma_start3A_364 : memref<80xi32, #tpu.memory_space<hbm>>) target(%arg14 : memref<80xi32, #tpu.memory_space<vmem>>) target_semaphore(%run_scoped3A : memref<!tpu.dma_semaphore, #tpu.memory_space<semaphore_mem>>)
        %dma_wait3A_365 = tpu.memref_slice %arg4[%add3A_214] : memref<640000xi32, #tpu.memory_space<hbm>> -> memref<80xi32, #tpu.memory_space<hbm>>
        %dma_wait3A_366 = tpu.memref_slice %arg4[%add3A_214] : memref<640000xi32, #tpu.memory_space<hbm>> -> memref<80xi32, #tpu.memory_space<hbm>>
        tpu.wait_dma2 semaphore(%run_scoped3A : memref<!tpu.dma_semaphore, #tpu.memory_space<semaphore_mem>>) src(%dma_wait3A_366 : memref<80xi32, #tpu.memory_space<hbm>>) dst(%arg14 : memref<80xi32, #tpu.memory_space<vmem>>)
        tpu.yield
      }) : () -> ()
      "tpu.region"() ({
        %run_scoped3A = tpu.sem_alloc : memref<!tpu.dma_semaphore, #tpu.memory_space<semaphore_mem>>
        %dma_start3A_363 = tpu.memref_slice %arg5[%add3A_214] : memref<640000xi32, #tpu.memory_space<hbm>> -> memref<80xi32, #tpu.memory_space<hbm>>
        %dma_start3A_364 = tpu.memref_slice %arg5[%add3A_214] : memref<640000xi32, #tpu.memory_space<hbm>> -> memref<80xi32, #tpu.memory_space<hbm>>
        tpu.enqueue_dma source(%dma_start3A_364 : memref<80xi32, #tpu.memory_space<hbm>>) target(%arg16 : memref<80xi32, #tpu.memory_space<vmem>>) target_semaphore(%run_scoped3A : memref<!tpu.dma_semaphore, #tpu.memory_space<semaphore_mem>>)
        %dma_wait3A_365 = tpu.memref_slice %arg5[%add3A_214] : memref<640000xi32, #tpu.memory_space<hbm>> -> memref<80xi32, #tpu.memory_space<hbm>>
        %dma_wait3A_366 = tpu.memref_slice %arg5[%add3A_214] : memref<640000xi32, #tpu.memory_space<hbm>> -> memref<80xi32, #tpu.memory_space<hbm>>
        tpu.wait_dma2 semaphore(%run_scoped3A : memref<!tpu.dma_semaphore, #tpu.memory_space<semaphore_mem>>) src(%dma_wait3A_366 : memref<80xi32, #tpu.memory_space<hbm>>) dst(%arg16 : memref<80xi32, #tpu.memory_space<vmem>>)
        tpu.yield
      }) : () -> ()
      %get3A_215 = arith.constant 0 : index
      %get3A_216 = tpu.vector_load %arg14[%get3A_215] {strides = array<i32>} : memref<80xi32, #tpu.memory_space<vmem>>, vector<16xi32>,
      %add3A_217 = vector.broadcast %mul3A_27 : i32 to vector<16xi32>
      %add3A_218 = arith.addi %get3A_216, %add3A_217 : vector<16xi32>
      %swap3A_219 = arith.constant 0 : index
      %swap3A_220 = tpu.vector_load %arg18[%swap3A_219] {strides = array<i32>} : memref<80xi32, #tpu.memory_space<vmem>>, vector<16xi32>,
      tpu.vector_store %arg18[%swap3A_219], %add3A_218 {strides = array<i32>} : memref<80xi32, #tpu.memory_space<vmem>>, vector<16xi32>,
      %get3A_221 = arith.constant 0 : index
      %get3A_222 = tpu.vector_load %arg16[%get3A_221] {strides = array<i32>} : memref<80xi32, #tpu.memory_space<vmem>>, vector<16xi32>,
      %add3A_223 = vector.broadcast %mul3A_27 : i32 to vector<16xi32>
      %add3A_224 = arith.addi %get3A_222, %add3A_223 : vector<16xi32>
      %swap3A_225 = arith.constant 0 : index
      %swap3A_226 = tpu.vector_load %arg22[%swap3A_225] {strides = array<i32>} : memref<80xi32, #tpu.memory_space<vmem>>, vector<16xi32>,
      tpu.vector_store %arg22[%swap3A_225], %add3A_224 {strides = array<i32>} : memref<80xi32, #tpu.memory_space<vmem>>, vector<16xi32>,
      %get3A_227 = arith.constant 0 : index
      %get3A_228 = tpu.vector_load %arg16[%get3A_227] {strides = array<i32>} : memref<80xi32, #tpu.memory_space<vmem>>, vector<16xi32>,
      %sub3A_229 = arith.constant 5008 : i32
      %sub3A_230 = vector.broadcast %sub3A_229 : i32 to vector<16xi32>
      %sub3A_231 = arith.subi %get3A_228, %sub3A_230 : vector<16xi32>
      %ge3A_232 = arith.constant 0 : i32
      %ge3A_233 = vector.broadcast %ge3A_232 : i32 to vector<16xi32>
      %ge3A_234 = arith.cmpi sge, %sub3A_231, %ge3A_233 : vector<16xi32>
      %jit3A_235 = arith.constant 5008 : i32
      %broadcast_in_dim3A_236 = vector.broadcast %jit3A_235 : i32 to vector<16xi32>
      %select_n3A_237 = arith.select %ge3A_234, %sub3A_231, %broadcast_in_dim3A_236 : vector<16xi1>, vector<16xi32>
      %swap3A_238 = arith.constant 0 : index
      %swap3A_239 = tpu.vector_load %arg20[%swap3A_238] {strides = array<i32>} : memref<80xi32, #tpu.memory_space<vmem>>, vector<16xi32>,
      tpu.vector_store %arg20[%swap3A_238], %select_n3A_237 {strides = array<i32>} : memref<80xi32, #tpu.memory_space<vmem>>, vector<16xi32>,
      %get3A_240 = arith.constant 16 : index
      %get3A_241 = tpu.vector_load %arg14[%get3A_240] {strides = array<i32>} : memref<80xi32, #tpu.memory_space<vmem>>, vector<16xi32>,
      %add3A_242 = vector.broadcast %mul3A_27 : i32 to vector<16xi32>
      %add3A_243 = arith.addi %get3A_241, %add3A_242 : vector<16xi32>
      %swap3A_244 = arith.constant 16 : index
      %swap3A_245 = tpu.vector_load %arg18[%swap3A_244] {strides = array<i32>} : memref<80xi32, #tpu.memory_space<vmem>>, vector<16xi32>,
      tpu.vector_store %arg18[%swap3A_244], %add3A_243 {strides = array<i32>} : memref<80xi32, #tpu.memory_space<vmem>>, vector<16xi32>,
      %get3A_246 = arith.constant 16 : index
      %get3A_247 = tpu.vector_load %arg16[%get3A_246] {strides = array<i32>} : memref<80xi32, #tpu.memory_space<vmem>>, vector<16xi32>,
      %add3A_248 = vector.broadcast %mul3A_27 : i32 to vector<16xi32>
      %add3A_249 = arith.addi %get3A_247, %add3A_248 : vector<16xi32>
      %swap3A_250 = arith.constant 16 : index
      %swap3A_251 = tpu.vector_load %arg22[%swap3A_250] {strides = array<i32>} : memref<80xi32, #tpu.memory_space<vmem>>, vector<16xi32>,
      tpu.vector_store %arg22[%swap3A_250], %add3A_249 {strides = array<i32>} : memref<80xi32, #tpu.memory_space<vmem>>, vector<16xi32>,
      %get3A_252 = arith.constant 16 : index
      %get3A_253 = tpu.vector_load %arg16[%get3A_252] {strides = array<i32>} : memref<80xi32, #tpu.memory_space<vmem>>, vector<16xi32>,
      %sub3A_254 = arith.constant 5008 : i32
      %sub3A_255 = vector.broadcast %sub3A_254 : i32 to vector<16xi32>
      %sub3A_256 = arith.subi %get3A_253, %sub3A_255 : vector<16xi32>
      %ge3A_257 = arith.constant 0 : i32
      %ge3A_258 = vector.broadcast %ge3A_257 : i32 to vector<16xi32>
      %ge3A_259 = arith.cmpi sge, %sub3A_256, %ge3A_258 : vector<16xi32>
      %jit3A_260 = arith.constant 5008 : i32
      %broadcast_in_dim3A_261 = vector.broadcast %jit3A_260 : i32 to vector<16xi32>
      %select_n3A_262 = arith.select %ge3A_259, %sub3A_256, %broadcast_in_dim3A_261 : vector<16xi1>, vector<16xi32>
      %swap3A_263 = arith.constant 16 : index
      %swap3A_264 = tpu.vector_load %arg20[%swap3A_263] {strides = array<i32>} : memref<80xi32, #tpu.memory_space<vmem>>, vector<16xi32>,
      tpu.vector_store %arg20[%swap3A_263], %select_n3A_262 {strides = array<i32>} : memref<80xi32, #tpu.memory_space<vmem>>, vector<16xi32>,
      %get3A_265 = arith.constant 32 : index
      %get3A_266 = tpu.vector_load %arg14[%get3A_265] {strides = array<i32>} : memref<80xi32, #tpu.memory_space<vmem>>, vector<16xi32>,
      %add3A_267 = vector.broadcast %mul3A_27 : i32 to vector<16xi32>
      %add3A_268 = arith.addi %get3A_266, %add3A_267 : vector<16xi32>
      %swap3A_269 = arith.constant 32 : index
      %swap3A_270 = tpu.vector_load %arg18[%swap3A_269] {strides = array<i32>} : memref<80xi32, #tpu.memory_space<vmem>>, vector<16xi32>,
      tpu.vector_store %arg18[%swap3A_269], %add3A_268 {strides = array<i32>} : memref<80xi32, #tpu.memory_space<vmem>>, vector<16xi32>,
      %get3A_271 = arith.constant 32 : index
      %get3A_272 = tpu.vector_load %arg16[%get3A_271] {strides = array<i32>} : memref<80xi32, #tpu.memory_space<vmem>>, vector<16xi32>,
      %add3A_273 = vector.broadcast %mul3A_27 : i32 to vector<16xi32>
      %add3A_274 = arith.addi %get3A_272, %add3A_273 : vector<16xi32>
      %swap3A_275 = arith.constant 32 : index
      %swap3A_276 = tpu.vector_load %arg22[%swap3A_275] {strides = array<i32>} : memref<80xi32, #tpu.memory_space<vmem>>, vector<16xi32>,
      tpu.vector_store %arg22[%swap3A_275], %add3A_274 {strides = array<i32>} : memref<80xi32, #tpu.memory_space<vmem>>, vector<16xi32>,
      %get3A_277 = arith.constant 32 : index
      %get3A_278 = tpu.vector_load %arg16[%get3A_277] {strides = array<i32>} : memref<80xi32, #tpu.memory_space<vmem>>, vector<16xi32>,
      %sub3A_279 = arith.constant 5008 : i32
      %sub3A_280 = vector.broadcast %sub3A_279 : i32 to vector<16xi32>
      %sub3A_281 = arith.subi %get3A_278, %sub3A_280 : vector<16xi32>
      %ge3A_282 = arith.constant 0 : i32
      %ge3A_283 = vector.broadcast %ge3A_282 : i32 to vector<16xi32>
      %ge3A_284 = arith.cmpi sge, %sub3A_281, %ge3A_283 : vector<16xi32>
      %jit3A_285 = arith.constant 5008 : i32
      %broadcast_in_dim3A_286 = vector.broadcast %jit3A_285 : i32 to vector<16xi32>
      %select_n3A_287 = arith.select %ge3A_284, %sub3A_281, %broadcast_in_dim3A_286 : vector<16xi1>, vector<16xi32>
      %swap3A_288 = arith.constant 32 : index
      %swap3A_289 = tpu.vector_load %arg20[%swap3A_288] {strides = array<i32>} : memref<80xi32, #tpu.memory_space<vmem>>, vector<16xi32>,
      tpu.vector_store %arg20[%swap3A_288], %select_n3A_287 {strides = array<i32>} : memref<80xi32, #tpu.memory_space<vmem>>, vector<16xi32>,
      %get3A_290 = arith.constant 48 : index
      %get3A_291 = tpu.vector_load %arg14[%get3A_290] {strides = array<i32>} : memref<80xi32, #tpu.memory_space<vmem>>, vector<16xi32>,
      %add3A_292 = vector.broadcast %mul3A_27 : i32 to vector<16xi32>
      %add3A_293 = arith.addi %get3A_291, %add3A_292 : vector<16xi32>
      %swap3A_294 = arith.constant 48 : index
      %swap3A_295 = tpu.vector_load %arg18[%swap3A_294] {strides = array<i32>} : memref<80xi32, #tpu.memory_space<vmem>>, vector<16xi32>,
      tpu.vector_store %arg18[%swap3A_294], %add3A_293 {strides = array<i32>} : memref<80xi32, #tpu.memory_space<vmem>>, vector<16xi32>,
      %get3A_296 = arith.constant 48 : index
      %get3A_297 = tpu.vector_load %arg16[%get3A_296] {strides = array<i32>} : memref<80xi32, #tpu.memory_space<vmem>>, vector<16xi32>,
      %add3A_298 = vector.broadcast %mul3A_27 : i32 to vector<16xi32>
      %add3A_299 = arith.addi %get3A_297, %add3A_298 : vector<16xi32>
      %swap3A_300 = arith.constant 48 : index
      %swap3A_301 = tpu.vector_load %arg22[%swap3A_300] {strides = array<i32>} : memref<80xi32, #tpu.memory_space<vmem>>, vector<16xi32>,
      tpu.vector_store %arg22[%swap3A_300], %add3A_299 {strides = array<i32>} : memref<80xi32, #tpu.memory_space<vmem>>, vector<16xi32>,
      %get3A_302 = arith.constant 48 : index
      %get3A_303 = tpu.vector_load %arg16[%get3A_302] {strides = array<i32>} : memref<80xi32, #tpu.memory_space<vmem>>, vector<16xi32>,
      %sub3A_304 = arith.constant 5008 : i32
      %sub3A_305 = vector.broadcast %sub3A_304 : i32 to vector<16xi32>
      %sub3A_306 = arith.subi %get3A_303, %sub3A_305 : vector<16xi32>
      %ge3A_307 = arith.constant 0 : i32
      %ge3A_308 = vector.broadcast %ge3A_307 : i32 to vector<16xi32>
      %ge3A_309 = arith.cmpi sge, %sub3A_306, %ge3A_308 : vector<16xi32>
      %jit3A_310 = arith.constant 5008 : i32
      %broadcast_in_dim3A_311 = vector.broadcast %jit3A_310 : i32 to vector<16xi32>
      %select_n3A_312 = arith.select %ge3A_309, %sub3A_306, %broadcast_in_dim3A_311 : vector<16xi1>, vector<16xi32>
      %swap3A_313 = arith.constant 48 : index
      %swap3A_314 = tpu.vector_load %arg20[%swap3A_313] {strides = array<i32>} : memref<80xi32, #tpu.memory_space<vmem>>, vector<16xi32>,
      tpu.vector_store %arg20[%swap3A_313], %select_n3A_312 {strides = array<i32>} : memref<80xi32, #tpu.memory_space<vmem>>, vector<16xi32>,
      %get3A_315 = arith.constant 64 : index
      %get3A_316 = tpu.vector_load %arg14[%get3A_315] {strides = array<i32>} : memref<80xi32, #tpu.memory_space<vmem>>, vector<16xi32>,
      %add3A_317 = vector.broadcast %mul3A_27 : i32 to vector<16xi32>
      %add3A_318 = arith.addi %get3A_316, %add3A_317 : vector<16xi32>
      %swap3A_319 = arith.constant 64 : index
      %swap3A_320 = tpu.vector_load %arg18[%swap3A_319] {strides = array<i32>} : memref<80xi32, #tpu.memory_space<vmem>>, vector<16xi32>,
      tpu.vector_store %arg18[%swap3A_319], %add3A_318 {strides = array<i32>} : memref<80xi32, #tpu.memory_space<vmem>>, vector<16xi32>,
      %get3A_321 = arith.constant 64 : index
      %get3A_322 = tpu.vector_load %arg16[%get3A_321] {strides = array<i32>} : memref<80xi32, #tpu.memory_space<vmem>>, vector<16xi32>,
      %add3A_323 = vector.broadcast %mul3A_27 : i32 to vector<16xi32>
      %add3A_324 = arith.addi %get3A_322, %add3A_323 : vector<16xi32>
      %swap3A_325 = arith.constant 64 : index
      %swap3A_326 = tpu.vector_load %arg22[%swap3A_325] {strides = array<i32>} : memref<80xi32, #tpu.memory_space<vmem>>, vector<16xi32>,
      tpu.vector_store %arg22[%swap3A_325], %add3A_324 {strides = array<i32>} : memref<80xi32, #tpu.memory_space<vmem>>, vector<16xi32>,
      %get3A_327 = arith.constant 64 : index
      %get3A_328 = tpu.vector_load %arg16[%get3A_327] {strides = array<i32>} : memref<80xi32, #tpu.memory_space<vmem>>, vector<16xi32>,
      %sub3A_329 = arith.constant 5008 : i32
      %sub3A_330 = vector.broadcast %sub3A_329 : i32 to vector<16xi32>
      %sub3A_331 = arith.subi %get3A_328, %sub3A_330 : vector<16xi32>
      %ge3A_332 = arith.constant 0 : i32
      %ge3A_333 = vector.broadcast %ge3A_332 : i32 to vector<16xi32>
      %ge3A_334 = arith.cmpi sge, %sub3A_331, %ge3A_333 : vector<16xi32>
      %jit3A_335 = arith.constant 5008 : i32
      %broadcast_in_dim3A_336 = vector.broadcast %jit3A_335 : i32 to vector<16xi32>
      %select_n3A_337 = arith.select %ge3A_334, %sub3A_331, %broadcast_in_dim3A_336 : vector<16xi1>, vector<16xi32>
      %swap3A_338 = arith.constant 64 : index
      %swap3A_339 = tpu.vector_load %arg20[%swap3A_338] {strides = array<i32>} : memref<80xi32, #tpu.memory_space<vmem>>, vector<16xi32>,
      tpu.vector_store %arg20[%swap3A_338], %select_n3A_337 {strides = array<i32>} : memref<80xi32, #tpu.memory_space<vmem>>, vector<16xi32>,
      %dma_start3A_340 = arith.constant 0 : i32
      %dma_start3A_341 = arith.constant 0 : i32
      %dma_start3A_342 = tpu.memref_slice %arg3[%dma_start3A_340, %dma_start3A_341] : memref<20000x16xf32, #tpu.memory_space<hbm>> -> memref<20000x16xf32, #tpu.memory_space<hbm>>
      tpu.enqueue_indirect_dma source(%dma_start3A_342 : memref<20000x16xf32, #tpu.memory_space<hbm>>) target(%arg12 : memref<80x16xf32, #tpu.memory_space<vmem>>) offsets(%arg22 : memref<80xi32, #tpu.memory_space<vmem>>) semaphore(%arg25 : memref<!tpu.dma_semaphore, #tpu.memory_space<semaphore_mem>>)
      %dma_start3A_343 = arith.constant 0 : i32
      %dma_start3A_344 = arith.constant 0 : i32
      %dma_start3A_345 = tpu.memref_slice %arg2[%dma_start3A_343, %dma_start3A_344] : memref<20000x144xf32, #tpu.memory_space<hbm>> -> memref<20000x144xf32, #tpu.memory_space<hbm>>
      tpu.enqueue_indirect_dma source(%dma_start3A_345 : memref<20000x144xf32, #tpu.memory_space<hbm>>) target(%arg9 : memref<80x144xf32, #tpu.memory_space<vmem>>) offsets(%arg18 : memref<80xi32, #tpu.memory_space<vmem>>) semaphore(%arg27 : memref<!tpu.dma_semaphore, #tpu.memory_space<semaphore_mem>>)
      %dma_wait3A = arith.constant 0 : i32
      %dma_wait3A_346 = arith.constant 0 : i32
      %dma_wait3A_347 = tpu.memref_slice %arg3[%dma_wait3A, %dma_wait3A_346] : memref<20000x16xf32, #tpu.memory_space<hbm>> -> memref<20000x16xf32, #tpu.memory_space<hbm>>
      tpu.wait_indirect_dma semaphore(%arg24 : memref<!tpu.dma_semaphore, #tpu.memory_space<semaphore_mem>>) src(%dma_wait3A_347 : memref<20000x16xf32, #tpu.memory_space<hbm>>) dst(%arg11 : memref<80x16xf32, #tpu.memory_space<vmem>>)
      %dma_wait3A_348 = arith.constant 0 : i32
      %dma_wait3A_349 = arith.constant 0 : i32
      %dma_wait3A_350 = tpu.memref_slice %arg2[%dma_wait3A_348, %dma_wait3A_349] : memref<20000x144xf32, #tpu.memory_space<hbm>> -> memref<20000x144xf32, #tpu.memory_space<hbm>>
      tpu.wait_indirect_dma semaphore(%arg26 : memref<!tpu.dma_semaphore, #tpu.memory_space<semaphore_mem>>) src(%dma_wait3A_350 : memref<20000x144xf32, #tpu.memory_space<hbm>>) dst(%arg8 : memref<80x144xf32, #tpu.memory_space<vmem>>)
      %parallel_loop3A = arith.constant 0 : i32
      %parallel_loop3A_351 = arith.constant 80 : i32
      %parallel_loop3A_352 = arith.constant 1 : i32
      scf.for %parallel_loop3A_363 = %parallel_loop3A to %parallel_loop3A_351 step %parallel_loop3A_352  : i32 {
        %parallel_loop3A_364 = arith.index_cast %parallel_loop3A_363 : i32 to index
        %parallel_loop3A_365 = arith.constant 128 : index
        %parallel_loop3A_366 = tpu.vector_load %arg8[%parallel_loop3A_364, %parallel_loop3A_365] {strides = array<i32>} : memref<80x144xf32, #tpu.memory_space<vmem>>, vector<16xf32>,
        %parallel_loop3A_367 = arith.index_cast %parallel_loop3A_363 : i32 to index
        %parallel_loop3A_368 = arith.constant 0 : index
        %parallel_loop3A_369 = tpu.vector_load %arg11[%parallel_loop3A_367, %parallel_loop3A_368] {strides = array<i32>} : memref<80x16xf32, #tpu.memory_space<vmem>>, vector<16xf32>,
        %parallel_loop3A_370 = arith.addf %parallel_loop3A_366, %parallel_loop3A_369 : vector<16xf32>
        %parallel_loop3A_371 = arith.constant 2.000000e-01 : f32
        %parallel_loop3A_372 = vector.broadcast %parallel_loop3A_371 : f32 to vector<16xf32>
        %parallel_loop3A_373 = arith.mulf %parallel_loop3A_370, %parallel_loop3A_372 : vector<16xf32>
        %parallel_loop3A_374 = arith.maximumf %parallel_loop3A_370, %parallel_loop3A_373 : vector<16xf32>
        %parallel_loop3A_375 = math.exp %parallel_loop3A_374 : vector<16xf32>
        %parallel_loop3A_376 = arith.index_cast %parallel_loop3A_363 : i32 to index
        %parallel_loop3A_377 = arith.constant 128 : index
        %parallel_loop3A_378 = tpu.vector_load %arg10[%parallel_loop3A_376, %parallel_loop3A_377] {strides = array<i32>} : memref<80x144xf32, #tpu.memory_space<vmem>>, vector<16xf32>,
        tpu.vector_store %arg10[%parallel_loop3A_376, %parallel_loop3A_377], %parallel_loop3A_375 {strides = array<i32>} : memref<80x144xf32, #tpu.memory_space<vmem>>, vector<16xf32>,
        %parallel_loop3A_379 = arith.constant 0 : i32
        %parallel_loop3A_380 = vector.broadcast %parallel_loop3A_379 : i32 to vector<16xi32>
        %parallel_loop3A_381 = arith.cmpi slt, %broadcast_in_dim3A_2, %parallel_loop3A_380 : vector<16xi32>
        %parallel_loop3A_382 = arith.constant 16 : i32
        %parallel_loop3A_383 = vector.broadcast %parallel_loop3A_382 : i32 to vector<16xi32>
        %parallel_loop3A_384 = arith.addi %broadcast_in_dim3A_2, %parallel_loop3A_383 : vector<16xi32>
        %parallel_loop3A_385 = arith.select %parallel_loop3A_381, %parallel_loop3A_384, %broadcast_in_dim3A_2 : vector<16xi1>, vector<16xi32>
        %parallel_loop3A_386 = vector.shape_cast %parallel_loop3A_385 : vector<16xi32> to vector<16x1xi32>
        %parallel_loop3A_387 = vector.shape_cast %parallel_loop3A_386 : vector<16x1xi32> to vector<16xi32>
        %parallel_loop3A_388 = tpu.dynamic_gather %parallel_loop3A_375[%parallel_loop3A_387] in [0] : vector<16xf32>, vector<16xi32> -> vector<16xf32>
        %parallel_loop3A_389 = arith.index_cast %parallel_loop3A_363 : i32 to index
        %parallel_loop3A_390 = arith.constant 0 : index
        %parallel_loop3A_391 = tpu.vector_load %arg8[%parallel_loop3A_389, %parallel_loop3A_390] {strides = array<i32>} : memref<80x144xf32, #tpu.memory_space<vmem>>, vector<16xf32>,
        %parallel_loop3A_392 = arith.mulf %parallel_loop3A_391, %parallel_loop3A_388 : vector<16xf32>
        %parallel_loop3A_393 = arith.index_cast %parallel_loop3A_363 : i32 to index
        %parallel_loop3A_394 = arith.constant 0 : index
        %parallel_loop3A_395 = tpu.vector_load %arg10[%parallel_loop3A_393, %parallel_loop3A_394] {strides = array<i32>} : memref<80x144xf32, #tpu.memory_space<vmem>>, vector<16xf32>,
        tpu.vector_store %arg10[%parallel_loop3A_393, %parallel_loop3A_394], %parallel_loop3A_392 {strides = array<i32>} : memref<80x144xf32, #tpu.memory_space<vmem>>, vector<16xf32>,
        %parallel_loop3A_396 = arith.constant 0 : i32
        %parallel_loop3A_397 = vector.broadcast %parallel_loop3A_396 : i32 to vector<16xi32>
        %parallel_loop3A_398 = arith.cmpi slt, %broadcast_in_dim3A_4, %parallel_loop3A_397 : vector<16xi32>
        %parallel_loop3A_399 = arith.constant 16 : i32
        %parallel_loop3A_400 = vector.broadcast %parallel_loop3A_399 : i32 to vector<16xi32>
        %parallel_loop3A_401 = arith.addi %broadcast_in_dim3A_4, %parallel_loop3A_400 : vector<16xi32>
        %parallel_loop3A_402 = arith.select %parallel_loop3A_398, %parallel_loop3A_401, %broadcast_in_dim3A_4 : vector<16xi1>, vector<16xi32>
        %parallel_loop3A_403 = vector.shape_cast %parallel_loop3A_402 : vector<16xi32> to vector<16x1xi32>
        %parallel_loop3A_404 = vector.shape_cast %parallel_loop3A_403 : vector<16x1xi32> to vector<16xi32>
        %parallel_loop3A_405 = tpu.dynamic_gather %parallel_loop3A_375[%parallel_loop3A_404] in [0] : vector<16xf32>, vector<16xi32> -> vector<16xf32>
        %parallel_loop3A_406 = arith.index_cast %parallel_loop3A_363 : i32 to index
        %parallel_loop3A_407 = arith.constant 16 : index
        %parallel_loop3A_408 = tpu.vector_load %arg8[%parallel_loop3A_406, %parallel_loop3A_407] {strides = array<i32>} : memref<80x144xf32, #tpu.memory_space<vmem>>, vector<16xf32>,
        %parallel_loop3A_409 = arith.mulf %parallel_loop3A_408, %parallel_loop3A_405 : vector<16xf32>
        %parallel_loop3A_410 = arith.index_cast %parallel_loop3A_363 : i32 to index
        %parallel_loop3A_411 = arith.constant 16 : index
        %parallel_loop3A_412 = tpu.vector_load %arg10[%parallel_loop3A_410, %parallel_loop3A_411] {strides = array<i32>} : memref<80x144xf32, #tpu.memory_space<vmem>>, vector<16xf32>,
        tpu.vector_store %arg10[%parallel_loop3A_410, %parallel_loop3A_411], %parallel_loop3A_409 {strides = array<i32>} : memref<80x144xf32, #tpu.memory_space<vmem>>, vector<16xf32>,
        %parallel_loop3A_413 = arith.constant 0 : i32
        %parallel_loop3A_414 = vector.broadcast %parallel_loop3A_413 : i32 to vector<16xi32>
        %parallel_loop3A_415 = arith.cmpi slt, %broadcast_in_dim3A_6, %parallel_loop3A_414 : vector<16xi32>
        %parallel_loop3A_416 = arith.constant 16 : i32
        %parallel_loop3A_417 = vector.broadcast %parallel_loop3A_416 : i32 to vector<16xi32>
        %parallel_loop3A_418 = arith.addi %broadcast_in_dim3A_6, %parallel_loop3A_417 : vector<16xi32>
        %parallel_loop3A_419 = arith.select %parallel_loop3A_415, %parallel_loop3A_418, %broadcast_in_dim3A_6 : vector<16xi1>, vector<16xi32>
        %parallel_loop3A_420 = vector.shape_cast %parallel_loop3A_419 : vector<16xi32> to vector<16x1xi32>
        %parallel_loop3A_421 = vector.shape_cast %parallel_loop3A_420 : vector<16x1xi32> to vector<16xi32>
        %parallel_loop3A_422 = tpu.dynamic_gather %parallel_loop3A_375[%parallel_loop3A_421] in [0] : vector<16xf32>, vector<16xi32> -> vector<16xf32>
        %parallel_loop3A_423 = arith.index_cast %parallel_loop3A_363 : i32 to index
        %parallel_loop3A_424 = arith.constant 32 : index
        %parallel_loop3A_425 = tpu.vector_load %arg8[%parallel_loop3A_423, %parallel_loop3A_424] {strides = array<i32>} : memref<80x144xf32, #tpu.memory_space<vmem>>, vector<16xf32>,
        %parallel_loop3A_426 = arith.mulf %parallel_loop3A_425, %parallel_loop3A_422 : vector<16xf32>
        %parallel_loop3A_427 = arith.index_cast %parallel_loop3A_363 : i32 to index
        %parallel_loop3A_428 = arith.constant 32 : index
        %parallel_loop3A_429 = tpu.vector_load %arg10[%parallel_loop3A_427, %parallel_loop3A_428] {strides = array<i32>} : memref<80x144xf32, #tpu.memory_space<vmem>>, vector<16xf32>,
        tpu.vector_store %arg10[%parallel_loop3A_427, %parallel_loop3A_428], %parallel_loop3A_426 {strides = array<i32>} : memref<80x144xf32, #tpu.memory_space<vmem>>, vector<16xf32>,
        %parallel_loop3A_430 = arith.constant 0 : i32
        %parallel_loop3A_431 = vector.broadcast %parallel_loop3A_430 : i32 to vector<16xi32>
        %parallel_loop3A_432 = arith.cmpi slt, %broadcast_in_dim3A_8, %parallel_loop3A_431 : vector<16xi32>
        %parallel_loop3A_433 = arith.constant 16 : i32
        %parallel_loop3A_434 = vector.broadcast %parallel_loop3A_433 : i32 to vector<16xi32>
        %parallel_loop3A_435 = arith.addi %broadcast_in_dim3A_8, %parallel_loop3A_434 : vector<16xi32>
        %parallel_loop3A_436 = arith.select %parallel_loop3A_432, %parallel_loop3A_435, %broadcast_in_dim3A_8 : vector<16xi1>, vector<16xi32>
        %parallel_loop3A_437 = vector.shape_cast %parallel_loop3A_436 : vector<16xi32> to vector<16x1xi32>
        %parallel_loop3A_438 = vector.shape_cast %parallel_loop3A_437 : vector<16x1xi32> to vector<16xi32>
        %parallel_loop3A_439 = tpu.dynamic_gather %parallel_loop3A_375[%parallel_loop3A_438] in [0] : vector<16xf32>, vector<16xi32> -> vector<16xf32>
        %parallel_loop3A_440 = arith.index_cast %parallel_loop3A_363 : i32 to index
        %parallel_loop3A_441 = arith.constant 48 : index
        %parallel_loop3A_442 = tpu.vector_load %arg8[%parallel_loop3A_440, %parallel_loop3A_441] {strides = array<i32>} : memref<80x144xf32, #tpu.memory_space<vmem>>, vector<16xf32>,
        %parallel_loop3A_443 = arith.mulf %parallel_loop3A_442, %parallel_loop3A_439 : vector<16xf32>
        %parallel_loop3A_444 = arith.index_cast %parallel_loop3A_363 : i32 to index
        %parallel_loop3A_445 = arith.constant 48 : index
        %parallel_loop3A_446 = tpu.vector_load %arg10[%parallel_loop3A_444, %parallel_loop3A_445] {strides = array<i32>} : memref<80x144xf32, #tpu.memory_space<vmem>>, vector<16xf32>,
        tpu.vector_store %arg10[%parallel_loop3A_444, %parallel_loop3A_445], %parallel_loop3A_443 {strides = array<i32>} : memref<80x144xf32, #tpu.memory_space<vmem>>, vector<16xf32>,
        %parallel_loop3A_447 = arith.constant 0 : i32
        %parallel_loop3A_448 = vector.broadcast %parallel_loop3A_447 : i32 to vector<16xi32>
        %parallel_loop3A_449 = arith.cmpi slt, %broadcast_in_dim3A_10, %parallel_loop3A_448 : vector<16xi32>
        %parallel_loop3A_450 = arith.constant 16 : i32
        %parallel_loop3A_451 = vector.broadcast %parallel_loop3A_450 : i32 to vector<16xi32>
        %parallel_loop3A_452 = arith.addi %broadcast_in_dim3A_10, %parallel_loop3A_451 : vector<16xi32>
        %parallel_loop3A_453 = arith.select %parallel_loop3A_449, %parallel_loop3A_452, %broadcast_in_dim3A_10 : vector<16xi1>, vector<16xi32>
        %parallel_loop3A_454 = vector.shape_cast %parallel_loop3A_453 : vector<16xi32> to vector<16x1xi32>
        %parallel_loop3A_455 = vector.shape_cast %parallel_loop3A_454 : vector<16x1xi32> to vector<16xi32>
        %parallel_loop3A_456 = tpu.dynamic_gather %parallel_loop3A_375[%parallel_loop3A_455] in [0] : vector<16xf32>, vector<16xi32> -> vector<16xf32>
        %parallel_loop3A_457 = arith.index_cast %parallel_loop3A_363 : i32 to index
        %parallel_loop3A_458 = arith.constant 64 : index
        %parallel_loop3A_459 = tpu.vector_load %arg8[%parallel_loop3A_457, %parallel_loop3A_458] {strides = array<i32>} : memref<80x144xf32, #tpu.memory_space<vmem>>, vector<16xf32>,
        %parallel_loop3A_460 = arith.mulf %parallel_loop3A_459, %parallel_loop3A_456 : vector<16xf32>
        %parallel_loop3A_461 = arith.index_cast %parallel_loop3A_363 : i32 to index
        %parallel_loop3A_462 = arith.constant 64 : index
        %parallel_loop3A_463 = tpu.vector_load %arg10[%parallel_loop3A_461, %parallel_loop3A_462] {strides = array<i32>} : memref<80x144xf32, #tpu.memory_space<vmem>>, vector<16xf32>,
        tpu.vector_store %arg10[%parallel_loop3A_461, %parallel_loop3A_462], %parallel_loop3A_460 {strides = array<i32>} : memref<80x144xf32, #tpu.memory_space<vmem>>, vector<16xf32>,
        %parallel_loop3A_464 = arith.constant 0 : i32
        %parallel_loop3A_465 = vector.broadcast %parallel_loop3A_464 : i32 to vector<16xi32>
        %parallel_loop3A_466 = arith.cmpi slt, %broadcast_in_dim3A_12, %parallel_loop3A_465 : vector<16xi32>
        %parallel_loop3A_467 = arith.constant 16 : i32
        %parallel_loop3A_468 = vector.broadcast %parallel_loop3A_467 : i32 to vector<16xi32>
        %parallel_loop3A_469 = arith.addi %broadcast_in_dim3A_12, %parallel_loop3A_468 : vector<16xi32>
        %parallel_loop3A_470 = arith.select %parallel_loop3A_466, %parallel_loop3A_469, %broadcast_in_dim3A_12 : vector<16xi1>, vector<16xi32>
        %parallel_loop3A_471 = vector.shape_cast %parallel_loop3A_470 : vector<16xi32> to vector<16x1xi32>
        %parallel_loop3A_472 = vector.shape_cast %parallel_loop3A_471 : vector<16x1xi32> to vector<16xi32>
        %parallel_loop3A_473 = tpu.dynamic_gather %parallel_loop3A_375[%parallel_loop3A_472] in [0] : vector<16xf32>, vector<16xi32> -> vector<16xf32>
        %parallel_loop3A_474 = arith.index_cast %parallel_loop3A_363 : i32 to index
        %parallel_loop3A_475 = arith.constant 80 : index
        %parallel_loop3A_476 = tpu.vector_load %arg8[%parallel_loop3A_474, %parallel_loop3A_475] {strides = array<i32>} : memref<80x144xf32, #tpu.memory_space<vmem>>, vector<16xf32>,
        %parallel_loop3A_477 = arith.mulf %parallel_loop3A_476, %parallel_loop3A_473 : vector<16xf32>
        %parallel_loop3A_478 = arith.index_cast %parallel_loop3A_363 : i32 to index
        %parallel_loop3A_479 = arith.constant 80 : index
        %parallel_loop3A_480 = tpu.vector_load %arg10[%parallel_loop3A_478, %parallel_loop3A_479] {strides = array<i32>} : memref<80x144xf32, #tpu.memory_space<vmem>>, vector<16xf32>,
        tpu.vector_store %arg10[%parallel_loop3A_478, %parallel_loop3A_479], %parallel_loop3A_477 {strides = array<i32>} : memref<80x144xf32, #tpu.memory_space<vmem>>, vector<16xf32>,
        %parallel_loop3A_481 = arith.constant 0 : i32
        %parallel_loop3A_482 = vector.broadcast %parallel_loop3A_481 : i32 to vector<16xi32>
        %parallel_loop3A_483 = arith.cmpi slt, %broadcast_in_dim3A_14, %parallel_loop3A_482 : vector<16xi32>
        %parallel_loop3A_484 = arith.constant 16 : i32
        %parallel_loop3A_485 = vector.broadcast %parallel_loop3A_484 : i32 to vector<16xi32>
        %parallel_loop3A_486 = arith.addi %broadcast_in_dim3A_14, %parallel_loop3A_485 : vector<16xi32>
        %parallel_loop3A_487 = arith.select %parallel_loop3A_483, %parallel_loop3A_486, %broadcast_in_dim3A_14 : vector<16xi1>, vector<16xi32>
        %parallel_loop3A_488 = vector.shape_cast %parallel_loop3A_487 : vector<16xi32> to vector<16x1xi32>
        %parallel_loop3A_489 = vector.shape_cast %parallel_loop3A_488 : vector<16x1xi32> to vector<16xi32>
        %parallel_loop3A_490 = tpu.dynamic_gather %parallel_loop3A_375[%parallel_loop3A_489] in [0] : vector<16xf32>, vector<16xi32> -> vector<16xf32>
        %parallel_loop3A_491 = arith.index_cast %parallel_loop3A_363 : i32 to index
        %parallel_loop3A_492 = arith.constant 96 : index
        %parallel_loop3A_493 = tpu.vector_load %arg8[%parallel_loop3A_491, %parallel_loop3A_492] {strides = array<i32>} : memref<80x144xf32, #tpu.memory_space<vmem>>, vector<16xf32>,
        %parallel_loop3A_494 = arith.mulf %parallel_loop3A_493, %parallel_loop3A_490 : vector<16xf32>
        %parallel_loop3A_495 = arith.index_cast %parallel_loop3A_363 : i32 to index
        %parallel_loop3A_496 = arith.constant 96 : index
        %parallel_loop3A_497 = tpu.vector_load %arg10[%parallel_loop3A_495, %parallel_loop3A_496] {strides = array<i32>} : memref<80x144xf32, #tpu.memory_space<vmem>>, vector<16xf32>,
        tpu.vector_store %arg10[%parallel_loop3A_495, %parallel_loop3A_496], %parallel_loop3A_494 {strides = array<i32>} : memref<80x144xf32, #tpu.memory_space<vmem>>, vector<16xf32>,
        %parallel_loop3A_498 = arith.constant 0 : i32
        %parallel_loop3A_499 = vector.broadcast %parallel_loop3A_498 : i32 to vector<16xi32>
        %parallel_loop3A_500 = arith.cmpi slt, %broadcast_in_dim3A_16, %parallel_loop3A_499 : vector<16xi32>
        %parallel_loop3A_501 = arith.constant 16 : i32
        %parallel_loop3A_502 = vector.broadcast %parallel_loop3A_501 : i32 to vector<16xi32>
        %parallel_loop3A_503 = arith.addi %broadcast_in_dim3A_16, %parallel_loop3A_502 : vector<16xi32>
        %parallel_loop3A_504 = arith.select %parallel_loop3A_500, %parallel_loop3A_503, %broadcast_in_dim3A_16 : vector<16xi1>, vector<16xi32>
        %parallel_loop3A_505 = vector.shape_cast %parallel_loop3A_504 : vector<16xi32> to vector<16x1xi32>
        %parallel_loop3A_506 = vector.shape_cast %parallel_loop3A_505 : vector<16x1xi32> to vector<16xi32>
        %parallel_loop3A_507 = tpu.dynamic_gather %parallel_loop3A_375[%parallel_loop3A_506] in [0] : vector<16xf32>, vector<16xi32> -> vector<16xf32>
        %parallel_loop3A_508 = arith.index_cast %parallel_loop3A_363 : i32 to index
        %parallel_loop3A_509 = arith.constant 112 : index
        %parallel_loop3A_510 = tpu.vector_load %arg8[%parallel_loop3A_508, %parallel_loop3A_509] {strides = array<i32>} : memref<80x144xf32, #tpu.memory_space<vmem>>, vector<16xf32>,
        %parallel_loop3A_511 = arith.mulf %parallel_loop3A_510, %parallel_loop3A_507 : vector<16xf32>
        %parallel_loop3A_512 = arith.index_cast %parallel_loop3A_363 : i32 to index
        %parallel_loop3A_513 = arith.constant 112 : index
        %parallel_loop3A_514 = tpu.vector_load %arg10[%parallel_loop3A_512, %parallel_loop3A_513] {strides = array<i32>} : memref<80x144xf32, #tpu.memory_space<vmem>>, vector<16xf32>,
        tpu.vector_store %arg10[%parallel_loop3A_512, %parallel_loop3A_513], %parallel_loop3A_511 {strides = array<i32>} : memref<80x144xf32, #tpu.memory_space<vmem>>, vector<16xf32>,
      } {sc.loop_unroll_factor = 8 : i64, sc.parallel_access}
      "tpu.region"() ({
        %run_scoped3A = tpu.sem_alloc : memref<!tpu.dma_semaphore, #tpu.memory_space<semaphore_mem>>
        %dma_start3A_363 = arith.constant 0 : i32
        %dma_start3A_364 = arith.constant 0 : i32
        %dma_start3A_365 = tpu.memref_slice %arg23[%dma_start3A_363, %dma_start3A_364] : memref<5024x144xf32, #tpu.memory_space<vmem_shared>> -> memref<5024x144xf32, #tpu.memory_space<vmem_shared>>
        tpu.enqueue_indirect_dma source(%arg10 : memref<80x144xf32, #tpu.memory_space<vmem>>) target(%dma_start3A_365 : memref<5024x144xf32, #tpu.memory_space<vmem_shared>>) offsets(%arg19 : memref<80xi32, #tpu.memory_space<vmem>>) semaphore(%run_scoped3A : memref<!tpu.dma_semaphore, #tpu.memory_space<semaphore_mem>>) {add = true}
        %dma_wait3A_366 = arith.constant 0 : i32
        %dma_wait3A_367 = arith.constant 0 : i32
        %dma_wait3A_368 = tpu.memref_slice %arg23[%dma_wait3A_366, %dma_wait3A_367] : memref<5024x144xf32, #tpu.memory_space<vmem_shared>> -> memref<5024x144xf32, #tpu.memory_space<vmem_shared>>
        tpu.wait_indirect_dma semaphore(%run_scoped3A : memref<!tpu.dma_semaphore, #tpu.memory_space<semaphore_mem>>) src(%arg10 : memref<80x144xf32, #tpu.memory_space<vmem>>) dst(%dma_wait3A_368 : memref<5024x144xf32, #tpu.memory_space<vmem_shared>>)
        tpu.yield
      }) : () -> ()
      %dma_wait3A_353 = arith.constant 0 : i32
      %dma_wait3A_354 = arith.constant 0 : i32
      %dma_wait3A_355 = tpu.memref_slice %arg3[%dma_wait3A_353, %dma_wait3A_354] : memref<20000x16xf32, #tpu.memory_space<hbm>> -> memref<20000x16xf32, #tpu.memory_space<hbm>>
      tpu.wait_indirect_dma semaphore(%arg25 : memref<!tpu.dma_semaphore, #tpu.memory_space<semaphore_mem>>) src(%dma_wait3A_355 : memref<20000x16xf32, #tpu.memory_space<hbm>>) dst(%arg12 : memref<80x16xf32, #tpu.memory_space<vmem>>)
      %dma_wait3A_356 = arith.constant 0 : i32
      %dma_wait3A_357 = arith.constant 0 : i32
      %dma_wait3A_358 = tpu.memref_slice %arg2[%dma_wait3A_356, %dma_wait3A_357] : memref<20000x144xf32, #tpu.memory_space<hbm>> -> memref<20000x144xf32, #tpu.memory_space<hbm>>
      tpu.wait_indirect_dma semaphore(%arg27 : memref<!tpu.dma_semaphore, #tpu.memory_space<semaphore_mem>>) src(%dma_wait3A_358 : memref<20000x144xf32, #tpu.memory_space<hbm>>) dst(%arg9 : memref<80x144xf32, #tpu.memory_space<vmem>>)
      %parallel_loop3A_359 = arith.constant 0 : i32
      %parallel_loop3A_360 = arith.constant 80 : i32
      %parallel_loop3A_361 = arith.constant 1 : i32
      scf.for %parallel_loop3A_363 = %parallel_loop3A_359 to %parallel_loop3A_360 step %parallel_loop3A_361  : i32 {
        %parallel_loop3A_364 = arith.index_cast %parallel_loop3A_363 : i32 to index
        %parallel_loop3A_365 = arith.constant 128 : index
        %parallel_loop3A_366 = tpu.vector_load %arg9[%parallel_loop3A_364, %parallel_loop3A_365] {strides = array<i32>} : memref<80x144xf32, #tpu.memory_space<vmem>>, vector<16xf32>,
        %parallel_loop3A_367 = arith.index_cast %parallel_loop3A_363 : i32 to index
        %parallel_loop3A_368 = arith.constant 0 : index
        %parallel_loop3A_369 = tpu.vector_load %arg12[%parallel_loop3A_367, %parallel_loop3A_368] {strides = array<i32>} : memref<80x16xf32, #tpu.memory_space<vmem>>, vector<16xf32>,
        %parallel_loop3A_370 = arith.addf %parallel_loop3A_366, %parallel_loop3A_369 : vector<16xf32>
        %parallel_loop3A_371 = arith.constant 2.000000e-01 : f32
        %parallel_loop3A_372 = vector.broadcast %parallel_loop3A_371 : f32 to vector<16xf32>
        %parallel_loop3A_373 = arith.mulf %parallel_loop3A_370, %parallel_loop3A_372 : vector<16xf32>
        %parallel_loop3A_374 = arith.maximumf %parallel_loop3A_370, %parallel_loop3A_373 : vector<16xf32>
        %parallel_loop3A_375 = math.exp %parallel_loop3A_374 : vector<16xf32>
        %parallel_loop3A_376 = arith.index_cast %parallel_loop3A_363 : i32 to index
        %parallel_loop3A_377 = arith.constant 128 : index
        %parallel_loop3A_378 = tpu.vector_load %arg10[%parallel_loop3A_376, %parallel_loop3A_377] {strides = array<i32>} : memref<80x144xf32, #tpu.memory_space<vmem>>, vector<16xf32>,
        tpu.vector_store %arg10[%parallel_loop3A_376, %parallel_loop3A_377], %parallel_loop3A_375 {strides = array<i32>} : memref<80x144xf32, #tpu.memory_space<vmem>>, vector<16xf32>,
        %parallel_loop3A_379 = arith.constant 0 : i32
        %parallel_loop3A_380 = vector.broadcast %parallel_loop3A_379 : i32 to vector<16xi32>
        %parallel_loop3A_381 = arith.cmpi slt, %broadcast_in_dim3A_2, %parallel_loop3A_380 : vector<16xi32>
        %parallel_loop3A_382 = arith.constant 16 : i32
        %parallel_loop3A_383 = vector.broadcast %parallel_loop3A_382 : i32 to vector<16xi32>
        %parallel_loop3A_384 = arith.addi %broadcast_in_dim3A_2, %parallel_loop3A_383 : vector<16xi32>
        %parallel_loop3A_385 = arith.select %parallel_loop3A_381, %parallel_loop3A_384, %broadcast_in_dim3A_2 : vector<16xi1>, vector<16xi32>
        %parallel_loop3A_386 = vector.shape_cast %parallel_loop3A_385 : vector<16xi32> to vector<16x1xi32>
        %parallel_loop3A_387 = vector.shape_cast %parallel_loop3A_386 : vector<16x1xi32> to vector<16xi32>
        %parallel_loop3A_388 = tpu.dynamic_gather %parallel_loop3A_375[%parallel_loop3A_387] in [0] : vector<16xf32>, vector<16xi32> -> vector<16xf32>
        %parallel_loop3A_389 = arith.index_cast %parallel_loop3A_363 : i32 to index
        %parallel_loop3A_390 = arith.constant 0 : index
        %parallel_loop3A_391 = tpu.vector_load %arg9[%parallel_loop3A_389, %parallel_loop3A_390] {strides = array<i32>} : memref<80x144xf32, #tpu.memory_space<vmem>>, vector<16xf32>,
        %parallel_loop3A_392 = arith.mulf %parallel_loop3A_391, %parallel_loop3A_388 : vector<16xf32>
        %parallel_loop3A_393 = arith.index_cast %parallel_loop3A_363 : i32 to index
        %parallel_loop3A_394 = arith.constant 0 : index
        %parallel_loop3A_395 = tpu.vector_load %arg10[%parallel_loop3A_393, %parallel_loop3A_394] {strides = array<i32>} : memref<80x144xf32, #tpu.memory_space<vmem>>, vector<16xf32>,
        tpu.vector_store %arg10[%parallel_loop3A_393, %parallel_loop3A_394], %parallel_loop3A_392 {strides = array<i32>} : memref<80x144xf32, #tpu.memory_space<vmem>>, vector<16xf32>,
        %parallel_loop3A_396 = arith.constant 0 : i32
        %parallel_loop3A_397 = vector.broadcast %parallel_loop3A_396 : i32 to vector<16xi32>
        %parallel_loop3A_398 = arith.cmpi slt, %broadcast_in_dim3A_4, %parallel_loop3A_397 : vector<16xi32>
        %parallel_loop3A_399 = arith.constant 16 : i32
        %parallel_loop3A_400 = vector.broadcast %parallel_loop3A_399 : i32 to vector<16xi32>
        %parallel_loop3A_401 = arith.addi %broadcast_in_dim3A_4, %parallel_loop3A_400 : vector<16xi32>
        %parallel_loop3A_402 = arith.select %parallel_loop3A_398, %parallel_loop3A_401, %broadcast_in_dim3A_4 : vector<16xi1>, vector<16xi32>
        %parallel_loop3A_403 = vector.shape_cast %parallel_loop3A_402 : vector<16xi32> to vector<16x1xi32>
        %parallel_loop3A_404 = vector.shape_cast %parallel_loop3A_403 : vector<16x1xi32> to vector<16xi32>
        %parallel_loop3A_405 = tpu.dynamic_gather %parallel_loop3A_375[%parallel_loop3A_404] in [0] : vector<16xf32>, vector<16xi32> -> vector<16xf32>
        %parallel_loop3A_406 = arith.index_cast %parallel_loop3A_363 : i32 to index
        %parallel_loop3A_407 = arith.constant 16 : index
        %parallel_loop3A_408 = tpu.vector_load %arg9[%parallel_loop3A_406, %parallel_loop3A_407] {strides = array<i32>} : memref<80x144xf32, #tpu.memory_space<vmem>>, vector<16xf32>,
        %parallel_loop3A_409 = arith.mulf %parallel_loop3A_408, %parallel_loop3A_405 : vector<16xf32>
        %parallel_loop3A_410 = arith.index_cast %parallel_loop3A_363 : i32 to index
        %parallel_loop3A_411 = arith.constant 16 : index
        %parallel_loop3A_412 = tpu.vector_load %arg10[%parallel_loop3A_410, %parallel_loop3A_411] {strides = array<i32>} : memref<80x144xf32, #tpu.memory_space<vmem>>, vector<16xf32>,
        tpu.vector_store %arg10[%parallel_loop3A_410, %parallel_loop3A_411], %parallel_loop3A_409 {strides = array<i32>} : memref<80x144xf32, #tpu.memory_space<vmem>>, vector<16xf32>,
        %parallel_loop3A_413 = arith.constant 0 : i32
        %parallel_loop3A_414 = vector.broadcast %parallel_loop3A_413 : i32 to vector<16xi32>
        %parallel_loop3A_415 = arith.cmpi slt, %broadcast_in_dim3A_6, %parallel_loop3A_414 : vector<16xi32>
        %parallel_loop3A_416 = arith.constant 16 : i32
        %parallel_loop3A_417 = vector.broadcast %parallel_loop3A_416 : i32 to vector<16xi32>
        %parallel_loop3A_418 = arith.addi %broadcast_in_dim3A_6, %parallel_loop3A_417 : vector<16xi32>
        %parallel_loop3A_419 = arith.select %parallel_loop3A_415, %parallel_loop3A_418, %broadcast_in_dim3A_6 : vector<16xi1>, vector<16xi32>
        %parallel_loop3A_420 = vector.shape_cast %parallel_loop3A_419 : vector<16xi32> to vector<16x1xi32>
        %parallel_loop3A_421 = vector.shape_cast %parallel_loop3A_420 : vector<16x1xi32> to vector<16xi32>
        %parallel_loop3A_422 = tpu.dynamic_gather %parallel_loop3A_375[%parallel_loop3A_421] in [0] : vector<16xf32>, vector<16xi32> -> vector<16xf32>
        %parallel_loop3A_423 = arith.index_cast %parallel_loop3A_363 : i32 to index
        %parallel_loop3A_424 = arith.constant 32 : index
        %parallel_loop3A_425 = tpu.vector_load %arg9[%parallel_loop3A_423, %parallel_loop3A_424] {strides = array<i32>} : memref<80x144xf32, #tpu.memory_space<vmem>>, vector<16xf32>,
        %parallel_loop3A_426 = arith.mulf %parallel_loop3A_425, %parallel_loop3A_422 : vector<16xf32>
        %parallel_loop3A_427 = arith.index_cast %parallel_loop3A_363 : i32 to index
        %parallel_loop3A_428 = arith.constant 32 : index
        %parallel_loop3A_429 = tpu.vector_load %arg10[%parallel_loop3A_427, %parallel_loop3A_428] {strides = array<i32>} : memref<80x144xf32, #tpu.memory_space<vmem>>, vector<16xf32>,
        tpu.vector_store %arg10[%parallel_loop3A_427, %parallel_loop3A_428], %parallel_loop3A_426 {strides = array<i32>} : memref<80x144xf32, #tpu.memory_space<vmem>>, vector<16xf32>,
        %parallel_loop3A_430 = arith.constant 0 : i32
        %parallel_loop3A_431 = vector.broadcast %parallel_loop3A_430 : i32 to vector<16xi32>
        %parallel_loop3A_432 = arith.cmpi slt, %broadcast_in_dim3A_8, %parallel_loop3A_431 : vector<16xi32>
        %parallel_loop3A_433 = arith.constant 16 : i32
        %parallel_loop3A_434 = vector.broadcast %parallel_loop3A_433 : i32 to vector<16xi32>
        %parallel_loop3A_435 = arith.addi %broadcast_in_dim3A_8, %parallel_loop3A_434 : vector<16xi32>
        %parallel_loop3A_436 = arith.select %parallel_loop3A_432, %parallel_loop3A_435, %broadcast_in_dim3A_8 : vector<16xi1>, vector<16xi32>
        %parallel_loop3A_437 = vector.shape_cast %parallel_loop3A_436 : vector<16xi32> to vector<16x1xi32>
        %parallel_loop3A_438 = vector.shape_cast %parallel_loop3A_437 : vector<16x1xi32> to vector<16xi32>
        %parallel_loop3A_439 = tpu.dynamic_gather %parallel_loop3A_375[%parallel_loop3A_438] in [0] : vector<16xf32>, vector<16xi32> -> vector<16xf32>
        %parallel_loop3A_440 = arith.index_cast %parallel_loop3A_363 : i32 to index
        %parallel_loop3A_441 = arith.constant 48 : index
        %parallel_loop3A_442 = tpu.vector_load %arg9[%parallel_loop3A_440, %parallel_loop3A_441] {strides = array<i32>} : memref<80x144xf32, #tpu.memory_space<vmem>>, vector<16xf32>,
        %parallel_loop3A_443 = arith.mulf %parallel_loop3A_442, %parallel_loop3A_439 : vector<16xf32>
        %parallel_loop3A_444 = arith.index_cast %parallel_loop3A_363 : i32 to index
        %parallel_loop3A_445 = arith.constant 48 : index
        %parallel_loop3A_446 = tpu.vector_load %arg10[%parallel_loop3A_444, %parallel_loop3A_445] {strides = array<i32>} : memref<80x144xf32, #tpu.memory_space<vmem>>, vector<16xf32>,
        tpu.vector_store %arg10[%parallel_loop3A_444, %parallel_loop3A_445], %parallel_loop3A_443 {strides = array<i32>} : memref<80x144xf32, #tpu.memory_space<vmem>>, vector<16xf32>,
        %parallel_loop3A_447 = arith.constant 0 : i32
        %parallel_loop3A_448 = vector.broadcast %parallel_loop3A_447 : i32 to vector<16xi32>
        %parallel_loop3A_449 = arith.cmpi slt, %broadcast_in_dim3A_10, %parallel_loop3A_448 : vector<16xi32>
        %parallel_loop3A_450 = arith.constant 16 : i32
        %parallel_loop3A_451 = vector.broadcast %parallel_loop3A_450 : i32 to vector<16xi32>
        %parallel_loop3A_452 = arith.addi %broadcast_in_dim3A_10, %parallel_loop3A_451 : vector<16xi32>
        %parallel_loop3A_453 = arith.select %parallel_loop3A_449, %parallel_loop3A_452, %broadcast_in_dim3A_10 : vector<16xi1>, vector<16xi32>
        %parallel_loop3A_454 = vector.shape_cast %parallel_loop3A_453 : vector<16xi32> to vector<16x1xi32>
        %parallel_loop3A_455 = vector.shape_cast %parallel_loop3A_454 : vector<16x1xi32> to vector<16xi32>
        %parallel_loop3A_456 = tpu.dynamic_gather %parallel_loop3A_375[%parallel_loop3A_455] in [0] : vector<16xf32>, vector<16xi32> -> vector<16xf32>
        %parallel_loop3A_457 = arith.index_cast %parallel_loop3A_363 : i32 to index
        %parallel_loop3A_458 = arith.constant 64 : index
        %parallel_loop3A_459 = tpu.vector_load %arg9[%parallel_loop3A_457, %parallel_loop3A_458] {strides = array<i32>} : memref<80x144xf32, #tpu.memory_space<vmem>>, vector<16xf32>,
        %parallel_loop3A_460 = arith.mulf %parallel_loop3A_459, %parallel_loop3A_456 : vector<16xf32>
        %parallel_loop3A_461 = arith.index_cast %parallel_loop3A_363 : i32 to index
        %parallel_loop3A_462 = arith.constant 64 : index
        %parallel_loop3A_463 = tpu.vector_load %arg10[%parallel_loop3A_461, %parallel_loop3A_462] {strides = array<i32>} : memref<80x144xf32, #tpu.memory_space<vmem>>, vector<16xf32>,
        tpu.vector_store %arg10[%parallel_loop3A_461, %parallel_loop3A_462], %parallel_loop3A_460 {strides = array<i32>} : memref<80x144xf32, #tpu.memory_space<vmem>>, vector<16xf32>,
        %parallel_loop3A_464 = arith.constant 0 : i32
        %parallel_loop3A_465 = vector.broadcast %parallel_loop3A_464 : i32 to vector<16xi32>
        %parallel_loop3A_466 = arith.cmpi slt, %broadcast_in_dim3A_12, %parallel_loop3A_465 : vector<16xi32>
        %parallel_loop3A_467 = arith.constant 16 : i32
        %parallel_loop3A_468 = vector.broadcast %parallel_loop3A_467 : i32 to vector<16xi32>
        %parallel_loop3A_469 = arith.addi %broadcast_in_dim3A_12, %parallel_loop3A_468 : vector<16xi32>
        %parallel_loop3A_470 = arith.select %parallel_loop3A_466, %parallel_loop3A_469, %broadcast_in_dim3A_12 : vector<16xi1>, vector<16xi32>
        %parallel_loop3A_471 = vector.shape_cast %parallel_loop3A_470 : vector<16xi32> to vector<16x1xi32>
        %parallel_loop3A_472 = vector.shape_cast %parallel_loop3A_471 : vector<16x1xi32> to vector<16xi32>
        %parallel_loop3A_473 = tpu.dynamic_gather %parallel_loop3A_375[%parallel_loop3A_472] in [0] : vector<16xf32>, vector<16xi32> -> vector<16xf32>
        %parallel_loop3A_474 = arith.index_cast %parallel_loop3A_363 : i32 to index
        %parallel_loop3A_475 = arith.constant 80 : index
        %parallel_loop3A_476 = tpu.vector_load %arg9[%parallel_loop3A_474, %parallel_loop3A_475] {strides = array<i32>} : memref<80x144xf32, #tpu.memory_space<vmem>>, vector<16xf32>,
        %parallel_loop3A_477 = arith.mulf %parallel_loop3A_476, %parallel_loop3A_473 : vector<16xf32>
        %parallel_loop3A_478 = arith.index_cast %parallel_loop3A_363 : i32 to index
        %parallel_loop3A_479 = arith.constant 80 : index
        %parallel_loop3A_480 = tpu.vector_load %arg10[%parallel_loop3A_478, %parallel_loop3A_479] {strides = array<i32>} : memref<80x144xf32, #tpu.memory_space<vmem>>, vector<16xf32>,
        tpu.vector_store %arg10[%parallel_loop3A_478, %parallel_loop3A_479], %parallel_loop3A_477 {strides = array<i32>} : memref<80x144xf32, #tpu.memory_space<vmem>>, vector<16xf32>,
        %parallel_loop3A_481 = arith.constant 0 : i32
        %parallel_loop3A_482 = vector.broadcast %parallel_loop3A_481 : i32 to vector<16xi32>
        %parallel_loop3A_483 = arith.cmpi slt, %broadcast_in_dim3A_14, %parallel_loop3A_482 : vector<16xi32>
        %parallel_loop3A_484 = arith.constant 16 : i32
        %parallel_loop3A_485 = vector.broadcast %parallel_loop3A_484 : i32 to vector<16xi32>
        %parallel_loop3A_486 = arith.addi %broadcast_in_dim3A_14, %parallel_loop3A_485 : vector<16xi32>
        %parallel_loop3A_487 = arith.select %parallel_loop3A_483, %parallel_loop3A_486, %broadcast_in_dim3A_14 : vector<16xi1>, vector<16xi32>
        %parallel_loop3A_488 = vector.shape_cast %parallel_loop3A_487 : vector<16xi32> to vector<16x1xi32>
        %parallel_loop3A_489 = vector.shape_cast %parallel_loop3A_488 : vector<16x1xi32> to vector<16xi32>
        %parallel_loop3A_490 = tpu.dynamic_gather %parallel_loop3A_375[%parallel_loop3A_489] in [0] : vector<16xf32>, vector<16xi32> -> vector<16xf32>
        %parallel_loop3A_491 = arith.index_cast %parallel_loop3A_363 : i32 to index
        %parallel_loop3A_492 = arith.constant 96 : index
        %parallel_loop3A_493 = tpu.vector_load %arg9[%parallel_loop3A_491, %parallel_loop3A_492] {strides = array<i32>} : memref<80x144xf32, #tpu.memory_space<vmem>>, vector<16xf32>,
        %parallel_loop3A_494 = arith.mulf %parallel_loop3A_493, %parallel_loop3A_490 : vector<16xf32>
        %parallel_loop3A_495 = arith.index_cast %parallel_loop3A_363 : i32 to index
        %parallel_loop3A_496 = arith.constant 96 : index
        %parallel_loop3A_497 = tpu.vector_load %arg10[%parallel_loop3A_495, %parallel_loop3A_496] {strides = array<i32>} : memref<80x144xf32, #tpu.memory_space<vmem>>, vector<16xf32>,
        tpu.vector_store %arg10[%parallel_loop3A_495, %parallel_loop3A_496], %parallel_loop3A_494 {strides = array<i32>} : memref<80x144xf32, #tpu.memory_space<vmem>>, vector<16xf32>,
        %parallel_loop3A_498 = arith.constant 0 : i32
        %parallel_loop3A_499 = vector.broadcast %parallel_loop3A_498 : i32 to vector<16xi32>
        %parallel_loop3A_500 = arith.cmpi slt, %broadcast_in_dim3A_16, %parallel_loop3A_499 : vector<16xi32>
        %parallel_loop3A_501 = arith.constant 16 : i32
        %parallel_loop3A_502 = vector.broadcast %parallel_loop3A_501 : i32 to vector<16xi32>
        %parallel_loop3A_503 = arith.addi %broadcast_in_dim3A_16, %parallel_loop3A_502 : vector<16xi32>
        %parallel_loop3A_504 = arith.select %parallel_loop3A_500, %parallel_loop3A_503, %broadcast_in_dim3A_16 : vector<16xi1>, vector<16xi32>
        %parallel_loop3A_505 = vector.shape_cast %parallel_loop3A_504 : vector<16xi32> to vector<16x1xi32>
        %parallel_loop3A_506 = vector.shape_cast %parallel_loop3A_505 : vector<16x1xi32> to vector<16xi32>
        %parallel_loop3A_507 = tpu.dynamic_gather %parallel_loop3A_375[%parallel_loop3A_506] in [0] : vector<16xf32>, vector<16xi32> -> vector<16xf32>
        %parallel_loop3A_508 = arith.index_cast %parallel_loop3A_363 : i32 to index
        %parallel_loop3A_509 = arith.constant 112 : index
        %parallel_loop3A_510 = tpu.vector_load %arg9[%parallel_loop3A_508, %parallel_loop3A_509] {strides = array<i32>} : memref<80x144xf32, #tpu.memory_space<vmem>>, vector<16xf32>,
        %parallel_loop3A_511 = arith.mulf %parallel_loop3A_510, %parallel_loop3A_507 : vector<16xf32>
        %parallel_loop3A_512 = arith.index_cast %parallel_loop3A_363 : i32 to index
        %parallel_loop3A_513 = arith.constant 112 : index
        %parallel_loop3A_514 = tpu.vector_load %arg10[%parallel_loop3A_512, %parallel_loop3A_513] {strides = array<i32>} : memref<80x144xf32, #tpu.memory_space<vmem>>, vector<16xf32>,
        tpu.vector_store %arg10[%parallel_loop3A_512, %parallel_loop3A_513], %parallel_loop3A_511 {strides = array<i32>} : memref<80x144xf32, #tpu.memory_space<vmem>>, vector<16xf32>,
      } {sc.loop_unroll_factor = 8 : i64, sc.parallel_access}
      "tpu.region"() ({
        %run_scoped3A = tpu.sem_alloc : memref<!tpu.dma_semaphore, #tpu.memory_space<semaphore_mem>>
        %dma_start3A_363 = arith.constant 0 : i32
        %dma_start3A_364 = arith.constant 0 : i32
        %dma_start3A_365 = tpu.memref_slice %arg23[%dma_start3A_363, %dma_start3A_364] : memref<5024x144xf32, #tpu.memory_space<vmem_shared>> -> memref<5024x144xf32, #tpu.memory_space<vmem_shared>>
        tpu.enqueue_indirect_dma source(%arg10 : memref<80x144xf32, #tpu.memory_space<vmem>>) target(%dma_start3A_365 : memref<5024x144xf32, #tpu.memory_space<vmem_shared>>) offsets(%arg20 : memref<80xi32, #tpu.memory_space<vmem>>) semaphore(%run_scoped3A : memref<!tpu.dma_semaphore, #tpu.memory_space<semaphore_mem>>) {add = true}
        %dma_wait3A_366 = arith.constant 0 : i32
        %dma_wait3A_367 = arith.constant 0 : i32
        %dma_wait3A_368 = tpu.memref_slice %arg23[%dma_wait3A_366, %dma_wait3A_367] : memref<5024x144xf32, #tpu.memory_space<vmem_shared>> -> memref<5024x144xf32, #tpu.memory_space<vmem_shared>>
        tpu.wait_indirect_dma semaphore(%run_scoped3A : memref<!tpu.dma_semaphore, #tpu.memory_space<semaphore_mem>>) src(%arg10 : memref<80x144xf32, #tpu.memory_space<vmem>>) dst(%dma_wait3A_368 : memref<5024x144xf32, #tpu.memory_space<vmem_shared>>)
        tpu.yield
      }) : () -> ()
      %scan3A_362 = arith.constant 0 : i32
      scf.yield %scan3A_362 : i32
    }
    %scan3A_67 = arith.constant 125 : i32
    %barrier3A_68 = arith.constant 0 : index
    tpu.barrier barrier_id(%barrier3A_68)
    %mul3A_69 = arith.constant 312 : i32
    %mul3A_70 = arith.muli %arg1, %mul3A_69 : i32
    %mul3A_71 = arith.constant 10000 : i32
    %mul3A_72 = arith.muli %arg0, %mul3A_71 : i32
    %add3A_73 = arith.constant 5008 : i32
    %add3A_74 = arith.addi %mul3A_72, %add3A_73 : i32
    %add3A_75 = arith.addi %add3A_74, %mul3A_70 : i32
    "tpu.region"() ({
      %run_scoped3A = tpu.sem_alloc : memref<!tpu.dma_semaphore, #tpu.memory_space<semaphore_mem>>
      %dma_start3A = arith.constant 0 : i32
      %dma_start3A_77 = tpu.memref_slice %arg6[%add3A_75, %dma_start3A] : memref<20000x144xf32, #tpu.memory_space<hbm>> -> memref<312x144xf32, #tpu.memory_space<hbm>>
      %dma_start3A_78 = arith.constant 0 : i32
      %dma_start3A_79 = tpu.memref_slice %arg23[%mul3A_70, %dma_start3A_78] : memref<5024x144xf32, #tpu.memory_space<vmem_shared>> -> memref<312x144xf32, #tpu.memory_space<vmem_shared>>
      tpu.enqueue_dma source(%dma_start3A_79 : memref<312x144xf32, #tpu.memory_space<vmem_shared>>) target(%dma_start3A_77 : memref<312x144xf32, #tpu.memory_space<hbm>>) target_semaphore(%run_scoped3A : memref<!tpu.dma_semaphore, #tpu.memory_space<semaphore_mem>>)
      %dma_wait3A = arith.constant 0 : i32
      %dma_wait3A_80 = tpu.memref_slice %arg6[%add3A_75, %dma_wait3A] : memref<20000x144xf32, #tpu.memory_space<hbm>> -> memref<312x144xf32, #tpu.memory_space<hbm>>
      %dma_wait3A_81 = arith.constant 0 : i32
      %dma_wait3A_82 = tpu.memref_slice %arg23[%mul3A_70, %dma_wait3A_81] : memref<5024x144xf32, #tpu.memory_space<vmem_shared>> -> memref<312x144xf32, #tpu.memory_space<vmem_shared>>
      tpu.wait_dma2 semaphore(%run_scoped3A : memref<!tpu.dma_semaphore, #tpu.memory_space<semaphore_mem>>) src(%dma_wait3A_82 : memref<312x144xf32, #tpu.memory_space<vmem_shared>>) dst(%dma_wait3A_80 : memref<312x144xf32, #tpu.memory_space<hbm>>)
      tpu.yield
    }) : () -> ()
    %barrier3A_76 = arith.constant 0 : index
    tpu.barrier barrier_id(%barrier3A_76)
    return
  }
}

module attributes {stable_mosaic.version = 14 : i64} {
  func.func @_proj_body(%arg0: i32, %arg1: memref<1000x128xf32, #tpu.memory_space<vmem>>, %arg2: memref<128x128xf32, #tpu.memory_space<vmem>>, %arg3: memref<1x128xf32, #tpu.memory_space<vmem>>, %arg4: memref<128x32xf32, #tpu.memory_space<vmem>>, %arg5: memref<1000x128xf32, #tpu.memory_space<vmem>>, %arg6: memref<1000x32xf32, #tpu.memory_space<vmem>>) attributes {dimension_semantics = [#tpu.dimension_semantics<arbitrary>], iteration_bounds = array<i64: 10>, scalar_prefetch = 0 : i64, scratch_operands = 0 : i64, tpu.core_type = #tpu.core_type<tc>, window_params = [{transform_indices = @transform_0, window_bounds = array<i64: 1000, 128>}, {pipeline_mode = #tpu.pipeline_mode<synchronous>, transform_indices = @transform_1, window_bounds = array<i64: 128, 128>}, {pipeline_mode = #tpu.pipeline_mode<synchronous>, transform_indices = @transform_2, window_bounds = array<i64: 1, 128>}, {pipeline_mode = #tpu.pipeline_mode<synchronous>, transform_indices = @transform_3, window_bounds = array<i64: 128, 32>}, {transform_indices = @transform_4, window_bounds = array<i64: 1000, 128>}, {transform_indices = @transform_5, window_bounds = array<i64: 1000, 32>}]} {
    %get3A = arith.constant 0 : index
    %get3A_0 = arith.constant 0 : index
    %get3A_1 = vector.load %arg1[%get3A, %get3A_0] : memref<1000x128xf32, #tpu.memory_space<vmem>>, vector<1000x128xf32>
    %get3A_2 = arith.constant 0 : index
    %get3A_3 = arith.constant 0 : index
    %get3A_4 = vector.load %arg2[%get3A_2, %get3A_3] : memref<128x128xf32, #tpu.memory_space<vmem>>, vector<128x128xf32>
    %dot_general3A = arith.constant dense<0.000000e+00> : vector<1000x128xf32>
    %dot_general3A_5 = tpu.matmul %get3A_1, %get3A_4, %dot_general3A {dimension_numbers = #tpu.dot_dimension_numbers<[1], [0], [0], [1], [0, 0, 1, 1], [], []>, transpose_lhs_hint = false} : vector<1000x128xf32>, vector<128x128xf32>, vector<1000x128xf32> -> vector<1000x128xf32>
    %get3A_6 = arith.constant 0 : index
    %get3A_7 = arith.constant 0 : index
    %get3A_8 = vector.load %arg3[%get3A_6, %get3A_7] : memref<1x128xf32, #tpu.memory_space<vmem>>, vector<1x128xf32>
    %add3A = vector.broadcast %get3A_8 : vector<1x128xf32> to vector<1000x128xf32>
    %add3A_9 = arith.addf %dot_general3A_5, %add3A : vector<1000x128xf32>
    %swap3A = arith.constant 0 : index
    %swap3A_10 = arith.constant 0 : index
    %swap3A_11 = vector.load %arg5[%swap3A, %swap3A_10] : memref<1000x128xf32, #tpu.memory_space<vmem>>, vector<1000x128xf32>
    tpu.vector_store %arg5[%swap3A, %swap3A_10], %add3A_9 {strides = array<i32>} : memref<1000x128xf32, #tpu.memory_space<vmem>>, vector<1000x128xf32>,
    %get3A_12 = arith.constant 0 : index
    %get3A_13 = arith.constant 0 : index
    %get3A_14 = vector.load %arg4[%get3A_12, %get3A_13] : memref<128x32xf32, #tpu.memory_space<vmem>>, vector<128x32xf32>
    %dot_general3A_15 = arith.constant dense<0.000000e+00> : vector<1000x32xf32>
    %dot_general3A_16 = tpu.matmul %add3A_9, %get3A_14, %dot_general3A_15 {dimension_numbers = #tpu.dot_dimension_numbers<[1], [0], [0], [1], [0, 0, 1, 1], [], []>, transpose_lhs_hint = false} : vector<1000x128xf32>, vector<128x32xf32>, vector<1000x32xf32> -> vector<1000x32xf32>
    %swap3A_17 = arith.constant 0 : index
    %swap3A_18 = arith.constant 0 : index
    %swap3A_19 = vector.load %arg6[%swap3A_17, %swap3A_18] : memref<1000x32xf32, #tpu.memory_space<vmem>>, vector<1000x32xf32>
    tpu.vector_store %arg6[%swap3A_17, %swap3A_18], %dot_general3A_16 {strides = array<i32>} : memref<1000x32xf32, #tpu.memory_space<vmem>>, vector<1000x32xf32>,
    return
  }
  func.func @transform_0(%arg0: i32) -> (i32, i32) {
    %c0_i32 = arith.constant 0 : i32
    %c0_i32_0 = arith.constant 0 : i32
    return %arg0, %c0_i32 : i32, i32
  }
  func.func @transform_1(%arg0: i32) -> (i32, i32) {
    %c0_i32 = arith.constant 0 : i32
    %c0_i32_0 = arith.constant 0 : i32
    %c0_i32_1 = arith.constant 0 : i32
    return %c0_i32, %c0_i32_0 : i32, i32
  }
  func.func @transform_2(%arg0: i32) -> (i32, i32) {
    %c0_i32 = arith.constant 0 : i32
    %c0_i32_0 = arith.constant 0 : i32
    %c0_i32_1 = arith.constant 0 : i32
    return %c0_i32, %c0_i32_0 : i32, i32
  }
  func.func @transform_3(%arg0: i32) -> (i32, i32) {
    %c0_i32 = arith.constant 0 : i32
    %c0_i32_0 = arith.constant 0 : i32
    %c0_i32_1 = arith.constant 0 : i32
    return %c0_i32, %c0_i32_0 : i32, i32
  }
  func.func @transform_4(%arg0: i32) -> (i32, i32) {
    %c0_i32 = arith.constant 0 : i32
    %c0_i32_0 = arith.constant 0 : i32
    return %arg0, %c0_i32 : i32, i32
  }
  func.func @transform_5(%arg0: i32) -> (i32, i32) {
    %c0_i32 = arith.constant 0 : i32
    %c0_i32_0 = arith.constant 0 : i32
    return %arg0, %c0_i32 : i32, i32
  }
}

module attributes {stable_mosaic.version = 14 : i64} {
  func.func @_norm_body(%arg0: i32, %arg1: memref<8x128xf32, #tpu.memory_space<vmem>>, %arg2: memref<1000x144xf32, #tpu.memory_space<vmem>>, %arg3: memref<1000x128xf32, #tpu.memory_space<vmem>>) attributes {dimension_semantics = [#tpu.dimension_semantics<arbitrary>], iteration_bounds = array<i64: 20>, scalar_prefetch = 0 : i64, scratch_operands = 0 : i64, tpu.core_type = #tpu.core_type<tc>, window_params = [{pipeline_mode = #tpu.pipeline_mode<synchronous>, transform_indices = @transform_0, window_bounds = array<i64: 8, 128>}, {transform_indices = @transform_1, window_bounds = array<i64: 1000, 144>}, {transform_indices = @transform_2, window_bounds = array<i64: 1000, 128>}]} {
    %get3A = arith.constant 0 : index
    %get3A_0 = arith.constant 0 : index
    %get3A_1 = vector.load %arg2[%get3A, %get3A_0] : memref<1000x144xf32, #tpu.memory_space<vmem>>, vector<1000x144xf32>
    %slice3A = vector.extract_strided_slice %get3A_1 {offsets = [0, 0], sizes = [1000, 128], strides = [1, 1]} : vector<1000x144xf32> to vector<1000x128xf32>
    %slice3A_2 = vector.extract_strided_slice %get3A_1 {offsets = [0, 128], sizes = [1000, 8], strides = [1, 1]} : vector<1000x144xf32> to vector<1000x8xf32>
    %get3A_3 = arith.constant 0 : index
    %get3A_4 = arith.constant 0 : index
    %get3A_5 = vector.load %arg1[%get3A_3, %get3A_4] : memref<8x128xf32, #tpu.memory_space<vmem>>, vector<8x128xf32>
    %dot_general3A = arith.constant dense<0.000000e+00> : vector<1000x128xf32>
    %dot_general3A_6 = tpu.matmul %slice3A_2, %get3A_5, %dot_general3A {dimension_numbers = #tpu.dot_dimension_numbers<[1], [0], [0], [1], [0, 0, 1, 1], [], []>, transpose_lhs_hint = false} : vector<1000x8xf32>, vector<8x128xf32>, vector<1000x128xf32> -> vector<1000x128xf32>
    %add3A = arith.constant 1.000000e-16 : f32
    %add3A_7 = vector.broadcast %add3A : f32 to vector<1000x128xf32>
    %add3A_8 = arith.addf %dot_general3A_6, %add3A_7 : vector<1000x128xf32>
    %div3A = arith.divf %slice3A, %add3A_8 : vector<1000x128xf32>
    %max3A = arith.constant 0.000000e+00 : f32
    %max3A_9 = vector.broadcast %max3A : f32 to vector<1000x128xf32>
    %max3A_10 = arith.maximumf %div3A, %max3A_9 : vector<1000x128xf32>
    %swap3A = arith.constant 0 : index
    %swap3A_11 = arith.constant 0 : index
    %swap3A_12 = vector.load %arg3[%swap3A, %swap3A_11] : memref<1000x128xf32, #tpu.memory_space<vmem>>, vector<1000x128xf32>
    tpu.vector_store %arg3[%swap3A, %swap3A_11], %max3A_10 {strides = array<i32>} : memref<1000x128xf32, #tpu.memory_space<vmem>>, vector<1000x128xf32>,
    return
  }
  func.func @transform_0(%arg0: i32) -> (i32, i32) {
    %c0_i32 = arith.constant 0 : i32
    %c0_i32_0 = arith.constant 0 : i32
    %c0_i32_1 = arith.constant 0 : i32
    return %c0_i32, %c0_i32_0 : i32, i32
  }
  func.func @transform_1(%arg0: i32) -> (i32, i32) {
    %c0_i32 = arith.constant 0 : i32
    %c0_i32_0 = arith.constant 0 : i32
    return %arg0, %c0_i32 : i32, i32
  }
  func.func @transform_2(%arg0: i32) -> (i32, i32) {
    %c0_i32 = arith.constant 0 : i32
    %c0_i32_0 = arith.constant 0 : i32
    return %arg0, %c0_i32 : i32, i32
  }
}

</mosaic_0001>

<sc_bundles>
// kernel: kernel.6.cloned.1.call-start
scs
__scs_entry_jumppad:
0x0: {  	(pc) =	sbr.rel $0x88, $3  }
0x1: {  	(tag) =	ssettag $0x0;
	lr =	simm.s32 $0x1  }
0x2: {  	[smem:$0x3F95] =	sst lr;
	_ =	strace $0xD0000000  }
0x3: {  	_ = 	snop  }
0x4: {  	_ = 	snop  }
0x5: {  	_ = 	snop  }
0x6: {  	_ = 	snop  }
0x7: {  	_ = 	snop  }
__scs_overlays_trampoline_lowered:
0x8: {  	[smem:$0x3FA4] =	sst s0  }
0x9: {  	[smem:$0x3FA5] =	sst s1  }
0xa: {  	[smem:$0x3FA6] =	sst s2  }
0xb: {  	[smem:$0x3FA7] =	sst s3  }
0xc: {  	[smem:$0x3FA8] =	sst s4  }
0xd: {  	[smem:$0x3FA9] =	sst s5  }
0xe: {  	[smem:$0x3FAA] =	sst s6  }
0xf: {  	[smem:$0x3FAB] =	sst s7  }
0x10: {  	[smem:$0x3FAC] =	sst s8  }
0x11: {  	[smem:$0x3FAD] =	sst s9;
	s0 =	simm.s32 @!p0 $0x0  }
0x12: {  	s1 =	sld [smem:$0x3F93];
	s0 =	simm.s32 @p0 $0x1  }
0x13: {  	[smem:$0x3FAE] =	sst s0;
	s0 =	simm.s32 @!p1 $0x0  }
0x14: {  	s2 =	sld [smem:$0x3F92];
	s0 =	simm.s32 @p1 $0x1  }
0x15: {  	[smem:$0x3FAF] =	sst s0;
	s0 =	simm.s32 @!p2 $0x0  }
0x16: {  	s3 =	sld [smem:$0x3FDB];
	s0 =	simm.s32 @p2 $0x1  }
0x17: {  	s4 =	simm.s32 $0x1BF5;
	[smem:$0x3FB1] =	sst s0  }
0x18: {  	s0 =	sld [smem:$0x3F94];
	_ =	swait.ge [sflag:s4], $0x0  }
0x19: {  	s7 =	sld [smem:$0x3F95]  }
0x1a: {  	s8 =	sadd.s32 $0xFFFFE003, lr  }
0x1b: {  	s9 =	sadd.s32 $0xFFFFFEF7, lr;
	s5 =	simm.s32 $0xFFFFFFFF;
	p2 =	slt.u32 s8, $0xFFFFF086  }
0x1c: {  	p1 =	slt.u32 s9, $0xF7A;
	s5 =	simm.s32 @!p2 $0x0  }
0x1d: {  	s5 =	simm.s32 @p1 $0x1;
	p0 =	seq.s32 s7, s2  }
0x1e: {  	s7 =	smul.u32 @!p0 $0xF7A, s2;
	p2 =	seq.s32 @!p0 s5, $0x0  }
0x1f: {  	s9 =	smul.u32 $0xF7A, s1;
	s8 =	simm.s32 @!p0 $0x1BF5;
	p2 =	por !p2, p0  }
0x20: {  	[sflag:s8] =	ssyncset.s32 @!p0 $0xFFFFF086;
	s6 =	sadd.s32 @!p0 s3, s7;
	s7 =	simm.s32 @!p0 $0x108  }
0x21: {  	s3 =	sadd.s32 s3, s9;
	s6 =	sadd.s32 @!p0 $0x88, s6;
	s7 =	simm.s32 @p2 $0x1082  }
0x22: {  	[simem:s7], [sflag:s8] =	dma.local @!p0 [hbm:s6], $0xF7A  }
0x23: {  	s9 =	sor.u32 $0xD0000000, s2;
	s6 =	simm.s32 $0x108;
	_ =	swait.ge @!p0 [sflag:s8], $0x0  }
0x24: {  	s3 =	sadd.s32 $0x88, s3;
	s6 =	simm.s32 @!p1 $0x1082;
	[sflag:s4] =	ssyncset.s32 $0xFFFFF086  }
0x25: {  	[simem:s6], [sflag:s4] =	dma.local [hbm:s3], $0xF7A  }
0x26: {  	[smem:$0x3F95] =	sst s1;
	(tag) =	ssettag s2;
	_ =	strace s9  }
0x27: {  	s1 =	sld [smem:$0x3FA5]  }
0x28: {  	s2 =	sld [smem:$0x3FA6]  }
0x29: {  	s4 =	sld [smem:$0x3FA8]  }
0x2a: {  	p0 =	seq.s32 s5, $0x0;
	s5 =	sld [smem:$0x3FA9]  }
0x2b: {  	s6 =	sld [smem:$0x3FAA]  }
0x2c: {  	s7 =	sld [smem:$0x3FAB]  }
0x2d: {  	s3 =	simm.s32 $0x108;
	s8 =	sld [smem:$0x3FAC]  }
0x2e: {  	s3 =	simm.s32 @!p0 $0x1082;
	s9 =	sld [smem:$0x3FAD]  }
0x2f: {  	lr =	sadd.s32 s0, s3;
	s0 =	sld [smem:$0x3FA4]  }
0x30: {  	s3 =	sld [smem:$0x3FA7]  }
0x31: {  	[smem:$0x3FB0] =	sst s10  }
0x32: {  	s10 =	sld [smem:$0x3FAE];
	_ =	sdelay $0x3  }
0x33: {  	p0 =	seq.s32 s10, $0x1;
	s10 =	sld [smem:$0x3FB0];
	_ =	sdelay $0x3  }
0x34: {  	[smem:$0x3FB0] =	sst s10  }
0x35: {  	s10 =	sld [smem:$0x3FAF];
	_ =	sdelay $0x3  }
0x36: {  	p1 =	seq.s32 s10, $0x1;
	s10 =	sld [smem:$0x3FB0];
	_ =	sdelay $0x3  }
0x37: {  	[smem:$0x3FB0] =	sst s10  }
0x38: {  	s10 =	sld [smem:$0x3FB1]  }
0x39: {  	_ = 	snop;
	(pc) =	sbr.ind lr, $3  }
0x3a: {  	_ = 	snop  }
0x3b: {  	_ = 	snop  }
0x3c: {  	p2 =	seq.s32 s10, $0x1;
	s10 =	sld [smem:$0x3FB0]  }
0x3d: {  	_ =	shalt  }
0x3e: {  	_ =	shalt  }
0x3f: {  	_ =	shalt  }
0x40: {  	_ =	shalt  }
0x41: {  	_ =	shalt  }
0x42: {  	_ =	shalt  }
0x43: {  	_ =	shalt  }
0x44: {  	_ =	shalt  }
0x45: {  	_ =	shalt  }
0x46: {  	_ =	shalt  }
0x47: {  	_ =	shalt  }
0x48: {  	_ =	shalt  }
0x49: {  	_ =	shalt  }
0x4a: {  	_ =	shalt  }
0x4b: {  	_ =	shalt  }
0x4c: {  	_ =	shalt  }
0x4d: {  	_ =	shalt  }
0x4e: {  	_ =	shalt  }
0x4f: {  	_ =	shalt  }
0x50: {  	_ =	shalt  }
0x51: {  	_ =	shalt  }
0x52: {  	_ =	shalt  }
0x53: {  	_ =	shalt  }
0x54: {  	_ =	shalt  }
0x55: {  	_ =	shalt  }
0x56: {  	_ =	shalt  }
0x57: {  	_ =	shalt  }
0x58: {  	_ =	shalt  }
0x59: {  	_ =	shalt  }
0x5a: {  	_ =	shalt  }
0x5b: {  	_ =	shalt  }
0x5c: {  	_ =	shalt  }
0x5d: {  	_ =	shalt  }
0x5e: {  	_ =	shalt  }
0x5f: {  	_ =	shalt  }
0x60: {  	_ =	shalt  }
0x61: {  	_ =	shalt  }
0x62: {  	_ =	shalt  }
0x63: {  	_ =	shalt  }
0x64: {  	_ =	shalt  }
0x65: {  	_ =	shalt  }
0x66: {  	_ =	shalt  }
0x67: {  	_ =	shalt  }
0x68: {  	_ =	shalt  }
0x69: {  	_ =	shalt  }
0x6a: {  	_ =	shalt  }
0x6b: {  	_ =	shalt  }
0x6c: {  	_ =	shalt  }
0x6d: {  	_ =	shalt  }
0x6e: {  	_ =	shalt  }
0x6f: {  	_ =	shalt  }
0x70: {  	_ =	shalt  }
0x71: {  	_ =	shalt  }
0x72: {  	_ =	shalt  }
0x73: {  	_ =	shalt  }
0x74: {  	_ =	shalt  }
0x75: {  	_ =	shalt  }
0x76: {  	_ =	shalt  }
0x77: {  	_ =	shalt  }
0x78: {  	_ =	shalt  }
0x79: {  	_ =	shalt  }
0x7a: {  	_ =	shalt  }
0x7b: {  	_ =	shalt  }
0x7c: {  	_ =	shalt  }
0x7d: {  	_ =	shalt  }
0x7e: {  	_ =	shalt  }
0x7f: {  	_ =	shalt  }
0x80: {  	_ =	shalt  }
0x81: {  	_ =	shalt  }
0x82: {  	_ =	shalt  }
0x83: {  	_ =	shalt  }
0x84: {  	_ =	shalt  }
0x85: {  	_ =	shalt  }
0x86: {  	_ =	shalt  }
0x87: {  	_ =	shalt  }
.Lfunc_end0:
.L_simem_size_0:
called_computation_lowered:
.L_overlay_start_0:
0x88: {  	s2 =	sld [smem:$0x3FD9]  }
0x89: {  	s3 =	sld [smem:$0x3FFE];
	_ =	sdelay $0x1  }
0x8a: {  	s1 =	srdreg.scid  }
0x8b: {  	s0 =	sand.u32 $0x1, s1  }
0x8c: {  	s17 =	sshll.u32 s0, $0xA;
	s2 =	sadd.s32 s3, s2  }
0x8d: {  	s2 =	sadd.s32 s2, s17  }
0x8e: {  	[smem:$0x3FBC] =	sst s2  }
0x8f: {  	_ = 	snop  }
0x90: {  	s2 =	sld [smem:$0x3FD0];
	(tm) =	ssettm $0x1  }
0x91: {  	s18 =	sld [smem:$0x3FFB];
	_ =	sdelay $0x3  }
0x92: {  	_ =	strace s18  }
0x93: {  	s3 =	sld [smem:$0x3FFC];
	_ =	sdelay $0x3  }
0x94: {  	_ =	strace s3  }
0x95: {  	s3 =	sld [smem:$0x3FFD];
	_ =	sdelay $0x3  }
0x96: {  	_ =	strace s3  }
0x97: {  	_ =	strace $0x8FFFFFFF  }
0x98: {  	s19 =	sld [smem:$0x3FDB];
	_ =	sdelay $0x1  }
0x99: {  	s4 =	simm.s32 $_scs_section_size  }
0x9a: {  	s5 =	simm.s32 $_size__tile_overlayer_lowered;
	s6 =	simm.s32 $_tile_overlayer_lowered  }
0x9b: {  	s22 =	simm.s32 $0x1BFF;
	s21 =	sshll.u32 s6, $0x1;
	s3 =	sadd.s32 s4, s19  }
0x9c: {  	s7 =	simm.s32 $0x0;
	s20 =	sshll.u32 s5, $0x1;
	s5 =	sadd.s32 s21, s3  }
0x9d: {  	[timem:s7], [sflag:s22] =	dma.local [hbm:s5], s20  }
0x9e: {  	_ =	swait.ge [sflag:s22], s20  }
0x9f: {  	s4 =	ssub.s32 $0x0, s20;
	[sflag:s22] =	ssyncset.done $0x0  }
0xa0: {  	[sflag:s22] =	ssyncadd.s32 s4;
	_ =	sdelay $0x1  }
0xa1: {  	s23 =	simm.s32 $0x1B8B  }
0xa2: {  	_ =	swait.ge [sflag:s23], $0x1  }
0xa3: {  	[sflag:s23] =	ssyncset.done $0x0  }
0xa4: {  	s25 =	simm.s32 $0x1B8E;
	s24 =	sld [smem:$0x3FFE];
	[sflag:s23] =	ssyncadd.s32 $0xFFFFFFFF  }
0xa5: {  	s26 =	simm.s32 $execute0_lowered;
	[smem:$0x3FD2] =	sst s25  }
0xa6: {  	s5 =	sshll.u32 s26, $0x1;
	_ =	strace $0x80000046;
	[dreg:$0x1] =	wrdreg $0xFFFFFFFF  }
0xa7: {  	s28 =	simm.s32 $_size_execute0_lowered;
	s3 =	sadd.s32 s3, s5;
	[dreg:$0x0] =	wrdreg $0x0  }
0xa8: {  	s5 =	sshll.u32 s28, $0x1;
	[dreg:$0x2] =	wrdreg s3  }
0xa9: {  	[dreg:$0x3] =	wrdreg s5  }
0xaa: {  	[dreg:$0x4] =	wrdreg $0xC0  }
0xab: {  	_ =	task [dreg:s7], $0x5FFFF  }
0xac: {  	[dreg:$0x1] =	wrdreg $0xFFFFFFFF  }
0xad: {  	[dreg:$0x0] =	wrdreg $0x60  }
0xae: {  	[dreg:$0x2] =	wrdreg s24  }
0xaf: {  	[dreg:$0x3] =	wrdreg s2  }
0xb0: {  	[dreg:$0x4] =	wrdreg $0xD3200  }
0xb1: {  	[dreg:$0x5] =	wrdreg $0x9  }
0xb2: {  	_ =	task.clear_ibuf [dreg:s7], $0x6FFFF;
	_ =	strace $0x90000046  }
0xb3: {  	s29 =	simm.s32 $0x9;
	_ =	strace $0x80000048  }
0xb4: {  	_ =	swait.ge [sflag:s29], $0x1  }
0xb5: {  	[sflag:s29] =	ssyncadd.s32 $0xFFFFFFFF  }
0xb6: {  	_ =	strace $0x90000048  }
0xb7: {  	_ =	sfence  }
0xb8: {  	s30 =	sld [smem:$0x0];
	_ =	sdelay $0x2  }
0xb9: {  	s31 =	sshll.u32 s1, $0xD;
	s1 =	sshrl.u32 s1, $0x2  }
0xba: {  	s3 =	sand.u32 $0x4000, s31;
	s1 =	sadd.s32 s1, s30  }
0xbb: {  	s0 =	sor.u32 s3, s0;
	s1 =	sshll.u32 s1, $0x11  }
0xbc: {  	s0 =	sor.u32 s1, s0  }
0xbd: {  	s0 =	sadd.s32 $0x8F2B, s0  }
0xbe: {  	[sflag:s0] =	ssyncadd.remote.s32 $0x1  }
0xbf: {  	_ =	sfence.sel $0xFFFF  }
0xc0: {  	[dreg:$0x0] =	wrdreg $0xFFFFFFFF;
	(pc) =	sbr.abs _section_cstart, $3  }
0xc1: {  	[dreg:$0x1] =	wrdreg $0xFFFFFFFF  }
0xc2: {  	_ =	task.clear_ibuf [dreg:s7], $0x2FFFF;
	_ =	strace $0x9FFFFFFF  }
0xc3: {  	(tm) =	ssettm $0x7FFFFFFF  }
tec
execute0_lowered:
.L_overlay_start_1:
0x0: {  	(tag) =	ssettag $0x1  }
0x1: {  	s0 =	rddreg [dreg:$0x0]  }
0x2: {  	s1 =	rddreg [dreg:$0x1]  }
0x3: {  	s2 =	rddreg [dreg:$0x2];
	s15 =	stileid.u32  }
0x4: {  	s3 =	srdreg.scid;
	s4 =	simm.s32 $0x0;
	s9 =	smul.u32 $0x4E20, s15  }
0x5: {  	s16 =	simm.s32 $0x5;
	s28 =	simm.s32 $0xD0F0;
	s11 =	smul.u32 $0x139, s15  }
0x6: {  	s29 =	simm.s32 $0xD2D0;
	s30 =	simm.s32 $0xCB00;
	s12 =	smul.u32 $0x2C280, s15  }
0x7: {  	s31 =	simm.s32 $0xD190;
	s3 =	sand.u32 $0x1, s3;
	s14 =	smul.u32 $0x138, s15  }
0x8: {  	[smem:$0x7FF] =	sst s4;
	s5 =	sadd.s32 $0x31E00, s0;
	s19 =	smul.u32 $0x2C040, s15  }
0x9: {  	s6 =	sadd.s32 $0x28000, s0;
	s7 =	sadd.s32 $0xE00, s0;
	s22 =	smul.u32 $0x2BE00, s15  }
0xa: {  	s0 =	sadd.s32 $0x89E00, s0;
	s15 =	simm.s32 $0x9900;
	s8 =	smul.u32 $0x4E200, s3  }
0xb: {  	_ =	strace $0x80000047;
	s10 =	smul.u32 $0x2710, s3;
	s3 =	ssub.s32 $0x2, s3  }
0xc: {  	s13 =	sshrl.u32 s3, $0x1;
	s12 =	sshrl.u32 s12, $0x2;
	s23 =	sshrl.u32 s19, $0x2  }
0xd: {  	s24 =	sshrl.u32 s22, $0x2;
	s19 =	simm.s32 $0x50;
	s11 =	sadd.s32 s11, s10  }
0xe: {  	s3 =	ssub.s32 s3, s13;
	s14 =	sadd.s32 s14, s10;
	s8 =	sadd.s32 s9, s8  }
0xf: {  	s12 =	sadd.s32 s12, s2;
	s25 =	sadd.s32 s24, s2;
	s13 =	simm.s32 $0x3  }
0x10: {  	v0 =	vmov s10;
	s24 =	simm.s32 $0x4;
	s10 =	simm.s32 $0xD230;
	s11 =	smul.u32 $0x12, s11  }
0x11: {  	s20 =	smul.u32 $0x12, s14;
	s21 =	sadd.s32 $0x3F00, s12;
	[dreg:$0x4] =	wrdreg s12  }
0x12: {  	s12 =	sadd.s32 $0x7E00, s12;
	s3 =	smax.u32 s3, $0x1;
	[dreg:$0x5] =	wrdreg s21  }
0x13: {  	s14 =	simm.s32 $0xD1E0;
	[dreg:$0x6] =	wrdreg s12;
	s12 =	sadd.s32 $0x50, s8  }
0x14: {  	[dreg:$0x9] =	wrdreg s3;
	s11 =	sadd.s32 s0, s11;
	s0 =	sadd.s32 s0, s20  }
0x15: {  	[dreg:$0x7] =	wrdreg s11;
	s11 =	sadd.s32 s23, s2;
	s0 =	sadd.s32 $0x16020, s0  }
0x16: {  	v62 =	vimm.s32 $0x0;
	v6 =	vimm.s32 $0x1;
	s3 =	simm.s32 $0x1;
	[dreg:$0x8] =	wrdreg s0;
	s26 =	sshrl.u32 s11, $0x3  }
0x17: {  	v7 =	vimm.s32 $0x2;
	v8 =	vimm.s32 $0x3;
	v9 =	vimm.s32 $0x4;
	s23 =	simm.s32 $0x2;
	s0 =	sshrl.u32 s25, $0x3;
	[dreg:$0xa] =	wrdreg s26  }
0x18: {  	v63 =	vimm.s32 $0x5;
	v60 =	vimm.s32 $0x7;
	[tilespmem:$0x1FFF0] =	vst v0;
	v0 =	vimm.f32 $0.0e+00;
	s11 =	simm.s32 $0x0;
	[dreg:$0xb] =	wrdreg s0;
	s0 =	simm.s32 $0x6C00  }
.LBB2_1:
0x19: {  	[dreg:$0xc] =	wrdreg s11;
	s9 =	simm.s32 $0x0;
	s11 =	simm.s32 $0x240  }
.LBB2_2:
0x1a: {  	p0 =	sne.s32 s11, $0xF9C0;
	[tilespmem:s9+$0x80] =	vst v0  }
0x1b: {  	[tilespmem:s9+$0x0] =	vst v0  }
0x1c: {  	[tilespmem:s9+$0x10] =	vst v0  }
0x1d: {  	[tilespmem:s9+$0x20] =	vst v0  }
.Ltmp0:
0x1e: {  	[tilespmem:s9+$0x30] =	vst v0;
	(pc) =	sbr.rel @p0 .LBB2_2-.Ltmp0, $4  }
0x1f: {  	[tilespmem:s9+$0x40] =	vst v0  }
0x20: {  	[tilespmem:s9+$0x50] =	vst v0  }
0x21: {  	[tilespmem:s9+$0x60] =	vst v0  }
0x22: {  	[tilespmem:s9+$0x70] =	vst v0;
	s9 =	sshra.s32 s11, $0x2;
	s11 =	sadd.s32 $0x240, s11  }
0x23: {  	[tilespmem:s9+$0x80] =	vst v0  }
0x24: {  	[tilespmem:s9+$0x0] =	vst v0  }
0x25: {  	[tilespmem:s9+$0x10] =	vst v0  }
0x26: {  	[tilespmem:s9+$0x20] =	vst v0  }
0x27: {  	[tilespmem:s9+$0x30] =	vst v0  }
0x28: {  	[tilespmem:s9+$0x40] =	vst v0  }
0x29: {  	[tilespmem:s9+$0x50] =	vst v0  }
0x2a: {  	[tilespmem:s9+$0x60] =	vst v0  }
0x2b: {  	[tilespmem:s9+$0x70] =	vst v0;
	s9 =	simm.s32 $0x0;
	s11 =	rddreg [dreg:$0x4]  }
0x2c: {  	[spmem:s11] =	stream.linear.scatter [tilespmem:s9], [sflag:$0x5], $0x3F00, $0x38;
	[tilespmem:$0x183C0] =	vst v63  }
0x2d: {  	_ =	swait.ge [sflag:s16], $0x3F00  }
0x2e: {  	[sflag:s16] =	ssyncset.done $0x0  }
0x2f: {  	s25 =	rddreg [dreg:$0x5];
	[sflag:s16] =	ssyncadd.s32 $0xFFFFC100  }
0x30: {  	[spmem:s25] =	stream.linear.scatter [tilespmem:s9], [sflag:$0x5], $0x3F00, $0x38;
	[tilespmem:$0x183C0] =	vst v63  }
0x31: {  	_ =	swait.ge [sflag:s16], $0x3F00  }
0x32: {  	[sflag:s16] =	ssyncset.done $0x0  }
0x33: {  	s26 =	rddreg [dreg:$0x6];
	[sflag:s16] =	ssyncadd.s32 $0xFFFFC100  }
0x34: {  	[spmem:s26] =	stream.linear.scatter [tilespmem:s9], [sflag:$0x5], $0x32A0, $0x38;
	[tilespmem:$0x183C0] =	vst v63  }
0x35: {  	_ =	swait.ge [sflag:s16], $0x32A0  }
0x36: {  	[sflag:s16] =	ssyncset.done $0x0  }
0x37: {  	[sflag:s16] =	ssyncadd.s32 $0xFFFFCD60  }
0x38: {  	[bflag:$0x0] =	sbarrier.arrive $0xFFFF  }
.LBB2_4:
0x39: {  	s11 =	smul.u32 $0xA0, s9;
	_ =	sdelay $0x1  }
0x3a: {  	s17 =	sadd.s32 s8, s11  }
0x3b: {  	s17 =	sshrl.u32 s17, $0x3  }
0x3c: {  	s20 =	simm.s32 $0xD000;
	s18 =	sadd.s32 s1, s17  }
0x3d: {  	[tilespmem:s20], [sflag:$0x5] =	stream.linear.gather [hbm4b:s18+s4], $0x50, $0x38;
	[tilespmem:$0x183C0] =	vst v63  }
0x3e: {  	_ =	swait.ge [sflag:s16], $0x50  }
0x3f: {  	[sflag:s16] =	ssyncset.done $0x0  }
0x40: {  	s22 =	simm.s32 $0xD0A0;
	s17 =	sadd.s32 s7, s17;
	[sflag:s16] =	ssyncadd.s32 $0xFFFFFFB0  }
0x41: {  	[tilespmem:s22], [sflag:$0x5] =	stream.linear.gather [hbm4b:s17+s4], $0x50, $0x38;
	[tilespmem:$0x183C0] =	vst v63  }
0x42: {  	_ =	swait.ge [sflag:s16], $0x50  }
0x43: {  	[sflag:s16] =	ssyncset.done $0x0  }
0x44: {  	v0 =	vld [tilespmem:$0x1FFF0];
	[sflag:s16] =	ssyncadd.s32 $0xFFFFFFB0  }
0x45: {  	v10 =	vld [tilespmem:$0xD000]  }
0x46: {  	v11 =	vld [tilespmem:$0xD0A0]  }
0x47: {  	v12 =	vld [tilespmem:$0xD0A0]  }
0x48: {  	v13 =	vld [tilespmem:$0xD010]  }
0x49: {  	v14 =	vld [tilespmem:$0xD0B0]  }
0x4a: {  	v15 =	vld [tilespmem:$0xD0B0]  }
0x4b: {  	v16 =	vld [tilespmem:$0xD020];
	v10 =	vadd.s32 v0, v10  }
0x4c: {  	vm0 =	vlt.s32 v12, $0x1390;
	[tilespmem:$0xD140] =	vst v10;
	v10 =	vadd.s32 v0, v11;
	v11 =	vld [tilespmem:$0xD0C0]  }
0x4d: {  	[tilespmem:$0xD280] =	vst v10;
	v10 =	vnsel vm0, $0x1390, v12;
	v12 =	vld [tilespmem:$0xD0C0]  }
0x4e: {  	[tilespmem:$0xD1E0] =	vst v10;
	v10 =	vadd.s32 v0, v13  }
0x4f: {  	vm7 =	vlt.s32 v15, $0x1390;
	v13 =	vld [tilespmem:$0xD030];
	[tilespmem:$0xD150] =	vst v10;
	v10 =	vadd.s32 v0, v14  }
0x50: {  	v14 =	vld [tilespmem:$0xD0D0];
	[tilespmem:$0xD290] =	vst v10;
	v10 =	vnsel vm7, $0x1390, v15  }
0x51: {  	[tilespmem:$0xD1F0] =	vst v10;
	v10 =	vadd.s32 v0, v16  }
0x52: {  	[tilespmem:$0xD160] =	vst v10;
	v10 =	vadd.s32 v0, v11;
	vm8 =	vlt.s32 v12, $0x1390  }
0x53: {  	[tilespmem:$0xD2A0] =	vst v10;
	v10 =	vnsel vm8, $0x1390, v12  }
0x54: {  	[tilespmem:$0xD200] =	vst v10;
	v10 =	vadd.s32 v0, v13  }
0x55: {  	[tilespmem:$0xD170] =	vst v10;
	v10 =	vadd.s32 v0, v14  }
0x56: {  	[tilespmem:$0xD2B0] =	vst v10  }
0x57: {  	v10 =	vld [tilespmem:$0xD0D0]  }
0x58: {  	v11 =	vld [tilespmem:$0xD040]  }
0x59: {  	v12 =	vld [tilespmem:$0xD0E0]  }
0x5a: {  	v13 =	vld [tilespmem:$0xD0E0];
	_ =	sdelay $0x1  }
0x5b: {  	vm9 =	vlt.s32 v10, $0x1390  }
0x5c: {  	v10 =	vnsel vm9, $0x1390, v10  }
0x5d: {  	[tilespmem:$0xD210] =	vst v10;
	v10 =	vadd.s32 v0, v11  }
0x5e: {  	vm10 =	vlt.s32 v13, $0x1390;
	[tilespmem:$0xD180] =	vst v10;
	v10 =	vadd.s32 v0, v12  }
0x5f: {  	[tilespmem:$0xD2C0] =	vst v10;
	v10 =	vnsel vm10, $0x1390, v13  }
0x60: {  	s25 =	simm.s32 $0xD280;
	s26 =	simm.s32 $0xC600;
	s11 =	sadd.s32 s11, s12;
	[tilespmem:$0xD220] =	vst v10  }
0x61: {  	[tilespmem:s26], [sflag:$0x1] =	stream.indirect.gather [hbm4b:s6+s19], $0x10, s25, s19, $0xb8;
	[tilespmem:$0x183C0] =	vst v63  }
0x62: {  	s11 =	sshrl.u32 s11, $0x3;
	s18 =	simm.s32 $0xD140;
	s20 =	simm.s32 $0x3F00  }
0x63: {  	[tilespmem:s20], [sflag:$0x3] =	stream.indirect.gather [hbm4b:s5+s19], $0x90, s18, s19, $0xb8;
	[tilespmem:$0x183C0] =	vst v63  }
0x64: {  	s21 =	sadd.s32 s1, s11;
	s22 =	simm.s32 $0xD050  }
0x65: {  	[tilespmem:s22], [sflag:$0x5] =	stream.linear.gather [hbm4b:s21+s4], $0x50, $0x38;
	[tilespmem:$0x183C0] =	vst v63  }
0x66: {  	_ =	swait.ge [sflag:s16], $0x50  }
0x67: {  	[sflag:s16] =	ssyncset.done $0x0  }
0x68: {  	s11 =	sadd.s32 s7, s11;
	[sflag:s16] =	ssyncadd.s32 $0xFFFFFFB0  }
0x69: {  	[tilespmem:s28], [sflag:$0x5] =	stream.linear.gather [hbm4b:s11+s4], $0x50, $0x38;
	[tilespmem:$0x183C0] =	vst v63  }
0x6a: {  	_ =	swait.ge [sflag:s16], $0x50  }
0x6b: {  	[sflag:s16] =	ssyncset.done $0x0  }
0x6c: {  	[sflag:s16] =	ssyncadd.s32 $0xFFFFFFB0  }
0x6d: {  	v10 =	vld [tilespmem:$0xD050]  }
0x6e: {  	v11 =	vld [tilespmem:$0xD0F0]  }
0x6f: {  	v12 =	vld [tilespmem:$0xD0F0]  }
0x70: {  	v13 =	vld [tilespmem:$0xD060]  }
0x71: {  	v14 =	vld [tilespmem:$0xD100]  }
0x72: {  	v15 =	vld [tilespmem:$0xD100]  }
0x73: {  	v16 =	vld [tilespmem:$0xD070];
	v10 =	vadd.s32 v0, v10  }
0x74: {  	vm11 =	vlt.s32 v12, $0x1390;
	[tilespmem:$0xD190] =	vst v10;
	v10 =	vadd.s32 v0, v11;
	v11 =	vld [tilespmem:$0xD110]  }
0x75: {  	[tilespmem:$0xD2D0] =	vst v10;
	v10 =	vnsel vm11, $0x1390, v12;
	v12 =	vld [tilespmem:$0xD110]  }
0x76: {  	[tilespmem:$0xD230] =	vst v10;
	v10 =	vadd.s32 v0, v13;
	v13 =	vld [tilespmem:$0xD080]  }
0x77: {  	vm12 =	vlt.s32 v15, $0x1390;
	[tilespmem:$0xD1A0] =	vst v10;
	v10 =	vadd.s32 v0, v14;
	v14 =	vld [tilespmem:$0xD120]  }
0x78: {  	[tilespmem:$0xD2E0] =	vst v10;
	v10 =	vnsel vm12, $0x1390, v15;
	v15 =	vld [tilespmem:$0xD120]  }
0x79: {  	[tilespmem:$0xD240] =	vst v10;
	v10 =	vadd.s32 v0, v16;
	v16 =	vld [tilespmem:$0xD090]  }
0x7a: {  	[tilespmem:$0xD1B0] =	vst v10;
	v10 =	vadd.s32 v0, v11;
	vm13 =	vlt.s32 v12, $0x1390;
	v11 =	vld [tilespmem:$0xD130]  }
0x7b: {  	[tilespmem:$0xD2F0] =	vst v10;
	v10 =	vnsel vm13, $0x1390, v12;
	v12 =	vld [tilespmem:$0xD130]  }
0x7c: {  	[tilespmem:$0xD250] =	vst v10;
	v10 =	vadd.s32 v0, v13  }
0x7d: {  	[tilespmem:$0xD1C0] =	vst v10;
	v10 =	vadd.s32 v0, v14;
	vm14 =	vlt.s32 v15, $0x1390  }
0x7e: {  	[tilespmem:$0xD300] =	vst v10;
	v10 =	vnsel vm14, $0x1390, v15  }
0x7f: {  	[tilespmem:$0xD260] =	vst v10;
	v10 =	vadd.s32 v0, v16  }
0x80: {  	[tilespmem:$0xD1D0] =	vst v10;
	v10 =	vadd.s32 v0, v11;
	vm15 =	vlt.s32 v12, $0x1390  }
0x81: {  	[tilespmem:$0xD310] =	vst v10;
	v10 =	vnsel vm15, $0x1390, v12  }
0x82: {  	[tilespmem:$0xD270] =	vst v10  }
0x83: {  	[tilespmem:s30], [sflag:$0x2] =	stream.indirect.gather [hbm4b:s6+s19], $0x10, s29, s19, $0xb8;
	[tilespmem:$0x183C0] =	vst v63  }
0x84: {  	_ = 	snop  }
0x85: {  	[tilespmem:s0], [sflag:$0x4] =	stream.indirect.gather [hbm4b:s5+s19], $0x90, s31, s19, $0xb8;
	[tilespmem:$0x183C0] =	vst v63  }
0x86: {  	_ =	swait.ge [sflag:s3], $0x500  }
0x87: {  	[sflag:s3] =	ssyncset.done $0x0  }
0x88: {  	[sflag:s3] =	ssyncadd.s32 $0xFFFFFB00  }
0x89: {  	_ =	swait.ge [sflag:s13], $0x2D00  }
0x8a: {  	[sflag:s13] =	ssyncset.done $0x0  }
0x8b: {  	s20 =	simm.s32 $0x4140;
	[sflag:s13] =	ssyncadd.s32 $0xFFFFD300  }
0x8c: {  	s25 =	simm.s32 $0xC640;
	v10 =	vld [tilespmem:s20+$0x230]  }
0x8d: {  	v11 =	vld [tilespmem:s25+$0x30];
	_ =	sdelay $0x1  }
0x8e: {  	v12 =	vld [tilespmem:s25+$0xFFFFFFC0]  }
0x8f: {  	v13 =	vld [tilespmem:s20+$0xFFFFFED0]  }
0x90: {  	v14 =	vld [tilespmem:s25+$0xFFFFFFD0]  }
0x91: {  	v15 =	vld [tilespmem:s20+$0xFFFFFF60];
	v10 =	vadd.f32 v11, v10  }
0x92: {  	v16 =	vld [tilespmem:s25+$0xFFFFFFE0]  }
0x93: {  	v17 =	vld [tilespmem:s25+$0xFFFFFFF0];
	v18 =	vmul.f32 $2.000000030e-01, v10  }
0x94: {  	v19 =	vld [tilespmem:s20+$0x80]  }
0x95: {  	v11 =	vld [tilespmem:s20+$0xFFFFFFF0];
	v10 =	vmax.f32 v10, v18  }
0x96: {  	v20 =	vld [tilespmem:s25+$0x0];
	v10 =	vmul.f32 $1.442695020e+00, v10  }
0x97: {  	v21 =	vld [tilespmem:s20+$0x1A0];
	v13 =	vadd.f32 v14, v13  }
0x98: {  	v14 =	vld [tilespmem:s20+$0x110];
	v15 =	vadd.f32 v16, v15;
	(erf) = vpow2.f32 v10  }
0x99: {  	v16 =	vld [tilespmem:s25+$0x10];
	v18 =	vmul.f32 $2.000000030e-01, v13  }
0x9a: {  	v11 =	vadd.f32 v17, v11;
	v17 =	vld [tilespmem:s25+$0x20];
	v10 =	vmul.f32 $2.000000030e-01, v15  }
0x9b: {  	v13 =	vmax.f32 v13, v18;
	v18 =	vld [tilespmem:s20+$0xFFFFFE40]  }
0x9c: {  	v13 =	vmul.f32 $1.442695020e+00, v13;
	v10 =	vmax.f32 v15, v10  }
0x9d: {  	v19 =	vadd.f32 v20, v19;
	v15 =	vmul.f32 $2.000000030e-01, v11;
	v10 =	vmul.f32 $1.442695020e+00, v10  }
0x9e: {  	v14 =	vadd.f32 v16, v14;
	(erf) = vpow2.f32 v13  }
0x9f: {  	v13 =	vadd.f32 v17, v21;
	v11 =	vmax.f32 v11, v15;
	v15 =	vmul.f32 $2.000000030e-01, v19  }
0xa0: {  	v16 =	vmul.f32 $2.000000030e-01, v14;
	v12 =	vadd.f32 v12, v18;
	v11 =	vmul.f32 $1.442695020e+00, v11  }
0xa1: {  	s11 =	simm.s32 $0x9B40;
	v17 =	vmul.f32 $2.000000030e-01, v13;
	(erf) = vpow2.f32 v10;
	v15 =	vmax.f32 v19, v15;
	v10 =	vpop (erf)  }
0xa2: {  	v14 =	vmax.f32 v14, v16;
	v16 =	vmul.f32 $2.000000030e-01, v12;
	v15 =	vmul.f32 $1.442695020e+00, v15;
	[tilespmem:s11+$0x230] =	vst v10  }
0xa3: {  	v13 =	vmax.f32 v13, v17;
	(erf) = vpow2.f32 v11;
	v11 =	vmul.f32 $1.442695020e+00, v14;
	v14 =	vld [tilespmem:s20+$0x1B0]  }
0xa4: {  	s17 =	simm.s32 $0x45C0;
	v12 =	vmax.f32 v12, v16;
	v13 =	vmul.f32 $1.442695020e+00, v13;
	(erf) = vpow2.f32 v15  }
0xa5: {  	v29 =	vld [tilespmem:s17+$0xFFFFFED0];
	(erf) = vpow2.f32 v11;
	v11 =	vmul.f32 $1.442695020e+00, v12  }
0xa6: {  	s26 =	simm.s32 $0xC6C0;
	v40 =	vld [tilespmem:s17+$0xFFFFFFF0];
	(erf) = vpow2.f32 v13;
	v13 =	vperm.xlane v10, v62  }
0xa7: {  	v42 =	vld [tilespmem:s26+$0xFFFFFFF0];
	(erf) = vpow2.f32 v11  }
0xa8: {  	v32 =	vld [tilespmem:s26+$0xFFFFFFD0];
	v11 =	vmul.f32 v14, v13  }
0xa9: {  	v35 =	vld [tilespmem:s17+$0xFFFFFF60];
	v12 =	vpop (erf)  }
0xaa: {  	v38 =	vld [tilespmem:s26+$0xFFFFFFE0];
	[tilespmem:s11+$0xFFFFFED0] =	vst v12  }
0xab: {  	v17 =	vld [tilespmem:s20+$0xFFFFFE50];
	v14 =	vpop (erf);
	[tilespmem:s11+$0x1B0] =	vst v11  }
0xac: {  	v57 =	vadd.f32 v42, v40;
	[tilespmem:s11+$0xFFFFFF60] =	vst v14;
	v18 =	vld [tilespmem:s20+$0x1C0];
	v11 =	vpop (erf)  }
0xad: {  	v19 =	vld [tilespmem:s20+$0xFFFFFEE0];
	[tilespmem:s11+$0xFFFFFFF0] =	vst v11;
	v15 =	vpop (erf)  }
0xae: {  	v2 =	vimm.s32 $0x6;
	v61 =	vmul.f32 $2.000000030e-01, v57;
	v20 =	vperm.xlane v12, v62;
	v21 =	vld [tilespmem:s20+$0xFFFFFF70];
	[tilespmem:s11+$0x80] =	vst v15;
	v16 =	vpop (erf)  }
0xaf: {  	v23 =	vperm.xlane v10, v6;
	v41 =	vperm.xlane v10, v2;
	v22 =	vld [tilespmem:s20+$0x0];
	[tilespmem:s11+$0x110] =	vst v16;
	v13 =	vpop (erf)  }
0xb0: {  	v24 =	vperm.xlane v14, v62;
	v20 =	vmul.f32 v17, v20;
	v25 =	vld [tilespmem:s20+$0x90];
	[tilespmem:s11+$0x1A0] =	vst v13;
	v17 =	vpop (erf)  }
0xb1: {  	v26 =	vperm.xlane v11, v62;
	v18 =	vmul.f32 v18, v23;
	[tilespmem:s11+$0xFFFFFE40] =	vst v17;
	v27 =	vld [tilespmem:s20+$0x120]  }
0xb2: {  	[tilespmem:s11+$0xFFFFFE50] =	vst v20;
	v19 =	vmul.f32 v19, v24;
	v23 =	vperm.xlane v15, v62;
	v24 =	vld [tilespmem:s20+$0xFFFFFDC0]  }
0xb3: {  	v20 =	vperm.xlane v16, v62;
	[tilespmem:s11+$0x1C0] =	vst v18;
	v21 =	vmul.f32 v21, v26;
	v26 =	vld [tilespmem:s20+$0xFFFFFE60]  }
0xb4: {  	[tilespmem:s11+$0xFFFFFEE0] =	vst v19;
	v18 =	vperm.xlane v13, v62;
	v19 =	vld [tilespmem:s20+$0x1D0];
	v22 =	vmul.f32 v22, v23  }
0xb5: {  	v23 =	vperm.xlane v17, v62;
	v20 =	vmul.f32 v25, v20;
	v25 =	vld [tilespmem:s20+$0xFFFFFEF0];
	[tilespmem:s11+$0xFFFFFF70] =	vst v21  }
0xb6: {  	v21 =	vperm.xlane v12, v6;
	v28 =	vld [tilespmem:s20+$0xFFFFFF80];
	[tilespmem:s11+$0x0] =	vst v22;
	v18 =	vmul.f32 v27, v18  }
0xb7: {  	v22 =	vmul.f32 v24, v23;
	v23 =	vld [tilespmem:s20+$0x10];
	[tilespmem:s11+$0x90] =	vst v20;
	v20 =	vperm.xlane v10, v7  }
0xb8: {  	v24 =	vperm.xlane v14, v6;
	v21 =	vmul.f32 v26, v21;
	v26 =	vld [tilespmem:s20+$0xA0];
	[tilespmem:s11+$0x120] =	vst v18  }
0xb9: {  	v18 =	vperm.xlane v11, v6;
	[tilespmem:s11+$0xFFFFFDC0] =	vst v22;
	v22 =	vld [tilespmem:s20+$0x130];
	v19 =	vmul.f32 v19, v20  }
0xba: {  	v20 =	vperm.xlane v15, v6;
	v27 =	vld [tilespmem:s20+$0xFFFFFDD0];
	[tilespmem:s11+$0xFFFFFE60] =	vst v21;
	v21 =	vmul.f32 v25, v24  }
0xbb: {  	v24 =	vperm.xlane v16, v6;
	v25 =	vld [tilespmem:s20+$0xFFFFFE70];
	v18 =	vmul.f32 v28, v18;
	[tilespmem:s11+$0x1D0] =	vst v19  }
0xbc: {  	v19 =	vperm.xlane v13, v6;
	[tilespmem:s11+$0xFFFFFEF0] =	vst v21;
	v20 =	vmul.f32 v23, v20;
	v21 =	vld [tilespmem:s20+$0x1E0]  }
0xbd: {  	v23 =	vperm.xlane v17, v6;
	v28 =	vld [tilespmem:s20+$0xFFFFFF00];
	[tilespmem:s11+$0xFFFFFF80] =	vst v18;
	v18 =	vmul.f32 v26, v24  }
0xbe: {  	v24 =	vperm.xlane v12, v7;
	v26 =	vld [tilespmem:s20+$0xFFFFFF90];
	[tilespmem:s11+$0x10] =	vst v20;
	v19 =	vmul.f32 v22, v19  }
0xbf: {  	v20 =	vmul.f32 v27, v23;
	v22 =	vld [tilespmem:s20+$0x20];
	[tilespmem:s11+$0xA0] =	vst v18;
	v18 =	vperm.xlane v10, v8  }
0xc0: {  	v23 =	vperm.xlane v14, v7;
	v24 =	vmul.f32 v25, v24;
	v25 =	vld [tilespmem:s20+$0xB0];
	[tilespmem:s11+$0x130] =	vst v19  }
0xc1: {  	v19 =	vperm.xlane v11, v7;
	[tilespmem:s11+$0xFFFFFDD0] =	vst v20;
	v20 =	vld [tilespmem:s20+$0x140];
	v18 =	vmul.f32 v21, v18  }
0xc2: {  	v21 =	vperm.xlane v15, v7;
	v27 =	vld [tilespmem:s20+$0xFFFFFDE0];
	[tilespmem:s11+$0xFFFFFE70] =	vst v24;
	v23 =	vmul.f32 v28, v23  }
0xc3: {  	v24 =	vperm.xlane v16, v7;
	v28 =	vld [tilespmem:s20+$0xFFFFFE80];
	v19 =	vmul.f32 v26, v19;
	[tilespmem:s11+$0x1E0] =	vst v18  }
0xc4: {  	v18 =	vperm.xlane v13, v7;
	[tilespmem:s11+$0xFFFFFF00] =	vst v23;
	v21 =	vmul.f32 v22, v21;
	v22 =	vld [tilespmem:s20+$0x1F0]  }
0xc5: {  	v23 =	vperm.xlane v17, v7;
	v26 =	vld [tilespmem:s20+$0xFFFFFF10];
	[tilespmem:s11+$0xFFFFFF90] =	vst v19;
	v19 =	vmul.f32 v25, v24  }
0xc6: {  	v24 =	vperm.xlane v12, v8;
	v25 =	vld [tilespmem:s20+$0xFFFFFFA0];
	[tilespmem:s11+$0x20] =	vst v21;
	v18 =	vmul.f32 v20, v18  }
0xc7: {  	v20 =	vmul.f32 v27, v23;
	v21 =	vld [tilespmem:s20+$0x30];
	[tilespmem:s11+$0xB0] =	vst v19;
	v19 =	vperm.xlane v10, v9  }
0xc8: {  	v23 =	vperm.xlane v14, v8;
	v24 =	vmul.f32 v28, v24;
	v27 =	vld [tilespmem:s20+$0xC0];
	[tilespmem:s11+$0x140] =	vst v18  }
0xc9: {  	v18 =	vperm.xlane v11, v8;
	[tilespmem:s11+$0xFFFFFDE0] =	vst v20;
	v20 =	vld [tilespmem:s20+$0x150];
	v19 =	vmul.f32 v22, v19  }
0xca: {  	v22 =	vperm.xlane v15, v8;
	v28 =	vld [tilespmem:s20+$0xFFFFFDF0];
	[tilespmem:s11+$0xFFFFFE80] =	vst v24;
	v23 =	vmul.f32 v26, v23  }
0xcb: {  	v24 =	vperm.xlane v16, v8;
	v26 =	vld [tilespmem:s20+$0xFFFFFE90];
	v18 =	vmul.f32 v25, v18;
	[tilespmem:s11+$0x1F0] =	vst v19  }
0xcc: {  	v19 =	vperm.xlane v13, v8;
	[tilespmem:s11+$0xFFFFFF10] =	vst v23;
	v21 =	vmul.f32 v21, v22;
	v22 =	vld [tilespmem:s20+$0x200]  }
0xcd: {  	v23 =	vperm.xlane v17, v8;
	v25 =	vld [tilespmem:s20+$0xFFFFFF20];
	[tilespmem:s11+$0xFFFFFFA0] =	vst v18;
	v18 =	vmul.f32 v27, v24  }
0xce: {  	v24 =	vperm.xlane v12, v9;
	v27 =	vld [tilespmem:s20+$0xFFFFFFB0];
	[tilespmem:s11+$0x30] =	vst v21;
	v19 =	vmul.f32 v20, v19  }
0xcf: {  	v20 =	vmul.f32 v28, v23;
	v21 =	vld [tilespmem:s20+$0x40];
	[tilespmem:s11+$0xC0] =	vst v18;
	v18 =	vperm.xlane v10, v63  }
0xd0: {  	v23 =	vperm.xlane v14, v9;
	v24 =	vmul.f32 v26, v24;
	v26 =	vld [tilespmem:s20+$0xD0];
	[tilespmem:s11+$0x150] =	vst v19  }
0xd1: {  	v19 =	vperm.xlane v11, v9;
	[tilespmem:s11+$0xFFFFFDF0] =	vst v20;
	v20 =	vld [tilespmem:s20+$0x160];
	v18 =	vmul.f32 v22, v18  }
0xd2: {  	v22 =	vperm.xlane v15, v9;
	v28 =	vld [tilespmem:s20+$0xFFFFFE00];
	[tilespmem:s11+$0xFFFFFE90] =	vst v24;
	v23 =	vmul.f32 v25, v23  }
0xd3: {  	v31 =	vperm.xlane v12, v63;
	v24 =	vperm.xlane v16, v9;
	v25 =	vld [tilespmem:s20+$0xFFFFFEA0];
	[tilespmem:s11+$0x200] =	vst v18  }
0xd4: {  	v19 =	vmul.f32 v27, v19;
	[tilespmem:s11+$0xFFFFFF20] =	vst v23;
	v21 =	vmul.f32 v21, v22;
	v22 =	vld [tilespmem:s20+$0x210]  }
0xd5: {  	v18 =	vperm.xlane v13, v9;
	v23 =	vperm.xlane v17, v9;
	v27 =	vld [tilespmem:s20+$0xFFFFFF30]  }
0xd6: {  	v44 =	vperm.xlane v12, v2;
	[tilespmem:s11+$0xFFFFFFB0] =	vst v19;
	v19 =	vmul.f32 v26, v24;
	v26 =	vld [tilespmem:s26+$0x30]  }
0xd7: {  	v18 =	vmul.f32 v20, v18;
	v20 =	vmul.f32 v28, v23;
	v23 =	vld [tilespmem:s17+$0x230]  }
0xd8: {  	v33 =	vperm.xlane v14, v63;
	v34 =	vperm.xlane v11, v63;
	v24 =	vld [tilespmem:s20+$0xFFFFFFC0];
	[tilespmem:s11+$0x40] =	vst v21  }
0xd9: {  	v36 =	vperm.xlane v15, v63;
	v37 =	vperm.xlane v16, v63;
	v21 =	vld [tilespmem:s20+$0x50]  }
0xda: {  	v54 =	vld [tilespmem:s26+$0x0];
	v30 =	vperm.xlane v17, v63;
	v39 =	vperm.xlane v17, v2;
	[tilespmem:s11+$0xFFFFFE00] =	vst v20  }
0xdb: {  	v25 =	vmul.f32 v25, v31;
	v22 =	vmul.f32 v22, v41;
	v20 =	vld [tilespmem:s20+$0xFFFFFE10]  }
0xdc: {  	v55 =	vld [tilespmem:s17+$0x110];
	[tilespmem:s11+$0xD0] =	vst v19;
	v27 =	vmul.f32 v27, v33;
	v33 =	vperm.xlane v13, v2;
	v23 =	vadd.f32 v26, v23  }
0xdd: {  	v19 =	vld [tilespmem:s20+$0xE0];
	v24 =	vmul.f32 v24, v34;
	v26 =	vperm.xlane v13, v63  }
0xde: {  	v31 =	vld [tilespmem:s17+$0x80];
	v36 =	vmul.f32 v21, v36;
	v43 =	vmul.f32 $2.000000030e-01, v23  }
0xdf: {  	v56 =	vld [tilespmem:s26+$0x10];
	[tilespmem:s11+$0x160] =	vst v18;
	v21 =	vadd.f32 v32, v29;
	v29 =	vadd.f32 v38, v35;
	v35 =	vperm.xlane v11, v2  }
0xe0: {  	v18 =	vld [tilespmem:s20+$0x170];
	[tilespmem:s11+$0xFFFFFF30] =	vst v27;
	v27 =	vperm.xlane v12, v60;
	v20 =	vmul.f32 v20, v30;
	v23 =	vmax.f32 v23, v43  }
0xe1: {  	v58 =	vld [tilespmem:s17+$0x1A0];
	v12 =	vperm.xlane v16, v60;
	v23 =	vmul.f32 $1.442695020e+00, v23  }
0xe2: {  	v59 =	vld [tilespmem:s26+$0x20];
	v13 =	vperm.xlane v13, v60;
	v19 =	vmul.f32 v19, v37;
	[tilespmem:s11+$0xFFFFFE10] =	vst v20  }
0xe3: {  	v31 =	vadd.f32 v54, v31;
	v0 =	vld [tilespmem:s20+$0xFFFFFE20];
	(erf) = vpow2.f32 v23;
	v23 =	vmul.f32 $2.000000030e-01, v21  }
0xe4: {  	v28 =	vld [tilespmem:s26+$0xFFFFFFC0];
	v37 =	vperm.xlane v15, v2;
	v38 =	vmul.f32 $2.000000030e-01, v29  }
0xe5: {  	[tilespmem:s11+$0xFFFFFEA0] =	vst v25;
	v18 =	vmul.f32 v18, v26;
	v26 =	vld [tilespmem:s17+$0xFFFFFE40];
	v30 =	vmul.f32 $2.000000030e-01, v31;
	v21 =	vmax.f32 v21, v23  }
0xe6: {  	[tilespmem:s11+$0x210] =	vst v22;
	v22 =	vld [tilespmem:s20+$0xFFFFFEB0];
	v23 =	vmax.f32 v29, v38;
	v29 =	vmax.f32 v57, v61;
	v21 =	vmul.f32 $1.442695020e+00, v21  }
0xe7: {  	v1 =	vld [tilespmem:s20+$0x220];
	[tilespmem:s11+$0xFFFFFFC0] =	vst v24;
	v20 =	vmul.f32 $1.442695020e+00, v23;
	v23 =	vadd.f32 v56, v55;
	v29 =	vmul.f32 $1.442695020e+00, v29  }
0xe8: {  	v34 =	vld [tilespmem:s20+$0xFFFFFF40];
	[tilespmem:s11+$0xE0] =	vst v19;
	v24 =	vmul.f32 v0, v39;
	(erf) = vpow2.f32 v21;
	v21 =	vmax.f32 v31, v30  }
0xe9: {  	[tilespmem:s11+$0x50] =	vst v36;
	v30 =	vadd.f32 v59, v58;
	v25 =	vmul.f32 $2.000000030e-01, v23;
	v31 =	vld [tilespmem:s20+$0xF0];
	(erf) = vpow2.f32 v20  }
0xea: {  	v26 =	vadd.f32 v28, v26;
	v28 =	vmul.f32 $1.442695020e+00, v21;
	[tilespmem:s11+$0xFFFFFE20] =	vst v24;
	(erf) = vpow2.f32 v29;
	v29 =	vld [tilespmem:s20+$0x60]  }
0xeb: {  	v19 =	vmul.f32 v22, v44;
	v20 =	vmul.f32 $2.000000030e-01, v30;
	v22 =	vld [tilespmem:s20+$0xFFFFFE30]  }
0xec: {  	s18 =	simm.s32 $0x9FC0;
	s21 =	simm.s32 $0x4A40;
	[tilespmem:s11+$0x170] =	vst v18;
	v38 =	vperm.xlane v16, v2;
	v23 =	vmax.f32 v23, v25;
	(erf) = vpow2.f32 v28;
	v28 =	vld [tilespmem:s20+$0xFFFFFFD0]  }
0xed: {  	v25 =	vmul.f32 $2.000000030e-01, v26;
	v23 =	vmul.f32 $1.442695020e+00, v23;
	v21 =	vpop (erf);
	v20 =	vmax.f32 v30, v20;
	v30 =	vld [tilespmem:s20+$0x180]  }
0xee: {  	v24 =	vperm.xlane v17, v60;
	[tilespmem:s18+$0x230] =	vst v21;
	v31 =	vmul.f32 v31, v38;
	v38 =	vld [tilespmem:s21+$0xFFFFFF60]  }
0xef: {  	s25 =	simm.s32 $0xC740;
	v25 =	vmax.f32 v26, v25;
	v20 =	vmul.f32 $1.442695020e+00, v20;
	(erf) = vpow2.f32 v23;
	v26 =	vld [tilespmem:s17+$0x1B0]  }
0xf0: {  	v23 =	vmul.f32 $1.442695020e+00, v25;
	v29 =	vmul.f32 v29, v37;
	v37 =	vld [tilespmem:s25+$0xFFFFFFD0]  }
0xf1: {  	[tilespmem:s11+$0xFFFFFEB0] =	vst v19;
	(erf) = vpow2.f32 v20;
	v22 =	vmul.f32 v22, v24;
	v24 =	vld [tilespmem:s21+$0xFFFFFE40]  }
0xf2: {  	v36 =	vperm.xlane v14, v2;
	(erf) = vpow2.f32 v23;
	v23 =	vld [tilespmem:s20+$0xFFFFFEC0]  }
0xf3: {  	v20 =	vperm.xlane v21, v62;
	v28 =	vmul.f32 v28, v35;
	v35 =	vld [tilespmem:s21+$0xFFFFFED0];
	v18 =	vpop (erf)  }
0xf4: {  	v25 =	vperm.xlane v14, v60;
	v30 =	vmul.f32 v30, v33;
	v33 =	vld [tilespmem:s21+$0xFFFFFFF0];
	[tilespmem:s18+$0xFFFFFED0] =	vst v18  }
0xf5: {  	v32 =	vpop (erf);
	v19 =	vmul.f32 v26, v20;
	v17 =	vld [tilespmem:s17+$0xFFFFFE50];
	v26 =	vperm.xlane v10, v60  }
0xf6: {  	[tilespmem:s18+$0xFFFFFF60] =	vst v32;
	v14 =	vpop (erf);
	v10 =	vperm.xlane v11, v60;
	v11 =	vperm.xlane v15, v60;
	v60 =	vld [tilespmem:s25+$0xFFFFFFF0]  }
0xf7: {  	v15 =	vld [tilespmem:s17+$0xFFFFFEE0];
	[tilespmem:s18+$0xFFFFFFF0] =	vst v14;
	v39 =	vmul.f32 v1, v26  }
0xf8: {  	[tilespmem:s18+$0x1B0] =	vst v19;
	v48 =	vld [tilespmem:s17+$0xFFFFFF70]  }
0xf9: {  	v50 =	vperm.xlane v21, v6;
	v16 =	vperm.xlane v18, v62;
	v3 =	vld [tilespmem:s17+$0x1C0];
	v19 =	vpop (erf);
	[tilespmem:s11+$0x220] =	vst v39  }
0xfa: {  	v58 =	vperm.xlane v18, v6;
	v51 =	vperm.xlane v32, v62;
	v35 =	vadd.f32 v37, v35;
	v37 =	vld [tilespmem:s21+$0x110];
	[tilespmem:s18+$0x80] =	vst v19;
	v20 =	vpop (erf)  }
0xfb: {  	v46 =	vperm.xlane v14, v62;
	v17 =	vmul.f32 v17, v16;
	v49 =	vld [tilespmem:s17+$0x0];
	[tilespmem:s18+$0x110] =	vst v20;
	v26 =	vpop (erf)  }
0xfc: {  	v1 =	vperm.xlane v32, v6;
	v27 =	vmul.f32 v23, v27;
	v45 =	vld [tilespmem:s17+$0x90];
	[tilespmem:s18+$0x1A0] =	vst v26  }
0xfd: {  	v52 =	vperm.xlane v19, v62;
	v15 =	vmul.f32 v15, v51;
	v16 =	vpop (erf);
	[tilespmem:s18+$0xFFFFFE50] =	vst v17;
	v47 =	vld [tilespmem:s17+$0x120]  }
0xfe: {  	v51 =	vperm.xlane v14, v6;
	[tilespmem:s18+$0xFFFFFE40] =	vst v16;
	v41 =	vmul.f32 v3, v50;
	v54 =	vld [tilespmem:s17+$0xFFFFFE60]  }
0xff: {  	v17 =	vperm.xlane v20, v62;
	v42 =	vmul.f32 v48, v46;
	[tilespmem:s18+$0xFFFFFEE0] =	vst v15;
	v53 =	vld [tilespmem:s17+$0xFFFFFDC0]  }
0x100: {  	v55 =	vperm.xlane v26, v62;
	v57 =	vld [tilespmem:s17+$0xFFFFFEF0];
	[tilespmem:s18+$0x1C0] =	vst v41;
	v40 =	vmul.f32 v49, v52  }
0x101: {  	v46 =	vmul.f32 v34, v36;
	[tilespmem:s18+$0xFFFFFF70] =	vst v42;
	v15 =	vld [tilespmem:s17+$0x1D0];
	v17 =	vmul.f32 v45, v17  }
0x102: {  	v56 =	vperm.xlane v16, v62;
	v48 =	vld [tilespmem:s17+$0xFFFFFF80];
	[tilespmem:s18+$0x0] =	vst v40;
	v59 =	vmul.f32 v47, v55  }
0x103: {  	v34 =	vperm.xlane v14, v2;
	v42 =	vmul.f32 v54, v58;
	v0 =	vld [tilespmem:s17+$0x10];
	[tilespmem:s18+$0x90] =	vst v17  }
0x104: {  	v61 =	vmul.f32 v53, v56;
	v17 =	vperm.xlane v21, v7;
	v3 =	vld [tilespmem:s17+$0xA0];
	[tilespmem:s18+$0x120] =	vst v59  }
0x105: {  	v36 =	vperm.xlane v19, v2;
	v54 =	vmul.f32 v57, v1;
	[tilespmem:s18+$0xFFFFFE60] =	vst v42;
	v52 =	vld [tilespmem:s17+$0x130]  }
0x106: {  	[tilespmem:s18+$0xFFFFFDC0] =	vst v61;
	v15 =	vmul.f32 v15, v17;
	v17 =	vperm.xlane v19, v6;
	v56 =	vld [tilespmem:s17+$0xFFFFFE70]  }
0x107: {  	v55 =	vperm.xlane v20, v6;
	v40 =	vmul.f32 v48, v51;
	[tilespmem:s18+$0xFFFFFEF0] =	vst v54;
	v53 =	vld [tilespmem:s17+$0xFFFFFDD0]  }
0x108: {  	v39 =	vld [tilespmem:s25+$0x10];
	[tilespmem:s18+$0x1D0] =	vst v15;
	v15 =	vperm.xlane v26, v6;
	v17 =	vmul.f32 v0, v17  }
0x109: {  	v33 =	vadd.f32 v60, v33;
	v59 =	vld [tilespmem:s17+$0xFFFFFF00];
	[tilespmem:s18+$0xFFFFFF80] =	vst v40;
	v0 =	vperm.xlane v18, v7;
	v61 =	vmul.f32 v3, v55  }
0x10a: {  	v58 =	vperm.xlane v16, v6;
	v57 =	vld [tilespmem:s17+$0x1E0];
	[tilespmem:s18+$0x10] =	vst v17;
	v15 =	vmul.f32 v52, v15  }
0x10b: {  	v60 =	vmul.f32 $2.000000030e-01, v33;
	v1 =	vld [tilespmem:s17+$0xFFFFFF90];
	v44 =	vmul.f32 v56, v0;
	[tilespmem:s18+$0xA0] =	vst v61  }
0x10c: {  	v52 =	vperm.xlane v32, v7;
	v17 =	vmul.f32 v53, v58;
	v3 =	vld [tilespmem:s17+$0x20];
	[tilespmem:s18+$0x130] =	vst v15  }
0x10d: {  	v50 =	vperm.xlane v14, v63;
	v51 =	vperm.xlane v21, v8;
	v53 =	vld [tilespmem:s17+$0xB0];
	[tilespmem:s18+$0xFFFFFE70] =	vst v44  }
0x10e: {  	v15 =	vperm.xlane v14, v7;
	v43 =	vmul.f32 v59, v52;
	[tilespmem:s18+$0xFFFFFDD0] =	vst v17;
	v17 =	vld [tilespmem:s17+$0x140]  }
0x10f: {  	v54 =	vperm.xlane v19, v7;
	v40 =	vmul.f32 v57, v51;
	v57 =	vld [tilespmem:s17+$0xFFFFFE80]  }
0x110: {  	v56 =	vperm.xlane v20, v7;
	v55 =	vld [tilespmem:s17+$0xFFFFFDE0];
	v15 =	vmul.f32 v1, v15;
	[tilespmem:s18+$0xFFFFFF00] =	vst v43  }
0x111: {  	v58 =	vperm.xlane v26, v7;
	[tilespmem:s18+$0x1E0] =	vst v40;
	v0 =	vld [tilespmem:s17+$0xFFFFFF10];
	v41 =	vmul.f32 v3, v54  }
0x112: {  	v1 =	vperm.xlane v18, v8;
	v59 =	vld [tilespmem:s17+$0x1F0];
	[tilespmem:s18+$0xFFFFFF90] =	vst v15;
	v15 =	vmul.f32 v53, v56  }
0x113: {  	v61 =	vperm.xlane v16, v7;
	v3 =	vld [tilespmem:s17+$0xFFFFFFA0];
	[tilespmem:s18+$0x20] =	vst v41;
	v17 =	vmul.f32 v17, v58  }
0x114: {  	v52 =	vperm.xlane v32, v8;
	v44 =	vmul.f32 v57, v1;
	v41 =	vld [tilespmem:s17+$0x30];
	[tilespmem:s18+$0xB0] =	vst v15  }
0x115: {  	v51 =	vmul.f32 v55, v61;
	v15 =	vperm.xlane v21, v9;
	v53 =	vld [tilespmem:s17+$0xC0];
	[tilespmem:s18+$0x140] =	vst v17  }
0x116: {  	v33 =	vmax.f32 v33, v60;
	v17 =	vperm.xlane v14, v8;
	[tilespmem:s18+$0xFFFFFE80] =	vst v44;
	v43 =	vmul.f32 v0, v52;
	v54 =	vld [tilespmem:s17+$0x150]  }
0x117: {  	v33 =	vmul.f32 $1.442695020e+00, v33;
	[tilespmem:s18+$0xFFFFFDE0] =	vst v51;
	v15 =	vmul.f32 v59, v15;
	v58 =	vld [tilespmem:s17+$0xFFFFFE90]  }
0x118: {  	v55 =	vperm.xlane v19, v8;
	v56 =	vld [tilespmem:s17+$0xFFFFFDF0];
	v17 =	vmul.f32 v3, v17;
	[tilespmem:s18+$0xFFFFFF10] =	vst v43  }
0x119: {  	v57 =	vperm.xlane v20, v8;
	v1 =	vperm.xlane v18, v9;
	[tilespmem:s18+$0x1F0] =	vst v15;
	v0 =	vld [tilespmem:s17+$0xFFFFFF20]  }
0x11a: {  	v15 =	vperm.xlane v26, v8;
	v41 =	vmul.f32 v41, v55;
	v59 =	vld [tilespmem:s17+$0x200];
	[tilespmem:s18+$0xFFFFFFA0] =	vst v17  }
0x11b: {  	v37 =	vadd.f32 v39, v37;
	v61 =	vperm.xlane v16, v8;
	v17 =	vmul.f32 v53, v57;
	v3 =	vld [tilespmem:s17+$0xFFFFFFB0]  }
0x11c: {  	[tilespmem:s18+$0x30] =	vst v41;
	v15 =	vmul.f32 v54, v15;
	v44 =	vmul.f32 v58, v1;
	v1 =	vld [tilespmem:s25+$0x30]  }
0x11d: {  	v39 =	vmul.f32 $2.000000030e-01, v37;
	v53 =	vperm.xlane v32, v9;
	v41 =	vld [tilespmem:s17+$0x40];
	[tilespmem:s18+$0xC0] =	vst v17  }
0x11e: {  	v52 =	vmul.f32 v56, v61;
	v17 =	vperm.xlane v21, v63;
	v54 =	vld [tilespmem:s17+$0xD0];
	[tilespmem:s18+$0x150] =	vst v15  }
0x11f: {  	v15 =	vperm.xlane v14, v9;
	[tilespmem:s18+$0xFFFFFE90] =	vst v44;
	v43 =	vmul.f32 v0, v53;
	v55 =	vld [tilespmem:s17+$0x160]  }
0x120: {  	v58 =	vperm.xlane v20, v9;
	[tilespmem:s18+$0xFFFFFDF0] =	vst v52;
	v17 =	vmul.f32 v59, v17;
	v45 =	vld [tilespmem:s17+$0xFFFFFEA0]  }
0x121: {  	v56 =	vperm.xlane v19, v9;
	v57 =	vld [tilespmem:s17+$0xFFFFFE00];
	v15 =	vmul.f32 v3, v15;
	[tilespmem:s18+$0xFFFFFF20] =	vst v43  }
0x122: {  	v48 =	vperm.xlane v16, v63;
	v42 =	vperm.xlane v32, v63;
	[tilespmem:s18+$0x200] =	vst v17;
	v47 =	vld [tilespmem:s17+$0xFFFFFF30]  }
0x123: {  	v41 =	vmul.f32 v41, v56;
	[tilespmem:s18+$0xFFFFFFB0] =	vst v15;
	v15 =	vmul.f32 v54, v58;
	v54 =	vld [tilespmem:s21+$0x230]  }
0x124: {  	v61 =	vperm.xlane v16, v9;
	v53 =	vperm.xlane v20, v63;
	v59 =	vld [tilespmem:s17+$0x210]  }
0x125: {  	v52 =	vperm.xlane v19, v63;
	v17 =	vperm.xlane v26, v9;
	v44 =	vld [tilespmem:s17+$0xFFFFFFC0];
	[tilespmem:s18+$0x40] =	vst v41  }
0x126: {  	v56 =	vperm.xlane v16, v2;
	v58 =	vperm.xlane v18, v2;
	v43 =	vld [tilespmem:s17+$0x50]  }
0x127: {  	v17 =	vmul.f32 v55, v17;
	v0 =	vmul.f32 v57, v61;
	[tilespmem:s18+$0xD0] =	vst v15;
	v61 =	vld [tilespmem:s25+$0xFFFFFFC0]  }
0x128: {  	v55 =	vperm.xlane v26, v63;
	v15 =	vperm.xlane v21, v2;
	v49 =	vld [tilespmem:s17+$0xE0];
	v3 =	vadd.f32 v1, v54  }
0x129: {  	[tilespmem:s18+$0x160] =	vst v17;
	v17 =	vperm.xlane v18, v63;
	v42 =	vmul.f32 v47, v42;
	v47 =	vld [tilespmem:s25+$0xFFFFFFE0]  }
0x12a: {  	[tilespmem:s18+$0xFFFFFE00] =	vst v0;
	v40 =	vld [tilespmem:s17+$0x170];
	v15 =	vmul.f32 v59, v15;
	v54 =	vmul.f32 $2.000000030e-01, v3  }
0x12b: {  	v41 =	vperm.xlane v20, v2;
	v59 =	vperm.xlane v32, v2;
	v0 =	vimm.s32 $0x7;
	v51 =	vld [tilespmem:s17+$0xFFFFFE10]  }
0x12c: {  	v45 =	vmul.f32 v45, v17;
	v44 =	vmul.f32 v44, v50;
	v1 =	vld [tilespmem:s25+$0x0];
	[tilespmem:s18+$0x210] =	vst v15;
	v50 =	vmax.f32 v3, v54  }
0x12d: {  	v17 =	vperm.xlane v16, v0;
	v57 =	vld [tilespmem:s17+$0x220];
	v50 =	vmul.f32 $1.442695020e+00, v50  }
0x12e: {  	[tilespmem:s11+$0xF0] =	vst v31;
	v16 =	vperm.xlane v18, v0;
	v49 =	vmul.f32 v49, v53;
	v53 =	vld [tilespmem:s21+$0x80]  }
0x12f: {  	v18 =	vperm.xlane v32, v0;
	[tilespmem:s18+$0xFFFFFEA0] =	vst v45;
	v38 =	vadd.f32 v47, v38;
	v47 =	vld [tilespmem:s21+$0x1A0];
	(erf) = vpow2.f32 v50  }
0x130: {  	[tilespmem:s11+$0x60] =	vst v29;
	v21 =	vperm.xlane v21, v0;
	v43 =	vmul.f32 v43, v52;
	v52 =	vld [tilespmem:s17+$0xFFFFFEB0]  }
0x131: {  	[tilespmem:s11+$0xFFFFFE30] =	vst v22;
	v32 =	vmul.f32 v40, v55;
	v3 =	vmul.f32 $2.000000030e-01, v35;
	v55 =	vld [tilespmem:s25+$0x20]  }
0x132: {  	[tilespmem:s11+$0xFFFFFFD0] =	vst v28;
	v15 =	vperm.xlane v26, v2;
	v54 =	vmul.f32 $2.000000030e-01, v38  }
0x133: {  	[tilespmem:s11+$0xFFFFFF40] =	vst v46;
	v48 =	vmul.f32 v51, v48;
	v23 =	vmax.f32 v35, v3;
	v21 =	vmul.f32 v57, v21  }
0x134: {  	[tilespmem:s18+$0xFFFFFF30] =	vst v42;
	v3 =	vld [tilespmem:s20+$0xFFFFFF50];
	v57 =	vmax.f32 v38, v54;
	v23 =	vmul.f32 $1.442695020e+00, v23;
	v40 =	vadd.f32 v1, v53  }
0x135: {  	[tilespmem:s18+$0x50] =	vst v43;
	v54 =	vld [tilespmem:s17+$0xFFFFFF40];
	v1 =	vmul.f32 $1.442695020e+00, v57;
	v53 =	vadd.f32 v61, v24;
	v38 =	vmul.f32 v52, v58  }
0x136: {  	[tilespmem:s18+$0xFFFFFE10] =	vst v48;
	(erf) = vpow2.f32 v23;
	v23 =	vadd.f32 v55, v47;
	v48 =	vmul.f32 $2.000000030e-01, v40  }
0x137: {  	s22 =	simm.s32 $0xA440;
	v22 =	vld [tilespmem:s20+$0xFFFFFFE0];
	[tilespmem:s18+$0x220] =	vst v21;
	v21 =	vmax.f32 v37, v39;
	(erf) = vpow2.f32 v1;
	v57 =	vmul.f32 $2.000000030e-01, v53  }
0x138: {  	[tilespmem:s18+$0xE0] =	vst v49;
	v42 =	vld [tilespmem:s17+$0x60];
	v21 =	vmul.f32 $1.442695020e+00, v21;
	v55 =	vmul.f32 $2.000000030e-01, v23;
	v35 =	vmax.f32 v40, v48;
	v24 =	vpop (erf)  }
0x139: {  	v43 =	vld [tilespmem:s17+$0xF0];
	(erf) = vpow2.f32 v33;
	v28 =	vmul.f32 $1.442695020e+00, v35;
	[tilespmem:s22+$0x230] =	vst v24  }
0x13a: {  	[tilespmem:s18+$0x170] =	vst v32;
	v40 =	vmul.f32 v3, v25;
	v39 =	vmul.f32 v54, v59;
	v23 =	vmax.f32 v23, v55;
	v29 =	vld [tilespmem:s21+$0x1B0]  }
0x13b: {  	[tilespmem:s11+$0x180] =	vst v30;
	v31 =	vld [tilespmem:s17+$0x180];
	v23 =	vmul.f32 $1.442695020e+00, v23;
	(erf) = vpow2.f32 v28;
	v28 =	vmax.f32 v53, v57  }
0x13c: {  	v51 =	vld [tilespmem:s17+$0xFFFFFE20];
	[tilespmem:s18+$0xFFFFFEB0] =	vst v38;
	(erf) = vpow2.f32 v21;
	v21 =	vmul.f32 $1.442695020e+00, v28  }
0x13d: {  	[tilespmem:s11+$0xFFFFFEC0] =	vst v27;
	v38 =	vld [tilespmem:s17+$0xFFFFFEC0];
	(erf) = vpow2.f32 v23;
	v30 =	vperm.xlane v24, v62  }
0x13e: {  	[tilespmem:s18+$0xFFFFFFC0] =	vst v44;
	v25 =	vld [tilespmem:s20+$0x100];
	(erf) = vpow2.f32 v21;
	v21 =	vperm.xlane v19, v0  }
0x13f: {  	v35 =	vld [tilespmem:s17+$0xFFFFFFD0];
	[tilespmem:s11+$0xFFFFFF50] =	vst v40;
	v19 =	vperm.xlane v26, v0;
	v27 =	vpop (erf);
	v26 =	vmul.f32 v29, v30  }
0x140: {  	v14 =	vperm.xlane v14, v0;
	v20 =	vperm.xlane v20, v0;
	v40 =	vld [tilespmem:s20+$0x190];
	[tilespmem:s22+$0xFFFFFED0] =	vst v27  }
0x141: {  	v42 =	vmul.f32 v42, v36;
	v41 =	vmul.f32 v43, v41;
	[tilespmem:s18+$0xFFFFFF40] =	vst v39;
	v61 =	vld [tilespmem:s21+$0xFFFFFE50]  }
0x142: {  	v39 =	vld [tilespmem:s17+$0xFFFFFF50];
	v28 =	vmul.f32 v51, v56;
	v3 =	vperm.xlane v24, v6;
	v30 =	vpop (erf);
	[tilespmem:s22+$0x1B0] =	vst v26  }
0x143: {  	v60 =	vperm.xlane v27, v62;
	v45 =	vperm.xlane v27, v6;
	[tilespmem:s22+$0xFFFFFF60] =	vst v30;
	v47 =	vld [tilespmem:s21+$0x1C0];
	v26 =	vpop (erf)  }
0x144: {  	v46 =	vperm.xlane v27, v7;
	v48 =	vperm.xlane v30, v62;
	v50 =	vld [tilespmem:s21+$0xFFFFFEE0];
	[tilespmem:s22+$0xFFFFFFF0] =	vst v26;
	v29 =	vpop (erf)  }
0x145: {  	v49 =	vperm.xlane v30, v6;
	v54 =	vperm.xlane v30, v7;
	v1 =	vld [tilespmem:s21+$0xFFFFFF70];
	[tilespmem:s22+$0x80] =	vst v29;
	v32 =	vpop (erf)  }
0x146: {  	v44 =	vmul.f32 v61, v60;
	v0 =	vperm.xlane v26, v62;
	v55 =	vld [tilespmem:s21+$0x0];
	[tilespmem:s22+$0x110] =	vst v32;
	v33 =	vpop (erf)  }
0x147: {  	v52 =	vperm.xlane v26, v6;
	v57 =	vperm.xlane v26, v7;
	v60 =	vld [tilespmem:s21+$0x90];
	[tilespmem:s22+$0x1A0] =	vst v33;
	v37 =	vpop (erf)  }
0x148: {  	v61 =	vperm.xlane v29, v62;
	v47 =	vmul.f32 v47, v3;
	[tilespmem:s22+$0xFFFFFE40] =	vst v37;
	v56 =	vld [tilespmem:s21+$0x120]  }
0x149: {  	[tilespmem:s22+$0xFFFFFE50] =	vst v44;
	v48 =	vmul.f32 v50, v48;
	v50 =	vperm.xlane v29, v6;
	v44 =	vld [tilespmem:s21+$0xFFFFFDC0]  }
0x14a: {  	[tilespmem:s22+$0x1C0] =	vst v47;
	v51 =	vmul.f32 v1, v0;
	v0 =	vperm.xlane v32, v62;
	v1 =	vld [tilespmem:s21+$0xFFFFFE60]  }
0x14b: {  	v3 =	vperm.xlane v33, v62;
	[tilespmem:s22+$0xFFFFFEE0] =	vst v48;
	v48 =	vld [tilespmem:s21+$0x1D0];
	v55 =	vmul.f32 v55, v61  }
0x14c: {  	v61 =	vld [tilespmem:s21+$0xFFFFFEF0];
	v53 =	vmul.f32 v60, v0;
	v60 =	vperm.xlane v37, v62;
	[tilespmem:s22+$0xFFFFFF70] =	vst v51  }
0x14d: {  	v36 =	vperm.xlane v32, v2;
	[tilespmem:s22+$0x0] =	vst v55;
	v56 =	vmul.f32 v56, v3;
	v59 =	vld [tilespmem:s21+$0xFFFFFF80]  }
0x14e: {  	v62 =	vperm.xlane v24, v7;
	v44 =	vmul.f32 v44, v60;
	v3 =	vld [tilespmem:s21+$0x10];
	[tilespmem:s22+$0x90] =	vst v53  }
0x14f: {  	v47 =	vperm.xlane v37, v6;
	v45 =	vmul.f32 v1, v45;
	[tilespmem:s22+$0x120] =	vst v56;
	v0 =	vld [tilespmem:s21+$0xA0]  }
0x150: {  	v55 =	vperm.xlane v32, v6;
	v48 =	vmul.f32 v48, v62;
	[tilespmem:s22+$0xFFFFFDC0] =	vst v44;
	v60 =	vld [tilespmem:s21+$0x130]  }
0x151: {  	v1 =	vperm.xlane v33, v6;
	v49 =	vmul.f32 v61, v49;
	[tilespmem:s22+$0xFFFFFE60] =	vst v45;
	v61 =	vld [tilespmem:s21+$0xFFFFFDD0]  }
0x152: {  	v45 =	vperm.xlane v37, v7;
	[tilespmem:s22+$0x1D0] =	vst v48;
	v52 =	vmul.f32 v59, v52;
	v62 =	vld [tilespmem:s21+$0xFFFFFE70]  }
0x153: {  	v48 =	vperm.xlane v27, v8;
	[tilespmem:s22+$0xFFFFFEF0] =	vst v49;
	v50 =	vmul.f32 v3, v50;
	v3 =	vld [tilespmem:s21+$0x1E0]  }
0x154: {  	v59 =	vperm.xlane v29, v7;
	[tilespmem:s22+$0xFFFFFF80] =	vst v52;
	v55 =	vmul.f32 v0, v55;
	v0 =	vld [tilespmem:s21+$0xFFFFFF00]  }
0x155: {  	v49 =	vperm.xlane v32, v7;
	[tilespmem:s22+$0x10] =	vst v50;
	v44 =	vmul.f32 v60, v1;
	v1 =	vld [tilespmem:s21+$0xFFFFFF90]  }
0x156: {  	v47 =	vmul.f32 v61, v47;
	v60 =	vld [tilespmem:s21+$0x20];
	[tilespmem:s22+$0xA0] =	vst v55;
	v61 =	vperm.xlane v24, v8  }
0x157: {  	v52 =	vperm.xlane v33, v7;
	v46 =	vmul.f32 v62, v46;
	[tilespmem:s22+$0x130] =	vst v44;
	v62 =	vld [tilespmem:s21+$0xB0]  }
0x158: {  	v50 =	vperm.xlane v37, v8;
	[tilespmem:s22+$0xFFFFFDD0] =	vst v47;
	v55 =	vmul.f32 v3, v61;
	v3 =	vld [tilespmem:s21+$0x140]  }
0x159: {  	v47 =	vperm.xlane v30, v8;
	[tilespmem:s22+$0xFFFFFE70] =	vst v46;
	v54 =	vmul.f32 v0, v54;
	v0 =	vld [tilespmem:s21+$0xFFFFFDE0]  }
0x15a: {  	v46 =	vperm.xlane v26, v8;
	v53 =	vmul.f32 v1, v57;
	[tilespmem:s22+$0x1E0] =	vst v55;
	v1 =	vld [tilespmem:s21+$0xFFFFFE80]  }
0x15b: {  	v57 =	vperm.xlane v29, v8;
	[tilespmem:s22+$0xFFFFFF00] =	vst v54;
	v51 =	vmul.f32 v60, v59;
	v59 =	vld [tilespmem:s21+$0x1F0]  }
0x15c: {  	v55 =	vperm.xlane v27, v9;
	[tilespmem:s22+$0xFFFFFF90] =	vst v53;
	v44 =	vmul.f32 v62, v49;
	v49 =	vld [tilespmem:s21+$0xFFFFFF10]  }
0x15d: {  	v54 =	vperm.xlane v32, v8;
	[tilespmem:s22+$0x20] =	vst v51;
	v3 =	vmul.f32 v3, v52;
	v61 =	vld [tilespmem:s21+$0xFFFFFFA0]  }
0x15e: {  	v45 =	vmul.f32 v0, v45;
	v62 =	vld [tilespmem:s21+$0x30];
	[tilespmem:s22+$0xB0] =	vst v44;
	v0 =	vperm.xlane v24, v9  }
0x15f: {  	v60 =	vperm.xlane v37, v9;
	v48 =	vmul.f32 v1, v48;
	[tilespmem:s22+$0x140] =	vst v3;
	v1 =	vld [tilespmem:s21+$0xC0]  }
0x160: {  	v53 =	vperm.xlane v33, v8;
	[tilespmem:s22+$0xFFFFFDE0] =	vst v45;
	v44 =	vmul.f32 v59, v0;
	v58 =	vld [tilespmem:s21+$0x150]  }
0x161: {  	v52 =	vperm.xlane v32, v9;
	[tilespmem:s22+$0xFFFFFE80] =	vst v48;
	v47 =	vmul.f32 v49, v47;
	v3 =	vld [tilespmem:s21+$0xFFFFFDF0]  }
0x162: {  	v45 =	vperm.xlane v30, v9;
	v46 =	vmul.f32 v61, v46;
	[tilespmem:s22+$0x1F0] =	vst v44;
	v61 =	vld [tilespmem:s21+$0xFFFFFE90]  }
0x163: {  	v23 =	vld [tilespmem:s20+$0x70];
	v59 =	vperm.xlane v26, v9;
	v49 =	vperm.xlane v29, v9;
	[tilespmem:s22+$0xFFFFFF10] =	vst v47  }
0x164: {  	v62 =	vmul.f32 v62, v57;
	v0 =	vld [tilespmem:s21+$0x200];
	v47 =	vperm.xlane v37, v63;
	[tilespmem:s22+$0xFFFFFFA0] =	vst v46  }
0x165: {  	v46 =	vperm.xlane v33, v9;
	v51 =	vmul.f32 v1, v54;
	v57 =	vld [tilespmem:s21+$0xFFFFFFB0]  }
0x166: {  	v1 =	vld [tilespmem:s21+$0xFFFFFF20];
	[tilespmem:s22+$0x30] =	vst v62;
	v53 =	vmul.f32 v58, v53;
	v48 =	vmul.f32 v3, v50  }
0x167: {  	v58 =	vld [tilespmem:s21+$0x40];
	[tilespmem:s22+$0xC0] =	vst v51;
	v3 =	vperm.xlane v24, v63;
	v44 =	vmul.f32 v61, v55  }
0x168: {  	v50 =	vperm.xlane v26, v63;
	v51 =	vperm.xlane v32, v63;
	[tilespmem:s22+$0x150] =	vst v53;
	v53 =	vld [tilespmem:s21+$0xD0]  }
0x169: {  	v55 =	vperm.xlane v27, v63;
	v62 =	vmul.f32 v0, v3;
	v0 =	vld [tilespmem:s21+$0x160];
	[tilespmem:s22+$0xFFFFFE90] =	vst v44  }
0x16a: {  	v61 =	vperm.xlane v30, v63;
	[tilespmem:s22+$0xFFFFFDF0] =	vst v48;
	v57 =	vmul.f32 v57, v59;
	v59 =	vld [tilespmem:s21+$0xFFFFFEA0]  }
0x16b: {  	[tilespmem:s18+$0xFFFFFE20] =	vst v28;
	v48 =	vperm.xlane v29, v63;
	v1 =	vmul.f32 v1, v45;
	v3 =	vld [tilespmem:s21+$0xFFFFFE00]  }
0x16c: {  	v28 =	vld [tilespmem:s17+$0xFFFFFE30];
	v45 =	vperm.xlane v37, v2;
	v44 =	vperm.xlane v27, v2;
	[tilespmem:s22+$0x200] =	vst v62  }
0x16d: {  	v58 =	vmul.f32 v58, v49;
	v49 =	vperm.xlane v33, v63;
	v62 =	vld [tilespmem:s21+$0x210];
	[tilespmem:s22+$0xFFFFFF20] =	vst v1  }
0x16e: {  	v53 =	vmul.f32 v53, v52;
	[tilespmem:s22+$0xFFFFFFB0] =	vst v57;
	v63 =	vmul.f32 v0, v46;
	v0 =	vld [tilespmem:s21+$0xFFFFFF30]  }
0x16f: {  	v52 =	vmul.f32 v35, v34;
	[tilespmem:s22+$0x40] =	vst v58;
	v1 =	vmul.f32 v59, v55;
	v55 =	vld [tilespmem:s21+$0xFFFFFFC0]  }
0x170: {  	v60 =	vmul.f32 v3, v60;
	[tilespmem:s22+$0xD0] =	vst v53;
	v56 =	vld [tilespmem:s21+$0x50];
	v59 =	vperm.xlane v24, v2  }
0x171: {  	v6 =	vimm.s32 $0x0;
	v34 =	vperm.xlane v26, v2;
	v35 =	vperm.xlane v29, v2;
	[tilespmem:s22+$0x160] =	vst v63;
	v54 =	vld [tilespmem:s21+$0xE0]  }
0x172: {  	v7 =	vimm.s32 $0x1;
	v53 =	vperm.xlane v33, v2;
	[tilespmem:s22+$0xFFFFFE00] =	vst v60;
	v57 =	vld [tilespmem:s21+$0x170];
	v58 =	vmul.f32 v62, v59  }
0x173: {  	s26 =	simm.s32 $0x4EC0;
	s20 =	simm.s32 $0x10;
	v8 =	vimm.s32 $0x2;
	v46 =	vperm.xlane v30, v2;
	[tilespmem:s22+$0xFFFFFEA0] =	vst v1;
	v43 =	vld [tilespmem:s21+$0xFFFFFE10];
	v59 =	vmul.f32 v0, v61  }
.LBB2_5:
0x174: {  	v0 =	vld [tilespmem:s26+$0x230];
	v1 =	vmul.f32 v55, v50;
	[tilespmem:s22+$0x210] =	vst v58;
	v31 =	vmul.f32 v31, v15;
	v15 =	vmovc v53;
	v2 =	vimm.s32 $0x7  }
0x175: {  	s25 =	sadd.s32 $0x80, s25;
	v37 =	vperm.xlane v37, v2;
	[tilespmem:s22+$0xFFFFFF30] =	vst v59;
	v48 =	vmul.f32 v56, v48;
	v50 =	vld [tilespmem:s21+$0x220]  }
0x176: {  	s20 =	sadd.s32 $0x8, s20;
	v27 =	vperm.xlane v27, v2;
	v53 =	vld [tilespmem:s25+$0x30];
	[tilespmem:s22+$0xFFFFFFC0] =	vst v1;
	v1 =	vmul.f32 v54, v51  }
0x177: {  	p0 =	slt.u32 s20, $0x48;
	v30 =	vperm.xlane v30, v2;
	v51 =	vld [tilespmem:s25+$0xFFFFFFC0];
	[tilespmem:s22+$0x50] =	vst v48;
	v48 =	vmul.f32 v57, v49  }
0x178: {  	v49 =	vld [tilespmem:s26+$0xFFFFFED0];
	v43 =	vmul.f32 v43, v47;
	[tilespmem:s22+$0xE0] =	vst v1;
	v1 =	vperm.xlane v24, v2  }
0x179: {  	v26 =	vperm.xlane v26, v2;
	v29 =	vperm.xlane v29, v2;
	v24 =	vld [tilespmem:s25+$0xFFFFFFD0];
	[tilespmem:s22+$0x170] =	vst v48  }
0x17a: {  	v32 =	vperm.xlane v32, v2;
	v47 =	vld [tilespmem:s26+$0xFFFFFF60];
	[tilespmem:s22+$0xFFFFFE10] =	vst v43;
	v1 =	vmul.f32 v50, v1  }
0x17b: {  	v28 =	vmul.f32 v28, v17;
	v33 =	vperm.xlane v33, v2;
	v43 =	vld [tilespmem:s25+$0xFFFFFFE0];
	v0 =	vadd.f32 v53, v0;
	[tilespmem:s18+$0xFFFFFFD0] =	vst v52  }
0x17c: {  	v17 =	vmovc v37;
	v48 =	vld [tilespmem:s26+$0xFFFFFFF0];
	[tilespmem:s22+$0x220] =	vst v1;
	v1 =	vmul.f32 v38, v16;
	v38 =	vmul.f32 v39, v18;
	v16 =	vmov v27  }
0x17d: {  	v22 =	vmul.f32 v22, v10;
	v10 =	vmovc v14;
	v14 =	vmovc v26;
	v18 =	vmov v30;
	v27 =	vld [tilespmem:s25+$0xFFFFFFF0];
	v37 =	vmul.f32 $2.000000030e-01, v0;
	[tilespmem:s18+$0x60] =	vst v42  }
0x17e: {  	v23 =	vmul.f32 v23, v11;
	v25 =	vmul.f32 v25, v12;
	v24 =	vadd.f32 v24, v49;
	v26 =	vld [tilespmem:s26+$0x80];
	[tilespmem:s18+$0xF0] =	vst v41  }
0x17f: {  	v11 =	vmovc v21;
	v21 =	vmov v29;
	v30 =	vld [tilespmem:s25+$0x0];
	v0 =	vmax.f32 v0, v37;
	[tilespmem:s18+$0x180] =	vst v31;
	v31 =	vmul.f32 v40, v13  }
0x180: {  	v12 =	vmovc v20;
	v20 =	vmovc v32;
	v29 =	vmul.f32 $2.000000030e-01, v24;
	v37 =	vadd.f32 v43, v47;
	v39 =	vld [tilespmem:s26+$0x110];
	v0 =	vmul.f32 $1.442695020e+00, v0;
	[tilespmem:s18+$0xFFFFFE30] =	vst v28  }
0x181: {  	v13 =	vmov v19;
	v19 =	vmov v33;
	v28 =	vld [tilespmem:s25+$0x10];
	[tilespmem:s18+$0xFFFFFEC0] =	vst v1  }
0x182: {  	v1 =	vmul.f32 $2.000000030e-01, v37;
	v27 =	vadd.f32 v27, v48;
	v32 =	vld [tilespmem:s26+$0x1A0];
	(erf) = vpow2.f32 v0;
	[tilespmem:s18+$0xFFFFFF50] =	vst v38  }
0x183: {  	v0 =	vmax.f32 v24, v29;
	v24 =	vld [tilespmem:s25+$0x20];
	[tilespmem:s11+$0xFFFFFFE0] =	vst v22  }
0x184: {  	v22 =	vld [tilespmem:s26+$0xFFFFFE40];
	v1 =	vmax.f32 v37, v1;
	v29 =	vmul.f32 $2.000000030e-01, v27;
	v26 =	vadd.f32 v30, v26;
	[tilespmem:s11+$0x70] =	vst v23  }
0x185: {  	v0 =	vmul.f32 $1.442695020e+00, v0;
	v1 =	vmul.f32 $1.442695020e+00, v1;
	v23 =	vld [tilespmem:s21+$0xFFFFFE20];
	[tilespmem:s11+$0x100] =	vst v25  }
0x186: {  	v25 =	vmax.f32 v27, v29;
	v27 =	vmul.f32 $2.000000030e-01, v26;
	v28 =	vadd.f32 v28, v39;
	v29 =	vld [tilespmem:s21+$0xFFFFFEB0];
	[tilespmem:s11+$0x190] =	vst v31;
	s11 =	smov.u32 s18;
	s18 =	smov.u32 s22  }
0x187: {  	v25 =	vmul.f32 $1.442695020e+00, v25;
	(erf) = vpow2.f32 v0;
	v0 =	vld [tilespmem:s21+$0xFFFFFF40]  }
0x188: {  	v26 =	vmax.f32 v26, v27;
	v27 =	vmul.f32 $2.000000030e-01, v28;
	v30 =	vadd.f32 v24, v32;
	v43 =	vld [tilespmem:s21+$0xFFFFFFD0]  }
0x189: {  	v32 =	vadd.f32 v51, v22;
	v22 =	vmul.f32 $1.442695020e+00, v26;
	(erf) = vpow2.f32 v1;
	v42 =	vld [tilespmem:s21+$0x60]  }
0x18a: {  	s22 =	sadd.s32 $0x480, s22;
	v1 =	vmax.f32 v28, v27;
	v26 =	vmul.f32 $2.000000030e-01, v30;
	(erf) = vpow2.f32 v25;
	v41 =	vld [tilespmem:s21+$0xF0]  }
0x18b: {  	v25 =	vmul.f32 $2.000000030e-01, v32;
	v1 =	vmul.f32 $1.442695020e+00, v1;
	v24 =	vpop (erf);
	v31 =	vld [tilespmem:s21+$0x180]  }
0x18c: {  	v23 =	vmul.f32 v23, v45;
	v26 =	vmax.f32 v30, v26;
	[tilespmem:s22+$0x230] =	vst v24;
	(erf) = vpow2.f32 v22;
	v22 =	vld [tilespmem:s17+$0xFFFFFFE0]  }
0x18d: {  	v25 =	vmax.f32 v32, v25;
	v26 =	vmul.f32 $1.442695020e+00, v26;
	v30 =	vld [tilespmem:s26+$0x1B0];
	(erf) = vpow2.f32 v1  }
0x18e: {  	v1 =	vmul.f32 $1.442695020e+00, v25;
	[tilespmem:s18+$0xFFFFFE20] =	vst v23;
	v25 =	vmul.f32 v29, v44;
	v23 =	vld [tilespmem:s17+$0x70]  }
0x18f: {  	v0 =	vmul.f32 v0, v46;
	(erf) = vpow2.f32 v26;
	v28 =	vld [tilespmem:s21+$0xFFFFFE30]  }
0x190: {  	v2 =	vperm.xlane v24, v6;
	(erf) = vpow2.f32 v1;
	v27 =	vpop (erf);
	[tilespmem:s18+$0xFFFFFEB0] =	vst v25;
	v25 =	vld [tilespmem:s17+$0x100]  }
0x191: {  	[tilespmem:s22+$0xFFFFFED0] =	vst v27;
	v1 =	vperm.xlane v27, v6;
	v44 =	vperm.xlane v27, v7;
	v38 =	vld [tilespmem:s21+$0xFFFFFEC0]  }
0x192: {  	v45 =	vperm.xlane v27, v8;
	v33 =	vld [tilespmem:s26+$0xFFFFFE50];
	v2 =	vmul.f32 v30, v2;
	v30 =	vpop (erf);
	[tilespmem:s18+$0xFFFFFF40] =	vst v0  }
0x193: {  	[tilespmem:s22+$0xFFFFFF60] =	vst v30;
	v0 =	vperm.xlane v30, v6;
	v46 =	vperm.xlane v30, v7;
	v26 =	vpop (erf);
	v39 =	vld [tilespmem:s21+$0xFFFFFF50]  }
0x194: {  	v37 =	vld [tilespmem:s26+$0xFFFFFEE0];
	v47 =	vperm.xlane v26, v6;
	v48 =	vperm.xlane v26, v7;
	[tilespmem:s22+$0x1B0] =	vst v2  }
0x195: {  	v49 =	vperm.xlane v30, v8;
	v50 =	vperm.xlane v26, v8;
	[tilespmem:s22+$0xFFFFFFF0] =	vst v26;
	v51 =	vld [tilespmem:s26+$0x1C0];
	v29 =	vpop (erf)  }
0x196: {  	v52 =	vld [tilespmem:s26+$0xFFFFFF70];
	[tilespmem:s22+$0x80] =	vst v29;
	v53 =	vperm.xlane v29, v6;
	v54 =	vperm.xlane v29, v7;
	v32 =	vpop (erf)  }
0x197: {  	v1 =	vmul.f32 v33, v1;
	v55 =	vld [tilespmem:s26+$0x0];
	[tilespmem:s22+$0x110] =	vst v32;
	v56 =	vperm.xlane v32, v6  }
0x198: {  	v59 =	vperm.xlane v24, v7;
	v58 =	vperm.xlane v32, v7;
	v57 =	vld [tilespmem:s26+$0x90];
	v33 =	vpop (erf)  }
0x199: {  	v0 =	vmul.f32 v37, v0;
	[tilespmem:s22+$0x1A0] =	vst v33;
	v60 =	vperm.xlane v33, v6;
	v37 =	vpop (erf);
	v40 =	vld [tilespmem:s17+$0x190];
	s17 =	smov.u32 s21;
	s21 =	smov.u32 s26  }
0x19a: {  	[tilespmem:s22+$0xFFFFFE40] =	vst v37;
	v61 =	vperm.xlane v37, v6;
	v62 =	vld [tilespmem:s26+$0x120];
	v51 =	vmul.f32 v51, v59  }
0x19b: {  	v63 =	vperm.xlane v37, v7;
	v59 =	vld [tilespmem:s26+$0xFFFFFDC0];
	[tilespmem:s22+$0xFFFFFE50] =	vst v1;
	v1 =	vmul.f32 v52, v47  }
0x19c: {  	v47 =	vld [tilespmem:s26+$0xFFFFFE60];
	v52 =	vmul.f32 v55, v53;
	v53 =	vperm.xlane v33, v7;
	[tilespmem:s22+$0x1C0] =	vst v51  }
0x19d: {  	v51 =	vperm.xlane v37, v8;
	[tilespmem:s22+$0xFFFFFEE0] =	vst v0;
	v0 =	vmul.f32 v57, v56;
	v55 =	vld [tilespmem:s26+$0x1D0]  }
0x19e: {  	v57 =	vperm.xlane v32, v8;
	v56 =	vld [tilespmem:s26+$0xFFFFFEF0];
	[tilespmem:s22+$0xFFFFFF70] =	vst v1;
	v1 =	vperm.xlane v29, v8  }
0x19f: {  	v2 =	vld [tilespmem:s26+$0xFFFFFF80];
	[tilespmem:s22+$0x0] =	vst v52;
	v52 =	vmul.f32 v62, v60;
	v60 =	vperm.xlane v33, v8  }
0x1a0: {  	v3 =	vimm.s32 $0x3;
	v59 =	vmul.f32 v59, v61;
	v61 =	vld [tilespmem:s26+$0x10];
	[tilespmem:s22+$0x90] =	vst v0;
	v0 =	vperm.xlane v24, v8  }
0x1a1: {  	v62 =	vperm.xlane v37, v3;
	v44 =	vmul.f32 v47, v44;
	v47 =	vld [tilespmem:s26+$0xA0];
	[tilespmem:s22+$0x120] =	vst v52  }
0x1a2: {  	v52 =	vperm.xlane v27, v3;
	[tilespmem:s22+$0xFFFFFDC0] =	vst v59;
	v59 =	vld [tilespmem:s26+$0x130];
	v0 =	vmul.f32 v55, v0  }
0x1a3: {  	v55 =	vld [tilespmem:s26+$0xFFFFFDD0];
	[tilespmem:s22+$0xFFFFFE60] =	vst v44;
	v44 =	vmul.f32 v56, v46;
	v46 =	vperm.xlane v30, v3  }
0x1a4: {  	v56 =	vld [tilespmem:s26+$0xFFFFFE70];
	v2 =	vmul.f32 v2, v48;
	v48 =	vperm.xlane v26, v3;
	[tilespmem:s22+$0x1D0] =	vst v0  }
0x1a5: {  	[tilespmem:s22+$0xFFFFFEF0] =	vst v44;
	v0 =	vmul.f32 v61, v54;
	v44 =	vperm.xlane v29, v3;
	v54 =	vld [tilespmem:s26+$0x1E0]  }
0x1a6: {  	v61 =	vld [tilespmem:s26+$0xFFFFFF00];
	[tilespmem:s22+$0xFFFFFF80] =	vst v2;
	v2 =	vmul.f32 v47, v58;
	v58 =	vperm.xlane v32, v3  }
0x1a7: {  	v47 =	vld [tilespmem:s26+$0xFFFFFF90];
	[tilespmem:s22+$0x10] =	vst v0;
	v0 =	vmul.f32 v59, v53;
	v53 =	vperm.xlane v33, v3  }
0x1a8: {  	v4 =	vimm.s32 $0x4;
	v55 =	vmul.f32 v55, v63;
	v59 =	vld [tilespmem:s26+$0x20];
	[tilespmem:s22+$0xA0] =	vst v2;
	v2 =	vperm.xlane v24, v3  }
0x1a9: {  	v63 =	vperm.xlane v37, v4;
	v45 =	vmul.f32 v56, v45;
	v56 =	vld [tilespmem:s26+$0xB0];
	[tilespmem:s22+$0x130] =	vst v0  }
0x1aa: {  	v0 =	vperm.xlane v27, v4;
	[tilespmem:s22+$0xFFFFFDD0] =	vst v55;
	v55 =	vld [tilespmem:s26+$0x140];
	v2 =	vmul.f32 v54, v2  }
0x1ab: {  	v54 =	vld [tilespmem:s26+$0xFFFFFDE0];
	[tilespmem:s22+$0xFFFFFE70] =	vst v45;
	v45 =	vmul.f32 v61, v49;
	v61 =	vperm.xlane v30, v4  }
0x1ac: {  	v3 =	vperm.xlane v26, v4;
	v49 =	vld [tilespmem:s26+$0xFFFFFE80];
	v47 =	vmul.f32 v47, v50;
	[tilespmem:s22+$0x1E0] =	vst v2  }
0x1ad: {  	v2 =	vperm.xlane v29, v4;
	[tilespmem:s22+$0xFFFFFF00] =	vst v45;
	v1 =	vmul.f32 v59, v1;
	v45 =	vld [tilespmem:s26+$0x1F0]  }
0x1ae: {  	v50 =	vld [tilespmem:s26+$0xFFFFFF10];
	[tilespmem:s22+$0xFFFFFF90] =	vst v47;
	v47 =	vmul.f32 v56, v57;
	v56 =	vperm.xlane v32, v4  }
0x1af: {  	v59 =	vperm.xlane v33, v4;
	v57 =	vld [tilespmem:s26+$0xFFFFFFA0];
	[tilespmem:s22+$0x20] =	vst v1;
	v1 =	vmul.f32 v55, v60  }
0x1b0: {  	v9 =	vimm.s32 $0x5;
	v55 =	vperm.xlane v24, v4;
	v51 =	vmul.f32 v54, v51;
	v54 =	vld [tilespmem:s26+$0x30];
	[tilespmem:s22+$0xB0] =	vst v47  }
0x1b1: {  	v47 =	vperm.xlane v37, v9;
	v49 =	vmul.f32 v49, v52;
	v52 =	vld [tilespmem:s26+$0xC0];
	[tilespmem:s22+$0x140] =	vst v1  }
0x1b2: {  	v1 =	vperm.xlane v27, v9;
	[tilespmem:s22+$0xFFFFFDE0] =	vst v51;
	v60 =	vld [tilespmem:s26+$0x150];
	v45 =	vmul.f32 v45, v55  }
0x1b3: {  	v4 =	vperm.xlane v30, v9;
	v55 =	vld [tilespmem:s26+$0xFFFFFDF0];
	[tilespmem:s22+$0xFFFFFE80] =	vst v49;
	v46 =	vmul.f32 v50, v46  }
0x1b4: {  	v50 =	vperm.xlane v26, v9;
	v5 =	vld [tilespmem:s26+$0xFFFFFE90];
	v49 =	vmul.f32 v57, v48;
	[tilespmem:s22+$0x1F0] =	vst v45  }
0x1b5: {  	v48 =	vperm.xlane v29, v9;
	[tilespmem:s22+$0xFFFFFF10] =	vst v46;
	v44 =	vmul.f32 v54, v44;
	v46 =	vld [tilespmem:s26+$0x200]  }
0x1b6: {  	v51 =	vperm.xlane v32, v9;
	v54 =	vld [tilespmem:s26+$0xFFFFFF20];
	[tilespmem:s22+$0xFFFFFFA0] =	vst v49;
	v45 =	vmul.f32 v52, v58  }
0x1b7: {  	v49 =	vperm.xlane v33, v9;
	v52 =	vld [tilespmem:s26+$0xFFFFFFB0];
	[tilespmem:s22+$0x30] =	vst v44;
	v44 =	vmul.f32 v60, v53  }
0x1b8: {  	v57 =	vperm.xlane v24, v9;
	v9 =	vimm.s32 $0x6;
	v53 =	vmul.f32 v55, v62;
	v55 =	vld [tilespmem:s26+$0x40];
	[tilespmem:s22+$0xC0] =	vst v45  }
0x1b9: {  	v45 =	vperm.xlane v37, v9;
	v0 =	vmul.f32 v5, v0;
	v5 =	vld [tilespmem:s26+$0xD0];
	[tilespmem:s22+$0x150] =	vst v44  }
0x1ba: {  	v44 =	vperm.xlane v27, v9;
	[tilespmem:s22+$0xFFFFFDF0] =	vst v53;
	v53 =	vld [tilespmem:s26+$0x160];
	v57 =	vmul.f32 v46, v57  }
0x1bb: {  	v46 =	vperm.xlane v30, v9;
	v58 =	vld [tilespmem:s26+$0xFFFFFE00];
	[tilespmem:s22+$0xFFFFFE90] =	vst v0;
	v0 =	vmul.f32 v54, v61  }
0x1bc: {  	v60 =	vperm.xlane v26, v9;
	v54 =	vld [tilespmem:s26+$0xFFFFFEA0];
	v3 =	vmul.f32 v52, v3;
	[tilespmem:s22+$0x200] =	vst v57  }
0x1bd: {  	[tilespmem:s22+$0xFFFFFF20] =	vst v0;
	v0 =	vmul.f32 v55, v2;
	v2 =	vperm.xlane v29, v9;
	v61 =	vld [tilespmem:s26+$0x210]  }
0x1be: {  	v62 =	vld [tilespmem:s26+$0xFFFFFF30];
	[tilespmem:s22+$0xFFFFFFB0] =	vst v3;
	v3 =	vmul.f32 v5, v56;
	v5 =	vperm.xlane v32, v9  }
.Ltmp1:
0x1bf: {  	v55 =	vld [tilespmem:s26+$0xFFFFFFC0];
	[tilespmem:s22+$0x40] =	vst v0;
	v0 =	vmul.f32 v53, v59;
	v53 =	vperm.xlane v33, v9;
	(pc) =	sbr.rel @p0 .LBB2_5-.Ltmp1, $4  }
0x1c0: {  	v57 =	vmul.f32 v58, v63;
	v56 =	vld [tilespmem:s26+$0x50];
	[tilespmem:s22+$0xD0] =	vst v3;
	v3 =	vperm.xlane v24, v9  }
0x1c1: {  	v52 =	vmul.f32 v43, v34;
	v34 =	vmov v60;
	v1 =	vmul.f32 v54, v1;
	v54 =	vld [tilespmem:s26+$0xE0];
	[tilespmem:s22+$0x160] =	vst v0  }
0x1c2: {  	v42 =	vmul.f32 v42, v35;
	v35 =	vmov v2;
	[tilespmem:s22+$0xFFFFFE00] =	vst v57;
	v57 =	vld [tilespmem:s26+$0x170];
	v58 =	vmul.f32 v61, v3  }
0x1c3: {  	v41 =	vmul.f32 v41, v36;
	v36 =	vmov v5;
	s26 =	sadd.s32 $0x480, s26;
	v43 =	vld [tilespmem:s21+$0xFFFFFE10];
	[tilespmem:s22+$0xFFFFFEA0] =	vst v1;
	v59 =	vmul.f32 v62, v4  }
0x1c4: {  	[tilespmem:s22+$0x210] =	vst v58  }
0x1c5: {  	[tilespmem:s18+$0xFFFFFFD0] =	vst v52  }
0x1c6: {  	v0 =	vmul.f32 v55, v50;
	[tilespmem:s18+$0x60] =	vst v42;
	v2 =	vld [tilespmem:s21+$0x220]  }
0x1c7: {  	[tilespmem:s22+$0xFFFFFF30] =	vst v59;
	v1 =	vmul.f32 v56, v48  }
0x1c8: {  	v9 =	vimm.s32 $0x7;
	[tilespmem:s22+$0xFFFFFFC0] =	vst v0;
	v62 =	vmul.f32 v54, v51  }
0x1c9: {  	v48 =	vperm.xlane v24, v9;
	[tilespmem:s22+$0x50] =	vst v1;
	v63 =	vmul.f32 v57, v49  }
0x1ca: {  	v3 =	vmul.f32 v43, v47;
	[tilespmem:s22+$0xE0] =	vst v62  }
0x1cb: {  	[tilespmem:s22+$0x170] =	vst v63;
	v0 =	vmul.f32 v2, v48  }
0x1cc: {  	[tilespmem:s22+$0xFFFFFE10] =	vst v3  }
0x1cd: {  	v49 =	vmul.f32 v31, v15;
	[tilespmem:s22+$0x220] =	vst v0  }
0x1ce: {  	v50 =	vmul.f32 v28, v17;
	[tilespmem:s18+$0xF0] =	vst v41  }
0x1cf: {  	v51 =	vmul.f32 v38, v16;
	[tilespmem:s18+$0x180] =	vst v49;
	v52 =	vld [tilespmem:s21+$0xFFFFFE20]  }
0x1d0: {  	v4 =	vmul.f32 v22, v10;
	[tilespmem:s18+$0xFFFFFE30] =	vst v50;
	v55 =	vld [tilespmem:s21+$0xFFFFFEB0]  }
0x1d1: {  	v5 =	vmul.f32 v23, v11;
	[tilespmem:s18+$0xFFFFFEC0] =	vst v51;
	v56 =	vld [tilespmem:s21+$0xFFFFFF40]  }
0x1d2: {  	v54 =	vmul.f32 v39, v18;
	[tilespmem:s11+$0xFFFFFFE0] =	vst v4;
	v4 =	vld [tilespmem:s21+$0xFFFFFFD0]  }
0x1d3: {  	v57 =	vmul.f32 v25, v12;
	[tilespmem:s11+$0x70] =	vst v5;
	v5 =	vld [tilespmem:s21+$0x60]  }
0x1d4: {  	v60 =	vmul.f32 v40, v13;
	[tilespmem:s18+$0xFFFFFF50] =	vst v54;
	v58 =	vld [tilespmem:s21+$0xF0]  }
0x1d5: {  	[tilespmem:s11+$0x100] =	vst v57;
	v10 =	vld [tilespmem:s21+$0x180];
	v0 =	vmul.f32 v52, v45  }
0x1d6: {  	[tilespmem:s11+$0x190] =	vst v60;
	v12 =	vld [tilespmem:s17+$0xFFFFFFE0];
	v1 =	vmul.f32 v55, v44  }
0x1d7: {  	v59 =	vmul.f32 v56, v46;
	v61 =	vmul.f32 v4, v34;
	v34 =	vld [tilespmem:s17+$0x190];
	[tilespmem:s22+$0xFFFFFE20] =	vst v0  }
0x1d8: {  	[tilespmem:s22+$0xFFFFFEB0] =	vst v1;
	v11 =	vld [tilespmem:s21+$0xFFFFFE30]  }
0x1d9: {  	v4 =	vmul.f32 v5, v35;
	[tilespmem:s22+$0xFFFFFF40] =	vst v59;
	v1 =	vld [tilespmem:s21+$0xFFFFFEC0]  }
0x1da: {  	v3 =	vmul.f32 v58, v36;
	[tilespmem:s22+$0xFFFFFFD0] =	vst v61;
	v62 =	vld [tilespmem:s21+$0xFFFFFF50]  }
0x1db: {  	v5 =	vperm.xlane v37, v9;
	v10 =	vmul.f32 v10, v53;
	[tilespmem:s22+$0x60] =	vst v4  }
0x1dc: {  	v63 =	vperm.xlane v27, v9;
	v13 =	vld [tilespmem:s17+$0x70];
	[tilespmem:s22+$0xF0] =	vst v3;
	v3 =	vmul.f32 v34, v19  }
0x1dd: {  	v15 =	vld [tilespmem:s17+$0x100];
	v4 =	vperm.xlane v30, v9;
	[tilespmem:s22+$0x180] =	vst v10;
	v5 =	vmul.f32 v11, v5  }
0x1de: {  	v36 =	vld [tilespmem:s21+$0xFFFFFFE0];
	[tilespmem:s18+$0x190] =	vst v3;
	v0 =	vmul.f32 v1, v63  }
0x1df: {  	v37 =	vld [tilespmem:s21+$0x70];
	v35 =	vmul.f32 v62, v4;
	v4 =	vmul.f32 v12, v14;
	[tilespmem:s22+$0xFFFFFE30] =	vst v5  }
0x1e0: {  	v38 =	vld [tilespmem:s21+$0x100];
	[tilespmem:s22+$0xFFFFFEC0] =	vst v0  }
0x1e1: {  	v10 =	vperm.xlane v26, v9;
	v5 =	vmul.f32 v13, v21;
	[tilespmem:s18+$0xFFFFFFE0] =	vst v4;
	v4 =	vld [tilespmem:s21+$0x190]  }
0x1e2: {  	v11 =	vmul.f32 v15, v20;
	v12 =	vperm.xlane v29, v9;
	[tilespmem:s22+$0xFFFFFF50] =	vst v35  }
0x1e3: {  	v2 =	vmul.f32 v36, v10;
	[tilespmem:s18+$0x70] =	vst v5;
	v5 =	vperm.xlane v32, v9  }
0x1e4: {  	v10 =	vperm.xlane v33, v9;
	[tilespmem:s18+$0x100] =	vst v11;
	v0 =	vmul.f32 v37, v12  }
0x1e5: {  	[tilespmem:s22+$0xFFFFFFE0] =	vst v2;
	v1 =	vmul.f32 v38, v5  }
0x1e6: {  	[tilespmem:s22+$0x70] =	vst v0;
	v39 =	vmul.f32 v4, v10  }
0x1e7: {  	[tilespmem:s22+$0x100] =	vst v1  }
0x1e8: {  	[tilespmem:s22+$0x190] =	vst v39  }
0x1e9: {  	[spmem:s2] =	stream.indirect.scatter.add.f32 [tilespmem:s15], [sflag:$0x5], $0x90, s14, s19, $0xb8;
	[tilespmem:$0x183C0] =	vst v63  }
0x1ea: {  	_ =	swait.ge [sflag:s16], $0x2D00  }
0x1eb: {  	[sflag:s16] =	ssyncset.done $0x0  }
0x1ec: {  	[sflag:s16] =	ssyncadd.s32 $0xFFFFD300  }
0x1ed: {  	_ =	swait.ge [sflag:s23], $0x500  }
0x1ee: {  	[sflag:s23] =	ssyncset.done $0x0  }
0x1ef: {  	[sflag:s23] =	ssyncadd.s32 $0xFFFFFB00  }
0x1f0: {  	_ =	swait.ge [sflag:s24], $0x2D00  }
0x1f1: {  	[sflag:s24] =	ssyncset.done $0x0  }
0x1f2: {  	s20 =	simm.s32 $0x6E40;
	[sflag:s24] =	ssyncadd.s32 $0xFFFFD300  }
0x1f3: {  	s25 =	simm.s32 $0xCB40;
	v40 =	vld [tilespmem:s20+$0x230]  }
0x1f4: {  	v41 =	vld [tilespmem:s25+$0x30]  }
0x1f5: {  	v43 =	vld [tilespmem:s20+$0xFFFFFED0]  }
0x1f6: {  	v4 =	vld [tilespmem:s25+$0xFFFFFFD0]  }
0x1f7: {  	v5 =	vld [tilespmem:s20+$0xFFFFFF60]  }
0x1f8: {  	v10 =	vld [tilespmem:s25+$0xFFFFFFE0]  }
0x1f9: {  	v44 =	vld [tilespmem:s20+$0xFFFFFFF0]  }
0x1fa: {  	v11 =	vld [tilespmem:s25+$0xFFFFFFF0];
	v0 =	vadd.f32 v41, v40  }
0x1fb: {  	v13 =	vld [tilespmem:s20+$0x80]  }
0x1fc: {  	v14 =	vld [tilespmem:s25+$0x0];
	v3 =	vadd.f32 v4, v43;
	v12 =	vmul.f32 $2.000000030e-01, v0  }
0x1fd: {  	v4 =	vld [tilespmem:s20+$0x110]  }
0x1fe: {  	v5 =	vadd.f32 v10, v5;
	v10 =	vld [tilespmem:s25+$0x10];
	v0 =	vmax.f32 v0, v12;
	v12 =	vmul.f32 $2.000000030e-01, v3  }
0x1ff: {  	v15 =	vld [tilespmem:s20+$0x1A0];
	v0 =	vmul.f32 $1.442695020e+00, v0  }
0x200: {  	v1 =	vadd.f32 v11, v44;
	v11 =	vld [tilespmem:s25+$0x20];
	v45 =	vmul.f32 $2.000000030e-01, v5;
	v3 =	vmax.f32 v3, v12  }
0x201: {  	(erf) = vpow2.f32 v0;
	v3 =	vmul.f32 $1.442695020e+00, v3  }
0x202: {  	v42 =	vld [tilespmem:s25+$0xFFFFFFC0];
	v0 =	vmax.f32 v5, v45  }
0x203: {  	v4 =	vadd.f32 v10, v4;
	v12 =	vld [tilespmem:s20+$0xFFFFFE40];
	v0 =	vmul.f32 $1.442695020e+00, v0;
	(erf) = vpow2.f32 v3  }
0x204: {  	v13 =	vadd.f32 v14, v13;
	v5 =	vmul.f32 $2.000000030e-01, v1  }
0x205: {  	v46 =	vadd.f32 v11, v15;
	v10 =	vmul.f32 $2.000000030e-01, v4;
	(erf) = vpow2.f32 v0  }
0x206: {  	v1 =	vmax.f32 v1, v5;
	v5 =	vmul.f32 $2.000000030e-01, v13  }
0x207: {  	v11 =	vmul.f32 $2.000000030e-01, v46;
	v47 =	vmax.f32 v4, v10  }
0x208: {  	v1 =	vmul.f32 $1.442695020e+00, v1;
	v5 =	vmax.f32 v13, v5;
	v2 =	vadd.f32 v42, v12  }
0x209: {  	v0 =	vmul.f32 $1.442695020e+00, v47;
	v5 =	vmul.f32 $1.442695020e+00, v5  }
0x20a: {  	s11 =	simm.s32 $0x9B40;
	v4 =	vmul.f32 $2.000000030e-01, v2;
	v10 =	vpop (erf);
	(erf) = vpow2.f32 v1  }
0x20b: {  	v48 =	vmax.f32 v46, v11;
	[tilespmem:s11+$0x230] =	vst v10;
	(erf) = vpow2.f32 v5  }
0x20c: {  	v2 =	vmax.f32 v2, v4;
	v1 =	vmul.f32 $1.442695020e+00, v48;
	v49 =	vld [tilespmem:s20+$0x1B0];
	(erf) = vpow2.f32 v0;
	v12 =	vpop (erf)  }
0x20d: {  	v50 =	vmul.f32 $1.442695020e+00, v2;
	[tilespmem:s11+$0xFFFFFED0] =	vst v12  }
0x20e: {  	s17 =	simm.s32 $0x72C0;
	(erf) = vpow2.f32 v1;
	v14 =	vpop (erf);
	v53 =	vld [tilespmem:s20+$0xFFFFFE50]  }
0x20f: {  	v23 =	vld [tilespmem:s17+$0xFFFFFED0];
	v51 =	vperm.xlane v10, v6;
	(erf) = vpow2.f32 v50;
	[tilespmem:s11+$0xFFFFFF60] =	vst v14  }
0x210: {  	s26 =	simm.s32 $0xCBC0;
	v54 =	vld [tilespmem:s20+$0xFFFFFEE0]  }
0x211: {  	v26 =	vld [tilespmem:s26+$0xFFFFFFD0];
	v55 =	vperm.xlane v12, v6;
	v52 =	vmul.f32 v49, v51  }
0x212: {  	v29 =	vld [tilespmem:s17+$0xFFFFFF60]  }
0x213: {  	v19 =	vperm.xlane v14, v6;
	[tilespmem:s11+$0x1B0] =	vst v52;
	v11 =	vpop (erf);
	v1 =	vmul.f32 v53, v55;
	v55 =	vld [tilespmem:s26+$0xFFFFFFE0]  }
0x214: {  	v0 =	vld [tilespmem:s20+$0x1C0];
	[tilespmem:s11+$0xFFFFFFF0] =	vst v11;
	v15 =	vpop (erf)  }
0x215: {  	v2 =	vmul.f32 v54, v19;
	v4 =	vld [tilespmem:s20+$0xFFFFFF70];
	[tilespmem:s11+$0x80] =	vst v15;
	v16 =	vpop (erf)  }
0x216: {  	v5 =	vld [tilespmem:s20+$0x0];
	[tilespmem:s11+$0x110] =	vst v16  }
0x217: {  	v13 =	vpop (erf);
	[tilespmem:s11+$0xFFFFFEE0] =	vst v2;
	v56 =	vld [tilespmem:s20+$0x90]  }
0x218: {  	v18 =	vperm.xlane v10, v7;
	[tilespmem:s11+$0x1A0] =	vst v13;
	v17 =	vpop (erf);
	v60 =	vld [tilespmem:s20+$0xFFFFFEF0]  }
0x219: {  	v20 =	vperm.xlane v11, v6;
	[tilespmem:s11+$0xFFFFFE40] =	vst v17;
	v21 =	vld [tilespmem:s20+$0x120]  }
0x21a: {  	[tilespmem:s11+$0xFFFFFE50] =	vst v1;
	v0 =	vmul.f32 v0, v18;
	v18 =	vperm.xlane v15, v6;
	v19 =	vld [tilespmem:s20+$0xFFFFFDC0]  }
0x21b: {  	v23 =	vadd.f32 v26, v23;
	v57 =	vperm.xlane v16, v6;
	v4 =	vmul.f32 v4, v20;
	v20 =	vld [tilespmem:s20+$0xFFFFFE60]  }
0x21c: {  	v58 =	vperm.xlane v13, v6;
	v26 =	vadd.f32 v55, v29;
	v29 =	vld [tilespmem:s26+$0x10];
	[tilespmem:s11+$0x1C0] =	vst v0;
	v5 =	vmul.f32 v5, v18  }
0x21d: {  	v18 =	vperm.xlane v17, v6;
	v59 =	vld [tilespmem:s20+$0x1D0];
	v1 =	vmul.f32 v56, v57;
	[tilespmem:s11+$0xFFFFFF70] =	vst v4  }
0x21e: {  	v4 =	vperm.xlane v12, v7;
	v22 =	vld [tilespmem:s20+$0xFFFFFF80];
	[tilespmem:s11+$0x0] =	vst v5;
	v0 =	vmul.f32 v21, v58  }
0x21f: {  	v5 =	vmul.f32 v19, v18;
	v18 =	vld [tilespmem:s20+$0x10];
	[tilespmem:s11+$0x90] =	vst v1  }
0x220: {  	v61 =	vperm.xlane v10, v8;
	v4 =	vmul.f32 v20, v4;
	v20 =	vld [tilespmem:s20+$0xA0];
	[tilespmem:s11+$0x120] =	vst v0  }
0x221: {  	v19 =	vperm.xlane v14, v7;
	[tilespmem:s11+$0xFFFFFDC0] =	vst v5;
	v5 =	vld [tilespmem:s20+$0x130]  }
0x222: {  	v62 =	vperm.xlane v11, v7;
	v1 =	vmul.f32 v59, v61;
	v21 =	vld [tilespmem:s20+$0xFFFFFDD0]  }
0x223: {  	v63 =	vperm.xlane v15, v7;
	v3 =	vmul.f32 v60, v19;
	[tilespmem:s11+$0xFFFFFE60] =	vst v4;
	v61 =	vld [tilespmem:s17+$0xFFFFFFF0]  }
0x224: {  	v4 =	vperm.xlane v16, v7;
	v19 =	vld [tilespmem:s20+$0xFFFFFE70];
	v0 =	vmul.f32 v22, v62;
	[tilespmem:s11+$0x1D0] =	vst v1  }
0x225: {  	[tilespmem:s11+$0xFFFFFEF0] =	vst v3;
	v2 =	vmul.f32 v18, v63;
	v18 =	vperm.xlane v17, v7;
	v33 =	vld [tilespmem:s20+$0x1E0]  }
0x226: {  	v32 =	vperm.xlane v13, v7;
	v22 =	vld [tilespmem:s20+$0xFFFFFF00];
	[tilespmem:s11+$0xFFFFFF80] =	vst v0;
	v34 =	vmul.f32 v20, v4  }
0x227: {  	v57 =	vimm.s32 $0x3;
	v4 =	vperm.xlane v12, v8;
	v20 =	vld [tilespmem:s20+$0xFFFFFF90];
	[tilespmem:s11+$0x10] =	vst v2;
	v35 =	vmul.f32 v21, v18  }
0x228: {  	v36 =	vperm.xlane v10, v57;
	v1 =	vmul.f32 v5, v32;
	v5 =	vld [tilespmem:s20+$0x20];
	[tilespmem:s11+$0xA0] =	vst v34  }
0x229: {  	v18 =	vperm.xlane v14, v8;
	v4 =	vmul.f32 v19, v4;
	v19 =	vld [tilespmem:s20+$0xB0];
	[tilespmem:s11+$0xFFFFFDD0] =	vst v35  }
0x22a: {  	v37 =	vperm.xlane v11, v8;
	[tilespmem:s11+$0x130] =	vst v1;
	v0 =	vmul.f32 v33, v36;
	v21 =	vld [tilespmem:s20+$0xFFFFFDE0]  }
0x22b: {  	v39 =	vperm.xlane v15, v8;
	v38 =	vld [tilespmem:s20+$0x140];
	[tilespmem:s11+$0xFFFFFE70] =	vst v4;
	v4 =	vmul.f32 v22, v18  }
0x22c: {  	v18 =	vperm.xlane v16, v8;
	v22 =	vld [tilespmem:s20+$0xFFFFFE80];
	v1 =	vmul.f32 v20, v37;
	[tilespmem:s11+$0x1E0] =	vst v0  }
0x22d: {  	[tilespmem:s11+$0xFFFFFF00] =	vst v4;
	v3 =	vmul.f32 v5, v39;
	v5 =	vperm.xlane v17, v8;
	v4 =	vld [tilespmem:s20+$0x1F0]  }
0x22e: {  	v40 =	vperm.xlane v13, v8;
	v20 =	vld [tilespmem:s20+$0xFFFFFF10];
	[tilespmem:s11+$0xFFFFFF90] =	vst v1;
	v41 =	vmul.f32 v19, v18  }
0x22f: {  	v56 =	vimm.s32 $0x4;
	v18 =	vperm.xlane v12, v57;
	v19 =	vld [tilespmem:s20+$0xFFFFFFA0];
	[tilespmem:s11+$0x20] =	vst v3;
	v42 =	vmul.f32 v21, v5  }
0x230: {  	v43 =	vperm.xlane v10, v56;
	v0 =	vmul.f32 v38, v40;
	v3 =	vld [tilespmem:s20+$0x30];
	[tilespmem:s11+$0xB0] =	vst v41  }
0x231: {  	v5 =	vperm.xlane v14, v57;
	v18 =	vmul.f32 v22, v18;
	v21 =	vld [tilespmem:s20+$0xC0];
	[tilespmem:s11+$0xFFFFFDE0] =	vst v42  }
0x232: {  	v44 =	vperm.xlane v11, v57;
	v46 =	vperm.xlane v13, v57;
	[tilespmem:s11+$0x140] =	vst v0;
	v22 =	vld [tilespmem:s20+$0xFFFFFDF0]  }
0x233: {  	v45 =	vld [tilespmem:s20+$0x150];
	v1 =	vmul.f32 v4, v43;
	[tilespmem:s11+$0xFFFFFE80] =	vst v18;
	v5 =	vmul.f32 v20, v5  }
0x234: {  	v4 =	vperm.xlane v15, v57;
	v18 =	vperm.xlane v16, v57;
	v20 =	vld [tilespmem:s20+$0xFFFFFE90]  }
0x235: {  	v63 =	vld [tilespmem:s26+$0xFFFFFFF0];
	v0 =	vmul.f32 v19, v44;
	[tilespmem:s11+$0xFFFFFF10] =	vst v5;
	v5 =	vperm.xlane v17, v57  }
0x236: {  	[tilespmem:s11+$0x1F0] =	vst v1;
	v3 =	vmul.f32 v3, v4;
	v19 =	vld [tilespmem:s20+$0xFFFFFF20];
	v47 =	vmul.f32 v21, v18  }
0x237: {  	v4 =	vld [tilespmem:s20+$0x200];
	[tilespmem:s11+$0xFFFFFFA0] =	vst v0;
	v18 =	vperm.xlane v12, v56;
	v48 =	vmul.f32 v22, v5  }
0x238: {  	v21 =	vld [tilespmem:s20+$0xFFFFFFB0];
	v1 =	vmul.f32 v45, v46;
	[tilespmem:s11+$0xC0] =	vst v47  }
0x239: {  	v5 =	vperm.xlane v14, v56;
	v18 =	vmul.f32 v20, v18;
	v20 =	vld [tilespmem:s20+$0xD0];
	[tilespmem:s11+$0xFFFFFDF0] =	vst v48  }
0x23a: {  	v58 =	vimm.s32 $0x5;
	v50 =	vperm.xlane v11, v56;
	v52 =	vperm.xlane v13, v56;
	[tilespmem:s11+$0x30] =	vst v3;
	v22 =	vld [tilespmem:s20+$0xFFFFFE00]  }
0x23b: {  	v49 =	vperm.xlane v10, v58;
	v3 =	vld [tilespmem:s20+$0x40];
	[tilespmem:s11+$0x150] =	vst v1;
	v5 =	vmul.f32 v19, v5  }
0x23c: {  	v24 =	vperm.xlane v17, v58;
	v51 =	vld [tilespmem:s20+$0x160];
	[tilespmem:s11+$0xFFFFFE90] =	vst v18;
	v18 =	vperm.xlane v16, v56  }
0x23d: {  	v0 =	vmul.f32 v4, v49;
	v19 =	vld [tilespmem:s20+$0xFFFFFEA0];
	[tilespmem:s11+$0xFFFFFF20] =	vst v5;
	v5 =	vperm.xlane v17, v56  }
0x23e: {  	v4 =	vperm.xlane v15, v56;
	v53 =	vmul.f32 v20, v18;
	v20 =	vld [tilespmem:s26+$0x30]  }
0x23f: {  	v1 =	vmul.f32 v21, v50;
	[tilespmem:s11+$0x200] =	vst v0;
	v54 =	vmul.f32 v22, v5;
	v5 =	vld [tilespmem:s17+$0x230]  }
0x240: {  	v25 =	vperm.xlane v12, v58;
	v3 =	vmul.f32 v3, v4;
	v4 =	vld [tilespmem:s20+$0x210]  }
0x241: {  	v27 =	vperm.xlane v14, v58;
	v28 =	vperm.xlane v11, v58;
	v21 =	vld [tilespmem:s20+$0xFFFFFF30];
	[tilespmem:s11+$0xFFFFFFB0] =	vst v1  }
0x242: {  	v30 =	vperm.xlane v15, v58;
	v31 =	vperm.xlane v16, v58;
	v60 =	vimm.s32 $0x6;
	v18 =	vld [tilespmem:s20+$0xFFFFFFC0];
	[tilespmem:s11+$0x40] =	vst v3  }
0x243: {  	v59 =	vperm.xlane v17, v60;
	v0 =	vmul.f32 v51, v52;
	v3 =	vld [tilespmem:s20+$0x50];
	[tilespmem:s11+$0xD0] =	vst v53  }
0x244: {  	v62 =	vperm.xlane v10, v60;
	v32 =	vmul.f32 $2.000000030e-01, v26;
	v1 =	vld [tilespmem:s20+$0xE0];
	v5 =	vadd.f32 v20, v5  }
0x245: {  	v35 =	vperm.xlane v11, v60;
	[tilespmem:s11+$0x160] =	vst v0;
	v19 =	vmul.f32 v19, v25;
	v25 =	vld [tilespmem:s17+$0x80]  }
0x246: {  	v36 =	vperm.xlane v14, v60;
	[tilespmem:s11+$0xFFFFFE00] =	vst v54;
	v0 =	vld [tilespmem:s20+$0x170];
	v40 =	vmul.f32 $2.000000030e-01, v5  }
0x247: {  	v41 =	vperm.xlane v12, v60;
	v2 =	vld [tilespmem:s20+$0xFFFFFE10];
	v4 =	vmul.f32 v4, v62  }
0x248: {  	v21 =	vmul.f32 v21, v27;
	v27 =	vld [tilespmem:s26+$0x0];
	v18 =	vmul.f32 v18, v28;
	v5 =	vmax.f32 v5, v40  }
0x249: {  	v42 =	vld [tilespmem:s26+$0x20];
	v20 =	vperm.xlane v13, v58;
	v5 =	vmul.f32 $1.442695020e+00, v5  }
0x24a: {  	v28 =	vld [tilespmem:s17+$0x110];
	v3 =	vmul.f32 v3, v30;
	v30 =	vadd.f32 v63, v61;
	v1 =	vmul.f32 v1, v31  }
0x24b: {  	v22 =	vld [tilespmem:s26+$0xFFFFFFC0];
	(erf) = vpow2.f32 v5;
	v5 =	vmul.f32 $2.000000030e-01, v23  }
0x24c: {  	v31 =	vld [tilespmem:s17+$0x1A0];
	v0 =	vmul.f32 v0, v20;
	v43 =	vmul.f32 $2.000000030e-01, v30  }
0x24d: {  	v20 =	vld [tilespmem:s17+$0xFFFFFE40];
	v25 =	vadd.f32 v27, v25;
	v2 =	vmul.f32 v2, v24;
	v5 =	vmax.f32 v23, v5  }
0x24e: {  	[tilespmem:s11+$0xFFFFFEA0] =	vst v19;
	v24 =	vmax.f32 v30, v43;
	v23 =	vmax.f32 v26, v32;
	v5 =	vmul.f32 $1.442695020e+00, v5  }
0x24f: {  	[tilespmem:s11+$0x210] =	vst v4;
	v26 =	vmul.f32 $2.000000030e-01, v25;
	v44 =	vmul.f32 $1.442695020e+00, v23;
	v23 =	vadd.f32 v29, v28  }
0x250: {  	v4 =	vld [tilespmem:s20+$0xFFFFFEB0];
	[tilespmem:s11+$0xFFFFFF30] =	vst v21;
	v24 =	vmul.f32 $1.442695020e+00, v24;
	(erf) = vpow2.f32 v5  }
0x251: {  	v34 =	vld [tilespmem:s20+$0xFFFFFF40];
	[tilespmem:s11+$0x170] =	vst v0;
	v5 =	vmax.f32 v25, v26;
	v25 =	vadd.f32 v42, v31;
	v19 =	vmul.f32 $2.000000030e-01, v23  }
0x252: {  	[tilespmem:s11+$0xFFFFFE10] =	vst v2;
	v30 =	vld [tilespmem:s20+$0x180];
	v20 =	vadd.f32 v22, v20;
	v5 =	vmul.f32 $1.442695020e+00, v5;
	(erf) = vpow2.f32 v44  }
0x253: {  	[tilespmem:s11+$0xFFFFFFC0] =	vst v18;
	v27 =	vld [tilespmem:s20+$0xFFFFFE20];
	v45 =	vmul.f32 $2.000000030e-01, v25;
	v19 =	vmax.f32 v23, v19;
	(erf) = vpow2.f32 v24  }
0x254: {  	[tilespmem:s11+$0x50] =	vst v3;
	v22 =	vmul.f32 $2.000000030e-01, v20;
	v28 =	vld [tilespmem:s20+$0xFFFFFFD0];
	v19 =	vmul.f32 $1.442695020e+00, v19  }
0x255: {  	s18 =	simm.s32 $0x9FC0;
	v47 =	vmul.f32 v4, v41;
	v29 =	vld [tilespmem:s20+$0x60];
	(erf) = vpow2.f32 v5;
	v21 =	vpop (erf);
	v2 =	vmax.f32 v25, v45  }
0x256: {  	v18 =	vmax.f32 v20, v22;
	v26 =	vld [tilespmem:s20+$0x220];
	[tilespmem:s18+$0x230] =	vst v21;
	v2 =	vmul.f32 $1.442695020e+00, v2;
	(erf) = vpow2.f32 v19  }
0x257: {  	v37 =	vperm.xlane v15, v60;
	[tilespmem:s11+$0xE0] =	vst v1;
	v46 =	vmul.f32 $1.442695020e+00, v18;
	v20 =	vld [tilespmem:s17+$0x1B0]  }
0x258: {  	[tilespmem:s11+$0xFFFFFEB0] =	vst v47;
	v31 =	vld [tilespmem:s20+$0xF0];
	v5 =	vmul.f32 v27, v59;
	(erf) = vpow2.f32 v2  }
0x259: {  	s21 =	simm.s32 $0x7740;
	v38 =	vperm.xlane v16, v60;
	v23 =	vld [tilespmem:s20+$0xFFFFFEC0];
	(erf) = vpow2.f32 v46  }
0x25a: {  	s25 =	simm.s32 $0xCC40;
	v28 =	vmul.f32 v28, v35;
	v35 =	vld [tilespmem:s21+$0xFFFFFED0];
	v48 =	vperm.xlane v21, v6;
	[tilespmem:s11+$0xFFFFFE20] =	vst v5;
	v18 =	vpop (erf)  }
0x25b: {  	v50 =	vperm.xlane v10, v9;
	v29 =	vmul.f32 v29, v37;
	v37 =	vld [tilespmem:s25+$0xFFFFFFD0];
	[tilespmem:s18+$0xFFFFFED0] =	vst v18;
	v32 =	vpop (erf)  }
0x25c: {  	v25 =	vperm.xlane v14, v9;
	v0 =	vmul.f32 v20, v48;
	v49 =	vld [tilespmem:s17+$0xFFFFFE50];
	[tilespmem:s18+$0xFFFFFF60] =	vst v32;
	v14 =	vpop (erf)  }
0x25d: {  	v61 =	vperm.xlane v15, v9;
	v24 =	vperm.xlane v17, v9;
	v52 =	vld [tilespmem:s17+$0xFFFFFEE0];
	[tilespmem:s18+$0xFFFFFFF0] =	vst v14  }
0x25e: {  	v27 =	vperm.xlane v12, v9;
	v12 =	vperm.xlane v16, v9;
	v19 =	vpop (erf);
	[tilespmem:s18+$0x1B0] =	vst v0;
	v5 =	vld [tilespmem:s17+$0xFFFFFF70]  }
0x25f: {  	v39 =	vmul.f32 v26, v50;
	v4 =	vperm.xlane v18, v6;
	[tilespmem:s18+$0x80] =	vst v19;
	v51 =	vld [tilespmem:s17+$0x1C0];
	v20 =	vpop (erf)  }
0x260: {  	v15 =	vperm.xlane v21, v7;
	v17 =	vperm.xlane v32, v6;
	v53 =	vld [tilespmem:s17+$0x0];
	[tilespmem:s18+$0x110] =	vst v20  }
0x261: {  	v54 =	vperm.xlane v14, v6;
	v26 =	vpop (erf);
	v1 =	vmul.f32 v49, v4;
	v4 =	vld [tilespmem:s17+$0x90]  }
0x262: {  	v31 =	vmul.f32 v31, v38;
	v38 =	vld [tilespmem:s21+$0xFFFFFF60];
	v59 =	vperm.xlane v20, v6;
	[tilespmem:s18+$0x1A0] =	vst v26;
	v16 =	vpop (erf)  }
0x263: {  	v3 =	vmul.f32 v52, v17;
	[tilespmem:s18+$0xFFFFFE40] =	vst v16;
	v55 =	vld [tilespmem:s17+$0x120];
	v5 =	vmul.f32 v5, v54  }
0x264: {  	[tilespmem:s18+$0xFFFFFE50] =	vst v1;
	v2 =	vmul.f32 v51, v15;
	v15 =	vperm.xlane v19, v6;
	v17 =	vld [tilespmem:s17+$0xFFFFFDC0]  }
0x265: {  	v63 =	vperm.xlane v26, v6;
	v62 =	vld [tilespmem:s17+$0xFFFFFE60];
	[tilespmem:s18+$0xFFFFFEE0] =	vst v3  }
0x266: {  	[tilespmem:s18+$0xFFFFFF70] =	vst v5;
	v0 =	vmul.f32 v53, v15;
	v1 =	vmul.f32 v4, v59;
	v4 =	vld [tilespmem:s17+$0xFFFFFEF0]  }
0x267: {  	[tilespmem:s18+$0x1C0] =	vst v2;
	v15 =	vperm.xlane v16, v6;
	v46 =	vld [tilespmem:s17+$0xFFFFFF80]  }
0x268: {  	v5 =	vperm.xlane v18, v7;
	v45 =	vld [tilespmem:s17+$0x1D0];
	[tilespmem:s18+$0x0] =	vst v0;
	v47 =	vmul.f32 v55, v63  }
0x269: {  	[tilespmem:s18+$0x90] =	vst v1;
	v48 =	vmul.f32 v17, v15;
	v15 =	vld [tilespmem:s17+$0x10];
	v17 =	vperm.xlane v32, v7  }
0x26a: {  	v51 =	vperm.xlane v14, v7;
	v5 =	vmul.f32 v62, v5;
	v50 =	vld [tilespmem:s17+$0xA0];
	[tilespmem:s18+$0x120] =	vst v47  }
0x26b: {  	v49 =	vperm.xlane v21, v8;
	[tilespmem:s18+$0xFFFFFDC0] =	vst v48;
	v52 =	vld [tilespmem:s17+$0x130];
	v4 =	vmul.f32 v4, v17  }
0x26c: {  	v53 =	vperm.xlane v19, v7;
	[tilespmem:s18+$0xFFFFFE60] =	vst v5;
	v0 =	vmul.f32 v46, v51;
	v54 =	vld [tilespmem:s17+$0xFFFFFDD0]  }
0x26d: {  	v5 =	vperm.xlane v20, v7;
	v1 =	vmul.f32 v45, v49;
	v17 =	vld [tilespmem:s17+$0xFFFFFE70];
	[tilespmem:s18+$0xFFFFFEF0] =	vst v4  }
0x26e: {  	v22 =	vld [tilespmem:s20+$0xFFFFFE30];
	v55 =	vperm.xlane v26, v7;
	[tilespmem:s18+$0xFFFFFF80] =	vst v0;
	v3 =	vmul.f32 v15, v53  }
0x26f: {  	[tilespmem:s18+$0x1D0] =	vst v1;
	v15 =	vperm.xlane v16, v7;
	v59 =	vld [tilespmem:s17+$0xFFFFFF00];
	v62 =	vmul.f32 v50, v5  }
0x270: {  	v5 =	vperm.xlane v18, v8;
	v4 =	vld [tilespmem:s17+$0x1E0];
	[tilespmem:s18+$0x10] =	vst v3;
	v1 =	vmul.f32 v52, v55  }
0x271: {  	v63 =	vld [tilespmem:s17+$0xFFFFFF90];
	[tilespmem:s18+$0xA0] =	vst v62;
	v44 =	vmul.f32 v54, v15  }
0x272: {  	v3 =	vld [tilespmem:s17+$0x20];
	v15 =	vperm.xlane v32, v8;
	v5 =	vmul.f32 v17, v5;
	[tilespmem:s18+$0x130] =	vst v1  }
0x273: {  	v33 =	vperm.xlane v13, v60;
	v45 =	vperm.xlane v21, v57;
	v17 =	vld [tilespmem:s17+$0xB0];
	[tilespmem:s18+$0xFFFFFDD0] =	vst v44  }
0x274: {  	v46 =	vperm.xlane v14, v8;
	v47 =	vld [tilespmem:s17+$0x140];
	[tilespmem:s18+$0xFFFFFE70] =	vst v5;
	v5 =	vmul.f32 v59, v15  }
0x275: {  	v0 =	vmul.f32 v4, v45;
	v4 =	vperm.xlane v19, v8;
	v48 =	vld [tilespmem:s17+$0xFFFFFDE0]  }
0x276: {  	v15 =	vperm.xlane v20, v8;
	v1 =	vmul.f32 v63, v46;
	v49 =	vld [tilespmem:s17+$0xFFFFFE80];
	[tilespmem:s18+$0xFFFFFF00] =	vst v5  }
0x277: {  	v50 =	vperm.xlane v26, v8;
	[tilespmem:s18+$0x1E0] =	vst v0;
	v3 =	vmul.f32 v3, v4;
	v51 =	vld [tilespmem:s17+$0xFFFFFF10]  }
0x278: {  	v5 =	vperm.xlane v16, v8;
	[tilespmem:s18+$0xFFFFFF90] =	vst v1;
	v52 =	vmul.f32 v17, v15;
	v4 =	vld [tilespmem:s17+$0x1F0]  }
0x279: {  	v15 =	vperm.xlane v18, v57;
	v17 =	vld [tilespmem:s17+$0xFFFFFFA0];
	[tilespmem:s18+$0x20] =	vst v3;
	v0 =	vmul.f32 v47, v50  }
0x27a: {  	[tilespmem:s18+$0xB0] =	vst v52;
	v53 =	vmul.f32 v48, v5;
	v3 =	vld [tilespmem:s17+$0x30];
	v5 =	vperm.xlane v32, v57  }
0x27b: {  	v54 =	vperm.xlane v21, v56;
	v15 =	vmul.f32 v49, v15;
	v55 =	vld [tilespmem:s17+$0xC0];
	[tilespmem:s18+$0x140] =	vst v0  }
0x27c: {  	v59 =	vperm.xlane v14, v57;
	[tilespmem:s18+$0xFFFFFDE0] =	vst v53;
	v62 =	vld [tilespmem:s17+$0x150];
	v5 =	vmul.f32 v51, v5  }
0x27d: {  	[tilespmem:s18+$0xFFFFFE80] =	vst v15;
	v1 =	vmul.f32 v4, v54;
	v4 =	vperm.xlane v19, v57;
	v63 =	vld [tilespmem:s17+$0xFFFFFDF0]  }
0x27e: {  	v15 =	vperm.xlane v20, v57;
	v0 =	vmul.f32 v17, v59;
	v45 =	vld [tilespmem:s17+$0xFFFFFE90];
	[tilespmem:s18+$0xFFFFFF10] =	vst v5  }
0x27f: {  	v46 =	vperm.xlane v26, v57;
	[tilespmem:s18+$0x1F0] =	vst v1;
	v3 =	vmul.f32 v3, v4;
	v17 =	vld [tilespmem:s17+$0xFFFFFF20]  }
0x280: {  	v5 =	vperm.xlane v16, v57;
	[tilespmem:s18+$0xFFFFFFA0] =	vst v0;
	v47 =	vmul.f32 v55, v15;
	v4 =	vld [tilespmem:s17+$0x200]  }
0x281: {  	v15 =	vperm.xlane v18, v56;
	v48 =	vld [tilespmem:s17+$0xFFFFFFB0];
	[tilespmem:s18+$0x30] =	vst v3;
	v1 =	vmul.f32 v62, v46  }
0x282: {  	[tilespmem:s18+$0xC0] =	vst v47;
	v49 =	vmul.f32 v63, v5;
	v3 =	vld [tilespmem:s17+$0x40];
	v5 =	vperm.xlane v32, v56  }
0x283: {  	v50 =	vperm.xlane v21, v58;
	v15 =	vmul.f32 v45, v15;
	v51 =	vld [tilespmem:s17+$0xD0];
	[tilespmem:s18+$0x150] =	vst v1  }
0x284: {  	v52 =	vperm.xlane v14, v56;
	[tilespmem:s18+$0xFFFFFDF0] =	vst v49;
	v53 =	vld [tilespmem:s17+$0x160];
	v5 =	vmul.f32 v17, v5  }
0x285: {  	[tilespmem:s18+$0xFFFFFE90] =	vst v15;
	v15 =	vperm.xlane v20, v56;
	v0 =	vmul.f32 v4, v50;
	v54 =	vld [tilespmem:s17+$0xFFFFFE00]  }
0x286: {  	v1 =	vmul.f32 v48, v52;
	v4 =	vperm.xlane v19, v56;
	v17 =	vld [tilespmem:s17+$0xFFFFFEA0];
	[tilespmem:s18+$0xFFFFFF20] =	vst v5  }
0x287: {  	v55 =	vperm.xlane v26, v56;
	v5 =	vperm.xlane v16, v56;
	[tilespmem:s18+$0x200] =	vst v0;
	v43 =	vld [tilespmem:s17+$0xFFFFFF30]  }
0x288: {  	[tilespmem:s18+$0xFFFFFFB0] =	vst v1;
	v3 =	vmul.f32 v3, v4;
	v59 =	vmul.f32 v51, v15;
	v4 =	vld [tilespmem:s17+$0x210]  }
0x289: {  	v30 =	vmul.f32 v30, v33;
	v40 =	vld [tilespmem:s17+$0xFFFFFFC0]  }
0x28a: {  	v0 =	vmul.f32 v53, v55;
	[tilespmem:s18+$0xD0] =	vst v59;
	v55 =	vld [tilespmem:s25+$0xFFFFFFC0];
	v62 =	vmul.f32 v54, v5  }
0x28b: {  	v27 =	vmul.f32 v23, v27;
	v63 =	vperm.xlane v21, v60;
	v44 =	vld [tilespmem:s17+$0xE0]  }
0x28c: {  	v41 =	vperm.xlane v18, v58;
	v42 =	vperm.xlane v16, v58;
	[tilespmem:s18+$0xFFFFFE00] =	vst v62;
	v62 =	vld [tilespmem:s21+$0x230]  }
0x28d: {  	v47 =	vperm.xlane v19, v58;
	[tilespmem:s18+$0x160] =	vst v0;
	v1 =	vmul.f32 v4, v63;
	v63 =	vld [tilespmem:s25+$0x30]  }
0x28e: {  	v21 =	vperm.xlane v21, v9;
	v2 =	vld [tilespmem:s17+$0x170];
	v4 =	vperm.xlane v32, v58  }
0x28f: {  	v48 =	vperm.xlane v20, v58;
	v52 =	vperm.xlane v18, v60;
	v46 =	vld [tilespmem:s17+$0xFFFFFE10]  }
0x290: {  	v59 =	vperm.xlane v14, v58;
	v4 =	vmul.f32 v43, v4;
	v43 =	vld [tilespmem:s25+$0xFFFFFFE0]  }
0x291: {  	v50 =	vperm.xlane v16, v60;
	v44 =	vmul.f32 v44, v48;
	v48 =	vld [tilespmem:s21+$0x80]  }
0x292: {  	v53 =	vperm.xlane v32, v60;
	v40 =	vmul.f32 v40, v59;
	v59 =	vadd.f32 v63, v62;
	v62 =	vld [tilespmem:s21+$0xFFFFFFF0]  }
0x293: {  	v5 =	vmul.f32 v34, v36;
	[tilespmem:s18+$0x210] =	vst v1;
	v1 =	vperm.xlane v26, v58;
	v63 =	vld [tilespmem:s25+$0xFFFFFFF0]  }
0x294: {  	v35 =	vadd.f32 v37, v35;
	v0 =	vmul.f32 v17, v41;
	v17 =	vperm.xlane v16, v9;
	v51 =	vld [tilespmem:s17+$0x220]  }
0x295: {  	[tilespmem:s18+$0x40] =	vst v3;
	v1 =	vmul.f32 v2, v1;
	v2 =	vld [tilespmem:s25+$0x0];
	v49 =	vmul.f32 $2.000000030e-01, v59  }
0x296: {  	v3 =	vld [tilespmem:s17+$0x50];
	v16 =	vperm.xlane v18, v9;
	[tilespmem:s11+$0xFFFFFF40] =	vst v5;
	v5 =	vmul.f32 $2.000000030e-01, v35  }
0x297: {  	v42 =	vmul.f32 v46, v42;
	v46 =	vld [tilespmem:s21+$0x110];
	v38 =	vadd.f32 v43, v38;
	v45 =	vmax.f32 v59, v49  }
0x298: {  	v18 =	vperm.xlane v32, v9;
	v49 =	vld [tilespmem:s25+$0x10];
	v32 =	vmul.f32 $1.442695020e+00, v45;
	v62 =	vadd.f32 v63, v62  }
0x299: {  	[tilespmem:s11+$0x180] =	vst v30;
	v54 =	vld [tilespmem:s21+$0x1A0];
	v5 =	vmax.f32 v35, v5;
	v59 =	vmul.f32 v51, v21;
	v21 =	vmul.f32 $2.000000030e-01, v38  }
0x29a: {  	[tilespmem:s18+$0xFFFFFFC0] =	vst v40;
	v2 =	vadd.f32 v2, v48;
	v63 =	vld [tilespmem:s25+$0x20];
	(erf) = vpow2.f32 v32;
	v23 =	vmul.f32 $2.000000030e-01, v62  }
0x29b: {  	v40 =	vmul.f32 $1.442695020e+00, v5;
	[tilespmem:s18+$0xFFFFFF30] =	vst v4;
	v4 =	vmul.f32 v22, v24;
	v22 =	vld [tilespmem:s21+$0xFFFFFE40];
	v21 =	vmax.f32 v38, v21  }
0x29c: {  	[tilespmem:s11+$0xFFFFFFD0] =	vst v28;
	v5 =	vmul.f32 $1.442695020e+00, v21;
	v21 =	vmax.f32 v62, v23;
	v23 =	vmul.f32 $2.000000030e-01, v2  }
0x29d: {  	[tilespmem:s11+$0x60] =	vst v29;
	v3 =	vmul.f32 v3, v47;
	(erf) = vpow2.f32 v40;
	v24 =	vadd.f32 v49, v46  }
0x29e: {  	[tilespmem:s11+$0x220] =	vst v39;
	(erf) = vpow2.f32 v5;
	v21 =	vmul.f32 $1.442695020e+00, v21;
	v2 =	vmax.f32 v2, v23  }
0x29f: {  	[tilespmem:s18+$0xFFFFFEA0] =	vst v0;
	v47 =	vadd.f32 v63, v54;
	v23 =	vmul.f32 $2.000000030e-01, v24;
	v2 =	vmul.f32 $1.442695020e+00, v2  }
0x2a0: {  	[tilespmem:s18+$0x50] =	vst v3;
	v22 =	vadd.f32 v55, v22;
	(erf) = vpow2.f32 v21  }
0x2a1: {  	v35 =	vld [tilespmem:s17+$0xFFFFFFD0];
	[tilespmem:s18+$0xE0] =	vst v44;
	v28 =	vmul.f32 $2.000000030e-01, v47;
	v51 =	vmax.f32 v24, v23;
	(erf) = vpow2.f32 v2  }
0x2a2: {  	[tilespmem:s18+$0xFFFFFE10] =	vst v42;
	v42 =	vld [tilespmem:s17+$0x60];
	v0 =	vmul.f32 $1.442695020e+00, v51  }
0x2a3: {  	s22 =	simm.s32 $0xA440;
	v10 =	vperm.xlane v11, v9;
	[tilespmem:s11+$0xF0] =	vst v31;
	v43 =	vld [tilespmem:s17+$0xF0];
	v5 =	vmul.f32 $2.000000030e-01, v22;
	v3 =	vmax.f32 v47, v28;
	v24 =	vpop (erf)  }
0x2a4: {  	v45 =	vld [tilespmem:s20+$0xFFFFFF50];
	v3 =	vmul.f32 $1.442695020e+00, v3;
	(erf) = vpow2.f32 v0;
	[tilespmem:s22+$0x230] =	vst v24  }
0x2a5: {  	v13 =	vperm.xlane v13, v9;
	v11 =	vperm.xlane v26, v60;
	[tilespmem:s18+$0x170] =	vst v1;
	v54 =	vmax.f32 v22, v5;
	v5 =	vld [tilespmem:s21+$0x1B0]  }
0x2a6: {  	[tilespmem:s11+$0xFFFFFEC0] =	vst v27;
	v31 =	vld [tilespmem:s17+$0x180];
	v55 =	vmul.f32 $1.442695020e+00, v54;
	(erf) = vpow2.f32 v3  }
0x2a7: {  	v34 =	vperm.xlane v14, v60;
	v36 =	vperm.xlane v19, v60;
	[tilespmem:s18+$0x220] =	vst v59;
	v46 =	vld [tilespmem:s17+$0xFFFFFE20];
	v27 =	vpop (erf)  }
0x2a8: {  	v48 =	vld [tilespmem:s17+$0xFFFFFEB0];
	v62 =	vperm.xlane v24, v6;
	(erf) = vpow2.f32 v55;
	[tilespmem:s22+$0xFFFFFED0] =	vst v27;
	v30 =	vpop (erf)  }
0x2a9: {  	v49 =	vld [tilespmem:s17+$0xFFFFFF40];
	v21 =	vperm.xlane v19, v9;
	v19 =	vperm.xlane v26, v9;
	[tilespmem:s22+$0xFFFFFF60] =	vst v30;
	v26 =	vpop (erf)  }
0x2aa: {  	v40 =	vmul.f32 v45, v25;
	v45 =	vld [tilespmem:s21+$0xFFFFFEE0];
	[tilespmem:s22+$0xFFFFFFF0] =	vst v26;
	v63 =	vmul.f32 v5, v62;
	v29 =	vpop (erf)  }
0x2ab: {  	v14 =	vperm.xlane v14, v9;
	v41 =	vperm.xlane v20, v60;
	v62 =	vld [tilespmem:s21+$0xFFFFFE50];
	[tilespmem:s22+$0x80] =	vst v29  }
0x2ac: {  	v20 =	vperm.xlane v20, v9;
	v59 =	vmul.f32 v46, v50;
	[tilespmem:s22+$0x1B0] =	vst v63;
	v63 =	vld [tilespmem:s21+$0xFFFFFF70]  }
0x2ad: {  	[tilespmem:s11+$0xFFFFFE30] =	vst v4;
	v37 =	vperm.xlane v27, v6;
	v5 =	vperm.xlane v30, v6;
	v32 =	vpop (erf);
	v50 =	vld [tilespmem:s21+$0x0]  }
0x2ae: {  	v42 =	vmul.f32 v42, v36;
	v41 =	vmul.f32 v43, v41;
	v4 =	vld [tilespmem:s21+$0x1C0];
	[tilespmem:s22+$0x110] =	vst v32  }
0x2af: {  	v38 =	vmul.f32 v48, v52;
	[tilespmem:s18+$0xFFFFFE20] =	vst v59;
	v5 =	vmul.f32 v45, v5;
	v33 =	vpop (erf);
	v2 =	vld [tilespmem:s21+$0x90]  }
0x2b0: {  	v25 =	vld [tilespmem:s20+$0x100];
	v59 =	vperm.xlane v24, v7;
	v46 =	vperm.xlane v26, v6;
	[tilespmem:s22+$0x1A0] =	vst v33  }
0x2b1: {  	v22 =	vld [tilespmem:s20+$0xFFFFFFE0];
	[tilespmem:s22+$0xFFFFFEE0] =	vst v5;
	v1 =	vmul.f32 v62, v37;
	v37 =	vpop (erf);
	v62 =	vperm.xlane v29, v6  }
0x2b2: {  	v51 =	vld [tilespmem:s21+$0x120];
	[tilespmem:s22+$0xFFFFFE40] =	vst v37;
	v46 =	vmul.f32 v63, v46;
	v63 =	vperm.xlane v32, v6  }
0x2b3: {  	v39 =	vmul.f32 v49, v53;
	[tilespmem:s22+$0xFFFFFE50] =	vst v1;
	v1 =	vld [tilespmem:s21+$0xFFFFFDC0];
	v4 =	vmul.f32 v4, v59  }
0x2b4: {  	v50 =	vmul.f32 v50, v62;
	v2 =	vmul.f32 v2, v63;
	[tilespmem:s22+$0xFFFFFF70] =	vst v46;
	v63 =	vld [tilespmem:s21+$0xFFFFFEF0]  }
0x2b5: {  	v0 =	vperm.xlane v27, v7;
	v3 =	vperm.xlane v27, v8;
	[tilespmem:s22+$0x1C0] =	vst v4;
	v4 =	vld [tilespmem:s21+$0xFFFFFE60]  }
0x2b6: {  	v55 =	vperm.xlane v24, v8;
	v59 =	vperm.xlane v33, v6;
	[tilespmem:s22+$0x0] =	vst v50;
	v53 =	vld [tilespmem:s21+$0xFFFFFF80]  }
0x2b7: {  	[tilespmem:s18+$0xFFFFFEB0] =	vst v38;
	v44 =	vperm.xlane v30, v7;
	v62 =	vperm.xlane v37, v6;
	v48 =	vld [tilespmem:s21+$0x10]  }
0x2b8: {  	v49 =	vperm.xlane v30, v8;
	v51 =	vmul.f32 v51, v59;
	v5 =	vld [tilespmem:s21+$0x1D0];
	[tilespmem:s22+$0x90] =	vst v2  }
0x2b9: {  	[tilespmem:s11+$0xFFFFFF50] =	vst v40;
	v47 =	vperm.xlane v26, v7;
	v1 =	vmul.f32 v1, v62;
	v59 =	vld [tilespmem:s21+$0xA0]  }
0x2ba: {  	v38 =	vld [tilespmem:s17+$0xFFFFFEC0];
	v52 =	vperm.xlane v26, v8;
	[tilespmem:s22+$0x120] =	vst v51;
	v44 =	vmul.f32 v63, v44  }
0x2bb: {  	v40 =	vld [tilespmem:s20+$0x190];
	v45 =	vperm.xlane v29, v7;
	[tilespmem:s22+$0xFFFFFDC0] =	vst v1;
	v0 =	vmul.f32 v4, v0  }
0x2bc: {  	v50 =	vperm.xlane v32, v7;
	v63 =	vld [tilespmem:s21+$0xFFFFFDD0];
	v47 =	vmul.f32 v53, v47;
	[tilespmem:s22+$0xFFFFFEF0] =	vst v44  }
0x2bd: {  	v45 =	vmul.f32 v48, v45;
	v2 =	vmul.f32 v5, v55;
	v5 =	vld [tilespmem:s21+$0x130];
	[tilespmem:s22+$0xFFFFFE60] =	vst v0  }
0x2be: {  	v36 =	vperm.xlane v32, v60;
	[tilespmem:s22+$0xFFFFFF80] =	vst v47;
	v50 =	vmul.f32 v59, v50;
	v59 =	vld [tilespmem:s21+$0xFFFFFF00]  }
0x2bf: {  	v62 =	vperm.xlane v33, v7;
	v4 =	vperm.xlane v37, v7;
	[tilespmem:s22+$0x10] =	vst v45;
	v54 =	vld [tilespmem:s21+$0xFFFFFE70]  }
0x2c0: {  	v53 =	vperm.xlane v29, v8;
	v44 =	vperm.xlane v32, v8;
	[tilespmem:s22+$0x1D0] =	vst v2;
	v46 =	vld [tilespmem:s21+$0x20]  }
0x2c1: {  	v0 =	vperm.xlane v37, v8;
	v47 =	vperm.xlane v33, v8;
	v55 =	vld [tilespmem:s21+$0x1E0];
	[tilespmem:s22+$0xA0] =	vst v50  }
0x2c2: {  	v45 =	vperm.xlane v37, v57;
	v4 =	vmul.f32 v63, v4;
	v63 =	vld [tilespmem:s21+$0xB0]  }
0x2c3: {  	v1 =	vmul.f32 v5, v62;
	v5 =	vld [tilespmem:s21+$0xFFFFFF90];
	v62 =	vperm.xlane v24, v57  }
0x2c4: {  	v23 =	vld [tilespmem:s20+$0x70];
	[tilespmem:s22+$0xFFFFFDD0] =	vst v4;
	v4 =	vperm.xlane v30, v57;
	v2 =	vmul.f32 v54, v3  }
0x2c5: {  	v49 =	vmul.f32 v59, v49;
	v3 =	vperm.xlane v27, v57;
	[tilespmem:s22+$0x130] =	vst v1;
	v59 =	vld [tilespmem:s21+$0xFFFFFDE0]  }
0x2c6: {  	v46 =	vmul.f32 v46, v53;
	v48 =	vmul.f32 v55, v62;
	v50 =	vld [tilespmem:s21+$0x140];
	[tilespmem:s22+$0xFFFFFE70] =	vst v2  }
0x2c7: {  	v54 =	vperm.xlane v29, v56;
	[tilespmem:s22+$0xFFFFFF00] =	vst v49;
	v49 =	vperm.xlane v32, v57;
	v62 =	vld [tilespmem:s21+$0xFFFFFE80]  }
0x2c8: {  	v1 =	vmul.f32 v63, v44;
	v63 =	vld [tilespmem:s21+$0xFFFFFF10];
	v5 =	vmul.f32 v5, v52;
	[tilespmem:s22+$0x1E0] =	vst v48  }
0x2c9: {  	v55 =	vperm.xlane v27, v58;
	v2 =	vperm.xlane v26, v57;
	[tilespmem:s22+$0x20] =	vst v46;
	v53 =	vld [tilespmem:s21+$0x1F0]  }
0x2ca: {  	v52 =	vperm.xlane v29, v57;
	v51 =	vld [tilespmem:s21+$0x30];
	[tilespmem:s22+$0xFFFFFF90] =	vst v5;
	v0 =	vmul.f32 v59, v0  }
0x2cb: {  	[tilespmem:s22+$0xB0] =	vst v1;
	v5 =	vperm.xlane v33, v57;
	v47 =	vmul.f32 v50, v47;
	v57 =	vld [tilespmem:s21+$0xFFFFFFA0]  }
0x2cc: {  	v59 =	vperm.xlane v24, v56;
	[tilespmem:s22+$0xFFFFFDE0] =	vst v0;
	v3 =	vmul.f32 v62, v3;
	v62 =	vld [tilespmem:s21+$0xC0]  }
0x2cd: {  	v46 =	vperm.xlane v37, v56;
	v4 =	vmul.f32 v63, v4;
	[tilespmem:s22+$0x140] =	vst v47;
	v63 =	vld [tilespmem:s21+$0xFFFFFDF0]  }
0x2ce: {  	v48 =	vperm.xlane v27, v56;
	v1 =	vmul.f32 v53, v59;
	v53 =	vld [tilespmem:s21+$0x150]  }
0x2cf: {  	v28 =	vld [tilespmem:s17+$0xFFFFFE30];
	v50 =	vperm.xlane v26, v58;
	v0 =	vperm.xlane v30, v56;
	[tilespmem:s22+$0xFFFFFE80] =	vst v3  }
0x2d0: {  	v59 =	vmul.f32 v51, v52;
	v2 =	vmul.f32 v57, v2;
	[tilespmem:s22+$0x1F0] =	vst v1;
	v57 =	vld [tilespmem:s21+$0xFFFFFE90]  }
0x2d1: {  	v47 =	vperm.xlane v37, v58;
	[tilespmem:s22+$0xFFFFFF10] =	vst v4;
	v4 =	vperm.xlane v32, v56;
	v51 =	vld [tilespmem:s21+$0x200]  }
0x2d2: {  	v52 =	vmul.f32 v35, v34;
	[tilespmem:s22+$0x30] =	vst v59;
	v49 =	vmul.f32 v62, v49;
	v62 =	vld [tilespmem:s21+$0xFFFFFF20]  }
0x2d3: {  	[tilespmem:s22+$0xFFFFFFA0] =	vst v2;
	v44 =	vmul.f32 v63, v45;
	v45 =	vld [tilespmem:s21+$0x40];
	v5 =	vmul.f32 v53, v5  }
0x2d4: {  	v34 =	vperm.xlane v26, v60;
	v35 =	vperm.xlane v29, v60;
	v53 =	vld [tilespmem:s21+$0xFFFFFFB0];
	[tilespmem:s22+$0xC0] =	vst v49  }
0x2d5: {  	v63 =	vperm.xlane v24, v58;
	v1 =	vmul.f32 v57, v48;
	[tilespmem:s22+$0x150] =	vst v5;
	v5 =	vld [tilespmem:s21+$0xD0]  }
0x2d6: {  	v3 =	vperm.xlane v26, v56;
	v2 =	vperm.xlane v33, v56;
	[tilespmem:s22+$0xFFFFFDF0] =	vst v44;
	v56 =	vld [tilespmem:s21+$0x160]  }
0x2d7: {  	v44 =	vmul.f32 v51, v63;
	[tilespmem:s22+$0xFFFFFE90] =	vst v1;
	v0 =	vmul.f32 v62, v0;
	v62 =	vld [tilespmem:s21+$0xFFFFFE00]  }
0x2d8: {  	[tilespmem:s18+$0xFFFFFF40] =	vst v39;
	v49 =	vperm.xlane v33, v58;
	v57 =	vperm.xlane v30, v58;
	v63 =	vld [tilespmem:s21+$0xFFFFFEA0]  }
0x2d9: {  	v39 =	vld [tilespmem:s17+$0xFFFFFF50];
	v48 =	vperm.xlane v29, v58;
	v59 =	vmul.f32 v45, v54;
	[tilespmem:s22+$0x200] =	vst v44  }
0x2da: {  	v3 =	vmul.f32 v53, v3;
	[tilespmem:s22+$0xFFFFFF20] =	vst v0;
	v4 =	vmul.f32 v5, v4;
	v5 =	vld [tilespmem:s21+$0x210]  }
0x2db: {  	v9 =	vimm.s32 $0x4;
	v51 =	vperm.xlane v32, v58;
	[tilespmem:s22+$0x40] =	vst v59;
	v0 =	vmul.f32 v56, v2;
	v2 =	vld [tilespmem:s21+$0xFFFFFF30]  }
0x2dc: {  	v6 =	vimm.s32 $0x1;
	v45 =	vperm.xlane v37, v60;
	[tilespmem:s22+$0xFFFFFFB0] =	vst v3;
	v56 =	vld [tilespmem:s21+$0x50];
	v1 =	vmul.f32 v62, v46  }
0x2dd: {  	v7 =	vimm.s32 $0x2;
	[tilespmem:s22+$0xD0] =	vst v4;
	v62 =	vmul.f32 v63, v55;
	v63 =	vperm.xlane v24, v60;
	v55 =	vld [tilespmem:s21+$0xFFFFFFC0]  }
0x2de: {  	v8 =	vimm.s32 $0x3;
	v44 =	vperm.xlane v27, v60;
	v53 =	vperm.xlane v33, v60;
	v54 =	vld [tilespmem:s21+$0xE0];
	[tilespmem:s22+$0xFFFFFE00] =	vst v1  }
0x2df: {  	v46 =	vperm.xlane v30, v60;
	[tilespmem:s22+$0x160] =	vst v0;
	v60 =	vimm.s32 $0x7;
	v58 =	vmul.f32 v5, v63;
	v43 =	vld [tilespmem:s21+$0xFFFFFE10]  }
0x2e0: {  	s26 =	simm.s32 $0x7BC0;
	s20 =	simm.s32 $0x10;
	[tilespmem:s22+$0xFFFFFEA0] =	vst v62;
	v62 =	vimm.s32 $0x0;
	v63 =	vimm.s32 $0x5;
	v59 =	vmul.f32 v2, v57;
	v57 =	vld [tilespmem:s21+$0x170]  }
.LBB2_7:
0x2e1: {  	_ = 	snop  }
0x2e2: {  	v0 =	vld [tilespmem:s26+$0x230];
	[tilespmem:s22+$0x210] =	vst v58  }
0x2e3: {  	s25 =	sadd.s32 $0x80, s25;
	v5 =	vld [tilespmem:s21+$0x220]  }
0x2e4: {  	v2 =	vmul.f32 v31, v11;
	v4 =	vmul.f32 v56, v48;
	v31 =	vld [tilespmem:s25+$0x30]  }
0x2e5: {  	v27 =	vperm.xlane v27, v60;
	[tilespmem:s22+$0xFFFFFF30] =	vst v59;
	v1 =	vmul.f32 v55, v50;
	v55 =	vld [tilespmem:s25+$0xFFFFFFC0]  }
0x2e6: {  	v30 =	vperm.xlane v30, v60;
	v56 =	vld [tilespmem:s26+$0xFFFFFED0];
	[tilespmem:s22+$0x50] =	vst v4;
	v4 =	vmul.f32 v57, v49  }
0x2e7: {  	v26 =	vperm.xlane v26, v60;
	[tilespmem:s22+$0xFFFFFFC0] =	vst v1;
	v57 =	vperm.xlane v24, v60;
	v24 =	vld [tilespmem:s25+$0xFFFFFFD0]  }
0x2e8: {  	v29 =	vperm.xlane v29, v60;
	v32 =	vperm.xlane v32, v60;
	[tilespmem:s22+$0x170] =	vst v4;
	v4 =	vld [tilespmem:s26+$0xFFFFFF60]  }
0x2e9: {  	v54 =	vmul.f32 v54, v51;
	[tilespmem:s18+$0xFFFFFFD0] =	vst v52;
	v1 =	vmul.f32 v5, v57;
	v5 =	vld [tilespmem:s25+$0xFFFFFFE0]  }
0x2ea: {  	v28 =	vmul.f32 v28, v17;
	v43 =	vmul.f32 v43, v47;
	[tilespmem:s18+$0x60] =	vst v42;
	v58 =	vld [tilespmem:s26+$0xFFFFFFF0]  }
0x2eb: {  	v3 =	vmovc v53;
	v53 =	vperm.xlane v37, v60;
	v15 =	vmov v26;
	[tilespmem:s22+$0xE0] =	vst v54;
	v26 =	vld [tilespmem:s26+$0x80];
	v0 =	vadd.f32 v31, v0  }
0x2ec: {  	[tilespmem:s22+$0xFFFFFE10] =	vst v43;
	v31 =	vperm.xlane v33, v60;
	v60 =	vmul.f32 v39, v18;
	v39 =	vld [tilespmem:s25+$0xFFFFFFF0]  }
0x2ed: {  	v59 =	vmul.f32 v38, v16;
	v16 =	vmovc v27;
	[tilespmem:s18+$0xF0] =	vst v41;
	v18 =	vmov v30;
	v30 =	vld [tilespmem:s25+$0x0];
	v27 =	vmul.f32 $2.000000030e-01, v0  }
0x2ee: {  	v22 =	vmul.f32 v22, v10;
	v23 =	vmul.f32 v23, v61;
	[tilespmem:s18+$0xFFFFFE30] =	vst v28;
	v28 =	vld [tilespmem:s25+$0x10];
	v24 =	vadd.f32 v24, v56  }
0x2ef: {  	v25 =	vmul.f32 v25, v12;
	[tilespmem:s18+$0x180] =	vst v2;
	v0 =	vmax.f32 v0, v27;
	v4 =	vadd.f32 v5, v4;
	v5 =	vld [tilespmem:s26+$0x110]  }
0x2f0: {  	[tilespmem:s11+$0xFFFFFFE0] =	vst v22;
	v22 =	vld [tilespmem:s26+$0xFFFFFE40];
	v27 =	vmul.f32 $2.000000030e-01, v24;
	v0 =	vmul.f32 $1.442695020e+00, v0  }
0x2f1: {  	[tilespmem:$0x1FFE0] =	vst v3;
	v11 =	vmovc v14;
	v14 =	vmovc v21;
	v21 =	vmov v29;
	v29 =	vld [tilespmem:s26+$0x1A0];
	v3 =	vadd.f32 v39, v58;
	v43 =	vmul.f32 $2.000000030e-01, v4  }
0x2f2: {  	[tilespmem:s11+$0x70] =	vst v23;
	v26 =	vadd.f32 v30, v26;
	v47 =	vmax.f32 v24, v27;
	v24 =	vld [tilespmem:s25+$0x20];
	(erf) = vpow2.f32 v0  }
0x2f3: {  	v23 =	vld [tilespmem:s21+$0xFFFFFE20];
	[tilespmem:s22+$0x220] =	vst v1;
	v0 =	vmul.f32 $1.442695020e+00, v47;
	v1 =	vmax.f32 v4, v43;
	v4 =	vmul.f32 $2.000000030e-01, v3  }
0x2f4: {  	v42 =	vmul.f32 v40, v13;
	[tilespmem:s18+$0xFFFFFF50] =	vst v60;
	v1 =	vmul.f32 $1.442695020e+00, v1;
	v5 =	vadd.f32 v28, v5  }
0x2f5: {  	[tilespmem:s18+$0xFFFFFEC0] =	vst v59;
	v49 =	vld [tilespmem:s21+$0xFFFFFF40];
	(erf) = vpow2.f32 v0;
	v3 =	vmax.f32 v3, v4;
	v4 =	vmul.f32 $2.000000030e-01, v26  }
0x2f6: {  	[tilespmem:s11+$0x100] =	vst v25;
	v25 =	vld [tilespmem:s21+$0xFFFFFEB0];
	v48 =	vmul.f32 $1.442695020e+00, v3;
	(erf) = vpow2.f32 v1  }
0x2f7: {  	v41 =	vld [tilespmem:s21+$0xF0];
	v50 =	vmax.f32 v26, v4;
	v4 =	vmul.f32 $2.000000030e-01, v5;
	v26 =	vadd.f32 v24, v29  }
0x2f8: {  	v17 =	vmovc v53;
	v53 =	vmul.f32 v23, v45;
	v23 =	vld [tilespmem:s17+$0x70];
	v27 =	vadd.f32 v55, v22;
	(erf) = vpow2.f32 v48  }
0x2f9: {  	[tilespmem:s11+$0x190] =	vst v42;
	v42 =	vld [tilespmem:s21+$0x60];
	v3 =	vmul.f32 $1.442695020e+00, v50;
	v51 =	vmax.f32 v5, v4;
	v4 =	vmul.f32 $2.000000030e-01, v26  }
0x2fa: {  	v13 =	vmovc v19;
	v19 =	vmov v31;
	v22 =	vld [tilespmem:s17+$0xFFFFFFE0];
	v52 =	vmul.f32 $2.000000030e-01, v27;
	v1 =	vmul.f32 $1.442695020e+00, v51  }
0x2fb: {  	s11 =	smov.u32 s18;
	s18 =	smov.u32 s22;
	s22 =	sadd.s32 $0x480, s22;
	v31 =	vld [tilespmem:s21+$0x180];
	v55 =	vmul.f32 v25, v44;
	v24 =	vpop (erf);
	v4 =	vmax.f32 v26, v4;
	(erf) = vpow2.f32 v3  }
0x2fc: {  	v43 =	vld [tilespmem:s21+$0xFFFFFFD0];
	v2 =	vmax.f32 v27, v52;
	[tilespmem:s22+$0x230] =	vst v24;
	v4 =	vmul.f32 $1.442695020e+00, v4;
	(erf) = vpow2.f32 v1  }
0x2fd: {  	[tilespmem:s18+$0xFFFFFE20] =	vst v53;
	v54 =	vmul.f32 $1.442695020e+00, v2;
	v5 =	vld [tilespmem:s26+$0x1B0]  }
0x2fe: {  	v28 =	vld [tilespmem:s21+$0xFFFFFE30];
	v0 =	vmul.f32 v49, v46;
	[tilespmem:s18+$0xFFFFFEB0] =	vst v55;
	v27 =	vpop (erf);
	(erf) = vpow2.f32 v4  }
0x2ff: {  	v25 =	vld [tilespmem:s17+$0x100];
	[tilespmem:s22+$0xFFFFFED0] =	vst v27;
	(erf) = vpow2.f32 v54  }
0x300: {  	[tilespmem:s18+$0xFFFFFF40] =	vst v0;
	v56 =	vperm.xlane v24, v62;
	v4 =	vld [tilespmem:s26+$0xFFFFFE50];
	v30 =	vpop (erf)  }
0x301: {  	v38 =	vld [tilespmem:s21+$0xFFFFFEC0];
	[tilespmem:s22+$0xFFFFFF60] =	vst v30;
	v26 =	vpop (erf)  }
0x302: {  	v59 =	vld [tilespmem:s26+$0xFFFFFEE0];
	v3 =	vmul.f32 v5, v56;
	[tilespmem:s22+$0xFFFFFFF0] =	vst v26  }
0x303: {  	v60 =	vperm.xlane v24, v6;
	v57 =	vperm.xlane v27, v62;
	v61 =	vld [tilespmem:s26+$0xFFFFFF70]  }
0x304: {  	v12 =	vmov v20;
	v2 =	vperm.xlane v27, v6;
	v44 =	vperm.xlane v27, v7;
	v39 =	vld [tilespmem:s21+$0xFFFFFF50];
	[tilespmem:s22+$0x1B0] =	vst v3;
	v29 =	vpop (erf)  }
0x305: {  	v20 =	vmov v32;
	v58 =	vperm.xlane v30, v62;
	v1 =	vmul.f32 v4, v57;
	v48 =	vld [tilespmem:s26+$0x1C0];
	[tilespmem:s22+$0x80] =	vst v29;
	v32 =	vpop (erf)  }
0x306: {  	v5 =	vperm.xlane v30, v6;
	v45 =	vperm.xlane v26, v62;
	v4 =	vld [tilespmem:s26+$0x0];
	[tilespmem:s22+$0x110] =	vst v32  }
0x307: {  	v46 =	vperm.xlane v26, v6;
	v47 =	vperm.xlane v26, v7;
	[tilespmem:s22+$0xFFFFFE50] =	vst v1;
	v53 =	vld [tilespmem:s26+$0x90];
	v33 =	vpop (erf)  }
0x308: {  	v0 =	vmul.f32 v59, v58;
	[tilespmem:s22+$0x1A0] =	vst v33;
	v37 =	vpop (erf);
	v61 =	vmul.f32 v61, v45;
	v45 =	vld [tilespmem:s26+$0xFFFFFE60]  }
0x309: {  	v3 =	vperm.xlane v30, v7;
	v50 =	vperm.xlane v29, v62;
	[tilespmem:s22+$0xFFFFFE40] =	vst v37;
	v58 =	vld [tilespmem:s26+$0x120]  }
0x30a: {  	v52 =	vperm.xlane v32, v62;
	[tilespmem:s22+$0xFFFFFEE0] =	vst v0;
	v48 =	vmul.f32 v48, v60;
	v55 =	vld [tilespmem:s26+$0xFFFFFDC0]  }
0x30b: {  	v51 =	vperm.xlane v29, v6;
	v40 =	vld [tilespmem:s17+$0x190];
	[tilespmem:s22+$0xFFFFFF70] =	vst v61;
	v4 =	vmul.f32 v4, v50  }
0x30c: {  	v56 =	vperm.xlane v33, v62;
	[tilespmem:s22+$0x1C0] =	vst v48;
	v0 =	vmul.f32 v53, v52;
	v52 =	vld [tilespmem:s26+$0xFFFFFEF0]  }
0x30d: {  	v57 =	vperm.xlane v37, v62;
	v60 =	vld [tilespmem:s26+$0xFFFFFF80];
	[tilespmem:s22+$0x0] =	vst v4;
	v2 =	vmul.f32 v45, v2  }
0x30e: {  	v54 =	vperm.xlane v32, v6;
	v50 =	vld [tilespmem:s26+$0x1D0];
	v4 =	vmul.f32 v58, v56;
	[tilespmem:s22+$0x90] =	vst v0  }
0x30f: {  	v1 =	vperm.xlane v29, v7;
	v55 =	vmul.f32 v55, v57;
	v57 =	vld [tilespmem:s26+$0x10];
	[tilespmem:s22+$0xFFFFFE60] =	vst v2  }
0x310: {  	v49 =	vperm.xlane v33, v6;
	v59 =	vperm.xlane v37, v6;
	v45 =	vld [tilespmem:s26+$0xA0];
	[tilespmem:s22+$0x120] =	vst v4  }
0x311: {  	v62 =	vperm.xlane v24, v7;
	[tilespmem:s22+$0xFFFFFDC0] =	vst v55;
	v55 =	vld [tilespmem:s26+$0x130];
	v2 =	vmul.f32 v52, v5  }
0x312: {  	v48 =	vperm.xlane v37, v7;
	v46 =	vmul.f32 v60, v46;
	v52 =	vld [tilespmem:s26+$0xFFFFFE70]  }
0x313: {  	v53 =	vperm.xlane v32, v7;
	v0 =	vmul.f32 v50, v62;
	v50 =	vld [tilespmem:s26+$0xFFFFFDD0];
	[tilespmem:s22+$0xFFFFFEF0] =	vst v2  }
0x314: {  	v56 =	vperm.xlane v33, v7;
	[tilespmem:s22+$0xFFFFFF80] =	vst v46;
	v61 =	vmul.f32 v57, v51;
	v57 =	vld [tilespmem:s26+$0xFFFFFF00]  }
0x315: {  	v58 =	vperm.xlane v37, v8;
	[tilespmem:s22+$0x1D0] =	vst v0;
	v45 =	vmul.f32 v45, v54;
	v54 =	vld [tilespmem:s26+$0xFFFFFF90]  }
0x316: {  	v4 =	vperm.xlane v27, v8;
	v51 =	vld [tilespmem:s26+$0x1E0];
	[tilespmem:s22+$0x10] =	vst v61;
	v62 =	vmul.f32 v55, v49  }
0x317: {  	v60 =	vperm.xlane v26, v8;
	[tilespmem:s22+$0xA0] =	vst v45;
	v44 =	vmul.f32 v52, v44;
	v55 =	vld [tilespmem:s26+$0x20]  }
0x318: {  	v5 =	vperm.xlane v30, v8;
	v50 =	vmul.f32 v50, v59;
	v61 =	vld [tilespmem:s26+$0xB0];
	[tilespmem:s22+$0x130] =	vst v62  }
0x319: {  	v46 =	vperm.xlane v32, v8;
	v45 =	vperm.xlane v24, v8;
	[tilespmem:s22+$0xFFFFFE70] =	vst v44;
	v62 =	vld [tilespmem:s26+$0x140]  }
0x31a: {  	v2 =	vperm.xlane v29, v8;
	[tilespmem:s22+$0xFFFFFDD0] =	vst v50;
	v3 =	vmul.f32 v57, v3;
	v44 =	vld [tilespmem:s26+$0xFFFFFE80]  }
0x31b: {  	v47 =	vmul.f32 v54, v47;
	v45 =	vmul.f32 v51, v45;
	v51 =	vld [tilespmem:s26+$0xFFFFFDE0]  }
0x31c: {  	v0 =	vperm.xlane v27, v9;
	v49 =	vperm.xlane v33, v8;
	[tilespmem:s22+$0xFFFFFF00] =	vst v3  }
0x31d: {  	v52 =	vperm.xlane v32, v9;
	[tilespmem:s22+$0xFFFFFF90] =	vst v47;
	v1 =	vmul.f32 v55, v1;
	v55 =	vld [tilespmem:s26+$0xFFFFFF10]  }
0x31e: {  	v59 =	vperm.xlane v37, v9;
	[tilespmem:s22+$0x1E0] =	vst v45;
	v61 =	vmul.f32 v61, v53;
	v53 =	vld [tilespmem:s26+$0xFFFFFFA0]  }
0x31f: {  	v57 =	vperm.xlane v30, v9;
	v45 =	vld [tilespmem:s26+$0x1F0];
	[tilespmem:s22+$0x20] =	vst v1;
	v62 =	vmul.f32 v62, v56  }
0x320: {  	[tilespmem:s22+$0xB0] =	vst v61;
	v4 =	vmul.f32 v44, v4;
	v48 =	vmul.f32 v51, v48;
	v51 =	vld [tilespmem:s26+$0x30]  }
0x321: {  	v54 =	vperm.xlane v26, v9;
	v50 =	vperm.xlane v24, v9;
	v44 =	vld [tilespmem:s26+$0xC0];
	[tilespmem:s22+$0x140] =	vst v62  }
0x322: {  	v3 =	vperm.xlane v29, v9;
	v47 =	vperm.xlane v37, v63;
	[tilespmem:s22+$0xFFFFFE80] =	vst v4;
	v61 =	vld [tilespmem:s26+$0x150]  }
0x323: {  	v56 =	vperm.xlane v33, v9;
	[tilespmem:s22+$0xFFFFFDE0] =	vst v48;
	v4 =	vmul.f32 v55, v5;
	v55 =	vld [tilespmem:s26+$0xFFFFFE90]  }
0x324: {  	v1 =	vperm.xlane v27, v63;
	v53 =	vmul.f32 v53, v60;
	v62 =	vld [tilespmem:s26+$0xFFFFFDF0]  }
0x325: {  	v5 =	vperm.xlane v30, v63;
	v45 =	vmul.f32 v45, v50;
	[tilespmem:s22+$0xFFFFFF10] =	vst v4  }
0x326: {  	v48 =	vperm.xlane v29, v63;
	[tilespmem:s22+$0xFFFFFFA0] =	vst v53;
	v2 =	vmul.f32 v51, v2;
	v60 =	vld [tilespmem:s26+$0xFFFFFF20]  }
0x327: {  	v50 =	vperm.xlane v26, v63;
	[tilespmem:s22+$0x1F0] =	vst v45;
	v44 =	vmul.f32 v44, v46;
	v53 =	vld [tilespmem:s26+$0xFFFFFFB0]  }
0x328: {  	v51 =	vperm.xlane v32, v63;
	v4 =	vld [tilespmem:s26+$0x200];
	[tilespmem:s22+$0x30] =	vst v2;
	v2 =	vmul.f32 v61, v49  }
0x329: {  	v10 =	vimm.s32 $0x6;
	[tilespmem:s22+$0xC0] =	vst v44;
	v0 =	vmul.f32 v55, v0;
	v46 =	vmul.f32 v62, v58;
	v58 =	vld [tilespmem:s26+$0x40]  }
0x32a: {  	v45 =	vperm.xlane v37, v10;
	v49 =	vperm.xlane v33, v63;
	v55 =	vld [tilespmem:s26+$0xD0];
	[tilespmem:s22+$0x150] =	vst v2  }
0x32b: {  	v61 =	vperm.xlane v24, v63;
	[tilespmem:s22+$0xFFFFFE90] =	vst v0;
	v2 =	vld [tilespmem:s26+$0x160];
	v0 =	vmul.f32 v60, v57  }
0x32c: {  	v44 =	vperm.xlane v27, v10;
	[tilespmem:s22+$0xFFFFFDF0] =	vst v46;
	v57 =	vld [tilespmem:s26+$0xFFFFFEA0];
	v53 =	vmul.f32 v53, v54  }
0x32d: {  	v63 =	vperm.xlane v32, v10;
	v4 =	vmul.f32 v4, v61;
	v61 =	vld [tilespmem:s26+$0xFFFFFE00];
	[tilespmem:s22+$0xFFFFFF20] =	vst v0  }
0x32e: {  	v46 =	vperm.xlane v30, v10;
	v60 =	vperm.xlane v26, v10;
	[tilespmem:s22+$0xFFFFFFB0] =	vst v53;
	v62 =	vld [tilespmem:s26+$0xFFFFFF30]  }
0x32f: {  	s20 =	sadd.s32 $0x8, s20;
	[tilespmem:s22+$0x200] =	vst v4;
	v58 =	vmul.f32 v58, v3;
	v52 =	vmul.f32 v55, v52;
	v55 =	vld [tilespmem:s26+$0xFFFFFFC0]  }
0x330: {  	p0 =	slt.u32 s20, $0x48;
	v53 =	vperm.xlane v33, v10;
	v3 =	vperm.xlane v29, v10;
	v4 =	vld [tilespmem:s26+$0x210]  }
.Ltmp2:
0x331: {  	[tilespmem:s22+$0x40] =	vst v58;
	v0 =	vmul.f32 v2, v56;
	v58 =	vperm.xlane v24, v10;
	v10 =	vmov v11;
	v11 =	vld [tilespmem:$0x1FFE0];
	(pc) =	sbr.rel @p0 .LBB2_7-.Ltmp2, $4  }
0x332: {  	v41 =	vmul.f32 v41, v36;
	[tilespmem:s22+$0xD0] =	vst v52;
	v2 =	vmul.f32 v61, v59;
	v56 =	vld [tilespmem:s26+$0x50]  }
0x333: {  	v42 =	vmul.f32 v42, v35;
	v36 =	vmov v63;
	v1 =	vmul.f32 v57, v1;
	v54 =	vld [tilespmem:s26+$0xE0];
	[tilespmem:s22+$0x160] =	vst v0  }
0x334: {  	s17 =	smov.u32 s21;
	s21 =	smov.u32 s26;
	v63 =	vimm.s32 $0x5;
	v52 =	vmul.f32 v43, v34;
	v34 =	vmovc v60;
	v60 =	vimm.s32 $0x7;
	v35 =	vmovc v3;
	[tilespmem:s22+$0xFFFFFE00] =	vst v2;
	v57 =	vld [tilespmem:s26+$0x170]  }
0x335: {  	v61 =	vmovc v14;
	v14 =	vmovc v15;
	[tilespmem:s22+$0xFFFFFEA0] =	vst v1;
	v59 =	vmul.f32 v62, v5;
	v62 =	vimm.s32 $0x0;
	s26 =	sadd.s32 $0x480, s26;
	v58 =	vmul.f32 v4, v58;
	v43 =	vld [tilespmem:s21+$0xFFFFFE10]  }
0x336: {  	[tilespmem:s18+$0xFFFFFFD0] =	vst v52  }
0x337: {  	[tilespmem:s18+$0x60] =	vst v42  }
0x338: {  	[tilespmem:s18+$0xF0] =	vst v41  }
0x339: {  	v0 =	vmul.f32 v55, v50;
	[tilespmem:s22+$0x210] =	vst v58  }
0x33a: {  	v15 =	vperm.xlane v24, v60;
	v24 =	vmul.f32 v31, v11;
	[tilespmem:s22+$0xFFFFFF30] =	vst v59  }
0x33b: {  	v28 =	vmul.f32 v28, v17;
	[tilespmem:s22+$0xFFFFFFC0] =	vst v0  }
0x33c: {  	v31 =	vmul.f32 v38, v16;
	[tilespmem:s18+$0x180] =	vst v24  }
0x33d: {  	v39 =	vmul.f32 v39, v18;
	[tilespmem:s18+$0xFFFFFE30] =	vst v28  }
0x33e: {  	v4 =	vmul.f32 v22, v10;
	[tilespmem:s18+$0xFFFFFEC0] =	vst v31  }
0x33f: {  	v5 =	vmul.f32 v23, v61;
	[tilespmem:s18+$0xFFFFFF50] =	vst v39  }
0x340: {  	v41 =	vld [tilespmem:s21+$0xFFFFFEB0];
	v1 =	vmul.f32 v56, v48;
	[tilespmem:s11+$0xFFFFFFE0] =	vst v4  }
0x341: {  	v58 =	vmul.f32 v54, v51;
	v42 =	vld [tilespmem:s21+$0xFFFFFF40];
	[tilespmem:s11+$0x70] =	vst v5  }
0x342: {  	v2 =	vld [tilespmem:s21+$0x220];
	[tilespmem:s22+$0x50] =	vst v1;
	v3 =	vmul.f32 v43, v47  }
0x343: {  	v59 =	vmul.f32 v57, v49;
	v4 =	vld [tilespmem:s21+$0xFFFFFFD0];
	[tilespmem:s22+$0xE0] =	vst v58  }
0x344: {  	v43 =	vmul.f32 v25, v12;
	v5 =	vld [tilespmem:s21+$0x60];
	[tilespmem:s22+$0xFFFFFE10] =	vst v3  }
0x345: {  	[tilespmem:s22+$0x170] =	vst v59;
	v1 =	vmul.f32 v41, v44;
	v38 =	vld [tilespmem:s21+$0xFFFFFE20]  }
0x346: {  	[tilespmem:s11+$0x100] =	vst v43;
	v46 =	vmul.f32 v42, v46  }
0x347: {  	v10 =	vld [tilespmem:s21+$0x180];
	v0 =	vmul.f32 v2, v15;
	[tilespmem:s22+$0xFFFFFEB0] =	vst v1  }
0x348: {  	v1 =	vld [tilespmem:s21+$0xFFFFFEC0];
	v48 =	vmul.f32 v4, v34;
	[tilespmem:s22+$0xFFFFFF40] =	vst v46  }
0x349: {  	[tilespmem:s22+$0x220] =	vst v0;
	v4 =	vmul.f32 v5, v35;
	v49 =	vld [tilespmem:s21+$0xFFFFFF50]  }
0x34a: {  	v50 =	vld [tilespmem:s17+$0xFFFFFFE0];
	[tilespmem:s22+$0xFFFFFFD0] =	vst v48;
	v0 =	vmul.f32 v38, v45  }
0x34b: {  	v51 =	vperm.xlane v27, v60;
	v47 =	vmul.f32 v40, v13;
	[tilespmem:s22+$0x60] =	vst v4;
	v45 =	vld [tilespmem:s21+$0xF0]  }
0x34c: {  	v10 =	vmul.f32 v10, v53;
	v4 =	vperm.xlane v30, v60;
	v56 =	vld [tilespmem:s21+$0xFFFFFFE0];
	[tilespmem:s22+$0xFFFFFE20] =	vst v0  }
0x34d: {  	[tilespmem:s11+$0x190] =	vst v47;
	v0 =	vmul.f32 v1, v51;
	v11 =	vld [tilespmem:s21+$0xFFFFFE30]  }
0x34e: {  	v57 =	vld [tilespmem:s21+$0x70];
	[tilespmem:s22+$0x180] =	vst v10;
	v55 =	vmul.f32 v49, v4  }
0x34f: {  	v52 =	vld [tilespmem:s17+$0x70];
	v10 =	vperm.xlane v26, v60;
	v4 =	vmul.f32 v50, v14;
	[tilespmem:s22+$0xFFFFFEC0] =	vst v0  }
0x350: {  	v54 =	vld [tilespmem:s17+$0x190];
	v5 =	vperm.xlane v37, v60;
	v3 =	vmul.f32 v45, v36;
	[tilespmem:s22+$0xFFFFFF50] =	vst v55  }
0x351: {  	v59 =	vperm.xlane v29, v60;
	v15 =	vld [tilespmem:s17+$0x100];
	v2 =	vmul.f32 v56, v10;
	[tilespmem:s18+$0xFFFFFFE0] =	vst v4  }
0x352: {  	v4 =	vld [tilespmem:s21+$0x190];
	[tilespmem:s22+$0xF0] =	vst v3;
	v5 =	vmul.f32 v11, v5  }
0x353: {  	v0 =	vmul.f32 v57, v59;
	[tilespmem:s22+$0xFFFFFFE0] =	vst v2;
	v58 =	vld [tilespmem:s21+$0x100]  }
0x354: {  	[tilespmem:s22+$0xFFFFFE30] =	vst v5;
	v5 =	vmul.f32 v52, v21  }
0x355: {  	v10 =	vperm.xlane v33, v60;
	v3 =	vmul.f32 v54, v19;
	[tilespmem:s22+$0x70] =	vst v0  }
0x356: {  	v11 =	vmul.f32 v15, v20;
	[tilespmem:s18+$0x70] =	vst v5;
	v5 =	vperm.xlane v32, v60  }
0x357: {  	[tilespmem:s18+$0x190] =	vst v3;
	v61 =	vmul.f32 v4, v10  }
0x358: {  	s9 =	sadd.s32 $0x1, s9;
	[tilespmem:s18+$0x100] =	vst v11;
	v1 =	vmul.f32 v58, v5  }
0x359: {  	p0 =	sne.s32 s9, $0x7D;
	[tilespmem:s22+$0x190] =	vst v61  }
.Ltmp3:
0x35a: {  	[tilespmem:s22+$0x100] =	vst v1;
	(pc) =	sbr.rel @p0 .LBB2_4-.Ltmp3, $4  }
0x35b: {  	[spmem:s2] =	stream.indirect.scatter.add.f32 [tilespmem:s15], [sflag:$0x5], $0x90, s10, s19, $0xb8;
	[tilespmem:$0x183C0] =	vst v63  }
0x35c: {  	_ =	swait.ge [sflag:s16], $0x2D00  }
0x35d: {  	[sflag:s16] =	ssyncset.done $0x0  }
0x35e: {  	[sflag:s16] =	ssyncadd.s32 $0xFFFFD300  }
0x35f: {  	s9 =	stileid.u32;
	[bflag:$0x0] =	sbarrier.arrive $0xFFFF  }
0x360: {  	s9 =	sshll.u32 s9, $0x6;
	s21 =	rddreg [dreg:$0x7]  }
0x361: {  	s11 =	rddreg [dreg:$0xa];
	s17 =	sor.u32 $0x1C05, s9  }
0x362: {  	[dreg:$0xd] =	wrdreg s17  }
0x363: {  	[hbm:s21], [sflag:s17] =	dma.local [spmem:s11], $0x1602  }
0x364: {  	_ =	swait.ge [sflag:s16], $0x1602  }
0x365: {  	[sflag:s16] =	ssyncset.done $0x0  }
0x366: {  	[sflag:s16] =	ssyncadd.s32 $0xFFFFE9FE  }
0x367: {  	[bflag:$0x0] =	sbarrier.arrive $0xFFFF  }
0x368: {  	s9 =	simm.s32 $0x0;
	s22 =	rddreg [dreg:$0x4]  }
0x369: {  	[spmem:s22] =	stream.linear.scatter [tilespmem:s9], [sflag:$0x5], $0x3F00, $0x38;
	[tilespmem:$0x183C0] =	vst v63  }
0x36a: {  	_ =	swait.ge [sflag:s16], $0x3F00  }
0x36b: {  	[sflag:s16] =	ssyncset.done $0x0  }
0x36c: {  	s25 =	rddreg [dreg:$0x5];
	[sflag:s16] =	ssyncadd.s32 $0xFFFFC100  }
0x36d: {  	[spmem:s25] =	stream.linear.scatter [tilespmem:s9], [sflag:$0x5], $0x3F00, $0x38;
	[tilespmem:$0x183C0] =	vst v63  }
0x36e: {  	_ =	swait.ge [sflag:s16], $0x3F00  }
0x36f: {  	[sflag:s16] =	ssyncset.done $0x0  }
0x370: {  	s26 =	rddreg [dreg:$0x6];
	[sflag:s16] =	ssyncadd.s32 $0xFFFFC100  }
0x371: {  	[spmem:s26] =	stream.linear.scatter [tilespmem:s9], [sflag:$0x5], $0x32A0, $0x38;
	[tilespmem:$0x183C0] =	vst v63  }
0x372: {  	_ =	swait.ge [sflag:s16], $0x32A0  }
0x373: {  	[sflag:s16] =	ssyncset.done $0x0  }
0x374: {  	[sflag:s16] =	ssyncadd.s32 $0xFFFFCD60  }
0x375: {  	[bflag:$0x0] =	sbarrier.arrive $0xFFFF  }
.LBB2_10:
0x376: {  	s11 =	smul.u32 $0xA0, s9;
	_ =	sdelay $0x1  }
0x377: {  	s17 =	sadd.s32 s8, s11  }
0x378: {  	s17 =	sshrl.u32 s17, $0x3  }
0x379: {  	s20 =	simm.s32 $0xD000;
	s18 =	sadd.s32 s1, s17  }
0x37a: {  	[tilespmem:s20], [sflag:$0x5] =	stream.linear.gather [hbm4b:s18+s4], $0x50, $0x38;
	[tilespmem:$0x183C0] =	vst v63  }
0x37b: {  	_ =	swait.ge [sflag:s16], $0x50  }
0x37c: {  	[sflag:s16] =	ssyncset.done $0x0  }
0x37d: {  	s22 =	simm.s32 $0xD0A0;
	s17 =	sadd.s32 s7, s17;
	[sflag:s16] =	ssyncadd.s32 $0xFFFFFFB0  }
0x37e: {  	[tilespmem:s22], [sflag:$0x5] =	stream.linear.gather [hbm4b:s17+s4], $0x50, $0x38;
	[tilespmem:$0x183C0] =	vst v63  }
0x37f: {  	_ =	swait.ge [sflag:s16], $0x50  }
0x380: {  	[sflag:s16] =	ssyncset.done $0x0  }
0x381: {  	v11 =	vld [tilespmem:$0x1FFF0];
	[sflag:s16] =	ssyncadd.s32 $0xFFFFFFB0  }
0x382: {  	v0 =	vld [tilespmem:$0xD000]  }
0x383: {  	v1 =	vld [tilespmem:$0xD0A0]  }
0x384: {  	v2 =	vld [tilespmem:$0xD0A0]  }
0x385: {  	v3 =	vld [tilespmem:$0xD010]  }
0x386: {  	v4 =	vld [tilespmem:$0xD0B0]  }
0x387: {  	v5 =	vld [tilespmem:$0xD0B0]  }
0x388: {  	v10 =	vld [tilespmem:$0xD020]  }
0x389: {  	v45 =	vld [tilespmem:$0xD0C0];
	v0 =	vadd.s32 v11, v0  }
0x38a: {  	v50 =	vld [tilespmem:$0xD0D0];
	v42 =	vadd.s32 v11, v2;
	[tilespmem:$0xD140] =	vst v0  }
0x38b: {  	v43 =	vld [tilespmem:$0xD0C0];
	v46 =	vadd.s32 v11, v3;
	[tilespmem:$0xD280] =	vst v42  }
0x38c: {  	v48 =	vadd.s32 v11, v5;
	[tilespmem:$0xD150] =	vst v46  }
0x38d: {  	v51 =	vadd.s32 v11, v10;
	[tilespmem:$0xD290] =	vst v48  }
0x38e: {  	v1 =	vadd.s32 $0xFFFFEC70, v1;
	v47 =	vadd.s32 $0xFFFFEC70, v4;
	v4 =	vld [tilespmem:$0xD030];
	v52 =	vadd.s32 v11, v45;
	[tilespmem:$0xD160] =	vst v51  }
0x38f: {  	v55 =	vadd.s32 v11, v50;
	vm0 =	vgt.s32 v1, $0xFFFFFFFF;
	[tilespmem:$0xD2A0] =	vst v52  }
0x390: {  	v2 =	vadd.s32 $0xFFFFEC70, v43;
	vm7 =	vgt.s32 v47, $0xFFFFFFFF;
	[tilespmem:$0xD2B0] =	vst v55;
	v44 =	vnsel vm0, $0x1390, v1  }
0x391: {  	vm8 =	vgt.s32 v2, $0xFFFFFFFF;
	v49 =	vnsel vm7, $0x1390, v47;
	[tilespmem:$0xD1E0] =	vst v44  }
0x392: {  	v53 =	vnsel vm8, $0x1390, v2;
	[tilespmem:$0xD1F0] =	vst v49  }
0x393: {  	v56 =	vld [tilespmem:$0xD0D0];
	[tilespmem:$0xD200] =	vst v53;
	v54 =	vadd.s32 v11, v4  }
0x394: {  	[tilespmem:$0xD170] =	vst v54  }
0x395: {  	v57 =	vld [tilespmem:$0xD040]  }
0x396: {  	v58 =	vld [tilespmem:$0xD0E0]  }
0x397: {  	v59 =	vld [tilespmem:$0xD0E0]  }
0x398: {  	v0 =	vadd.s32 $0xFFFFEC70, v56  }
0x399: {  	vm9 =	vgt.s32 v0, $0xFFFFFFFF  }
0x39a: {  	v0 =	vnsel vm9, $0x1390, v0  }
0x39b: {  	[tilespmem:$0xD210] =	vst v0;
	v61 =	vadd.s32 v11, v57;
	v32 =	vadd.s32 $0xFFFFEC70, v58  }
0x39c: {  	v33 =	vadd.s32 v11, v59;
	[tilespmem:$0xD180] =	vst v61;
	vm10 =	vgt.s32 v32, $0xFFFFFFFF  }
0x39d: {  	[tilespmem:$0xD2C0] =	vst v33;
	v34 =	vnsel vm10, $0x1390, v32  }
0x39e: {  	s25 =	simm.s32 $0xD280;
	s26 =	simm.s32 $0xC600;
	s11 =	sadd.s32 s11, s12;
	[tilespmem:$0xD220] =	vst v34  }
0x39f: {  	[tilespmem:s26], [sflag:$0x1] =	stream.indirect.gather [hbm4b:s6+s19], $0x10, s25, s19, $0xb8;
	[tilespmem:$0x183C0] =	vst v63  }
0x3a0: {  	s11 =	sshrl.u32 s11, $0x3;
	s18 =	simm.s32 $0xD140;
	s20 =	simm.s32 $0x3F00  }
0x3a1: {  	[tilespmem:s20], [sflag:$0x3] =	stream.indirect.gather [hbm4b:s5+s19], $0x90, s18, s19, $0xb8;
	[tilespmem:$0x183C0] =	vst v63  }
0x3a2: {  	s21 =	sadd.s32 s1, s11;
	s22 =	simm.s32 $0xD050  }
0x3a3: {  	[tilespmem:s22], [sflag:$0x5] =	stream.linear.gather [hbm4b:s21+s4], $0x50, $0x38;
	[tilespmem:$0x183C0] =	vst v63  }
0x3a4: {  	_ =	swait.ge [sflag:s16], $0x50  }
0x3a5: {  	[sflag:s16] =	ssyncset.done $0x0  }
0x3a6: {  	s11 =	sadd.s32 s7, s11;
	[sflag:s16] =	ssyncadd.s32 $0xFFFFFFB0  }
0x3a7: {  	[tilespmem:s28], [sflag:$0x5] =	stream.linear.gather [hbm4b:s11+s4], $0x50, $0x38;
	[tilespmem:$0x183C0] =	vst v63  }
0x3a8: {  	_ =	swait.ge [sflag:s16], $0x50  }
0x3a9: {  	[sflag:s16] =	ssyncset.done $0x0  }
0x3aa: {  	[sflag:s16] =	ssyncadd.s32 $0xFFFFFFB0  }
0x3ab: {  	v35 =	vld [tilespmem:$0xD050]  }
0x3ac: {  	v36 =	vld [tilespmem:$0xD0F0]  }
0x3ad: {  	v37 =	vld [tilespmem:$0xD0F0]  }
0x3ae: {  	v38 =	vld [tilespmem:$0xD060]  }
0x3af: {  	v4 =	vld [tilespmem:$0xD100]  }
0x3b0: {  	v5 =	vld [tilespmem:$0xD100]  }
0x3b1: {  	v10 =	vld [tilespmem:$0xD070]  }
0x3b2: {  	v42 =	vld [tilespmem:$0xD110];
	v0 =	vadd.s32 v11, v35  }
0x3b3: {  	v47 =	vld [tilespmem:$0xD120];
	v39 =	vadd.s32 v11, v37;
	[tilespmem:$0xD190] =	vst v0  }
0x3b4: {  	v52 =	vld [tilespmem:$0xD130];
	v43 =	vadd.s32 v11, v38;
	[tilespmem:$0xD2D0] =	vst v39  }
0x3b5: {  	v40 =	vld [tilespmem:$0xD110];
	v45 =	vadd.s32 v11, v5;
	[tilespmem:$0xD1A0] =	vst v43  }
0x3b6: {  	v50 =	vld [tilespmem:$0xD130];
	v48 =	vadd.s32 v11, v10;
	[tilespmem:$0xD2E0] =	vst v45  }
0x3b7: {  	v49 =	vadd.s32 v11, v42;
	[tilespmem:$0xD1B0] =	vst v48  }
0x3b8: {  	v1 =	vadd.s32 $0xFFFFEC70, v36;
	v44 =	vadd.s32 $0xFFFFEC70, v4;
	v4 =	vld [tilespmem:$0xD080];
	v54 =	vadd.s32 v11, v47;
	[tilespmem:$0xD2F0] =	vst v49  }
0x3b9: {  	v5 =	vld [tilespmem:$0xD120];
	v57 =	vadd.s32 v11, v52;
	vm11 =	vgt.s32 v1, $0xFFFFFFFF;
	[tilespmem:$0xD300] =	vst v54  }
0x3ba: {  	v2 =	vadd.s32 $0xFFFFEC70, v40;
	v10 =	vld [tilespmem:$0xD090];
	vm12 =	vgt.s32 v44, $0xFFFFFFFF;
	[tilespmem:$0xD310] =	vst v57;
	v41 =	vnsel vm11, $0x1390, v1  }
0x3bb: {  	vm13 =	vgt.s32 v2, $0xFFFFFFFF;
	v46 =	vnsel vm12, $0x1390, v44;
	v1 =	vadd.s32 $0xFFFFEC70, v50;
	[tilespmem:$0xD230] =	vst v41  }
0x3bc: {  	v51 =	vnsel vm13, $0x1390, v2;
	[tilespmem:$0xD240] =	vst v46;
	vm15 =	vgt.s32 v1, $0xFFFFFFFF  }
0x3bd: {  	[tilespmem:$0xD250] =	vst v51;
	v58 =	vnsel vm15, $0x1390, v1  }
0x3be: {  	v53 =	vadd.s32 v11, v4;
	v4 =	vadd.s32 $0xFFFFEC70, v5;
	[tilespmem:$0xD270] =	vst v58  }
0x3bf: {  	v56 =	vadd.s32 v11, v10;
	[tilespmem:$0xD1C0] =	vst v53;
	vm14 =	vgt.s32 v4, $0xFFFFFFFF  }
0x3c0: {  	[tilespmem:$0xD1D0] =	vst v56;
	v55 =	vnsel vm14, $0x1390, v4  }
0x3c1: {  	[tilespmem:$0xD260] =	vst v55  }
0x3c2: {  	[tilespmem:s30], [sflag:$0x2] =	stream.indirect.gather [hbm4b:s6+s19], $0x10, s29, s19, $0xb8;
	[tilespmem:$0x183C0] =	vst v63  }
0x3c3: {  	_ = 	snop  }
0x3c4: {  	[tilespmem:s0], [sflag:$0x4] =	stream.indirect.gather [hbm4b:s5+s19], $0x90, s31, s19, $0xb8;
	[tilespmem:$0x183C0] =	vst v63  }
0x3c5: {  	_ =	swait.ge [sflag:s3], $0x500  }
0x3c6: {  	[sflag:s3] =	ssyncset.done $0x0  }
0x3c7: {  	[sflag:s3] =	ssyncadd.s32 $0xFFFFFB00  }
0x3c8: {  	_ =	swait.ge [sflag:s13], $0x2D00  }
0x3c9: {  	[sflag:s13] =	ssyncset.done $0x0  }
0x3ca: {  	s20 =	simm.s32 $0x4140;
	[sflag:s13] =	ssyncadd.s32 $0xFFFFD300  }
0x3cb: {  	s25 =	simm.s32 $0xC640;
	v59 =	vld [tilespmem:s20+$0x230]  }
0x3cc: {  	v61 =	vld [tilespmem:s25+$0x30]  }
0x3cd: {  	v33 =	vld [tilespmem:s20+$0xFFFFFED0]  }
0x3ce: {  	v4 =	vld [tilespmem:s25+$0xFFFFFFD0]  }
0x3cf: {  	v5 =	vld [tilespmem:s20+$0xFFFFFF60]  }
0x3d0: {  	v10 =	vld [tilespmem:s25+$0xFFFFFFE0]  }
0x3d1: {  	v34 =	vld [tilespmem:s20+$0xFFFFFFF0]  }
0x3d2: {  	v11 =	vld [tilespmem:s25+$0xFFFFFFF0];
	v0 =	vadd.f32 v61, v59  }
0x3d3: {  	v13 =	vld [tilespmem:s20+$0x80]  }
0x3d4: {  	v14 =	vld [tilespmem:s25+$0x0];
	v12 =	vmul.f32 $2.000000030e-01, v0  }
0x3d5: {  	v3 =	vadd.f32 v4, v33;
	v4 =	vld [tilespmem:s20+$0x110]  }
0x3d6: {  	v5 =	vadd.f32 v10, v5;
	v10 =	vld [tilespmem:s25+$0x10];
	v0 =	vmax.f32 v0, v12  }
0x3d7: {  	v15 =	vld [tilespmem:s20+$0x1A0];
	v0 =	vmul.f32 $1.442695020e+00, v0  }
0x3d8: {  	v1 =	vadd.f32 v11, v34;
	v11 =	vld [tilespmem:s25+$0x20];
	v12 =	vmul.f32 $2.000000030e-01, v3  }
0x3d9: {  	v32 =	vld [tilespmem:s25+$0xFFFFFFC0];
	(erf) = vpow2.f32 v0  }
0x3da: {  	v35 =	vmul.f32 $2.000000030e-01, v5;
	v3 =	vmax.f32 v3, v12;
	v12 =	vld [tilespmem:s20+$0xFFFFFE40]  }
0x3db: {  	v4 =	vadd.f32 v10, v4  }
0x3dc: {  	v13 =	vadd.f32 v14, v13;
	v0 =	vmax.f32 v5, v35;
	v5 =	vmul.f32 $2.000000030e-01, v1  }
0x3dd: {  	v36 =	vadd.f32 v11, v15;
	v3 =	vmul.f32 $1.442695020e+00, v3;
	v10 =	vmul.f32 $2.000000030e-01, v4  }
0x3de: {  	v0 =	vmul.f32 $1.442695020e+00, v0;
	v1 =	vmax.f32 v1, v5;
	v5 =	vmul.f32 $2.000000030e-01, v13  }
0x3df: {  	v11 =	vmul.f32 $2.000000030e-01, v36;
	(erf) = vpow2.f32 v3;
	v2 =	vadd.f32 v32, v12  }
0x3e0: {  	v1 =	vmul.f32 $1.442695020e+00, v1;
	(erf) = vpow2.f32 v0;
	v5 =	vmax.f32 v13, v5  }
0x3e1: {  	v37 =	vmax.f32 v4, v10;
	v5 =	vmul.f32 $1.442695020e+00, v5;
	v4 =	vmul.f32 $2.000000030e-01, v2  }
0x3e2: {  	s11 =	simm.s32 $0x9B40;
	v38 =	vmax.f32 v36, v11;
	v0 =	vmul.f32 $1.442695020e+00, v37;
	v10 =	vpop (erf);
	(erf) = vpow2.f32 v1  }
0x3e3: {  	v2 =	vmax.f32 v2, v4;
	v1 =	vmul.f32 $1.442695020e+00, v38;
	[tilespmem:s11+$0x230] =	vst v10;
	(erf) = vpow2.f32 v5  }
0x3e4: {  	v40 =	vmul.f32 $1.442695020e+00, v2;
	v39 =	vld [tilespmem:s20+$0x1B0];
	(erf) = vpow2.f32 v0  }
0x3e5: {  	(erf) = vpow2.f32 v1  }
0x3e6: {  	s17 =	simm.s32 $0x45C0;
	(erf) = vpow2.f32 v40  }
0x3e7: {  	s26 =	simm.s32 $0xC6C0;
	v23 =	vld [tilespmem:s17+$0xFFFFFED0];
	v41 =	vperm.xlane v10, v62  }
0x3e8: {  	v26 =	vld [tilespmem:s26+$0xFFFFFFD0];
	v12 =	vpop (erf)  }
0x3e9: {  	v29 =	vld [tilespmem:s17+$0xFFFFFF60];
	[tilespmem:s11+$0xFFFFFED0] =	vst v12;
	v14 =	vpop (erf);
	v42 =	vmul.f32 v39, v41  }
0x3ea: {  	v43 =	vld [tilespmem:s20+$0xFFFFFE50];
	[tilespmem:s11+$0xFFFFFF60] =	vst v14  }
0x3eb: {  	v44 =	vld [tilespmem:s20+$0xFFFFFEE0];
	[tilespmem:s11+$0x1B0] =	vst v42;
	v11 =	vpop (erf)  }
0x3ec: {  	v0 =	vld [tilespmem:s20+$0x1C0];
	[tilespmem:s11+$0xFFFFFFF0] =	vst v11;
	v15 =	vpop (erf)  }
0x3ed: {  	v45 =	vperm.xlane v12, v62;
	v4 =	vld [tilespmem:s20+$0xFFFFFF70];
	[tilespmem:s11+$0x80] =	vst v15;
	v16 =	vpop (erf)  }
0x3ee: {  	v19 =	vperm.xlane v14, v62;
	v5 =	vld [tilespmem:s20+$0x0];
	[tilespmem:s11+$0x110] =	vst v16;
	v13 =	vpop (erf)  }
0x3ef: {  	v18 =	vperm.xlane v10, v6;
	v1 =	vmul.f32 v43, v45;
	v46 =	vld [tilespmem:s20+$0x90];
	[tilespmem:s11+$0x1A0] =	vst v13;
	v17 =	vpop (erf)  }
0x3f0: {  	v20 =	vperm.xlane v11, v62;
	v2 =	vmul.f32 v44, v19;
	[tilespmem:s11+$0xFFFFFE40] =	vst v17;
	v21 =	vld [tilespmem:s20+$0x120]  }
0x3f1: {  	[tilespmem:s11+$0xFFFFFE50] =	vst v1;
	v0 =	vmul.f32 v0, v18;
	v18 =	vperm.xlane v15, v62;
	v19 =	vld [tilespmem:s20+$0xFFFFFDC0]  }
0x3f2: {  	v47 =	vperm.xlane v16, v62;
	[tilespmem:s11+$0xFFFFFEE0] =	vst v2;
	v4 =	vmul.f32 v4, v20;
	v20 =	vld [tilespmem:s20+$0xFFFFFE60]  }
0x3f3: {  	v48 =	vperm.xlane v13, v62;
	v50 =	vld [tilespmem:s20+$0xFFFFFEF0];
	[tilespmem:s11+$0x1C0] =	vst v0;
	v5 =	vmul.f32 v5, v18  }
0x3f4: {  	v18 =	vperm.xlane v17, v62;
	v49 =	vld [tilespmem:s20+$0x1D0];
	v1 =	vmul.f32 v46, v47;
	[tilespmem:s11+$0xFFFFFF70] =	vst v4  }
0x3f5: {  	v4 =	vperm.xlane v12, v6;
	v22 =	vld [tilespmem:s20+$0xFFFFFF80];
	[tilespmem:s11+$0x0] =	vst v5;
	v0 =	vmul.f32 v21, v48  }
0x3f6: {  	v5 =	vmul.f32 v19, v18;
	v18 =	vld [tilespmem:s20+$0x10];
	[tilespmem:s11+$0x90] =	vst v1;
	v19 =	vperm.xlane v14, v6  }
0x3f7: {  	v51 =	vperm.xlane v10, v7;
	v4 =	vmul.f32 v20, v4;
	v20 =	vld [tilespmem:s20+$0xA0];
	[tilespmem:s11+$0x120] =	vst v0  }
0x3f8: {  	v52 =	vperm.xlane v11, v6;
	[tilespmem:s11+$0xFFFFFDC0] =	vst v5;
	v5 =	vld [tilespmem:s20+$0x130];
	v3 =	vmul.f32 v50, v19  }
0x3f9: {  	v53 =	vperm.xlane v15, v6;
	v1 =	vmul.f32 v49, v51;
	v21 =	vld [tilespmem:s20+$0xFFFFFDD0];
	[tilespmem:s11+$0xFFFFFE60] =	vst v4  }
0x3fa: {  	v4 =	vperm.xlane v16, v6;
	v19 =	vld [tilespmem:s20+$0xFFFFFE70];
	v0 =	vmul.f32 v22, v52;
	[tilespmem:s11+$0xFFFFFEF0] =	vst v3  }
0x3fb: {  	v54 =	vperm.xlane v13, v6;
	[tilespmem:s11+$0x1D0] =	vst v1;
	v2 =	vmul.f32 v18, v53;
	v22 =	vld [tilespmem:s20+$0xFFFFFF00]  }
0x3fc: {  	v18 =	vperm.xlane v17, v6;
	v55 =	vld [tilespmem:s20+$0x1E0];
	[tilespmem:s11+$0xFFFFFF80] =	vst v0;
	v56 =	vmul.f32 v20, v4  }
0x3fd: {  	v4 =	vperm.xlane v12, v7;
	v20 =	vld [tilespmem:s20+$0xFFFFFF90];
	[tilespmem:s11+$0x10] =	vst v2;
	v1 =	vmul.f32 v5, v54  }
0x3fe: {  	v57 =	vmul.f32 v21, v18;
	v5 =	vld [tilespmem:s20+$0x20];
	[tilespmem:s11+$0xA0] =	vst v56  }
0x3ff: {  	v58 =	vperm.xlane v10, v8;
	v4 =	vmul.f32 v19, v4;
	v19 =	vld [tilespmem:s20+$0xB0];
	[tilespmem:s11+$0x130] =	vst v1  }
0x400: {  	v59 =	vperm.xlane v11, v7;
	v18 =	vperm.xlane v14, v7;
	[tilespmem:s11+$0xFFFFFDD0] =	vst v57;
	v61 =	vld [tilespmem:s20+$0x140]  }
0x401: {  	v32 =	vperm.xlane v15, v7;
	v0 =	vmul.f32 v55, v58;
	v21 =	vld [tilespmem:s20+$0xFFFFFDE0];
	[tilespmem:s11+$0xFFFFFE70] =	vst v4  }
0x402: {  	v4 =	vmul.f32 v22, v18;
	v18 =	vperm.xlane v16, v7;
	v22 =	vld [tilespmem:s20+$0xFFFFFE80]  }
0x403: {  	v1 =	vmul.f32 v20, v59;
	[tilespmem:s11+$0x1E0] =	vst v0;
	v3 =	vmul.f32 v5, v32;
	v32 =	vld [tilespmem:s26+$0xFFFFFFE0]  }
0x404: {  	[tilespmem:s11+$0xFFFFFF00] =	vst v4;
	v5 =	vperm.xlane v17, v7;
	v4 =	vld [tilespmem:s20+$0x1F0]  }
0x405: {  	v33 =	vperm.xlane v13, v7;
	v20 =	vld [tilespmem:s20+$0xFFFFFF10];
	[tilespmem:s11+$0xFFFFFF90] =	vst v1;
	v34 =	vmul.f32 v19, v18  }
0x406: {  	v18 =	vperm.xlane v12, v8;
	v19 =	vld [tilespmem:s20+$0xFFFFFFA0];
	[tilespmem:s11+$0x20] =	vst v3;
	v35 =	vmul.f32 v21, v5  }
0x407: {  	v0 =	vmul.f32 v61, v33;
	v3 =	vld [tilespmem:s20+$0x30];
	[tilespmem:s11+$0xB0] =	vst v34  }
0x408: {  	v5 =	vperm.xlane v14, v8;
	v18 =	vmul.f32 v22, v18;
	v21 =	vld [tilespmem:s20+$0xC0];
	[tilespmem:s11+$0xFFFFFDE0] =	vst v35  }
0x409: {  	v36 =	vperm.xlane v10, v9;
	v37 =	vperm.xlane v11, v8;
	[tilespmem:s11+$0x140] =	vst v0;
	v22 =	vld [tilespmem:s20+$0xFFFFFDF0]  }
0x40a: {  	v39 =	vperm.xlane v13, v8;
	v38 =	vld [tilespmem:s20+$0x150];
	[tilespmem:s11+$0xFFFFFE80] =	vst v18;
	v5 =	vmul.f32 v20, v5  }
0x40b: {  	v1 =	vmul.f32 v4, v36;
	v18 =	vperm.xlane v16, v8;
	v20 =	vld [tilespmem:s20+$0xFFFFFE90]  }
0x40c: {  	v34 =	vld [tilespmem:s17+$0xFFFFFFF0];
	v0 =	vmul.f32 v19, v37;
	[tilespmem:s11+$0xFFFFFF10] =	vst v5;
	v5 =	vperm.xlane v17, v8  }
0x40d: {  	v23 =	vadd.f32 v26, v23;
	v4 =	vperm.xlane v15, v8;
	[tilespmem:s11+$0x1F0] =	vst v1;
	v19 =	vld [tilespmem:s20+$0xFFFFFF20];
	v40 =	vmul.f32 v21, v18  }
0x40e: {  	v26 =	vadd.f32 v32, v29;
	v29 =	vld [tilespmem:s26+$0x10];
	[tilespmem:s11+$0xFFFFFFA0] =	vst v0;
	v18 =	vperm.xlane v12, v9;
	v41 =	vmul.f32 v22, v5  }
0x40f: {  	v3 =	vmul.f32 v3, v4;
	v4 =	vld [tilespmem:s20+$0x200];
	v1 =	vmul.f32 v38, v39;
	[tilespmem:s11+$0xC0] =	vst v40  }
0x410: {  	v5 =	vperm.xlane v14, v9;
	v18 =	vmul.f32 v20, v18;
	v20 =	vld [tilespmem:s20+$0xD0];
	[tilespmem:s11+$0xFFFFFDF0] =	vst v41  }
0x411: {  	[tilespmem:s11+$0x30] =	vst v3;
	v22 =	vld [tilespmem:s20+$0xFFFFFE00]  }
0x412: {  	v21 =	vld [tilespmem:s20+$0xFFFFFFB0];
	[tilespmem:s11+$0x150] =	vst v1;
	v5 =	vmul.f32 v19, v5  }
0x413: {  	v3 =	vld [tilespmem:s20+$0x40];
	[tilespmem:s11+$0xFFFFFE90] =	vst v18;
	v18 =	vperm.xlane v16, v9  }
0x414: {  	v42 =	vperm.xlane v10, v63;
	v44 =	vld [tilespmem:s20+$0x160];
	[tilespmem:s11+$0xFFFFFF20] =	vst v5;
	v5 =	vperm.xlane v17, v9  }
0x415: {  	v43 =	vperm.xlane v11, v9;
	v46 =	vmul.f32 v20, v18;
	v20 =	vld [tilespmem:s26+$0x30]  }
0x416: {  	v0 =	vmul.f32 v4, v42;
	v47 =	vmul.f32 v22, v5;
	v5 =	vld [tilespmem:s17+$0x230]  }
0x417: {  	v36 =	vld [tilespmem:s26+$0xFFFFFFF0];
	v4 =	vperm.xlane v15, v9  }
0x418: {  	v19 =	vld [tilespmem:s20+$0xFFFFFEA0];
	v1 =	vmul.f32 v21, v43;
	[tilespmem:s11+$0x200] =	vst v0  }
0x419: {  	v45 =	vperm.xlane v13, v9;
	v3 =	vmul.f32 v3, v4;
	v4 =	vld [tilespmem:s20+$0x210]  }
0x41a: {  	v21 =	vld [tilespmem:s20+$0xFFFFFF30];
	[tilespmem:s11+$0xFFFFFFB0] =	vst v1  }
0x41b: {  	v25 =	vperm.xlane v12, v63;
	v18 =	vld [tilespmem:s20+$0xFFFFFFC0];
	[tilespmem:s11+$0x40] =	vst v3;
	v0 =	vmul.f32 v44, v45;
	v5 =	vadd.f32 v20, v5  }
0x41c: {  	v27 =	vperm.xlane v14, v63;
	v28 =	vperm.xlane v11, v63;
	v3 =	vld [tilespmem:s20+$0x50]  }
0x41d: {  	v30 =	vperm.xlane v15, v63;
	v22 =	vld [tilespmem:s26+$0xFFFFFFC0];
	[tilespmem:s11+$0x160] =	vst v0;
	v37 =	vmul.f32 $2.000000030e-01, v5  }
0x41e: {  	v31 =	vperm.xlane v16, v63;
	v24 =	vperm.xlane v17, v63;
	v61 =	vimm.s32 $0x6;
	[tilespmem:s11+$0xD0] =	vst v46;
	v0 =	vld [tilespmem:s20+$0x170]  }
0x41f: {  	v33 =	vperm.xlane v17, v61;
	v35 =	vperm.xlane v10, v61;
	v1 =	vld [tilespmem:s20+$0xE0];
	v5 =	vmax.f32 v5, v37  }
0x420: {  	v19 =	vmul.f32 v19, v25;
	v25 =	vld [tilespmem:s17+$0x80];
	[tilespmem:s11+$0xFFFFFE00] =	vst v47;
	v5 =	vmul.f32 $1.442695020e+00, v5  }
0x421: {  	v32 =	vmul.f32 $2.000000030e-01, v26;
	v2 =	vld [tilespmem:s20+$0xFFFFFE10];
	v20 =	vperm.xlane v13, v63  }
0x422: {  	v21 =	vmul.f32 v21, v27;
	v27 =	vld [tilespmem:s26+$0x0];
	(erf) = vpow2.f32 v5  }
0x423: {  	v0 =	vmul.f32 v0, v20;
	v20 =	vld [tilespmem:s17+$0xFFFFFE40];
	v5 =	vmul.f32 $2.000000030e-01, v23  }
0x424: {  	v4 =	vmul.f32 v4, v35;
	v18 =	vmul.f32 v18, v28;
	v28 =	vld [tilespmem:s17+$0x110]  }
0x425: {  	v48 =	vld [tilespmem:s26+$0x20];
	v3 =	vmul.f32 v3, v30;
	v30 =	vadd.f32 v36, v34;
	v5 =	vmax.f32 v23, v5  }
0x426: {  	[tilespmem:s11+$0xFFFFFEA0] =	vst v19;
	v1 =	vmul.f32 v1, v31;
	v31 =	vld [tilespmem:s17+$0x1A0];
	v23 =	vmax.f32 v26, v32;
	v5 =	vmul.f32 $1.442695020e+00, v5  }
0x427: {  	[tilespmem:s11+$0x210] =	vst v4;
	v4 =	vld [tilespmem:s20+$0xFFFFFEB0];
	v25 =	vadd.f32 v27, v25;
	v2 =	vmul.f32 v2, v24;
	v50 =	vmul.f32 $1.442695020e+00, v23  }
0x428: {  	[tilespmem:s11+$0xFFFFFF30] =	vst v21;
	v49 =	vmul.f32 $2.000000030e-01, v30;
	v20 =	vadd.f32 v22, v20;
	(erf) = vpow2.f32 v5  }
0x429: {  	[tilespmem:s11+$0xFFFFFE10] =	vst v2;
	v26 =	vmul.f32 $2.000000030e-01, v25;
	v23 =	vadd.f32 v29, v28;
	(erf) = vpow2.f32 v50  }
0x42a: {  	v38 =	vperm.xlane v12, v61;
	[tilespmem:s11+$0xFFFFFFC0] =	vst v18;
	v24 =	vmax.f32 v30, v49;
	v27 =	vld [tilespmem:s20+$0xFFFFFE20];
	v22 =	vmul.f32 $2.000000030e-01, v20  }
0x42b: {  	s18 =	simm.s32 $0x9FC0;
	v34 =	vld [tilespmem:s20+$0xFFFFFF40];
	[tilespmem:s11+$0x170] =	vst v0;
	v5 =	vmax.f32 v25, v26;
	v25 =	vadd.f32 v48, v31;
	v19 =	vmul.f32 $2.000000030e-01, v23;
	v21 =	vpop (erf)  }
0x42c: {  	v24 =	vmul.f32 $1.442695020e+00, v24;
	v53 =	vmul.f32 v4, v38;
	v30 =	vld [tilespmem:s20+$0x180];
	v18 =	vmax.f32 v20, v22;
	[tilespmem:s18+$0x230] =	vst v21  }
0x42d: {  	v5 =	vmul.f32 $1.442695020e+00, v5;
	v51 =	vmul.f32 $2.000000030e-01, v25;
	v19 =	vmax.f32 v23, v19;
	v20 =	vld [tilespmem:s17+$0x1B0]  }
0x42e: {  	[tilespmem:s11+$0x50] =	vst v3;
	v28 =	vld [tilespmem:s20+$0xFFFFFFD0];
	(erf) = vpow2.f32 v24;
	v19 =	vmul.f32 $1.442695020e+00, v19  }
0x42f: {  	[tilespmem:s11+$0xE0] =	vst v1;
	v29 =	vld [tilespmem:s20+$0x60];
	(erf) = vpow2.f32 v5;
	v5 =	vmul.f32 v27, v33;
	v2 =	vmax.f32 v25, v51  }
0x430: {  	[tilespmem:s11+$0xFFFFFEB0] =	vst v53;
	v26 =	vld [tilespmem:s20+$0x220];
	v2 =	vmul.f32 $1.442695020e+00, v2;
	v54 =	vperm.xlane v21, v62  }
0x431: {  	v52 =	vmul.f32 $1.442695020e+00, v18;
	v31 =	vld [tilespmem:s20+$0xF0];
	(erf) = vpow2.f32 v19;
	[tilespmem:s11+$0xFFFFFE20] =	vst v5;
	v18 =	vpop (erf)  }
0x432: {  	v23 =	vld [tilespmem:s20+$0xFFFFFEC0];
	(erf) = vpow2.f32 v2;
	[tilespmem:s18+$0xFFFFFED0] =	vst v18;
	v32 =	vpop (erf);
	v0 =	vmul.f32 v20, v54  }
0x433: {  	v58 =	vperm.xlane v15, v60;
	v22 =	vld [tilespmem:s20+$0xFFFFFE30];
	(erf) = vpow2.f32 v52;
	[tilespmem:s18+$0xFFFFFF60] =	vst v32  }
0x434: {  	v56 =	vperm.xlane v10, v60;
	v35 =	vperm.xlane v11, v61;
	v55 =	vld [tilespmem:s17+$0xFFFFFE50];
	[tilespmem:s18+$0x1B0] =	vst v0  }
0x435: {  	v11 =	vperm.xlane v11, v60;
	v36 =	vperm.xlane v14, v61;
	v57 =	vld [tilespmem:s17+$0x1C0];
	[tilespmem:$0x1FFD0] =	vst v58  }
0x436: {  	s21 =	simm.s32 $0x4A40;
	v37 =	vperm.xlane v15, v61;
	v38 =	vperm.xlane v16, v61;
	v3 =	vld [tilespmem:s17+$0xFFFFFEE0]  }
0x437: {  	s25 =	simm.s32 $0xC740;
	v24 =	vperm.xlane v17, v60;
	v28 =	vmul.f32 v28, v35;
	v35 =	vld [tilespmem:s21+$0xFFFFFED0]  }
0x438: {  	v29 =	vmul.f32 v29, v37;
	v25 =	vperm.xlane v14, v60;
	v14 =	vpop (erf);
	v37 =	vld [tilespmem:s25+$0xFFFFFFD0]  }
0x439: {  	v27 =	vperm.xlane v12, v60;
	v31 =	vmul.f32 v31, v38;
	v19 =	vpop (erf);
	[tilespmem:s18+$0xFFFFFFF0] =	vst v14;
	v38 =	vld [tilespmem:s21+$0xFFFFFF60]  }
0x43a: {  	v12 =	vperm.xlane v16, v60;
	v4 =	vperm.xlane v18, v62;
	v20 =	vpop (erf);
	[tilespmem:s18+$0x80] =	vst v19;
	v5 =	vld [tilespmem:s17+$0xFFFFFF70]  }
0x43b: {  	v39 =	vmul.f32 v26, v56;
	v15 =	vperm.xlane v21, v6;
	[tilespmem:s18+$0x110] =	vst v20;
	v59 =	vld [tilespmem:s17+$0x0];
	v26 =	vpop (erf)  }
0x43c: {  	v17 =	vperm.xlane v32, v62;
	v1 =	vmul.f32 v55, v4;
	v4 =	vld [tilespmem:s17+$0x90];
	[tilespmem:s18+$0x1A0] =	vst v26;
	v16 =	vpop (erf)  }
0x43d: {  	v40 =	vperm.xlane v14, v62;
	[tilespmem:s18+$0xFFFFFE40] =	vst v16;
	v41 =	vld [tilespmem:s17+$0x120];
	v2 =	vmul.f32 v57, v15  }
0x43e: {  	[tilespmem:s18+$0xFFFFFE50] =	vst v1;
	v15 =	vperm.xlane v19, v62;
	v3 =	vmul.f32 v3, v17;
	v17 =	vld [tilespmem:s17+$0xFFFFFDC0]  }
0x43f: {  	v44 =	vperm.xlane v20, v62;
	v45 =	vld [tilespmem:s17+$0xFFFFFE60];
	v5 =	vmul.f32 v5, v40;
	[tilespmem:s18+$0x1C0] =	vst v2  }
0x440: {  	v46 =	vperm.xlane v26, v62;
	v0 =	vmul.f32 v59, v15;
	[tilespmem:s18+$0xFFFFFEE0] =	vst v3;
	v47 =	vld [tilespmem:s17+$0x1D0]  }
0x441: {  	v15 =	vperm.xlane v16, v62;
	v1 =	vmul.f32 v4, v44;
	v4 =	vld [tilespmem:s17+$0xFFFFFEF0];
	[tilespmem:s18+$0xFFFFFF70] =	vst v5  }
0x442: {  	v5 =	vperm.xlane v18, v6;
	[tilespmem:s18+$0x0] =	vst v0;
	v48 =	vmul.f32 v41, v46;
	v42 =	vld [tilespmem:s17+$0xFFFFFF80]  }
0x443: {  	v50 =	vperm.xlane v21, v7;
	[tilespmem:s18+$0x90] =	vst v1;
	v49 =	vmul.f32 v17, v15;
	v15 =	vld [tilespmem:s17+$0x10]  }
0x444: {  	v51 =	vld [tilespmem:s17+$0xA0];
	v17 =	vperm.xlane v32, v6;
	v5 =	vmul.f32 v45, v5;
	[tilespmem:s18+$0x120] =	vst v48  }
0x445: {  	v52 =	vperm.xlane v14, v6;
	v53 =	vld [tilespmem:s17+$0x130];
	[tilespmem:s18+$0xFFFFFDC0] =	vst v49;
	v1 =	vmul.f32 v47, v50  }
0x446: {  	v54 =	vperm.xlane v19, v6;
	[tilespmem:s18+$0xFFFFFE60] =	vst v5;
	v55 =	vld [tilespmem:s17+$0xFFFFFDD0];
	v4 =	vmul.f32 v4, v17  }
0x447: {  	v5 =	vperm.xlane v20, v6;
	v17 =	vld [tilespmem:s17+$0xFFFFFE70];
	v0 =	vmul.f32 v42, v52;
	[tilespmem:s18+$0x1D0] =	vst v1  }
0x448: {  	v56 =	vperm.xlane v26, v6;
	[tilespmem:s18+$0xFFFFFEF0] =	vst v4;
	v3 =	vmul.f32 v15, v54;
	v4 =	vld [tilespmem:s17+$0x1E0]  }
0x449: {  	v58 =	vmul.f32 v51, v5;
	v15 =	vperm.xlane v16, v6;
	v57 =	vld [tilespmem:s17+$0xFFFFFF00];
	[tilespmem:s18+$0xFFFFFF80] =	vst v0  }
0x44a: {  	v5 =	vperm.xlane v18, v7;
	v1 =	vmul.f32 v53, v56;
	v59 =	vld [tilespmem:s17+$0xFFFFFF90];
	[tilespmem:s18+$0x10] =	vst v3  }
0x44b: {  	v46 =	vperm.xlane v21, v8;
	[tilespmem:s18+$0xA0] =	vst v58;
	v45 =	vmul.f32 v55, v15;
	v3 =	vld [tilespmem:s17+$0x20]  }
0x44c: {  	v15 =	vperm.xlane v32, v7;
	v5 =	vmul.f32 v17, v5;
	v17 =	vld [tilespmem:s17+$0xB0];
	[tilespmem:s18+$0x130] =	vst v1  }
0x44d: {  	v47 =	vperm.xlane v14, v7;
	v48 =	vld [tilespmem:s17+$0x140];
	[tilespmem:s18+$0xFFFFFDD0] =	vst v45;
	v0 =	vmul.f32 v4, v46  }
0x44e: {  	v4 =	vperm.xlane v19, v7;
	[tilespmem:s18+$0xFFFFFE70] =	vst v5;
	v49 =	vld [tilespmem:s17+$0xFFFFFDE0];
	v5 =	vmul.f32 v57, v15  }
0x44f: {  	v15 =	vperm.xlane v20, v7;
	v50 =	vld [tilespmem:s17+$0xFFFFFE80];
	v1 =	vmul.f32 v59, v47;
	[tilespmem:s18+$0x1E0] =	vst v0  }
0x450: {  	v51 =	vperm.xlane v26, v7;
	[tilespmem:s18+$0xFFFFFF00] =	vst v5;
	v3 =	vmul.f32 v3, v4;
	v4 =	vld [tilespmem:s17+$0x1F0]  }
0x451: {  	v5 =	vperm.xlane v16, v7;
	v53 =	vmul.f32 v17, v15;
	v52 =	vld [tilespmem:s17+$0xFFFFFF10];
	[tilespmem:s18+$0xFFFFFF90] =	vst v1  }
0x452: {  	v15 =	vperm.xlane v18, v8;
	v0 =	vmul.f32 v48, v51;
	v17 =	vld [tilespmem:s17+$0xFFFFFFA0];
	[tilespmem:s18+$0x20] =	vst v3  }
0x453: {  	v55 =	vperm.xlane v21, v9;
	[tilespmem:s18+$0xB0] =	vst v53;
	v54 =	vmul.f32 v49, v5;
	v3 =	vld [tilespmem:s17+$0x30]  }
0x454: {  	v5 =	vperm.xlane v32, v8;
	v15 =	vmul.f32 v50, v15;
	v56 =	vld [tilespmem:s17+$0xC0];
	[tilespmem:s18+$0x140] =	vst v0  }
0x455: {  	v57 =	vperm.xlane v14, v8;
	v58 =	vld [tilespmem:s17+$0x150];
	[tilespmem:s18+$0xFFFFFDE0] =	vst v54;
	v1 =	vmul.f32 v4, v55  }
0x456: {  	v4 =	vperm.xlane v19, v8;
	[tilespmem:s18+$0xFFFFFE80] =	vst v15;
	v59 =	vld [tilespmem:s17+$0xFFFFFDF0];
	v5 =	vmul.f32 v52, v5  }
0x457: {  	v15 =	vperm.xlane v20, v8;
	v45 =	vld [tilespmem:s17+$0xFFFFFE90];
	v0 =	vmul.f32 v17, v57;
	[tilespmem:s18+$0x1F0] =	vst v1  }
0x458: {  	v46 =	vperm.xlane v26, v8;
	[tilespmem:s18+$0xFFFFFF10] =	vst v5;
	v3 =	vmul.f32 v3, v4;
	v4 =	vld [tilespmem:s17+$0x200]  }
0x459: {  	v33 =	vperm.xlane v13, v61;
	v47 =	vmul.f32 v56, v15;
	v17 =	vld [tilespmem:s17+$0xFFFFFF20];
	[tilespmem:s18+$0xFFFFFFA0] =	vst v0  }
0x45a: {  	v5 =	vperm.xlane v16, v8;
	v1 =	vmul.f32 v58, v46;
	v48 =	vld [tilespmem:s17+$0xFFFFFFB0];
	[tilespmem:s18+$0x30] =	vst v3  }
0x45b: {  	v13 =	vperm.xlane v13, v60;
	v15 =	vperm.xlane v18, v9;
	[tilespmem:s18+$0xC0] =	vst v47;
	v3 =	vld [tilespmem:s17+$0x40]  }
0x45c: {  	v50 =	vperm.xlane v21, v63;
	v49 =	vmul.f32 v59, v5;
	v51 =	vld [tilespmem:s17+$0xD0];
	[tilespmem:s18+$0x150] =	vst v1  }
0x45d: {  	v5 =	vperm.xlane v32, v9;
	v15 =	vmul.f32 v45, v15;
	v53 =	vld [tilespmem:s17+$0x160]  }
0x45e: {  	v52 =	vperm.xlane v14, v9;
	[tilespmem:s18+$0xFFFFFDF0] =	vst v49;
	v0 =	vmul.f32 v4, v50;
	v49 =	vld [tilespmem:s21+$0x230]  }
0x45f: {  	v4 =	vperm.xlane v19, v9;
	[tilespmem:s18+$0xFFFFFE90] =	vst v15;
	v54 =	vld [tilespmem:s17+$0xFFFFFE00];
	v5 =	vmul.f32 v17, v5  }
0x460: {  	v55 =	vperm.xlane v26, v9;
	v15 =	vperm.xlane v20, v9;
	v17 =	vld [tilespmem:s17+$0xFFFFFEA0];
	[tilespmem:s18+$0x200] =	vst v0  }
0x461: {  	v1 =	vmul.f32 v48, v52;
	[tilespmem:s18+$0xFFFFFF20] =	vst v5;
	v3 =	vmul.f32 v3, v4;
	v4 =	vld [tilespmem:s17+$0x210]  }
0x462: {  	v30 =	vmul.f32 v30, v33;
	v27 =	vmul.f32 v23, v27;
	v43 =	vld [tilespmem:s17+$0xFFFFFF30]  }
0x463: {  	v56 =	vmul.f32 v51, v15;
	[tilespmem:s18+$0xFFFFFFB0] =	vst v1;
	v0 =	vmul.f32 v53, v55;
	v55 =	vld [tilespmem:s25+$0xFFFFFFC0]  }
0x464: {  	v41 =	vperm.xlane v18, v63;
	v42 =	vperm.xlane v16, v63;
	v57 =	vld [tilespmem:s17+$0xFFFFFFC0];
	[tilespmem:s18+$0x40] =	vst v3  }
0x465: {  	v47 =	vperm.xlane v19, v63;
	v59 =	vperm.xlane v21, v61;
	[tilespmem:s18+$0xD0] =	vst v56;
	v56 =	vld [tilespmem:s25+$0xFFFFFFE0]  }
0x466: {  	v45 =	vperm.xlane v14, v63;
	v5 =	vperm.xlane v16, v9;
	v3 =	vld [tilespmem:s17+$0x50]  }
0x467: {  	v21 =	vperm.xlane v21, v60;
	v50 =	vperm.xlane v16, v61;
	v44 =	vld [tilespmem:s17+$0xE0]  }
0x468: {  	v48 =	vperm.xlane v20, v63;
	v58 =	vmul.f32 v54, v5;
	[tilespmem:s18+$0x160] =	vst v0;
	v54 =	vld [tilespmem:s25+$0x30]  }
0x469: {  	v52 =	vperm.xlane v18, v61;
	v15 =	vperm.xlane v26, v61;
	v2 =	vld [tilespmem:s17+$0x170]  }
0x46a: {  	v53 =	vperm.xlane v32, v61;
	v5 =	vmul.f32 v34, v36;
	[tilespmem:s18+$0xFFFFFE00] =	vst v58;
	v58 =	vld [tilespmem:s21+$0xFFFFFFF0]  }
0x46b: {  	v34 =	vperm.xlane v14, v61;
	v1 =	vmul.f32 v4, v59;
	v59 =	vld [tilespmem:s25+$0xFFFFFFF0]  }
0x46c: {  	v35 =	vadd.f32 v37, v35;
	v0 =	vmul.f32 v17, v41;
	v17 =	vperm.xlane v16, v60;
	v46 =	vld [tilespmem:s17+$0xFFFFFE10]  }
0x46d: {  	v16 =	vperm.xlane v18, v60;
	v18 =	vperm.xlane v32, v60;
	[tilespmem:s18+$0x210] =	vst v1;
	v38 =	vadd.f32 v56, v38;
	v56 =	vld [tilespmem:s21+$0x1A0]  }
0x46e: {  	v4 =	vperm.xlane v32, v63;
	v40 =	vmul.f32 v57, v45;
	v51 =	vld [tilespmem:s17+$0x220];
	v57 =	vadd.f32 v54, v49  }
0x46f: {  	v1 =	vperm.xlane v26, v63;
	v44 =	vmul.f32 v44, v48;
	v48 =	vld [tilespmem:s21+$0x80]  }
0x470: {  	[tilespmem:s11+$0xFFFFFF40] =	vst v5;
	v5 =	vmul.f32 $2.000000030e-01, v35;
	v54 =	vld [tilespmem:s25+$0x10];
	v49 =	vmul.f32 $2.000000030e-01, v57  }
0x471: {  	v4 =	vmul.f32 v43, v4;
	v1 =	vmul.f32 v2, v1;
	v2 =	vld [tilespmem:s25+$0x0]  }
0x472: {  	[tilespmem:s11+$0x220] =	vst v39;
	v3 =	vmul.f32 v3, v47;
	v58 =	vadd.f32 v59, v58;
	v59 =	vld [tilespmem:s25+$0x20];
	v45 =	vmax.f32 v57, v49  }
0x473: {  	[tilespmem:s18+$0xFFFFFF30] =	vst v4;
	v4 =	vmul.f32 v22, v24;
	v49 =	vld [tilespmem:s21+$0x110];
	v32 =	vmul.f32 $1.442695020e+00, v45  }
0x474: {  	[tilespmem:s11+$0xFFFFFFD0] =	vst v28;
	v5 =	vmax.f32 v35, v5;
	v22 =	vld [tilespmem:s21+$0xFFFFFE40];
	v57 =	vmul.f32 v51, v21;
	v21 =	vmul.f32 $2.000000030e-01, v38  }
0x475: {  	[tilespmem:s18+$0xFFFFFFC0] =	vst v40;
	v40 =	vmul.f32 $1.442695020e+00, v5;
	v23 =	vmul.f32 $2.000000030e-01, v58  }
0x476: {  	[tilespmem:s11+$0x60] =	vst v29;
	v2 =	vadd.f32 v2, v48;
	(erf) = vpow2.f32 v32;
	v21 =	vmax.f32 v38, v21  }
0x477: {  	[tilespmem:s11+$0xF0] =	vst v31;
	v47 =	vadd.f32 v59, v56;
	v5 =	vmul.f32 $1.442695020e+00, v21;
	v21 =	vmax.f32 v58, v23  }
0x478: {  	[tilespmem:s11+$0x180] =	vst v30;
	v23 =	vmul.f32 $2.000000030e-01, v2;
	(erf) = vpow2.f32 v40;
	v24 =	vadd.f32 v54, v49  }
0x479: {  	[tilespmem:s18+$0xE0] =	vst v44;
	v35 =	vld [tilespmem:s17+$0xFFFFFFD0];
	v42 =	vmul.f32 v46, v42;
	v22 =	vadd.f32 v55, v22;
	v21 =	vmul.f32 $1.442695020e+00, v21  }
0x47a: {  	[tilespmem:s18+$0x170] =	vst v1;
	v43 =	vld [tilespmem:s17+$0xF0];
	v28 =	vmul.f32 $2.000000030e-01, v47;
	v2 =	vmax.f32 v2, v23;
	v23 =	vmul.f32 $2.000000030e-01, v24  }
0x47b: {  	[tilespmem:s18+$0xFFFFFEA0] =	vst v0;
	v31 =	vld [tilespmem:s17+$0x180];
	(erf) = vpow2.f32 v5;
	v2 =	vmul.f32 $1.442695020e+00, v2  }
0x47c: {  	v45 =	vld [tilespmem:s20+$0xFFFFFF50];
	[tilespmem:s18+$0xFFFFFE10] =	vst v42;
	v5 =	vmul.f32 $2.000000030e-01, v22;
	(erf) = vpow2.f32 v21;
	v51 =	vmax.f32 v24, v23  }
0x47d: {  	[tilespmem:s18+$0x50] =	vst v3;
	v46 =	vld [tilespmem:s17+$0xFFFFFE20];
	(erf) = vpow2.f32 v2;
	v0 =	vmul.f32 $1.442695020e+00, v51  }
0x47e: {  	[tilespmem:s11+$0xFFFFFEC0] =	vst v27;
	v36 =	vperm.xlane v19, v61;
	v41 =	vperm.xlane v20, v61;
	v42 =	vld [tilespmem:s17+$0x60];
	v3 =	vmax.f32 v47, v28  }
0x47f: {  	s22 =	simm.s32 $0xA440;
	[tilespmem:s11+$0xFFFFFE30] =	vst v4;
	v48 =	vld [tilespmem:s17+$0xFFFFFEB0];
	v54 =	vmax.f32 v22, v5;
	v3 =	vmul.f32 $1.442695020e+00, v3;
	v24 =	vpop (erf);
	(erf) = vpow2.f32 v0  }
0x480: {  	v14 =	vperm.xlane v14, v60;
	v49 =	vld [tilespmem:s17+$0xFFFFFF40];
	v55 =	vmul.f32 $1.442695020e+00, v54;
	[tilespmem:s22+$0x230] =	vst v24  }
0x481: {  	[tilespmem:s18+$0x220] =	vst v57;
	v40 =	vmul.f32 v45, v25;
	(erf) = vpow2.f32 v3;
	v27 =	vpop (erf);
	v5 =	vld [tilespmem:s21+$0x1B0]  }
0x482: {  	v25 =	vld [tilespmem:s20+$0x100];
	v56 =	vmul.f32 v46, v50;
	(erf) = vpow2.f32 v55;
	[tilespmem:s22+$0xFFFFFED0] =	vst v27  }
0x483: {  	v20 =	vperm.xlane v20, v60;
	v41 =	vmul.f32 v43, v41;
	[tilespmem:s11+$0xFFFFFF50] =	vst v40;
	v37 =	vld [tilespmem:s21+$0xFFFFFE50]  }
0x484: {  	v42 =	vmul.f32 v42, v36;
	v22 =	vld [tilespmem:s20+$0xFFFFFFE0];
	[tilespmem:s18+$0xFFFFFE20] =	vst v56;
	v57 =	vperm.xlane v24, v62;
	v30 =	vpop (erf)  }
0x485: {  	v21 =	vperm.xlane v19, v60;
	v19 =	vperm.xlane v26, v60;
	v40 =	vld [tilespmem:s20+$0x190];
	[tilespmem:s22+$0xFFFFFF60] =	vst v30;
	v26 =	vpop (erf)  }
0x486: {  	v59 =	vperm.xlane v27, v62;
	v45 =	vld [tilespmem:s21+$0xFFFFFEE0];
	[tilespmem:s22+$0xFFFFFFF0] =	vst v26;
	v29 =	vpop (erf);
	v58 =	vmul.f32 v5, v57  }
0x487: {  	v38 =	vmul.f32 v48, v52;
	v39 =	vmul.f32 v49, v53;
	v56 =	vld [tilespmem:s21+$0xFFFFFF70];
	[tilespmem:s22+$0x80] =	vst v29  }
0x488: {  	v0 =	vperm.xlane v27, v6;
	v50 =	vld [tilespmem:s21+$0x0];
	v1 =	vmul.f32 v37, v59;
	[tilespmem:s22+$0x1B0] =	vst v58;
	v32 =	vpop (erf)  }
0x489: {  	v3 =	vperm.xlane v27, v7;
	v5 =	vperm.xlane v30, v62;
	v4 =	vld [tilespmem:s21+$0x1C0];
	[tilespmem:s22+$0x110] =	vst v32  }
0x48a: {  	v55 =	vperm.xlane v24, v8;
	v46 =	vperm.xlane v26, v62;
	v33 =	vpop (erf);
	[tilespmem:s22+$0xFFFFFE50] =	vst v1;
	v58 =	vld [tilespmem:s21+$0x90]  }
0x48b: {  	v23 =	vld [tilespmem:s20+$0x70];
	v57 =	vperm.xlane v24, v6;
	v5 =	vmul.f32 v45, v5;
	[tilespmem:s22+$0x1A0] =	vst v33;
	v37 =	vpop (erf)  }
0x48c: {  	v59 =	vperm.xlane v29, v62;
	v46 =	vmul.f32 v56, v46;
	[tilespmem:s22+$0xFFFFFE40] =	vst v37;
	v51 =	vld [tilespmem:s21+$0x120]  }
0x48d: {  	v44 =	vperm.xlane v30, v6;
	v56 =	vperm.xlane v32, v62;
	[tilespmem:s22+$0xFFFFFEE0] =	vst v5;
	v1 =	vld [tilespmem:s21+$0xFFFFFDC0]  }
0x48e: {  	v50 =	vmul.f32 v50, v59;
	[tilespmem:s22+$0xFFFFFF70] =	vst v46;
	v59 =	vld [tilespmem:s21+$0xFFFFFEF0];
	v4 =	vmul.f32 v4, v57  }
0x48f: {  	v49 =	vperm.xlane v30, v7;
	v2 =	vmul.f32 v58, v56;
	v56 =	vld [tilespmem:s21+$0xFFFFFF80]  }
0x490: {  	v47 =	vperm.xlane v26, v6;
	v58 =	vperm.xlane v37, v62;
	[tilespmem:s22+$0x1C0] =	vst v4;
	v4 =	vld [tilespmem:s21+$0xFFFFFE60]  }
0x491: {  	v52 =	vperm.xlane v26, v7;
	v57 =	vperm.xlane v33, v62;
	v5 =	vld [tilespmem:s21+$0x1D0];
	[tilespmem:s22+$0x90] =	vst v2  }
0x492: {  	v53 =	vperm.xlane v29, v7;
	[tilespmem:s22+$0x0] =	vst v50;
	v1 =	vmul.f32 v1, v58;
	v58 =	vld [tilespmem:s21+$0xA0]  }
0x493: {  	[tilespmem:s18+$0xFFFFFEB0] =	vst v38;
	v54 =	vperm.xlane v29, v9;
	v48 =	vld [tilespmem:s21+$0x10];
	v51 =	vmul.f32 v51, v57  }
0x494: {  	v28 =	vld [tilespmem:s17+$0xFFFFFE30];
	v57 =	vperm.xlane v24, v7;
	v44 =	vmul.f32 v59, v44;
	[tilespmem:s22+$0xFFFFFDC0] =	vst v1  }
0x495: {  	v50 =	vperm.xlane v32, v6;
	[tilespmem:s22+$0x120] =	vst v51;
	v59 =	vld [tilespmem:s21+$0xFFFFFDD0];
	v0 =	vmul.f32 v4, v0  }
0x496: {  	v45 =	vperm.xlane v29, v6;
	[tilespmem:s22+$0xFFFFFEF0] =	vst v44;
	v2 =	vmul.f32 v5, v57;
	v5 =	vld [tilespmem:s21+$0x130]  }
0x497: {  	v47 =	vmul.f32 v56, v47;
	[tilespmem:s22+$0xFFFFFE60] =	vst v0;
	v50 =	vmul.f32 v58, v50;
	v58 =	vld [tilespmem:s21+$0xFFFFFF00]  }
0x498: {  	v45 =	vmul.f32 v48, v45;
	v4 =	vperm.xlane v37, v6;
	[tilespmem:s22+$0x1D0] =	vst v2;
	v56 =	vld [tilespmem:s21+$0xFFFFFE70]  }
0x499: {  	v36 =	vperm.xlane v32, v61;
	v1 =	vperm.xlane v33, v6;
	[tilespmem:s22+$0xFFFFFF80] =	vst v47;
	v57 =	vld [tilespmem:s21+$0x1E0]  }
0x49a: {  	v38 =	vld [tilespmem:s17+$0xFFFFFEC0];
	v44 =	vperm.xlane v32, v7;
	[tilespmem:s22+$0x10] =	vst v45;
	v4 =	vmul.f32 v59, v4  }
0x49b: {  	v47 =	vperm.xlane v33, v7;
	[tilespmem:s22+$0xA0] =	vst v50;
	v1 =	vmul.f32 v5, v1;
	v5 =	vld [tilespmem:s21+$0xFFFFFF90]  }
0x49c: {  	v45 =	vperm.xlane v37, v8;
	v59 =	vld [tilespmem:s21+$0x20];
	[tilespmem:s22+$0xFFFFFDD0] =	vst v4;
	v49 =	vmul.f32 v58, v49  }
0x49d: {  	v0 =	vperm.xlane v37, v7;
	v2 =	vmul.f32 v56, v3;
	[tilespmem:s22+$0x130] =	vst v1;
	v56 =	vld [tilespmem:s21+$0xB0]  }
0x49e: {  	v50 =	vperm.xlane v26, v63;
	v48 =	vmul.f32 v57, v55;
	v57 =	vld [tilespmem:s21+$0x140];
	[tilespmem:s22+$0xFFFFFF00] =	vst v49  }
0x49f: {  	v4 =	vperm.xlane v30, v8;
	v58 =	vld [tilespmem:s21+$0xFFFFFDE0];
	v3 =	vperm.xlane v27, v8;
	[tilespmem:s22+$0xFFFFFE70] =	vst v2  }
0x4a0: {  	v49 =	vperm.xlane v32, v8;
	v5 =	vmul.f32 v5, v52;
	[tilespmem:s22+$0x1E0] =	vst v48;
	v48 =	vld [tilespmem:s21+$0xFFFFFE80]  }
0x4a1: {  	v46 =	vmul.f32 v59, v53;
	v55 =	vperm.xlane v27, v63;
	v59 =	vld [tilespmem:s21+$0x1F0]  }
0x4a2: {  	v2 =	vperm.xlane v26, v8;
	[tilespmem:s22+$0xFFFFFF90] =	vst v5;
	v1 =	vmul.f32 v56, v44;
	v56 =	vld [tilespmem:s21+$0xFFFFFF10]  }
0x4a3: {  	v52 =	vperm.xlane v29, v8;
	[tilespmem:s22+$0x20] =	vst v46;
	v47 =	vmul.f32 v57, v47;
	v57 =	vld [tilespmem:s21+$0xFFFFFFA0]  }
0x4a4: {  	v0 =	vmul.f32 v58, v0;
	v51 =	vld [tilespmem:s21+$0x30];
	v58 =	vperm.xlane v24, v9;
	[tilespmem:s22+$0xB0] =	vst v1  }
0x4a5: {  	v46 =	vperm.xlane v37, v9;
	v3 =	vmul.f32 v48, v3;
	[tilespmem:s22+$0x140] =	vst v47;
	v47 =	vld [tilespmem:s21+$0xC0]  }
0x4a6: {  	v5 =	vperm.xlane v33, v8;
	[tilespmem:s22+$0xFFFFFDE0] =	vst v0;
	v1 =	vmul.f32 v59, v58;
	v53 =	vld [tilespmem:s21+$0x150]  }
0x4a7: {  	v0 =	vperm.xlane v30, v9;
	v59 =	vld [tilespmem:s21+$0xFFFFFDF0];
	[tilespmem:s22+$0xFFFFFE80] =	vst v3;
	v4 =	vmul.f32 v56, v4  }
0x4a8: {  	v48 =	vperm.xlane v27, v9;
	v2 =	vmul.f32 v57, v2;
	[tilespmem:s22+$0x1F0] =	vst v1;
	v57 =	vld [tilespmem:s21+$0xFFFFFE90]  }
0x4a9: {  	v58 =	vmul.f32 v51, v52;
	v3 =	vperm.xlane v26, v9;
	[tilespmem:s22+$0xFFFFFF10] =	vst v4;
	v51 =	vld [tilespmem:s21+$0x200]  }
0x4aa: {  	v4 =	vperm.xlane v32, v9;
	[tilespmem:s22+$0xFFFFFFA0] =	vst v2;
	v49 =	vmul.f32 v47, v49;
	v52 =	vld [tilespmem:s21+$0xFFFFFF20]  }
0x4ab: {  	[tilespmem:s22+$0x30] =	vst v58;
	v2 =	vperm.xlane v33, v9;
	v5 =	vmul.f32 v53, v5;
	v53 =	vld [tilespmem:s21+$0xFFFFFFB0]  }
0x4ac: {  	v47 =	vperm.xlane v37, v63;
	v44 =	vmul.f32 v59, v45;
	v45 =	vld [tilespmem:s21+$0x40];
	[tilespmem:s22+$0xC0] =	vst v49  }
0x4ad: {  	v49 =	vperm.xlane v24, v63;
	v1 =	vmul.f32 v57, v48;
	[tilespmem:s22+$0x150] =	vst v5;
	v5 =	vld [tilespmem:s21+$0xD0]  }
0x4ae: {  	[tilespmem:s22+$0xFFFFFDF0] =	vst v44;
	v57 =	vperm.xlane v30, v63;
	v48 =	vperm.xlane v29, v63;
	v56 =	vld [tilespmem:s21+$0x160]  }
0x4af: {  	v44 =	vmul.f32 v51, v49;
	v51 =	vperm.xlane v32, v63;
	[tilespmem:s22+$0xFFFFFE90] =	vst v1;
	v1 =	vld [tilespmem:s21+$0xFFFFFE00]  }
0x4b0: {  	[tilespmem:s18+$0xFFFFFF40] =	vst v39;
	v49 =	vperm.xlane v33, v63;
	v0 =	vmul.f32 v52, v0;
	v59 =	vld [tilespmem:s21+$0xFFFFFEA0]  }
0x4b1: {  	v39 =	vld [tilespmem:s17+$0xFFFFFF50];
	v52 =	vmul.f32 v35, v34;
	[tilespmem:s22+$0x200] =	vst v44;
	v58 =	vmul.f32 v45, v54  }
0x4b2: {  	v3 =	vmul.f32 v53, v3;
	[tilespmem:s22+$0xFFFFFF20] =	vst v0;
	v4 =	vmul.f32 v5, v4;
	v5 =	vld [tilespmem:s21+$0x210]  }
0x4b3: {  	v34 =	vperm.xlane v26, v61;
	[tilespmem:s22+$0x40] =	vst v58;
	v0 =	vmul.f32 v56, v2;
	v2 =	vld [tilespmem:s21+$0xFFFFFF30]  }
0x4b4: {  	v35 =	vperm.xlane v29, v61;
	[tilespmem:s22+$0xFFFFFFB0] =	vst v3;
	v56 =	vld [tilespmem:s21+$0x50];
	v1 =	vmul.f32 v1, v46  }
0x4b5: {  	v45 =	vperm.xlane v37, v61;
	[tilespmem:s22+$0xD0] =	vst v4;
	v3 =	vmul.f32 v59, v55;
	v55 =	vld [tilespmem:s21+$0xFFFFFFC0]  }
0x4b6: {  	v44 =	vperm.xlane v27, v61;
	v59 =	vperm.xlane v24, v61;
	v54 =	vld [tilespmem:s21+$0xE0];
	[tilespmem:s22+$0xFFFFFE00] =	vst v1  }
0x4b7: {  	v53 =	vperm.xlane v33, v61;
	v46 =	vperm.xlane v30, v61;
	[tilespmem:s22+$0x160] =	vst v0;
	v43 =	vld [tilespmem:s21+$0xFFFFFE10]  }
0x4b8: {  	s26 =	simm.s32 $0x4EC0;
	s20 =	simm.s32 $0x10;
	v58 =	vmul.f32 v5, v59;
	[tilespmem:s22+$0xFFFFFEA0] =	vst v3;
	v59 =	vmul.f32 v2, v57;
	v57 =	vld [tilespmem:s21+$0x170]  }
.LBB2_11:
0x4b9: {  	v0 =	vld [tilespmem:s26+$0x230]  }
0x4ba: {  	v10 =	vld [tilespmem:$0x1FFD0];
	[tilespmem:s22+$0x210] =	vst v58  }
0x4bb: {  	v2 =	vmul.f32 v31, v15;
	s25 =	sadd.s32 $0x80, s25;
	v5 =	vld [tilespmem:s21+$0x220]  }
0x4bc: {  	v58 =	vperm.xlane v24, v60;
	v24 =	vld [tilespmem:s25+$0xFFFFFFD0];
	v1 =	vmul.f32 v55, v50  }
0x4bd: {  	v3 =	vperm.xlane v37, v60;
	[tilespmem:s22+$0xFFFFFF30] =	vst v59;
	v31 =	vld [tilespmem:s25+$0x30];
	v4 =	vmul.f32 v56, v48  }
0x4be: {  	v27 =	vperm.xlane v27, v60;
	v30 =	vperm.xlane v30, v60;
	v56 =	vld [tilespmem:s25+$0xFFFFFFC0];
	[tilespmem:s22+$0xFFFFFFC0] =	vst v1  }
0x4bf: {  	v26 =	vperm.xlane v26, v60;
	[tilespmem:s22+$0x50] =	vst v4;
	v4 =	vmul.f32 v57, v49;
	v57 =	vld [tilespmem:s26+$0xFFFFFED0]  }
0x4c0: {  	v55 =	vmul.f32 v54, v51;
	v1 =	vmul.f32 v5, v58;
	v5 =	vld [tilespmem:s25+$0xFFFFFFE0];
	[tilespmem:s18+$0xFFFFFFD0] =	vst v52  }
0x4c1: {  	v29 =	vperm.xlane v29, v60;
	v32 =	vperm.xlane v32, v60;
	[tilespmem:s22+$0x170] =	vst v4;
	v4 =	vld [tilespmem:s26+$0xFFFFFF60]  }
0x4c2: {  	v28 =	vmul.f32 v28, v17;
	v43 =	vmul.f32 v43, v47;
	[tilespmem:s22+$0xE0] =	vst v55;
	v59 =	vld [tilespmem:s26+$0xFFFFFFF0]  }
0x4c3: {  	v61 =	vmul.f32 v39, v18;
	v22 =	vmul.f32 v22, v11;
	v0 =	vadd.f32 v31, v0;
	[tilespmem:s18+$0x60] =	vst v42;
	v39 =	vld [tilespmem:s25+$0xFFFFFFF0]  }
0x4c4: {  	v11 =	vmovc v14;
	v14 =	vmov v26;
	v23 =	vmul.f32 v23, v10;
	[tilespmem:s22+$0xFFFFFE10] =	vst v43;
	v31 =	vperm.xlane v33, v60;
	v26 =	vld [tilespmem:s26+$0x80]  }
0x4c5: {  	v18 =	vmovc v30;
	v60 =	vmul.f32 v38, v16;
	v16 =	vmov v27;
	[tilespmem:s18+$0xF0] =	vst v41;
	v30 =	vld [tilespmem:s25+$0x0];
	v27 =	vmul.f32 $2.000000030e-01, v0  }
0x4c6: {  	[tilespmem:s18+$0xFFFFFE30] =	vst v28;
	v28 =	vld [tilespmem:s25+$0x10]  }
0x4c7: {  	[tilespmem:s11+$0x70] =	vst v23;
	v23 =	vld [tilespmem:s21+$0xFFFFFE20];
	v24 =	vadd.f32 v24, v57;
	v0 =	vmax.f32 v0, v27  }
0x4c8: {  	v0 =	vmul.f32 $1.442695020e+00, v0;
	v4 =	vadd.f32 v5, v4;
	v5 =	vld [tilespmem:s26+$0x110]  }
0x4c9: {  	v25 =	vmul.f32 v25, v12;
	v17 =	vmov v3;
	[tilespmem:s18+$0x180] =	vst v2;
	v27 =	vmul.f32 $2.000000030e-01, v24  }
0x4ca: {  	v10 =	vmovc v21;
	v21 =	vmovc v29;
	v29 =	vld [tilespmem:s26+$0x1A0];
	v3 =	vadd.f32 v39, v59;
	(erf) = vpow2.f32 v0;
	v43 =	vmul.f32 $2.000000030e-01, v4  }
0x4cb: {  	v42 =	vmul.f32 v40, v13;
	[tilespmem:s11+$0xFFFFFFE0] =	vst v22;
	v26 =	vadd.f32 v30, v26;
	v47 =	vmax.f32 v24, v27;
	v24 =	vld [tilespmem:s25+$0x20]  }
0x4cc: {  	v22 =	vld [tilespmem:s26+$0xFFFFFE40];
	[tilespmem:s22+$0x220] =	vst v1;
	v0 =	vmul.f32 $1.442695020e+00, v47;
	v1 =	vmax.f32 v4, v43;
	v4 =	vmul.f32 $2.000000030e-01, v3  }
0x4cd: {  	v15 =	vmovc v53;
	[tilespmem:s18+$0xFFFFFF50] =	vst v61;
	v53 =	vmul.f32 v23, v45;
	v1 =	vmul.f32 $1.442695020e+00, v1;
	v5 =	vadd.f32 v28, v5  }
0x4ce: {  	[tilespmem:s18+$0xFFFFFEC0] =	vst v60;
	v49 =	vld [tilespmem:s21+$0xFFFFFF40];
	(erf) = vpow2.f32 v0;
	v3 =	vmax.f32 v3, v4;
	v4 =	vmul.f32 $2.000000030e-01, v26  }
0x4cf: {  	[tilespmem:s11+$0x100] =	vst v25;
	v25 =	vld [tilespmem:s21+$0xFFFFFEB0];
	v48 =	vmul.f32 $1.442695020e+00, v3;
	(erf) = vpow2.f32 v1  }
0x4d0: {  	v23 =	vld [tilespmem:s17+$0x70];
	v50 =	vmax.f32 v26, v4;
	v4 =	vmul.f32 $2.000000030e-01, v5;
	v26 =	vadd.f32 v24, v29  }
0x4d1: {  	v41 =	vld [tilespmem:s21+$0xF0];
	v27 =	vadd.f32 v56, v22;
	(erf) = vpow2.f32 v48  }
0x4d2: {  	[tilespmem:s11+$0x190] =	vst v42;
	v42 =	vld [tilespmem:s21+$0x60];
	v3 =	vmul.f32 $1.442695020e+00, v50;
	v51 =	vmax.f32 v5, v4;
	v4 =	vmul.f32 $2.000000030e-01, v26  }
0x4d3: {  	v13 =	vmov v19;
	s11 =	smov.u32 s18;
	s18 =	smov.u32 s22;
	s22 =	sadd.s32 $0x480, s22;
	v22 =	vld [tilespmem:s17+$0xFFFFFFE0];
	v52 =	vmul.f32 $2.000000030e-01, v27;
	v24 =	vpop (erf);
	v1 =	vmul.f32 $1.442695020e+00, v51  }
0x4d4: {  	v19 =	vmovc v31;
	v31 =	vld [tilespmem:s21+$0x180];
	v55 =	vmul.f32 v25, v44;
	[tilespmem:s22+$0x230] =	vst v24;
	(erf) = vpow2.f32 v3;
	v4 =	vmax.f32 v26, v4  }
0x4d5: {  	v2 =	vmax.f32 v27, v52;
	v5 =	vld [tilespmem:s26+$0x1B0];
	v4 =	vmul.f32 $1.442695020e+00, v4;
	(erf) = vpow2.f32 v1  }
0x4d6: {  	[tilespmem:s18+$0xFFFFFE20] =	vst v53;
	v43 =	vld [tilespmem:s21+$0xFFFFFFD0];
	v54 =	vmul.f32 $1.442695020e+00, v2  }
0x4d7: {  	v28 =	vld [tilespmem:s21+$0xFFFFFE30];
	v0 =	vmul.f32 v49, v46;
	[tilespmem:s18+$0xFFFFFEB0] =	vst v55;
	v27 =	vpop (erf);
	(erf) = vpow2.f32 v4  }
0x4d8: {  	v25 =	vld [tilespmem:s17+$0x100];
	v56 =	vperm.xlane v24, v62;
	[tilespmem:s22+$0xFFFFFED0] =	vst v27;
	(erf) = vpow2.f32 v54  }
0x4d9: {  	v41 =	vmul.f32 v41, v36;
	[tilespmem:s18+$0xFFFFFF40] =	vst v0;
	v42 =	vmul.f32 v42, v35;
	v4 =	vld [tilespmem:s26+$0xFFFFFE50];
	v30 =	vpop (erf)  }
0x4da: {  	v60 =	vperm.xlane v24, v6;
	v38 =	vld [tilespmem:s21+$0xFFFFFEC0];
	v3 =	vmul.f32 v5, v56;
	[tilespmem:s22+$0xFFFFFF60] =	vst v30;
	v26 =	vpop (erf)  }
0x4db: {  	v57 =	vperm.xlane v27, v62;
	v2 =	vperm.xlane v27, v6;
	v59 =	vld [tilespmem:s26+$0xFFFFFEE0];
	[tilespmem:s22+$0xFFFFFFF0] =	vst v26  }
0x4dc: {  	v44 =	vperm.xlane v27, v7;
	v58 =	vperm.xlane v30, v62;
	[tilespmem:s22+$0x1B0] =	vst v3;
	v61 =	vld [tilespmem:s26+$0xFFFFFF70]  }
0x4dd: {  	v12 =	vmov v20;
	v5 =	vperm.xlane v30, v6;
	v45 =	vperm.xlane v26, v62;
	v48 =	vld [tilespmem:s26+$0x1C0];
	v29 =	vpop (erf)  }
0x4de: {  	v20 =	vmov v32;
	v39 =	vld [tilespmem:s21+$0xFFFFFF50];
	v46 =	vperm.xlane v26, v6;
	[tilespmem:s22+$0x80] =	vst v29;
	v1 =	vmul.f32 v4, v57;
	v32 =	vpop (erf)  }
0x4df: {  	v3 =	vperm.xlane v30, v7;
	v47 =	vperm.xlane v26, v7;
	v4 =	vld [tilespmem:s26+$0x0];
	[tilespmem:s22+$0x110] =	vst v32  }
0x4e0: {  	v50 =	vperm.xlane v29, v62;
	v51 =	vperm.xlane v29, v6;
	[tilespmem:s22+$0xFFFFFE50] =	vst v1;
	v53 =	vld [tilespmem:s26+$0x90];
	v33 =	vpop (erf)  }
0x4e1: {  	v52 =	vperm.xlane v32, v62;
	[tilespmem:s22+$0x1A0] =	vst v33;
	v37 =	vpop (erf);
	v61 =	vmul.f32 v61, v45;
	v45 =	vld [tilespmem:s26+$0xFFFFFE60]  }
0x4e2: {  	v0 =	vmul.f32 v59, v58;
	v48 =	vmul.f32 v48, v60;
	[tilespmem:s22+$0xFFFFFE40] =	vst v37;
	v58 =	vld [tilespmem:s26+$0x120]  }
0x4e3: {  	[tilespmem:$0x1FFD0] =	vst v10;
	v54 =	vperm.xlane v32, v6;
	v1 =	vperm.xlane v29, v7;
	v55 =	vld [tilespmem:s26+$0xFFFFFDC0]  }
0x4e4: {  	v56 =	vperm.xlane v33, v62;
	v49 =	vperm.xlane v33, v6;
	v40 =	vld [tilespmem:s17+$0x190];
	[tilespmem:s22+$0x1C0] =	vst v48  }
0x4e5: {  	[tilespmem:s22+$0xFFFFFEE0] =	vst v0;
	v57 =	vperm.xlane v37, v62;
	v4 =	vmul.f32 v4, v50;
	v50 =	vld [tilespmem:s26+$0x1D0]  }
0x4e6: {  	v59 =	vperm.xlane v37, v6;
	[tilespmem:s22+$0xFFFFFF70] =	vst v61;
	v0 =	vmul.f32 v53, v52;
	v52 =	vld [tilespmem:s26+$0xFFFFFEF0]  }
0x4e7: {  	v62 =	vperm.xlane v24, v7;
	v60 =	vld [tilespmem:s26+$0xFFFFFF80];
	[tilespmem:s22+$0x0] =	vst v4;
	v4 =	vmul.f32 v58, v56  }
0x4e8: {  	v48 =	vperm.xlane v37, v7;
	[tilespmem:s22+$0x90] =	vst v0;
	v55 =	vmul.f32 v55, v57;
	v57 =	vld [tilespmem:s26+$0x10]  }
0x4e9: {  	v53 =	vperm.xlane v32, v7;
	v2 =	vmul.f32 v45, v2;
	v45 =	vld [tilespmem:s26+$0xA0];
	[tilespmem:s22+$0x120] =	vst v4  }
0x4ea: {  	v56 =	vperm.xlane v33, v7;
	v0 =	vmul.f32 v50, v62;
	[tilespmem:s22+$0xFFFFFDC0] =	vst v55;
	v55 =	vld [tilespmem:s26+$0x130]  }
0x4eb: {  	v58 =	vperm.xlane v37, v8;
	[tilespmem:s22+$0xFFFFFE60] =	vst v2;
	v2 =	vmul.f32 v52, v5;
	v50 =	vld [tilespmem:s26+$0xFFFFFDD0]  }
0x4ec: {  	v4 =	vperm.xlane v27, v8;
	v46 =	vmul.f32 v60, v46;
	v52 =	vld [tilespmem:s26+$0xFFFFFE70];
	[tilespmem:s22+$0x1D0] =	vst v0  }
0x4ed: {  	v60 =	vperm.xlane v26, v8;
	[tilespmem:s22+$0xFFFFFEF0] =	vst v2;
	v61 =	vmul.f32 v57, v51;
	v51 =	vld [tilespmem:s26+$0x1E0]  }
0x4ee: {  	v5 =	vperm.xlane v30, v8;
	[tilespmem:s22+$0xFFFFFF80] =	vst v46;
	v57 =	vld [tilespmem:s26+$0xFFFFFF00];
	v45 =	vmul.f32 v45, v54  }
0x4ef: {  	v46 =	vperm.xlane v32, v8;
	v54 =	vld [tilespmem:s26+$0xFFFFFF90];
	[tilespmem:s22+$0x10] =	vst v61;
	v62 =	vmul.f32 v55, v49  }
0x4f0: {  	[tilespmem:s22+$0xA0] =	vst v45;
	v45 =	vperm.xlane v24, v8;
	v50 =	vmul.f32 v50, v59;
	v55 =	vld [tilespmem:s26+$0x20]  }
0x4f1: {  	v0 =	vperm.xlane v27, v9;
	v44 =	vmul.f32 v52, v44;
	v61 =	vld [tilespmem:s26+$0xB0];
	[tilespmem:s22+$0x130] =	vst v62  }
0x4f2: {  	v2 =	vperm.xlane v29, v8;
	[tilespmem:s22+$0xFFFFFDD0] =	vst v50;
	v62 =	vld [tilespmem:s26+$0x140];
	v45 =	vmul.f32 v51, v45  }
0x4f3: {  	v49 =	vperm.xlane v33, v8;
	[tilespmem:s22+$0xFFFFFE70] =	vst v44;
	v3 =	vmul.f32 v57, v3;
	v51 =	vld [tilespmem:s26+$0xFFFFFDE0]  }
0x4f4: {  	v52 =	vperm.xlane v32, v9;
	v44 =	vld [tilespmem:s26+$0xFFFFFE80];
	v47 =	vmul.f32 v54, v47;
	[tilespmem:s22+$0x1E0] =	vst v45  }
0x4f5: {  	v59 =	vperm.xlane v37, v9;
	[tilespmem:s22+$0xFFFFFF00] =	vst v3;
	v1 =	vmul.f32 v55, v1;
	v45 =	vld [tilespmem:s26+$0x1F0]  }
0x4f6: {  	v57 =	vperm.xlane v30, v9;
	[tilespmem:s22+$0xFFFFFF90] =	vst v47;
	v55 =	vld [tilespmem:s26+$0xFFFFFF10];
	v61 =	vmul.f32 v61, v53  }
0x4f7: {  	v54 =	vperm.xlane v26, v9;
	v53 =	vld [tilespmem:s26+$0xFFFFFFA0];
	[tilespmem:s22+$0x20] =	vst v1;
	v62 =	vmul.f32 v62, v56  }
0x4f8: {  	v50 =	vperm.xlane v24, v9;
	[tilespmem:s22+$0xB0] =	vst v61;
	v48 =	vmul.f32 v51, v48;
	v51 =	vld [tilespmem:s26+$0x30]  }
0x4f9: {  	v3 =	vperm.xlane v29, v9;
	v4 =	vmul.f32 v44, v4;
	v44 =	vld [tilespmem:s26+$0xC0];
	[tilespmem:s22+$0x140] =	vst v62  }
0x4fa: {  	v47 =	vperm.xlane v37, v63;
	[tilespmem:s22+$0xFFFFFDE0] =	vst v48;
	v61 =	vld [tilespmem:s26+$0x150];
	v45 =	vmul.f32 v45, v50  }
0x4fb: {  	v56 =	vperm.xlane v33, v9;
	[tilespmem:s22+$0xFFFFFE80] =	vst v4;
	v4 =	vmul.f32 v55, v5;
	v62 =	vld [tilespmem:s26+$0xFFFFFDF0]  }
0x4fc: {  	v1 =	vperm.xlane v27, v63;
	v55 =	vld [tilespmem:s26+$0xFFFFFE90];
	v53 =	vmul.f32 v53, v60;
	[tilespmem:s22+$0x1F0] =	vst v45  }
0x4fd: {  	v5 =	vperm.xlane v30, v63;
	[tilespmem:s22+$0xFFFFFF10] =	vst v4;
	v2 =	vmul.f32 v51, v2;
	v4 =	vld [tilespmem:s26+$0x200]  }
0x4fe: {  	v50 =	vperm.xlane v26, v63;
	[tilespmem:s22+$0xFFFFFFA0] =	vst v53;
	v60 =	vld [tilespmem:s26+$0xFFFFFF20];
	v44 =	vmul.f32 v44, v46  }
0x4ff: {  	v48 =	vperm.xlane v29, v63;
	v53 =	vld [tilespmem:s26+$0xFFFFFFB0];
	[tilespmem:s22+$0x30] =	vst v2;
	v2 =	vmul.f32 v61, v49  }
0x500: {  	v10 =	vimm.s32 $0x6;
	[tilespmem:s22+$0xC0] =	vst v44;
	v61 =	vperm.xlane v24, v63;
	v46 =	vmul.f32 v62, v58;
	v58 =	vld [tilespmem:s26+$0x40]  }
0x501: {  	v45 =	vperm.xlane v37, v10;
	v0 =	vmul.f32 v55, v0;
	v55 =	vld [tilespmem:s26+$0xD0];
	[tilespmem:s22+$0x150] =	vst v2  }
0x502: {  	v51 =	vperm.xlane v32, v63;
	[tilespmem:s22+$0xFFFFFDF0] =	vst v46;
	v2 =	vld [tilespmem:s26+$0x160];
	v4 =	vmul.f32 v4, v61  }
0x503: {  	v49 =	vperm.xlane v33, v63;
	[tilespmem:s22+$0xFFFFFE90] =	vst v0;
	v0 =	vmul.f32 v60, v57;
	v61 =	vld [tilespmem:s26+$0xFFFFFE00]  }
0x504: {  	v44 =	vperm.xlane v27, v10;
	v57 =	vld [tilespmem:s26+$0xFFFFFEA0];
	v53 =	vmul.f32 v53, v54;
	[tilespmem:s22+$0x200] =	vst v4  }
0x505: {  	s20 =	sadd.s32 $0x8, s20;
	v63 =	vperm.xlane v32, v10;
	[tilespmem:s22+$0xFFFFFF20] =	vst v0;
	v58 =	vmul.f32 v58, v3;
	v4 =	vld [tilespmem:s26+$0x210]  }
0x506: {  	p0 =	slt.u32 s20, $0x48;
	v46 =	vperm.xlane v30, v10;
	[tilespmem:s22+$0xFFFFFFB0] =	vst v53;
	v62 =	vld [tilespmem:s26+$0xFFFFFF30];
	v52 =	vmul.f32 v55, v52  }
.Ltmp4:
0x507: {  	v60 =	vperm.xlane v26, v10;
	v55 =	vld [tilespmem:s26+$0xFFFFFFC0];
	[tilespmem:s22+$0x40] =	vst v58;
	v0 =	vmul.f32 v2, v56;
	(pc) =	sbr.rel @p0 .LBB2_11-.Ltmp4, $4  }
0x508: {  	v3 =	vperm.xlane v29, v10;
	[tilespmem:s22+$0xD0] =	vst v52;
	v2 =	vmul.f32 v61, v59;
	v56 =	vld [tilespmem:s26+$0x50]  }
0x509: {  	v36 =	vmovc v63;
	v63 =	vimm.s32 $0x5;
	v58 =	vperm.xlane v24, v10;
	v1 =	vmul.f32 v57, v1;
	v54 =	vld [tilespmem:s26+$0xE0];
	[tilespmem:s22+$0x160] =	vst v0  }
0x50a: {  	s17 =	smov.u32 s21;
	s21 =	smov.u32 s26;
	v53 =	vperm.xlane v33, v10;
	v52 =	vmul.f32 v43, v34;
	v34 =	vmovc v60;
	v60 =	vimm.s32 $0x7;
	[tilespmem:s22+$0xFFFFFE00] =	vst v2;
	v57 =	vld [tilespmem:s26+$0x170]  }
0x50b: {  	v35 =	vmovc v3;
	[tilespmem:s22+$0xFFFFFEA0] =	vst v1;
	v58 =	vmul.f32 v4, v58;
	v59 =	vmul.f32 v62, v5;
	v62 =	vimm.s32 $0x0;
	s26 =	sadd.s32 $0x480, s26;
	v43 =	vld [tilespmem:s21+$0xFFFFFE10]  }
0x50c: {  	[tilespmem:s18+$0xFFFFFFD0] =	vst v52  }
0x50d: {  	[tilespmem:s18+$0x60] =	vst v42  }
0x50e: {  	[tilespmem:s18+$0xF0] =	vst v41  }
0x50f: {  	v0 =	vmul.f32 v55, v50;
	[tilespmem:s22+$0x210] =	vst v58  }
0x510: {  	[tilespmem:s22+$0xFFFFFF30] =	vst v59;
	v1 =	vmul.f32 v56, v48;
	v2 =	vld [tilespmem:s21+$0x220]  }
0x511: {  	v48 =	vmul.f32 v31, v15;
	[tilespmem:s22+$0xFFFFFFC0] =	vst v0  }
0x512: {  	v59 =	vmul.f32 v54, v51;
	[tilespmem:s22+$0x50] =	vst v1;
	v61 =	vmul.f32 v57, v49  }
0x513: {  	[tilespmem:s18+$0x180] =	vst v48;
	v3 =	vmul.f32 v43, v47;
	v47 =	vperm.xlane v24, v60  }
0x514: {  	[tilespmem:s22+$0xE0] =	vst v59  }
0x515: {  	[tilespmem:s22+$0x170] =	vst v61;
	v0 =	vmul.f32 v2, v47  }
0x516: {  	v49 =	vmul.f32 v28, v17;
	[tilespmem:s22+$0xFFFFFE10] =	vst v3  }
0x517: {  	v50 =	vmul.f32 v38, v16;
	[tilespmem:s22+$0x220] =	vst v0  }
0x518: {  	v0 =	vld [tilespmem:s21+$0xFFFFFE20];
	[tilespmem:s18+$0xFFFFFE30] =	vst v49  }
0x519: {  	v52 =	vld [tilespmem:s21+$0xFFFFFEB0];
	[tilespmem:s18+$0xFFFFFEC0] =	vst v50  }
0x51a: {  	v5 =	vld [tilespmem:$0x1FFD0]  }
0x51b: {  	v51 =	vmul.f32 v39, v18  }
0x51c: {  	v4 =	vmul.f32 v22, v11;
	v54 =	vld [tilespmem:s21+$0xFFFFFF40]  }
0x51d: {  	v55 =	vmul.f32 v25, v12;
	v56 =	vld [tilespmem:s21+$0xF0];
	[tilespmem:s18+$0xFFFFFF50] =	vst v51  }
0x51e: {  	v10 =	vld [tilespmem:s21+$0x180];
	[tilespmem:s11+$0xFFFFFFE0] =	vst v4;
	v1 =	vmul.f32 v52, v44  }
0x51f: {  	v12 =	vld [tilespmem:s17+$0xFFFFFFE0];
	[tilespmem:s11+$0x100] =	vst v55;
	v5 =	vmul.f32 v23, v5  }
0x520: {  	v4 =	vld [tilespmem:s21+$0xFFFFFFD0];
	v0 =	vmul.f32 v0, v45;
	[tilespmem:s22+$0xFFFFFEB0] =	vst v1  }
0x521: {  	v58 =	vmul.f32 v40, v13;
	[tilespmem:s11+$0x70] =	vst v5;
	v5 =	vld [tilespmem:s21+$0x60]  }
0x522: {  	v57 =	vmul.f32 v54, v46;
	[tilespmem:s22+$0xFFFFFE20] =	vst v0;
	v1 =	vld [tilespmem:s21+$0xFFFFFEC0]  }
0x523: {  	[tilespmem:s11+$0x190] =	vst v58;
	v3 =	vmul.f32 v56, v36;
	v11 =	vld [tilespmem:s21+$0xFFFFFE30]  }
0x524: {  	v15 =	vld [tilespmem:s17+$0x100];
	v10 =	vmul.f32 v10, v53;
	[tilespmem:s22+$0xFFFFFF40] =	vst v57  }
0x525: {  	v59 =	vmul.f32 v4, v34;
	v34 =	vperm.xlane v27, v60;
	[tilespmem:s22+$0xF0] =	vst v3;
	v61 =	vld [tilespmem:s21+$0xFFFFFF50]  }
0x526: {  	[tilespmem:s22+$0x180] =	vst v10;
	v4 =	vmul.f32 v5, v35;
	v5 =	vperm.xlane v37, v60  }
0x527: {  	v13 =	vld [tilespmem:s17+$0x70];
	[tilespmem:s22+$0xFFFFFFD0] =	vst v59;
	v0 =	vmul.f32 v1, v34  }
0x528: {  	v35 =	vld [tilespmem:s17+$0x190];
	[tilespmem:s22+$0x60] =	vst v4;
	v4 =	vperm.xlane v30, v60;
	v5 =	vmul.f32 v11, v5  }
0x529: {  	v37 =	vld [tilespmem:s21+$0xFFFFFFE0];
	[tilespmem:s22+$0xFFFFFEC0] =	vst v0;
	v11 =	vmul.f32 v15, v20  }
0x52a: {  	v38 =	vld [tilespmem:s21+$0x70];
	v36 =	vmul.f32 v61, v4;
	[tilespmem:s22+$0xFFFFFE30] =	vst v5;
	v4 =	vmul.f32 v12, v14  }
0x52b: {  	v39 =	vld [tilespmem:s21+$0x100];
	[tilespmem:s18+$0x100] =	vst v11  }
0x52c: {  	v10 =	vperm.xlane v26, v60;
	v5 =	vmul.f32 v13, v21;
	[tilespmem:s18+$0xFFFFFFE0] =	vst v4;
	v4 =	vld [tilespmem:s21+$0x190]  }
0x52d: {  	v12 =	vperm.xlane v29, v60;
	v3 =	vmul.f32 v35, v19;
	[tilespmem:s22+$0xFFFFFF50] =	vst v36  }
0x52e: {  	v2 =	vmul.f32 v37, v10;
	[tilespmem:s18+$0x70] =	vst v5;
	v5 =	vperm.xlane v32, v60  }
0x52f: {  	v10 =	vperm.xlane v33, v60;
	[tilespmem:s18+$0x190] =	vst v3;
	v0 =	vmul.f32 v38, v12  }
0x530: {  	[tilespmem:s22+$0xFFFFFFE0] =	vst v2;
	v1 =	vmul.f32 v39, v5  }
0x531: {  	[tilespmem:s22+$0x70] =	vst v0;
	v40 =	vmul.f32 v4, v10  }
0x532: {  	[tilespmem:s22+$0x100] =	vst v1  }
0x533: {  	[tilespmem:s22+$0x190] =	vst v40  }
0x534: {  	[spmem:s2] =	stream.indirect.scatter.add.f32 [tilespmem:s15], [sflag:$0x5], $0x90, s14, s19, $0xb8;
	[tilespmem:$0x183C0] =	vst v63  }
0x535: {  	_ =	swait.ge [sflag:s16], $0x2D00  }
0x536: {  	[sflag:s16] =	ssyncset.done $0x0  }
0x537: {  	[sflag:s16] =	ssyncadd.s32 $0xFFFFD300  }
0x538: {  	_ =	swait.ge [sflag:s23], $0x500  }
0x539: {  	[sflag:s23] =	ssyncset.done $0x0  }
0x53a: {  	[sflag:s23] =	ssyncadd.s32 $0xFFFFFB00  }
0x53b: {  	_ =	swait.ge [sflag:s24], $0x2D00  }
0x53c: {  	[sflag:s24] =	ssyncset.done $0x0  }
0x53d: {  	s20 =	simm.s32 $0x6E40;
	[sflag:s24] =	ssyncadd.s32 $0xFFFFD300  }
0x53e: {  	s25 =	simm.s32 $0xCB40;
	v41 =	vld [tilespmem:s20+$0x230]  }
0x53f: {  	v42 =	vld [tilespmem:s25+$0x30]  }
0x540: {  	v44 =	vld [tilespmem:s20+$0xFFFFFED0]  }
0x541: {  	v4 =	vld [tilespmem:s25+$0xFFFFFFD0]  }
0x542: {  	v5 =	vld [tilespmem:s20+$0xFFFFFF60]  }
0x543: {  	v10 =	vld [tilespmem:s25+$0xFFFFFFE0]  }
0x544: {  	v45 =	vld [tilespmem:s20+$0xFFFFFFF0]  }
0x545: {  	v11 =	vld [tilespmem:s25+$0xFFFFFFF0];
	v0 =	vadd.f32 v42, v41  }
0x546: {  	v13 =	vld [tilespmem:s20+$0x80]  }
0x547: {  	v14 =	vld [tilespmem:s25+$0x0];
	v12 =	vmul.f32 $2.000000030e-01, v0  }
0x548: {  	v3 =	vadd.f32 v4, v44;
	v4 =	vld [tilespmem:s20+$0x110]  }
0x549: {  	v5 =	vadd.f32 v10, v5;
	v10 =	vld [tilespmem:s25+$0x10];
	v0 =	vmax.f32 v0, v12  }
0x54a: {  	v15 =	vld [tilespmem:s20+$0x1A0];
	v0 =	vmul.f32 $1.442695020e+00, v0  }
0x54b: {  	v1 =	vadd.f32 v11, v45;
	v11 =	vld [tilespmem:s25+$0x20];
	v12 =	vmul.f32 $2.000000030e-01, v3  }
0x54c: {  	v43 =	vld [tilespmem:s25+$0xFFFFFFC0];
	(erf) = vpow2.f32 v0  }
0x54d: {  	v46 =	vmul.f32 $2.000000030e-01, v5;
	v3 =	vmax.f32 v3, v12;
	v12 =	vld [tilespmem:s20+$0xFFFFFE40]  }
0x54e: {  	v13 =	vadd.f32 v14, v13;
	v4 =	vadd.f32 v10, v4  }
0x54f: {  	v0 =	vmax.f32 v5, v46;
	v5 =	vmul.f32 $2.000000030e-01, v1;
	v3 =	vmul.f32 $1.442695020e+00, v3  }
0x550: {  	v47 =	vadd.f32 v11, v15;
	v10 =	vmul.f32 $2.000000030e-01, v4;
	v0 =	vmul.f32 $1.442695020e+00, v0  }
0x551: {  	v1 =	vmax.f32 v1, v5;
	v5 =	vmul.f32 $2.000000030e-01, v13;
	(erf) = vpow2.f32 v3  }
0x552: {  	(erf) = vpow2.f32 v0;
	v2 =	vadd.f32 v43, v12  }
0x553: {  	v11 =	vmul.f32 $2.000000030e-01, v47;
	v1 =	vmul.f32 $1.442695020e+00, v1;
	v5 =	vmax.f32 v13, v5  }
0x554: {  	v48 =	vmax.f32 v4, v10;
	v5 =	vmul.f32 $1.442695020e+00, v5;
	v4 =	vmul.f32 $2.000000030e-01, v2  }
0x555: {  	s11 =	simm.s32 $0x9B40;
	v49 =	vmax.f32 v47, v11;
	v0 =	vmul.f32 $1.442695020e+00, v48;
	v10 =	vpop (erf);
	(erf) = vpow2.f32 v1  }
0x556: {  	v2 =	vmax.f32 v2, v4;
	v1 =	vmul.f32 $1.442695020e+00, v49;
	[tilespmem:s11+$0x230] =	vst v10;
	(erf) = vpow2.f32 v5  }
0x557: {  	v51 =	vmul.f32 $1.442695020e+00, v2;
	v50 =	vld [tilespmem:s20+$0x1B0];
	(erf) = vpow2.f32 v0  }
0x558: {  	(erf) = vpow2.f32 v1  }
0x559: {  	s17 =	simm.s32 $0x72C0;
	(erf) = vpow2.f32 v51  }
0x55a: {  	s26 =	simm.s32 $0xCBC0;
	v23 =	vld [tilespmem:s17+$0xFFFFFED0];
	v52 =	vperm.xlane v10, v62;
	v12 =	vpop (erf)  }
0x55b: {  	v26 =	vld [tilespmem:s26+$0xFFFFFFD0];
	v14 =	vpop (erf)  }
0x55c: {  	v29 =	vld [tilespmem:s17+$0xFFFFFF60];
	[tilespmem:s11+$0xFFFFFF60] =	vst v14;
	v53 =	vmul.f32 v50, v52  }
0x55d: {  	[tilespmem:s11+$0xFFFFFED0] =	vst v12;
	v55 =	vld [tilespmem:s20+$0xFFFFFEE0]  }
0x55e: {  	v54 =	vld [tilespmem:s20+$0xFFFFFE50];
	[tilespmem:s11+$0x1B0] =	vst v53;
	v11 =	vpop (erf)  }
0x55f: {  	v0 =	vld [tilespmem:s20+$0x1C0];
	[tilespmem:s11+$0xFFFFFFF0] =	vst v11;
	v15 =	vpop (erf)  }
0x560: {  	v19 =	vperm.xlane v14, v62;
	v4 =	vld [tilespmem:s20+$0xFFFFFF70];
	[tilespmem:s11+$0x80] =	vst v15;
	v16 =	vpop (erf)  }
0x561: {  	v56 =	vperm.xlane v12, v62;
	v5 =	vld [tilespmem:s20+$0x0];
	[tilespmem:s11+$0x110] =	vst v16;
	v13 =	vpop (erf)  }
0x562: {  	v18 =	vperm.xlane v10, v6;
	v2 =	vmul.f32 v55, v19;
	v57 =	vld [tilespmem:s20+$0x90];
	[tilespmem:s11+$0x1A0] =	vst v13;
	v17 =	vpop (erf)  }
0x563: {  	v1 =	vmul.f32 v54, v56;
	v20 =	vperm.xlane v11, v62;
	[tilespmem:s11+$0xFFFFFE40] =	vst v17;
	v21 =	vld [tilespmem:s20+$0x120]  }
0x564: {  	[tilespmem:s11+$0xFFFFFEE0] =	vst v2;
	v0 =	vmul.f32 v0, v18;
	v19 =	vld [tilespmem:s20+$0xFFFFFDC0]  }
0x565: {  	[tilespmem:s11+$0xFFFFFE50] =	vst v1;
	v32 =	vld [tilespmem:s20+$0xFFFFFEF0];
	v18 =	vperm.xlane v15, v62;
	v4 =	vmul.f32 v4, v20  }
0x566: {  	v58 =	vperm.xlane v16, v62;
	v59 =	vperm.xlane v13, v62;
	v20 =	vld [tilespmem:s20+$0xFFFFFE60];
	[tilespmem:s11+$0x1C0] =	vst v0  }
0x567: {  	v5 =	vmul.f32 v5, v18;
	v18 =	vperm.xlane v17, v62;
	v61 =	vld [tilespmem:s20+$0x1D0];
	[tilespmem:s11+$0xFFFFFF70] =	vst v4  }
0x568: {  	v1 =	vmul.f32 v57, v58;
	v4 =	vperm.xlane v12, v6;
	v22 =	vld [tilespmem:s20+$0xFFFFFF80]  }
0x569: {  	[tilespmem:s11+$0x0] =	vst v5;
	v0 =	vmul.f32 v21, v59;
	v59 =	vld [tilespmem:s26+$0xFFFFFFE0];
	v5 =	vmul.f32 v19, v18  }
0x56a: {  	v33 =	vperm.xlane v10, v7;
	v18 =	vld [tilespmem:s20+$0x10];
	[tilespmem:s11+$0x90] =	vst v1  }
0x56b: {  	v19 =	vperm.xlane v14, v6;
	v4 =	vmul.f32 v20, v4;
	v20 =	vld [tilespmem:s20+$0xA0];
	[tilespmem:s11+$0xFFFFFDC0] =	vst v5  }
0x56c: {  	v34 =	vperm.xlane v11, v6;
	[tilespmem:s11+$0x120] =	vst v0;
	v1 =	vmul.f32 v61, v33;
	v21 =	vld [tilespmem:s20+$0xFFFFFDD0]  }
0x56d: {  	v35 =	vperm.xlane v15, v6;
	v5 =	vld [tilespmem:s20+$0x130];
	v3 =	vmul.f32 v32, v19;
	[tilespmem:s11+$0xFFFFFE60] =	vst v4  }
0x56e: {  	v4 =	vperm.xlane v16, v6;
	v19 =	vld [tilespmem:s20+$0xFFFFFE70];
	v0 =	vmul.f32 v22, v34;
	[tilespmem:s11+$0x1D0] =	vst v1  }
0x56f: {  	[tilespmem:s11+$0xFFFFFEF0] =	vst v3;
	v2 =	vmul.f32 v18, v35;
	v18 =	vperm.xlane v17, v6;
	v37 =	vld [tilespmem:s20+$0x1E0]  }
0x570: {  	v36 =	vperm.xlane v13, v6;
	v22 =	vld [tilespmem:s20+$0xFFFFFF00];
	[tilespmem:s11+$0xFFFFFF80] =	vst v0;
	v38 =	vmul.f32 v20, v4  }
0x571: {  	v4 =	vperm.xlane v12, v7;
	v20 =	vld [tilespmem:s20+$0xFFFFFF90];
	[tilespmem:s11+$0x10] =	vst v2;
	v39 =	vmul.f32 v21, v18  }
0x572: {  	v40 =	vperm.xlane v10, v8;
	v1 =	vmul.f32 v5, v36;
	v5 =	vld [tilespmem:s20+$0x20];
	[tilespmem:s11+$0xA0] =	vst v38  }
0x573: {  	v18 =	vperm.xlane v14, v7;
	v4 =	vmul.f32 v19, v4;
	v19 =	vld [tilespmem:s20+$0xB0];
	[tilespmem:s11+$0xFFFFFDD0] =	vst v39  }
0x574: {  	v41 =	vperm.xlane v11, v7;
	[tilespmem:s11+$0x130] =	vst v1;
	v0 =	vmul.f32 v37, v40;
	v21 =	vld [tilespmem:s20+$0xFFFFFDE0]  }
0x575: {  	v43 =	vperm.xlane v15, v7;
	v42 =	vld [tilespmem:s20+$0x140];
	[tilespmem:s11+$0xFFFFFE70] =	vst v4;
	v4 =	vmul.f32 v22, v18  }
0x576: {  	v18 =	vperm.xlane v16, v7;
	v22 =	vld [tilespmem:s20+$0xFFFFFE80];
	v1 =	vmul.f32 v20, v41;
	[tilespmem:s11+$0x1E0] =	vst v0  }
0x577: {  	[tilespmem:s11+$0xFFFFFF00] =	vst v4;
	v3 =	vmul.f32 v5, v43;
	v5 =	vperm.xlane v17, v7;
	v4 =	vld [tilespmem:s20+$0x1F0]  }
0x578: {  	v44 =	vperm.xlane v13, v7;
	v20 =	vld [tilespmem:s20+$0xFFFFFF10];
	[tilespmem:s11+$0xFFFFFF90] =	vst v1;
	v45 =	vmul.f32 v19, v18  }
0x579: {  	v18 =	vperm.xlane v12, v8;
	v19 =	vld [tilespmem:s20+$0xFFFFFFA0];
	[tilespmem:s11+$0x20] =	vst v3;
	v46 =	vmul.f32 v21, v5  }
0x57a: {  	v0 =	vmul.f32 v42, v44;
	v3 =	vld [tilespmem:s20+$0x30];
	[tilespmem:s11+$0xB0] =	vst v45  }
0x57b: {  	v5 =	vperm.xlane v14, v8;
	v18 =	vmul.f32 v22, v18;
	v21 =	vld [tilespmem:s20+$0xC0];
	[tilespmem:s11+$0xFFFFFDE0] =	vst v46  }
0x57c: {  	v47 =	vperm.xlane v10, v9;
	v48 =	vperm.xlane v11, v8;
	[tilespmem:s11+$0x140] =	vst v0;
	v22 =	vld [tilespmem:s20+$0xFFFFFDF0]  }
0x57d: {  	v50 =	vperm.xlane v13, v8;
	v49 =	vld [tilespmem:s20+$0x150];
	[tilespmem:s11+$0xFFFFFE80] =	vst v18;
	v5 =	vmul.f32 v20, v5  }
0x57e: {  	v23 =	vadd.f32 v26, v23;
	v1 =	vmul.f32 v4, v47;
	v18 =	vperm.xlane v16, v8;
	v20 =	vld [tilespmem:s20+$0xFFFFFE90]  }
0x57f: {  	v26 =	vadd.f32 v59, v29;
	v29 =	vld [tilespmem:s26+$0x10];
	v0 =	vmul.f32 v19, v48;
	[tilespmem:s11+$0xFFFFFF10] =	vst v5;
	v5 =	vperm.xlane v17, v8  }
0x580: {  	v4 =	vperm.xlane v15, v8;
	[tilespmem:s11+$0x1F0] =	vst v1;
	v19 =	vld [tilespmem:s20+$0xFFFFFF20];
	v51 =	vmul.f32 v21, v18  }
0x581: {  	v41 =	vld [tilespmem:s17+$0xFFFFFFF0];
	[tilespmem:s11+$0xFFFFFFA0] =	vst v0;
	v18 =	vperm.xlane v12, v9;
	v52 =	vmul.f32 v22, v5  }
0x582: {  	v3 =	vmul.f32 v3, v4;
	v4 =	vld [tilespmem:s20+$0x200];
	v1 =	vmul.f32 v49, v50;
	[tilespmem:s11+$0xC0] =	vst v51  }
0x583: {  	v5 =	vperm.xlane v14, v9;
	v18 =	vmul.f32 v20, v18;
	v20 =	vld [tilespmem:s20+$0xD0];
	[tilespmem:s11+$0xFFFFFDF0] =	vst v52  }
0x584: {  	[tilespmem:s11+$0x30] =	vst v3;
	v22 =	vld [tilespmem:s20+$0xFFFFFE00]  }
0x585: {  	v21 =	vld [tilespmem:s20+$0xFFFFFFB0];
	[tilespmem:s11+$0x150] =	vst v1;
	v5 =	vmul.f32 v19, v5  }
0x586: {  	v3 =	vld [tilespmem:s20+$0x40];
	[tilespmem:s11+$0xFFFFFE90] =	vst v18;
	v18 =	vperm.xlane v16, v9  }
0x587: {  	v53 =	vperm.xlane v10, v63;
	v55 =	vld [tilespmem:s20+$0x160];
	[tilespmem:s11+$0xFFFFFF20] =	vst v5;
	v5 =	vperm.xlane v17, v9  }
0x588: {  	v54 =	vperm.xlane v11, v9;
	v57 =	vmul.f32 v20, v18;
	v20 =	vld [tilespmem:s26+$0x30]  }
0x589: {  	v0 =	vmul.f32 v4, v53;
	v58 =	vmul.f32 v22, v5;
	v5 =	vld [tilespmem:s17+$0x230]  }
0x58a: {  	v43 =	vld [tilespmem:s26+$0xFFFFFFF0];
	v4 =	vperm.xlane v15, v9  }
0x58b: {  	v19 =	vld [tilespmem:s20+$0xFFFFFEA0];
	v1 =	vmul.f32 v21, v54;
	[tilespmem:s11+$0x200] =	vst v0  }
0x58c: {  	v56 =	vperm.xlane v13, v9;
	v3 =	vmul.f32 v3, v4;
	v4 =	vld [tilespmem:s20+$0x210]  }
0x58d: {  	v25 =	vperm.xlane v12, v63;
	v27 =	vperm.xlane v14, v63;
	v21 =	vld [tilespmem:s20+$0xFFFFFF30];
	[tilespmem:s11+$0xFFFFFFB0] =	vst v1  }
0x58e: {  	v28 =	vperm.xlane v11, v63;
	v18 =	vld [tilespmem:s20+$0xFFFFFFC0];
	[tilespmem:s11+$0x40] =	vst v3;
	v0 =	vmul.f32 v55, v56;
	v5 =	vadd.f32 v20, v5  }
0x58f: {  	v30 =	vperm.xlane v15, v63;
	v31 =	vperm.xlane v16, v63;
	v3 =	vld [tilespmem:s20+$0x50]  }
0x590: {  	v24 =	vperm.xlane v17, v63;
	v61 =	vimm.s32 $0x6;
	v22 =	vld [tilespmem:s26+$0xFFFFFFC0];
	[tilespmem:s11+$0x160] =	vst v0;
	v44 =	vmul.f32 $2.000000030e-01, v5  }
0x591: {  	v33 =	vperm.xlane v13, v61;
	v35 =	vperm.xlane v11, v61;
	[tilespmem:s11+$0xD0] =	vst v57;
	v0 =	vld [tilespmem:s20+$0x170]  }
0x592: {  	v32 =	vmul.f32 $2.000000030e-01, v26;
	v40 =	vperm.xlane v17, v61;
	v1 =	vld [tilespmem:s20+$0xE0];
	v5 =	vmax.f32 v5, v44  }
0x593: {  	v19 =	vmul.f32 v19, v25;
	v25 =	vld [tilespmem:s17+$0x80];
	[tilespmem:s11+$0xFFFFFE00] =	vst v58;
	v5 =	vmul.f32 $1.442695020e+00, v5  }
0x594: {  	v42 =	vperm.xlane v10, v61;
	v2 =	vld [tilespmem:s20+$0xFFFFFE10];
	v20 =	vperm.xlane v13, v63  }
0x595: {  	v21 =	vmul.f32 v21, v27;
	v27 =	vld [tilespmem:s26+$0x0];
	(erf) = vpow2.f32 v5  }
0x596: {  	v0 =	vmul.f32 v0, v20;
	v20 =	vld [tilespmem:s17+$0xFFFFFE40];
	v5 =	vmul.f32 $2.000000030e-01, v23  }
0x597: {  	v4 =	vmul.f32 v4, v42;
	v18 =	vmul.f32 v18, v28;
	v28 =	vld [tilespmem:s17+$0x110]  }
0x598: {  	v46 =	vld [tilespmem:s26+$0x20];
	v3 =	vmul.f32 v3, v30;
	v30 =	vadd.f32 v43, v41;
	v5 =	vmax.f32 v23, v5  }
0x599: {  	[tilespmem:s11+$0xFFFFFEA0] =	vst v19;
	v1 =	vmul.f32 v1, v31;
	v31 =	vld [tilespmem:s17+$0x1A0];
	v23 =	vmax.f32 v26, v32;
	v5 =	vmul.f32 $1.442695020e+00, v5  }
0x59a: {  	[tilespmem:s11+$0x210] =	vst v4;
	v4 =	vld [tilespmem:s20+$0xFFFFFEB0];
	v25 =	vadd.f32 v27, v25;
	v2 =	vmul.f32 v2, v24;
	v48 =	vmul.f32 $1.442695020e+00, v23  }
0x59b: {  	[tilespmem:s11+$0xFFFFFF30] =	vst v21;
	v47 =	vmul.f32 $2.000000030e-01, v30;
	v20 =	vadd.f32 v22, v20;
	(erf) = vpow2.f32 v5  }
0x59c: {  	[tilespmem:s11+$0xFFFFFE10] =	vst v2;
	v26 =	vmul.f32 $2.000000030e-01, v25;
	v23 =	vadd.f32 v29, v28;
	(erf) = vpow2.f32 v48  }
0x59d: {  	v45 =	vperm.xlane v12, v61;
	[tilespmem:s11+$0xFFFFFFC0] =	vst v18;
	v24 =	vmax.f32 v30, v47;
	v27 =	vld [tilespmem:s20+$0xFFFFFE20];
	v22 =	vmul.f32 $2.000000030e-01, v20  }
0x59e: {  	s18 =	simm.s32 $0x9FC0;
	v34 =	vld [tilespmem:s20+$0xFFFFFF40];
	[tilespmem:s11+$0x170] =	vst v0;
	v5 =	vmax.f32 v25, v26;
	v25 =	vadd.f32 v46, v31;
	v19 =	vmul.f32 $2.000000030e-01, v23;
	v21 =	vpop (erf)  }
0x59f: {  	v24 =	vmul.f32 $1.442695020e+00, v24;
	v51 =	vmul.f32 v4, v45;
	v30 =	vld [tilespmem:s20+$0x180];
	v18 =	vmax.f32 v20, v22;
	[tilespmem:s18+$0x230] =	vst v21  }
0x5a0: {  	v5 =	vmul.f32 $1.442695020e+00, v5;
	v49 =	vmul.f32 $2.000000030e-01, v25;
	v19 =	vmax.f32 v23, v19;
	v20 =	vld [tilespmem:s17+$0x1B0]  }
0x5a1: {  	[tilespmem:s11+$0x50] =	vst v3;
	v28 =	vld [tilespmem:s20+$0xFFFFFFD0];
	(erf) = vpow2.f32 v24;
	v19 =	vmul.f32 $1.442695020e+00, v19  }
0x5a2: {  	[tilespmem:s11+$0xE0] =	vst v1;
	v29 =	vld [tilespmem:s20+$0x60];
	(erf) = vpow2.f32 v5;
	v5 =	vmul.f32 v27, v40;
	v2 =	vmax.f32 v25, v49  }
0x5a3: {  	[tilespmem:s11+$0xFFFFFEB0] =	vst v51;
	v26 =	vld [tilespmem:s20+$0x220];
	v2 =	vmul.f32 $1.442695020e+00, v2;
	v52 =	vperm.xlane v21, v62  }
0x5a4: {  	v50 =	vmul.f32 $1.442695020e+00, v18;
	v31 =	vld [tilespmem:s20+$0xF0];
	(erf) = vpow2.f32 v19;
	[tilespmem:s11+$0xFFFFFE20] =	vst v5;
	v18 =	vpop (erf)  }
0x5a5: {  	v23 =	vld [tilespmem:s20+$0xFFFFFEC0];
	(erf) = vpow2.f32 v2;
	[tilespmem:s18+$0xFFFFFED0] =	vst v18;
	v32 =	vpop (erf);
	v0 =	vmul.f32 v20, v52  }
0x5a6: {  	v56 =	vperm.xlane v15, v60;
	v22 =	vld [tilespmem:s20+$0xFFFFFE30];
	(erf) = vpow2.f32 v50;
	[tilespmem:s18+$0xFFFFFF60] =	vst v32  }
0x5a7: {  	v11 =	vperm.xlane v11, v60;
	v36 =	vperm.xlane v14, v61;
	v53 =	vld [tilespmem:s17+$0xFFFFFE50];
	[tilespmem:s18+$0x1B0] =	vst v0  }
0x5a8: {  	v38 =	vperm.xlane v16, v61;
	v37 =	vperm.xlane v15, v61;
	v55 =	vld [tilespmem:s17+$0x1C0];
	[tilespmem:$0x1FFC0] =	vst v56  }
0x5a9: {  	s21 =	simm.s32 $0x7740;
	v54 =	vperm.xlane v10, v60;
	v13 =	vperm.xlane v13, v60;
	v3 =	vld [tilespmem:s17+$0xFFFFFEE0]  }
0x5aa: {  	s25 =	simm.s32 $0xCC40;
	v24 =	vperm.xlane v17, v60;
	v28 =	vmul.f32 v28, v35;
	v35 =	vld [tilespmem:s21+$0xFFFFFED0]  }
0x5ab: {  	v29 =	vmul.f32 v29, v37;
	v25 =	vperm.xlane v14, v60;
	v14 =	vpop (erf);
	v37 =	vld [tilespmem:s25+$0xFFFFFFD0]  }
0x5ac: {  	v27 =	vperm.xlane v12, v60;
	v31 =	vmul.f32 v31, v38;
	v19 =	vpop (erf);
	[tilespmem:s18+$0xFFFFFFF0] =	vst v14;
	v38 =	vld [tilespmem:s21+$0xFFFFFF60]  }
0x5ad: {  	v12 =	vperm.xlane v16, v60;
	v4 =	vperm.xlane v18, v62;
	v20 =	vpop (erf);
	[tilespmem:s18+$0x80] =	vst v19;
	v5 =	vld [tilespmem:s17+$0xFFFFFF70]  }
0x5ae: {  	v39 =	vmul.f32 v26, v54;
	v15 =	vperm.xlane v21, v6;
	[tilespmem:s18+$0x110] =	vst v20;
	v57 =	vld [tilespmem:s17+$0x0];
	v26 =	vpop (erf)  }
0x5af: {  	v17 =	vperm.xlane v32, v62;
	v1 =	vmul.f32 v53, v4;
	v4 =	vld [tilespmem:s17+$0x90];
	[tilespmem:s18+$0x1A0] =	vst v26;
	v16 =	vpop (erf)  }
0x5b0: {  	v58 =	vperm.xlane v14, v62;
	[tilespmem:s18+$0xFFFFFE40] =	vst v16;
	v59 =	vld [tilespmem:s17+$0x120];
	v2 =	vmul.f32 v55, v15  }
0x5b1: {  	[tilespmem:s18+$0xFFFFFE50] =	vst v1;
	v15 =	vperm.xlane v19, v62;
	v3 =	vmul.f32 v3, v17;
	v17 =	vld [tilespmem:s17+$0xFFFFFDC0]  }
0x5b2: {  	v45 =	vperm.xlane v20, v62;
	v46 =	vld [tilespmem:s17+$0xFFFFFE60];
	v5 =	vmul.f32 v5, v58;
	[tilespmem:s18+$0x1C0] =	vst v2  }
0x5b3: {  	v47 =	vperm.xlane v26, v62;
	v0 =	vmul.f32 v57, v15;
	[tilespmem:s18+$0xFFFFFEE0] =	vst v3;
	v48 =	vld [tilespmem:s17+$0x1D0]  }
0x5b4: {  	v15 =	vperm.xlane v16, v62;
	v1 =	vmul.f32 v4, v45;
	v4 =	vld [tilespmem:s17+$0xFFFFFEF0];
	[tilespmem:s18+$0xFFFFFF70] =	vst v5  }
0x5b5: {  	v5 =	vperm.xlane v18, v6;
	[tilespmem:s18+$0x0] =	vst v0;
	v50 =	vmul.f32 v59, v47;
	v49 =	vld [tilespmem:s17+$0xFFFFFF80]  }
0x5b6: {  	v52 =	vperm.xlane v21, v7;
	[tilespmem:s18+$0x90] =	vst v1;
	v51 =	vmul.f32 v17, v15;
	v15 =	vld [tilespmem:s17+$0x10]  }
0x5b7: {  	v53 =	vld [tilespmem:s17+$0xA0];
	v17 =	vperm.xlane v32, v6;
	v5 =	vmul.f32 v46, v5;
	[tilespmem:s18+$0x120] =	vst v50  }
0x5b8: {  	v54 =	vperm.xlane v14, v6;
	v55 =	vld [tilespmem:s17+$0x130];
	[tilespmem:s18+$0xFFFFFDC0] =	vst v51;
	v1 =	vmul.f32 v48, v52  }
0x5b9: {  	v56 =	vperm.xlane v19, v6;
	[tilespmem:s18+$0xFFFFFE60] =	vst v5;
	v57 =	vld [tilespmem:s17+$0xFFFFFDD0];
	v4 =	vmul.f32 v4, v17  }
0x5ba: {  	v5 =	vperm.xlane v20, v6;
	v17 =	vld [tilespmem:s17+$0xFFFFFE70];
	v0 =	vmul.f32 v49, v54;
	[tilespmem:s18+$0x1D0] =	vst v1  }
0x5bb: {  	v58 =	vperm.xlane v26, v6;
	[tilespmem:s18+$0xFFFFFEF0] =	vst v4;
	v3 =	vmul.f32 v15, v56;
	v4 =	vld [tilespmem:s17+$0x1E0]  }
0x5bc: {  	v44 =	vmul.f32 v53, v5;
	v15 =	vperm.xlane v16, v6;
	v59 =	vld [tilespmem:s17+$0xFFFFFF00];
	[tilespmem:s18+$0xFFFFFF80] =	vst v0  }
0x5bd: {  	v5 =	vperm.xlane v18, v7;
	v1 =	vmul.f32 v55, v58;
	v45 =	vld [tilespmem:s17+$0xFFFFFF90];
	[tilespmem:s18+$0x10] =	vst v3  }
0x5be: {  	v47 =	vperm.xlane v21, v8;
	[tilespmem:s18+$0xA0] =	vst v44;
	v46 =	vmul.f32 v57, v15;
	v3 =	vld [tilespmem:s17+$0x20]  }
0x5bf: {  	v15 =	vperm.xlane v32, v7;
	v5 =	vmul.f32 v17, v5;
	v17 =	vld [tilespmem:s17+$0xB0];
	[tilespmem:s18+$0x130] =	vst v1  }
0x5c0: {  	v48 =	vperm.xlane v14, v7;
	v49 =	vld [tilespmem:s17+$0x140];
	[tilespmem:s18+$0xFFFFFDD0] =	vst v46;
	v0 =	vmul.f32 v4, v47  }
0x5c1: {  	v4 =	vperm.xlane v19, v7;
	[tilespmem:s18+$0xFFFFFE70] =	vst v5;
	v50 =	vld [tilespmem:s17+$0xFFFFFDE0];
	v5 =	vmul.f32 v59, v15  }
0x5c2: {  	v15 =	vperm.xlane v20, v7;
	v51 =	vld [tilespmem:s17+$0xFFFFFE80];
	v1 =	vmul.f32 v45, v48;
	[tilespmem:s18+$0x1E0] =	vst v0  }
0x5c3: {  	v52 =	vperm.xlane v26, v7;
	[tilespmem:s18+$0xFFFFFF00] =	vst v5;
	v3 =	vmul.f32 v3, v4;
	v4 =	vld [tilespmem:s17+$0x1F0]  }
0x5c4: {  	v5 =	vperm.xlane v16, v7;
	v54 =	vmul.f32 v17, v15;
	v53 =	vld [tilespmem:s17+$0xFFFFFF10];
	[tilespmem:s18+$0xFFFFFF90] =	vst v1  }
0x5c5: {  	v15 =	vperm.xlane v18, v8;
	v0 =	vmul.f32 v49, v52;
	v17 =	vld [tilespmem:s17+$0xFFFFFFA0];
	[tilespmem:s18+$0x20] =	vst v3  }
0x5c6: {  	v56 =	vperm.xlane v21, v9;
	[tilespmem:s18+$0xB0] =	vst v54;
	v55 =	vmul.f32 v50, v5;
	v3 =	vld [tilespmem:s17+$0x30]  }
0x5c7: {  	v5 =	vperm.xlane v32, v8;
	v15 =	vmul.f32 v51, v15;
	v57 =	vld [tilespmem:s17+$0xC0];
	[tilespmem:s18+$0x140] =	vst v0  }
0x5c8: {  	v58 =	vperm.xlane v14, v8;
	v59 =	vld [tilespmem:s17+$0x150];
	[tilespmem:s18+$0xFFFFFDE0] =	vst v55;
	v1 =	vmul.f32 v4, v56  }
0x5c9: {  	v4 =	vperm.xlane v19, v8;
	[tilespmem:s18+$0xFFFFFE80] =	vst v15;
	v45 =	vld [tilespmem:s17+$0xFFFFFDF0];
	v5 =	vmul.f32 v53, v5  }
0x5ca: {  	v15 =	vperm.xlane v20, v8;
	v46 =	vld [tilespmem:s17+$0xFFFFFE90];
	v0 =	vmul.f32 v17, v58;
	[tilespmem:s18+$0x1F0] =	vst v1  }
0x5cb: {  	v47 =	vperm.xlane v26, v8;
	[tilespmem:s18+$0xFFFFFF10] =	vst v5;
	v3 =	vmul.f32 v3, v4;
	v4 =	vld [tilespmem:s17+$0x200]  }
0x5cc: {  	v5 =	vperm.xlane v16, v8;
	v48 =	vmul.f32 v57, v15;
	v17 =	vld [tilespmem:s17+$0xFFFFFF20];
	[tilespmem:s18+$0xFFFFFFA0] =	vst v0  }
0x5cd: {  	v15 =	vperm.xlane v18, v9;
	v1 =	vmul.f32 v59, v47;
	v49 =	vld [tilespmem:s17+$0xFFFFFFB0];
	[tilespmem:s18+$0x30] =	vst v3  }
0x5ce: {  	v51 =	vperm.xlane v21, v63;
	[tilespmem:s18+$0xC0] =	vst v48;
	v50 =	vmul.f32 v45, v5;
	v3 =	vld [tilespmem:s17+$0x40]  }
0x5cf: {  	v5 =	vperm.xlane v32, v9;
	v15 =	vmul.f32 v46, v15;
	v52 =	vld [tilespmem:s17+$0xD0];
	[tilespmem:s18+$0x150] =	vst v1  }
0x5d0: {  	v30 =	vmul.f32 v30, v33;
	v54 =	vld [tilespmem:s17+$0x160];
	[tilespmem:s18+$0xFFFFFDF0] =	vst v50;
	v0 =	vmul.f32 v4, v51  }
0x5d1: {  	v4 =	vperm.xlane v19, v9;
	[tilespmem:s18+$0xFFFFFE90] =	vst v15;
	v55 =	vld [tilespmem:s17+$0xFFFFFE00];
	v5 =	vmul.f32 v17, v5  }
0x5d2: {  	v27 =	vmul.f32 v23, v27;
	v53 =	vperm.xlane v14, v9;
	v17 =	vld [tilespmem:s17+$0xFFFFFEA0];
	[tilespmem:s18+$0x200] =	vst v0  }
0x5d3: {  	v56 =	vperm.xlane v26, v9;
	[tilespmem:s18+$0xFFFFFF20] =	vst v5;
	v3 =	vmul.f32 v3, v4;
	v4 =	vld [tilespmem:s17+$0x210]  }
0x5d4: {  	v15 =	vperm.xlane v20, v9;
	v1 =	vmul.f32 v49, v53;
	v43 =	vld [tilespmem:s17+$0xFFFFFF30]  }
0x5d5: {  	v41 =	vperm.xlane v18, v63;
	v0 =	vmul.f32 v54, v56;
	v56 =	vld [tilespmem:s25+$0xFFFFFFE0]  }
0x5d6: {  	v5 =	vperm.xlane v16, v9;
	v57 =	vmul.f32 v52, v15;
	[tilespmem:s18+$0xFFFFFFB0] =	vst v1;
	v54 =	vld [tilespmem:s25+$0x10]  }
0x5d7: {  	v42 =	vperm.xlane v16, v63;
	v59 =	vperm.xlane v21, v61;
	v40 =	vld [tilespmem:s17+$0xFFFFFFC0];
	[tilespmem:s18+$0x40] =	vst v3  }
0x5d8: {  	v47 =	vperm.xlane v19, v63;
	[tilespmem:s18+$0xD0] =	vst v57;
	v58 =	vmul.f32 v55, v5;
	v3 =	vld [tilespmem:s17+$0x50]  }
0x5d9: {  	v21 =	vperm.xlane v21, v60;
	v48 =	vperm.xlane v20, v63;
	v44 =	vld [tilespmem:s17+$0xE0]  }
0x5da: {  	v50 =	vperm.xlane v16, v61;
	v53 =	vperm.xlane v32, v61;
	[tilespmem:s18+$0xFFFFFE00] =	vst v58;
	v58 =	vld [tilespmem:s21+$0x230]  }
0x5db: {  	v52 =	vperm.xlane v18, v61;
	[tilespmem:s18+$0x160] =	vst v0;
	v1 =	vmul.f32 v4, v59;
	v59 =	vld [tilespmem:s25+$0x30]  }
0x5dc: {  	v15 =	vperm.xlane v26, v61;
	v57 =	vperm.xlane v14, v63;
	v2 =	vld [tilespmem:s17+$0x170]  }
0x5dd: {  	v5 =	vmul.f32 v34, v36;
	v34 =	vperm.xlane v14, v61;
	v46 =	vld [tilespmem:s17+$0xFFFFFE10];
	[tilespmem:s18+$0x210] =	vst v1  }
0x5de: {  	v0 =	vmul.f32 v17, v41;
	v17 =	vperm.xlane v16, v60;
	v51 =	vld [tilespmem:s17+$0x220]  }
0x5df: {  	v35 =	vadd.f32 v37, v35;
	v16 =	vperm.xlane v18, v60;
	v44 =	vmul.f32 v44, v48;
	v48 =	vld [tilespmem:s21+$0x80]  }
0x5e0: {  	v1 =	vperm.xlane v26, v63;
	v40 =	vmul.f32 v40, v57;
	v57 =	vadd.f32 v59, v58;
	v58 =	vld [tilespmem:s21+$0xFFFFFFF0]  }
0x5e1: {  	v18 =	vperm.xlane v32, v60;
	v4 =	vperm.xlane v32, v63;
	v59 =	vld [tilespmem:s25+$0xFFFFFFF0]  }
0x5e2: {  	[tilespmem:s11+$0xFFFFFF40] =	vst v5;
	v5 =	vmul.f32 $2.000000030e-01, v35;
	v1 =	vmul.f32 v2, v1;
	v2 =	vld [tilespmem:s25+$0x0]  }
0x5e3: {  	[tilespmem:s11+$0x220] =	vst v39;
	v55 =	vld [tilespmem:s25+$0xFFFFFFC0];
	v4 =	vmul.f32 v43, v4;
	v49 =	vmul.f32 $2.000000030e-01, v57  }
0x5e4: {  	[tilespmem:s11+$0xFFFFFFD0] =	vst v28;
	v38 =	vadd.f32 v56, v38;
	v56 =	vld [tilespmem:s21+$0x1A0];
	v5 =	vmax.f32 v35, v5;
	v3 =	vmul.f32 v3, v47  }
0x5e5: {  	[tilespmem:s18+$0xFFFFFF30] =	vst v4;
	v4 =	vmul.f32 v22, v24;
	v45 =	vmax.f32 v57, v49;
	v49 =	vld [tilespmem:s21+$0x110];
	v57 =	vmul.f32 v51, v21  }
0x5e6: {  	[tilespmem:s11+$0x60] =	vst v29;
	v22 =	vld [tilespmem:s21+$0xFFFFFE40];
	v21 =	vmul.f32 $2.000000030e-01, v38;
	v32 =	vmul.f32 $1.442695020e+00, v45;
	v58 =	vadd.f32 v59, v58  }
0x5e7: {  	[tilespmem:s18+$0xFFFFFFC0] =	vst v40;
	v40 =	vmul.f32 $1.442695020e+00, v5;
	v42 =	vmul.f32 v46, v42;
	v2 =	vadd.f32 v2, v48;
	v59 =	vld [tilespmem:s25+$0x20]  }
0x5e8: {  	[tilespmem:s11+$0xF0] =	vst v31;
	v21 =	vmax.f32 v38, v21;
	(erf) = vpow2.f32 v32;
	v23 =	vmul.f32 $2.000000030e-01, v58  }
0x5e9: {  	[tilespmem:s11+$0x180] =	vst v30;
	v5 =	vmul.f32 $1.442695020e+00, v21;
	(erf) = vpow2.f32 v40  }
0x5ea: {  	[tilespmem:s18+$0xFFFFFEA0] =	vst v0;
	v21 =	vmax.f32 v58, v23;
	v23 =	vmul.f32 $2.000000030e-01, v2;
	v24 =	vadd.f32 v54, v49  }
0x5eb: {  	[tilespmem:s11+$0xFFFFFEC0] =	vst v27;
	v48 =	vld [tilespmem:s17+$0xFFFFFEB0];
	v22 =	vadd.f32 v55, v22;
	(erf) = vpow2.f32 v5;
	v21 =	vmul.f32 $1.442695020e+00, v21  }
0x5ec: {  	[tilespmem:s18+$0xE0] =	vst v44;
	v35 =	vld [tilespmem:s17+$0xFFFFFFD0];
	v47 =	vadd.f32 v59, v56;
	v2 =	vmax.f32 v2, v23;
	v23 =	vmul.f32 $2.000000030e-01, v24  }
0x5ed: {  	v43 =	vld [tilespmem:s17+$0xF0];
	[tilespmem:s18+$0xFFFFFE10] =	vst v42;
	v5 =	vmul.f32 $2.000000030e-01, v22;
	v2 =	vmul.f32 $1.442695020e+00, v2  }
0x5ee: {  	[tilespmem:s18+$0x50] =	vst v3;
	v46 =	vld [tilespmem:s17+$0xFFFFFE20];
	v28 =	vmul.f32 $2.000000030e-01, v47;
	(erf) = vpow2.f32 v21;
	v51 =	vmax.f32 v24, v23  }
0x5ef: {  	[tilespmem:s18+$0x170] =	vst v1;
	v45 =	vld [tilespmem:s20+$0xFFFFFF50];
	v0 =	vmul.f32 $1.442695020e+00, v51;
	(erf) = vpow2.f32 v2  }
0x5f0: {  	v36 =	vperm.xlane v19, v61;
	[tilespmem:s11+$0xFFFFFE30] =	vst v4;
	v31 =	vld [tilespmem:s17+$0x180];
	v38 =	vmul.f32 v48, v52;
	v3 =	vmax.f32 v47, v28  }
0x5f1: {  	s22 =	simm.s32 $0xA440;
	v42 =	vld [tilespmem:s17+$0x60];
	[tilespmem:s18+$0x220] =	vst v57;
	v54 =	vmax.f32 v22, v5;
	v3 =	vmul.f32 $1.442695020e+00, v3;
	v24 =	vpop (erf);
	(erf) = vpow2.f32 v0  }
0x5f2: {  	v41 =	vperm.xlane v20, v61;
	v49 =	vld [tilespmem:s17+$0xFFFFFF40];
	v55 =	vmul.f32 $1.442695020e+00, v54;
	[tilespmem:s22+$0x230] =	vst v24  }
0x5f3: {  	v56 =	vmul.f32 v46, v50;
	[tilespmem:s18+$0xFFFFFEB0] =	vst v38;
	(erf) = vpow2.f32 v3;
	v27 =	vpop (erf);
	v5 =	vld [tilespmem:s21+$0x1B0]  }
0x5f4: {  	v40 =	vmul.f32 v45, v25;
	v25 =	vld [tilespmem:s20+$0x100];
	(erf) = vpow2.f32 v55;
	[tilespmem:s22+$0xFFFFFED0] =	vst v27  }
0x5f5: {  	v14 =	vperm.xlane v14, v60;
	v20 =	vperm.xlane v20, v60;
	[tilespmem:s18+$0xFFFFFE20] =	vst v56;
	v37 =	vld [tilespmem:s21+$0xFFFFFE50]  }
0x5f6: {  	v41 =	vmul.f32 v43, v41;
	v22 =	vld [tilespmem:s20+$0xFFFFFFE0];
	[tilespmem:s11+$0xFFFFFF50] =	vst v40;
	v57 =	vperm.xlane v24, v62;
	v30 =	vpop (erf)  }
0x5f7: {  	v21 =	vperm.xlane v19, v60;
	v19 =	vperm.xlane v26, v60;
	v38 =	vld [tilespmem:s17+$0xFFFFFEC0];
	[tilespmem:s22+$0xFFFFFF60] =	vst v30;
	v26 =	vpop (erf)  }
0x5f8: {  	v59 =	vperm.xlane v27, v62;
	v45 =	vld [tilespmem:s21+$0xFFFFFEE0];
	[tilespmem:s22+$0xFFFFFFF0] =	vst v26;
	v58 =	vmul.f32 v5, v57;
	v29 =	vpop (erf)  }
0x5f9: {  	v42 =	vmul.f32 v42, v36;
	v39 =	vmul.f32 v49, v53;
	v56 =	vld [tilespmem:s21+$0xFFFFFF70];
	[tilespmem:s22+$0x80] =	vst v29  }
0x5fa: {  	v0 =	vperm.xlane v27, v6;
	v1 =	vmul.f32 v37, v59;
	[tilespmem:s22+$0x1B0] =	vst v58;
	v32 =	vpop (erf);
	v50 =	vld [tilespmem:s21+$0x0]  }
0x5fb: {  	v3 =	vperm.xlane v27, v7;
	v5 =	vperm.xlane v30, v62;
	v4 =	vld [tilespmem:s21+$0x1C0];
	[tilespmem:s22+$0x110] =	vst v32  }
0x5fc: {  	v55 =	vperm.xlane v24, v8;
	v46 =	vperm.xlane v26, v62;
	v33 =	vpop (erf);
	[tilespmem:s22+$0xFFFFFE50] =	vst v1;
	v58 =	vld [tilespmem:s21+$0x90]  }
0x5fd: {  	v40 =	vld [tilespmem:s20+$0x190];
	v57 =	vperm.xlane v24, v6;
	v5 =	vmul.f32 v45, v5;
	[tilespmem:s22+$0x1A0] =	vst v33;
	v37 =	vpop (erf)  }
0x5fe: {  	v59 =	vperm.xlane v29, v62;
	[tilespmem:s22+$0xFFFFFE40] =	vst v37;
	v51 =	vld [tilespmem:s21+$0x120];
	v46 =	vmul.f32 v56, v46  }
0x5ff: {  	v44 =	vperm.xlane v30, v6;
	[tilespmem:s22+$0xFFFFFEE0] =	vst v5;
	v56 =	vperm.xlane v32, v62;
	v1 =	vld [tilespmem:s21+$0xFFFFFDC0]  }
0x600: {  	v50 =	vmul.f32 v50, v59;
	[tilespmem:s22+$0xFFFFFF70] =	vst v46;
	v59 =	vld [tilespmem:s21+$0xFFFFFEF0];
	v4 =	vmul.f32 v4, v57  }
0x601: {  	v49 =	vperm.xlane v30, v7;
	v2 =	vmul.f32 v58, v56;
	v56 =	vld [tilespmem:s21+$0xFFFFFF80]  }
0x602: {  	v47 =	vperm.xlane v26, v6;
	v58 =	vperm.xlane v37, v62;
	[tilespmem:s22+$0x1C0] =	vst v4;
	v4 =	vld [tilespmem:s21+$0xFFFFFE60]  }
0x603: {  	v52 =	vperm.xlane v26, v7;
	v57 =	vperm.xlane v33, v62;
	v5 =	vld [tilespmem:s21+$0x1D0];
	[tilespmem:s22+$0x90] =	vst v2  }
0x604: {  	v53 =	vperm.xlane v29, v7;
	[tilespmem:s22+$0x0] =	vst v50;
	v1 =	vmul.f32 v1, v58;
	v58 =	vld [tilespmem:s21+$0xA0]  }
0x605: {  	v54 =	vperm.xlane v29, v9;
	v51 =	vmul.f32 v51, v57;
	v48 =	vld [tilespmem:s21+$0x10]  }
0x606: {  	v23 =	vld [tilespmem:s20+$0x70];
	v57 =	vperm.xlane v24, v7;
	v44 =	vmul.f32 v59, v44;
	[tilespmem:s22+$0xFFFFFDC0] =	vst v1  }
0x607: {  	v50 =	vperm.xlane v32, v6;
	[tilespmem:s22+$0x120] =	vst v51;
	v59 =	vld [tilespmem:s21+$0xFFFFFDD0];
	v0 =	vmul.f32 v4, v0  }
0x608: {  	v45 =	vperm.xlane v29, v6;
	[tilespmem:s22+$0xFFFFFEF0] =	vst v44;
	v2 =	vmul.f32 v5, v57;
	v5 =	vld [tilespmem:s21+$0x130]  }
0x609: {  	v47 =	vmul.f32 v56, v47;
	[tilespmem:s22+$0xFFFFFE60] =	vst v0;
	v50 =	vmul.f32 v58, v50;
	v58 =	vld [tilespmem:s21+$0xFFFFFF00]  }
0x60a: {  	v4 =	vperm.xlane v37, v6;
	v45 =	vmul.f32 v48, v45;
	[tilespmem:s22+$0x1D0] =	vst v2;
	v56 =	vld [tilespmem:s21+$0xFFFFFE70]  }
0x60b: {  	v36 =	vperm.xlane v32, v61;
	v1 =	vperm.xlane v33, v6;
	[tilespmem:s22+$0xFFFFFF80] =	vst v47;
	v57 =	vld [tilespmem:s21+$0x1E0]  }
0x60c: {  	v28 =	vld [tilespmem:s17+$0xFFFFFE30];
	v44 =	vperm.xlane v32, v7;
	[tilespmem:s22+$0x10] =	vst v45;
	v4 =	vmul.f32 v59, v4  }
0x60d: {  	v47 =	vperm.xlane v33, v7;
	[tilespmem:s22+$0xA0] =	vst v50;
	v1 =	vmul.f32 v5, v1;
	v5 =	vld [tilespmem:s21+$0xFFFFFF90]  }
0x60e: {  	v0 =	vperm.xlane v37, v7;
	v59 =	vld [tilespmem:s21+$0x20];
	[tilespmem:s22+$0xFFFFFDD0] =	vst v4;
	v49 =	vmul.f32 v58, v49  }
0x60f: {  	v45 =	vperm.xlane v37, v8;
	v2 =	vmul.f32 v56, v3;
	[tilespmem:s22+$0x130] =	vst v1;
	v56 =	vld [tilespmem:s21+$0xB0]  }
0x610: {  	v50 =	vperm.xlane v26, v63;
	v48 =	vmul.f32 v57, v55;
	v57 =	vld [tilespmem:s21+$0x140];
	[tilespmem:s22+$0xFFFFFF00] =	vst v49  }
0x611: {  	v4 =	vperm.xlane v30, v8;
	v58 =	vld [tilespmem:s21+$0xFFFFFDE0];
	v3 =	vperm.xlane v27, v8;
	[tilespmem:s22+$0xFFFFFE70] =	vst v2  }
0x612: {  	v49 =	vperm.xlane v32, v8;
	v5 =	vmul.f32 v5, v52;
	[tilespmem:s22+$0x1E0] =	vst v48;
	v48 =	vld [tilespmem:s21+$0xFFFFFE80]  }
0x613: {  	v46 =	vmul.f32 v59, v53;
	v55 =	vperm.xlane v27, v63;
	v59 =	vld [tilespmem:s21+$0x1F0]  }
0x614: {  	v2 =	vperm.xlane v26, v8;
	[tilespmem:s22+$0xFFFFFF90] =	vst v5;
	v1 =	vmul.f32 v56, v44;
	v56 =	vld [tilespmem:s21+$0xFFFFFF10]  }
0x615: {  	v52 =	vperm.xlane v29, v8;
	[tilespmem:s22+$0x20] =	vst v46;
	v47 =	vmul.f32 v57, v47;
	v57 =	vld [tilespmem:s21+$0xFFFFFFA0]  }
0x616: {  	v0 =	vmul.f32 v58, v0;
	v51 =	vld [tilespmem:s21+$0x30];
	v58 =	vperm.xlane v24, v9;
	[tilespmem:s22+$0xB0] =	vst v1  }
0x617: {  	v46 =	vperm.xlane v37, v9;
	v3 =	vmul.f32 v48, v3;
	[tilespmem:s22+$0x140] =	vst v47;
	v47 =	vld [tilespmem:s21+$0xC0]  }
0x618: {  	v5 =	vperm.xlane v33, v8;
	[tilespmem:s22+$0xFFFFFDE0] =	vst v0;
	v1 =	vmul.f32 v59, v58;
	v53 =	vld [tilespmem:s21+$0x150]  }
0x619: {  	v0 =	vperm.xlane v30, v9;
	v59 =	vld [tilespmem:s21+$0xFFFFFDF0];
	[tilespmem:s22+$0xFFFFFE80] =	vst v3;
	v4 =	vmul.f32 v56, v4  }
0x61a: {  	v48 =	vperm.xlane v27, v9;
	v2 =	vmul.f32 v57, v2;
	[tilespmem:s22+$0x1F0] =	vst v1;
	v57 =	vld [tilespmem:s21+$0xFFFFFE90]  }
0x61b: {  	v58 =	vmul.f32 v51, v52;
	v3 =	vperm.xlane v26, v9;
	[tilespmem:s22+$0xFFFFFF10] =	vst v4;
	v51 =	vld [tilespmem:s21+$0x200]  }
0x61c: {  	v4 =	vperm.xlane v32, v9;
	[tilespmem:s22+$0xFFFFFFA0] =	vst v2;
	v49 =	vmul.f32 v47, v49;
	v52 =	vld [tilespmem:s21+$0xFFFFFF20]  }
0x61d: {  	[tilespmem:s22+$0x30] =	vst v58;
	v2 =	vperm.xlane v33, v9;
	v5 =	vmul.f32 v53, v5;
	v53 =	vld [tilespmem:s21+$0xFFFFFFB0]  }
0x61e: {  	v47 =	vperm.xlane v37, v63;
	v44 =	vmul.f32 v59, v45;
	v45 =	vld [tilespmem:s21+$0x40];
	[tilespmem:s22+$0xC0] =	vst v49  }
0x61f: {  	v49 =	vperm.xlane v24, v63;
	v1 =	vmul.f32 v57, v48;
	[tilespmem:s22+$0x150] =	vst v5;
	v5 =	vld [tilespmem:s21+$0xD0]  }
0x620: {  	[tilespmem:s22+$0xFFFFFDF0] =	vst v44;
	v57 =	vperm.xlane v30, v63;
	v48 =	vperm.xlane v29, v63;
	v56 =	vld [tilespmem:s21+$0x160]  }
0x621: {  	v44 =	vmul.f32 v51, v49;
	v51 =	vperm.xlane v32, v63;
	[tilespmem:s22+$0xFFFFFE90] =	vst v1;
	v1 =	vld [tilespmem:s21+$0xFFFFFE00]  }
0x622: {  	[tilespmem:s18+$0xFFFFFF40] =	vst v39;
	v49 =	vperm.xlane v33, v63;
	v0 =	vmul.f32 v52, v0;
	v59 =	vld [tilespmem:s21+$0xFFFFFEA0]  }
0x623: {  	v39 =	vld [tilespmem:s17+$0xFFFFFF50];
	v52 =	vmul.f32 v35, v34;
	[tilespmem:s22+$0x200] =	vst v44;
	v58 =	vmul.f32 v45, v54  }
0x624: {  	v3 =	vmul.f32 v53, v3;
	[tilespmem:s22+$0xFFFFFF20] =	vst v0;
	v4 =	vmul.f32 v5, v4;
	v5 =	vld [tilespmem:s21+$0x210]  }
0x625: {  	v34 =	vperm.xlane v26, v61;
	[tilespmem:s22+$0x40] =	vst v58;
	v0 =	vmul.f32 v56, v2;
	v2 =	vld [tilespmem:s21+$0xFFFFFF30]  }
0x626: {  	v35 =	vperm.xlane v29, v61;
	[tilespmem:s22+$0xFFFFFFB0] =	vst v3;
	v56 =	vld [tilespmem:s21+$0x50];
	v1 =	vmul.f32 v1, v46  }
0x627: {  	v45 =	vperm.xlane v37, v61;
	[tilespmem:s22+$0xD0] =	vst v4;
	v3 =	vmul.f32 v59, v55;
	v55 =	vld [tilespmem:s21+$0xFFFFFFC0]  }
0x628: {  	v44 =	vperm.xlane v27, v61;
	v59 =	vperm.xlane v24, v61;
	v54 =	vld [tilespmem:s21+$0xE0];
	[tilespmem:s22+$0xFFFFFE00] =	vst v1  }
0x629: {  	v53 =	vperm.xlane v33, v61;
	v46 =	vperm.xlane v30, v61;
	[tilespmem:s22+$0x160] =	vst v0;
	v43 =	vld [tilespmem:s21+$0xFFFFFE10]  }
0x62a: {  	s26 =	simm.s32 $0x7BC0;
	s20 =	simm.s32 $0x10;
	v58 =	vmul.f32 v5, v59;
	[tilespmem:s22+$0xFFFFFEA0] =	vst v3;
	v59 =	vmul.f32 v2, v57;
	v57 =	vld [tilespmem:s21+$0x170]  }
.LBB2_13:
0x62b: {  	v0 =	vld [tilespmem:s26+$0x230]  }
0x62c: {  	v10 =	vld [tilespmem:$0x1FFC0];
	[tilespmem:s22+$0x210] =	vst v58  }
0x62d: {  	v2 =	vmul.f32 v31, v15;
	s25 =	sadd.s32 $0x80, s25;
	v5 =	vld [tilespmem:s21+$0x220]  }
0x62e: {  	v58 =	vperm.xlane v24, v60;
	v24 =	vld [tilespmem:s25+$0xFFFFFFD0];
	v1 =	vmul.f32 v55, v50  }
0x62f: {  	v3 =	vperm.xlane v37, v60;
	[tilespmem:s22+$0xFFFFFF30] =	vst v59;
	v31 =	vld [tilespmem:s25+$0x30];
	v4 =	vmul.f32 v56, v48  }
0x630: {  	v27 =	vperm.xlane v27, v60;
	v30 =	vperm.xlane v30, v60;
	v56 =	vld [tilespmem:s25+$0xFFFFFFC0];
	[tilespmem:s22+$0xFFFFFFC0] =	vst v1  }
0x631: {  	v26 =	vperm.xlane v26, v60;
	[tilespmem:s22+$0x50] =	vst v4;
	v4 =	vmul.f32 v57, v49;
	v57 =	vld [tilespmem:s26+$0xFFFFFED0]  }
0x632: {  	v55 =	vmul.f32 v54, v51;
	v1 =	vmul.f32 v5, v58;
	v5 =	vld [tilespmem:s25+$0xFFFFFFE0];
	[tilespmem:s18+$0xFFFFFFD0] =	vst v52  }
0x633: {  	v29 =	vperm.xlane v29, v60;
	v32 =	vperm.xlane v32, v60;
	[tilespmem:s22+$0x170] =	vst v4;
	v4 =	vld [tilespmem:s26+$0xFFFFFF60]  }
0x634: {  	v28 =	vmul.f32 v28, v17;
	v43 =	vmul.f32 v43, v47;
	[tilespmem:s22+$0xE0] =	vst v55;
	v59 =	vld [tilespmem:s26+$0xFFFFFFF0]  }
0x635: {  	v61 =	vmul.f32 v39, v18;
	v22 =	vmul.f32 v22, v11;
	v0 =	vadd.f32 v31, v0;
	[tilespmem:s18+$0x60] =	vst v42;
	v39 =	vld [tilespmem:s25+$0xFFFFFFF0]  }
0x636: {  	v11 =	vmovc v14;
	v14 =	vmov v26;
	v23 =	vmul.f32 v23, v10;
	[tilespmem:s22+$0xFFFFFE10] =	vst v43;
	v31 =	vperm.xlane v33, v60;
	v26 =	vld [tilespmem:s26+$0x80]  }
0x637: {  	v18 =	vmovc v30;
	v60 =	vmul.f32 v38, v16;
	v16 =	vmov v27;
	[tilespmem:s18+$0xF0] =	vst v41;
	v30 =	vld [tilespmem:s25+$0x0];
	v27 =	vmul.f32 $2.000000030e-01, v0  }
0x638: {  	[tilespmem:s18+$0xFFFFFE30] =	vst v28;
	v28 =	vld [tilespmem:s25+$0x10]  }
0x639: {  	[tilespmem:s11+$0x70] =	vst v23;
	v23 =	vld [tilespmem:s21+$0xFFFFFE20];
	v24 =	vadd.f32 v24, v57;
	v0 =	vmax.f32 v0, v27  }
0x63a: {  	v0 =	vmul.f32 $1.442695020e+00, v0;
	v4 =	vadd.f32 v5, v4;
	v5 =	vld [tilespmem:s26+$0x110]  }
0x63b: {  	v25 =	vmul.f32 v25, v12;
	v17 =	vmov v3;
	[tilespmem:s18+$0x180] =	vst v2;
	v27 =	vmul.f32 $2.000000030e-01, v24  }
0x63c: {  	v10 =	vmovc v21;
	v21 =	vmovc v29;
	v29 =	vld [tilespmem:s26+$0x1A0];
	v3 =	vadd.f32 v39, v59;
	(erf) = vpow2.f32 v0;
	v43 =	vmul.f32 $2.000000030e-01, v4  }
0x63d: {  	v42 =	vmul.f32 v40, v13;
	[tilespmem:s11+$0xFFFFFFE0] =	vst v22;
	v26 =	vadd.f32 v30, v26;
	v47 =	vmax.f32 v24, v27;
	v24 =	vld [tilespmem:s25+$0x20]  }
0x63e: {  	v22 =	vld [tilespmem:s26+$0xFFFFFE40];
	[tilespmem:s22+$0x220] =	vst v1;
	v0 =	vmul.f32 $1.442695020e+00, v47;
	v1 =	vmax.f32 v4, v43;
	v4 =	vmul.f32 $2.000000030e-01, v3  }
0x63f: {  	v15 =	vmovc v53;
	[tilespmem:s18+$0xFFFFFF50] =	vst v61;
	v53 =	vmul.f32 v23, v45;
	v1 =	vmul.f32 $1.442695020e+00, v1;
	v5 =	vadd.f32 v28, v5  }
0x640: {  	[tilespmem:s18+$0xFFFFFEC0] =	vst v60;
	v49 =	vld [tilespmem:s21+$0xFFFFFF40];
	(erf) = vpow2.f32 v0;
	v3 =	vmax.f32 v3, v4;
	v4 =	vmul.f32 $2.000000030e-01, v26  }
0x641: {  	[tilespmem:s11+$0x100] =	vst v25;
	v25 =	vld [tilespmem:s21+$0xFFFFFEB0];
	v48 =	vmul.f32 $1.442695020e+00, v3;
	(erf) = vpow2.f32 v1  }
0x642: {  	v23 =	vld [tilespmem:s17+$0x70];
	v50 =	vmax.f32 v26, v4;
	v4 =	vmul.f32 $2.000000030e-01, v5;
	v26 =	vadd.f32 v24, v29  }
0x643: {  	v41 =	vld [tilespmem:s21+$0xF0];
	v27 =	vadd.f32 v56, v22;
	(erf) = vpow2.f32 v48  }
0x644: {  	[tilespmem:s11+$0x190] =	vst v42;
	v42 =	vld [tilespmem:s21+$0x60];
	v3 =	vmul.f32 $1.442695020e+00, v50;
	v51 =	vmax.f32 v5, v4;
	v4 =	vmul.f32 $2.000000030e-01, v26  }
0x645: {  	v13 =	vmov v19;
	s11 =	smov.u32 s18;
	s18 =	smov.u32 s22;
	s22 =	sadd.s32 $0x480, s22;
	v22 =	vld [tilespmem:s17+$0xFFFFFFE0];
	v52 =	vmul.f32 $2.000000030e-01, v27;
	v24 =	vpop (erf);
	v1 =	vmul.f32 $1.442695020e+00, v51  }
0x646: {  	v19 =	vmovc v31;
	v31 =	vld [tilespmem:s21+$0x180];
	v55 =	vmul.f32 v25, v44;
	[tilespmem:s22+$0x230] =	vst v24;
	(erf) = vpow2.f32 v3;
	v4 =	vmax.f32 v26, v4  }
0x647: {  	v2 =	vmax.f32 v27, v52;
	v5 =	vld [tilespmem:s26+$0x1B0];
	v4 =	vmul.f32 $1.442695020e+00, v4;
	(erf) = vpow2.f32 v1  }
0x648: {  	[tilespmem:s18+$0xFFFFFE20] =	vst v53;
	v43 =	vld [tilespmem:s21+$0xFFFFFFD0];
	v54 =	vmul.f32 $1.442695020e+00, v2  }
0x649: {  	v28 =	vld [tilespmem:s21+$0xFFFFFE30];
	v0 =	vmul.f32 v49, v46;
	[tilespmem:s18+$0xFFFFFEB0] =	vst v55;
	v27 =	vpop (erf);
	(erf) = vpow2.f32 v4  }
0x64a: {  	v25 =	vld [tilespmem:s17+$0x100];
	v56 =	vperm.xlane v24, v62;
	[tilespmem:s22+$0xFFFFFED0] =	vst v27;
	(erf) = vpow2.f32 v54  }
0x64b: {  	v41 =	vmul.f32 v41, v36;
	[tilespmem:s18+$0xFFFFFF40] =	vst v0;
	v42 =	vmul.f32 v42, v35;
	v4 =	vld [tilespmem:s26+$0xFFFFFE50];
	v30 =	vpop (erf)  }
0x64c: {  	v60 =	vperm.xlane v24, v6;
	v38 =	vld [tilespmem:s21+$0xFFFFFEC0];
	v3 =	vmul.f32 v5, v56;
	[tilespmem:s22+$0xFFFFFF60] =	vst v30;
	v26 =	vpop (erf)  }
0x64d: {  	v57 =	vperm.xlane v27, v62;
	v2 =	vperm.xlane v27, v6;
	v59 =	vld [tilespmem:s26+$0xFFFFFEE0];
	[tilespmem:s22+$0xFFFFFFF0] =	vst v26  }
0x64e: {  	v44 =	vperm.xlane v27, v7;
	v58 =	vperm.xlane v30, v62;
	[tilespmem:s22+$0x1B0] =	vst v3;
	v61 =	vld [tilespmem:s26+$0xFFFFFF70]  }
0x64f: {  	v12 =	vmov v20;
	v5 =	vperm.xlane v30, v6;
	v45 =	vperm.xlane v26, v62;
	v48 =	vld [tilespmem:s26+$0x1C0];
	v29 =	vpop (erf)  }
0x650: {  	v20 =	vmov v32;
	v39 =	vld [tilespmem:s21+$0xFFFFFF50];
	v46 =	vperm.xlane v26, v6;
	[tilespmem:s22+$0x80] =	vst v29;
	v1 =	vmul.f32 v4, v57;
	v32 =	vpop (erf)  }
0x651: {  	v3 =	vperm.xlane v30, v7;
	v47 =	vperm.xlane v26, v7;
	v4 =	vld [tilespmem:s26+$0x0];
	[tilespmem:s22+$0x110] =	vst v32  }
0x652: {  	v50 =	vperm.xlane v29, v62;
	v51 =	vperm.xlane v29, v6;
	[tilespmem:s22+$0xFFFFFE50] =	vst v1;
	v53 =	vld [tilespmem:s26+$0x90];
	v33 =	vpop (erf)  }
0x653: {  	v52 =	vperm.xlane v32, v62;
	[tilespmem:s22+$0x1A0] =	vst v33;
	v37 =	vpop (erf);
	v61 =	vmul.f32 v61, v45;
	v45 =	vld [tilespmem:s26+$0xFFFFFE60]  }
0x654: {  	v0 =	vmul.f32 v59, v58;
	v48 =	vmul.f32 v48, v60;
	[tilespmem:s22+$0xFFFFFE40] =	vst v37;
	v58 =	vld [tilespmem:s26+$0x120]  }
0x655: {  	[tilespmem:$0x1FFC0] =	vst v10;
	v54 =	vperm.xlane v32, v6;
	v1 =	vperm.xlane v29, v7;
	v55 =	vld [tilespmem:s26+$0xFFFFFDC0]  }
0x656: {  	v56 =	vperm.xlane v33, v62;
	v49 =	vperm.xlane v33, v6;
	v40 =	vld [tilespmem:s17+$0x190];
	[tilespmem:s22+$0x1C0] =	vst v48  }
0x657: {  	[tilespmem:s22+$0xFFFFFEE0] =	vst v0;
	v57 =	vperm.xlane v37, v62;
	v4 =	vmul.f32 v4, v50;
	v50 =	vld [tilespmem:s26+$0x1D0]  }
0x658: {  	v59 =	vperm.xlane v37, v6;
	[tilespmem:s22+$0xFFFFFF70] =	vst v61;
	v0 =	vmul.f32 v53, v52;
	v52 =	vld [tilespmem:s26+$0xFFFFFEF0]  }
0x659: {  	v62 =	vperm.xlane v24, v7;
	v60 =	vld [tilespmem:s26+$0xFFFFFF80];
	[tilespmem:s22+$0x0] =	vst v4;
	v4 =	vmul.f32 v58, v56  }
0x65a: {  	v48 =	vperm.xlane v37, v7;
	[tilespmem:s22+$0x90] =	vst v0;
	v55 =	vmul.f32 v55, v57;
	v57 =	vld [tilespmem:s26+$0x10]  }
0x65b: {  	v53 =	vperm.xlane v32, v7;
	v2 =	vmul.f32 v45, v2;
	v45 =	vld [tilespmem:s26+$0xA0];
	[tilespmem:s22+$0x120] =	vst v4  }
0x65c: {  	v56 =	vperm.xlane v33, v7;
	v0 =	vmul.f32 v50, v62;
	[tilespmem:s22+$0xFFFFFDC0] =	vst v55;
	v55 =	vld [tilespmem:s26+$0x130]  }
0x65d: {  	v58 =	vperm.xlane v37, v8;
	[tilespmem:s22+$0xFFFFFE60] =	vst v2;
	v2 =	vmul.f32 v52, v5;
	v50 =	vld [tilespmem:s26+$0xFFFFFDD0]  }
0x65e: {  	v4 =	vperm.xlane v27, v8;
	v46 =	vmul.f32 v60, v46;
	v52 =	vld [tilespmem:s26+$0xFFFFFE70];
	[tilespmem:s22+$0x1D0] =	vst v0  }
0x65f: {  	v60 =	vperm.xlane v26, v8;
	[tilespmem:s22+$0xFFFFFEF0] =	vst v2;
	v61 =	vmul.f32 v57, v51;
	v51 =	vld [tilespmem:s26+$0x1E0]  }
0x660: {  	v5 =	vperm.xlane v30, v8;
	[tilespmem:s22+$0xFFFFFF80] =	vst v46;
	v57 =	vld [tilespmem:s26+$0xFFFFFF00];
	v45 =	vmul.f32 v45, v54  }
0x661: {  	v46 =	vperm.xlane v32, v8;
	v54 =	vld [tilespmem:s26+$0xFFFFFF90];
	[tilespmem:s22+$0x10] =	vst v61;
	v62 =	vmul.f32 v55, v49  }
0x662: {  	[tilespmem:s22+$0xA0] =	vst v45;
	v45 =	vperm.xlane v24, v8;
	v50 =	vmul.f32 v50, v59;
	v55 =	vld [tilespmem:s26+$0x20]  }
0x663: {  	v0 =	vperm.xlane v27, v9;
	v44 =	vmul.f32 v52, v44;
	v61 =	vld [tilespmem:s26+$0xB0];
	[tilespmem:s22+$0x130] =	vst v62  }
0x664: {  	v2 =	vperm.xlane v29, v8;
	[tilespmem:s22+$0xFFFFFDD0] =	vst v50;
	v62 =	vld [tilespmem:s26+$0x140];
	v45 =	vmul.f32 v51, v45  }
0x665: {  	v49 =	vperm.xlane v33, v8;
	[tilespmem:s22+$0xFFFFFE70] =	vst v44;
	v3 =	vmul.f32 v57, v3;
	v51 =	vld [tilespmem:s26+$0xFFFFFDE0]  }
0x666: {  	v52 =	vperm.xlane v32, v9;
	v44 =	vld [tilespmem:s26+$0xFFFFFE80];
	v47 =	vmul.f32 v54, v47;
	[tilespmem:s22+$0x1E0] =	vst v45  }
0x667: {  	v59 =	vperm.xlane v37, v9;
	[tilespmem:s22+$0xFFFFFF00] =	vst v3;
	v1 =	vmul.f32 v55, v1;
	v45 =	vld [tilespmem:s26+$0x1F0]  }
0x668: {  	v57 =	vperm.xlane v30, v9;
	[tilespmem:s22+$0xFFFFFF90] =	vst v47;
	v55 =	vld [tilespmem:s26+$0xFFFFFF10];
	v61 =	vmul.f32 v61, v53  }
0x669: {  	v54 =	vperm.xlane v26, v9;
	v53 =	vld [tilespmem:s26+$0xFFFFFFA0];
	[tilespmem:s22+$0x20] =	vst v1;
	v62 =	vmul.f32 v62, v56  }
0x66a: {  	v50 =	vperm.xlane v24, v9;
	[tilespmem:s22+$0xB0] =	vst v61;
	v48 =	vmul.f32 v51, v48;
	v51 =	vld [tilespmem:s26+$0x30]  }
0x66b: {  	v3 =	vperm.xlane v29, v9;
	v4 =	vmul.f32 v44, v4;
	v44 =	vld [tilespmem:s26+$0xC0];
	[tilespmem:s22+$0x140] =	vst v62  }
0x66c: {  	v47 =	vperm.xlane v37, v63;
	[tilespmem:s22+$0xFFFFFDE0] =	vst v48;
	v61 =	vld [tilespmem:s26+$0x150];
	v45 =	vmul.f32 v45, v50  }
0x66d: {  	v56 =	vperm.xlane v33, v9;
	[tilespmem:s22+$0xFFFFFE80] =	vst v4;
	v4 =	vmul.f32 v55, v5;
	v62 =	vld [tilespmem:s26+$0xFFFFFDF0]  }
0x66e: {  	v1 =	vperm.xlane v27, v63;
	v55 =	vld [tilespmem:s26+$0xFFFFFE90];
	v53 =	vmul.f32 v53, v60;
	[tilespmem:s22+$0x1F0] =	vst v45  }
0x66f: {  	v5 =	vperm.xlane v30, v63;
	[tilespmem:s22+$0xFFFFFF10] =	vst v4;
	v2 =	vmul.f32 v51, v2;
	v4 =	vld [tilespmem:s26+$0x200]  }
0x670: {  	v50 =	vperm.xlane v26, v63;
	[tilespmem:s22+$0xFFFFFFA0] =	vst v53;
	v60 =	vld [tilespmem:s26+$0xFFFFFF20];
	v44 =	vmul.f32 v44, v46  }
0x671: {  	v48 =	vperm.xlane v29, v63;
	v53 =	vld [tilespmem:s26+$0xFFFFFFB0];
	[tilespmem:s22+$0x30] =	vst v2;
	v2 =	vmul.f32 v61, v49  }
0x672: {  	v10 =	vimm.s32 $0x6;
	[tilespmem:s22+$0xC0] =	vst v44;
	v61 =	vperm.xlane v24, v63;
	v46 =	vmul.f32 v62, v58;
	v58 =	vld [tilespmem:s26+$0x40]  }
0x673: {  	v45 =	vperm.xlane v37, v10;
	v0 =	vmul.f32 v55, v0;
	v55 =	vld [tilespmem:s26+$0xD0];
	[tilespmem:s22+$0x150] =	vst v2  }
0x674: {  	v51 =	vperm.xlane v32, v63;
	[tilespmem:s22+$0xFFFFFDF0] =	vst v46;
	v2 =	vld [tilespmem:s26+$0x160];
	v4 =	vmul.f32 v4, v61  }
0x675: {  	v49 =	vperm.xlane v33, v63;
	[tilespmem:s22+$0xFFFFFE90] =	vst v0;
	v0 =	vmul.f32 v60, v57;
	v61 =	vld [tilespmem:s26+$0xFFFFFE00]  }
0x676: {  	v44 =	vperm.xlane v27, v10;
	v57 =	vld [tilespmem:s26+$0xFFFFFEA0];
	v53 =	vmul.f32 v53, v54;
	[tilespmem:s22+$0x200] =	vst v4  }
0x677: {  	s20 =	sadd.s32 $0x8, s20;
	v63 =	vperm.xlane v32, v10;
	[tilespmem:s22+$0xFFFFFF20] =	vst v0;
	v58 =	vmul.f32 v58, v3;
	v4 =	vld [tilespmem:s26+$0x210]  }
0x678: {  	p0 =	slt.u32 s20, $0x48;
	v46 =	vperm.xlane v30, v10;
	[tilespmem:s22+$0xFFFFFFB0] =	vst v53;
	v62 =	vld [tilespmem:s26+$0xFFFFFF30];
	v52 =	vmul.f32 v55, v52  }
.Ltmp5:
0x679: {  	v60 =	vperm.xlane v26, v10;
	v55 =	vld [tilespmem:s26+$0xFFFFFFC0];
	[tilespmem:s22+$0x40] =	vst v58;
	v0 =	vmul.f32 v2, v56;
	(pc) =	sbr.rel @p0 .LBB2_13-.Ltmp5, $4  }
0x67a: {  	v3 =	vperm.xlane v29, v10;
	[tilespmem:s22+$0xD0] =	vst v52;
	v2 =	vmul.f32 v61, v59;
	v56 =	vld [tilespmem:s26+$0x50]  }
0x67b: {  	v36 =	vmovc v63;
	v63 =	vimm.s32 $0x5;
	v58 =	vperm.xlane v24, v10;
	v1 =	vmul.f32 v57, v1;
	v54 =	vld [tilespmem:s26+$0xE0];
	[tilespmem:s22+$0x160] =	vst v0  }
0x67c: {  	s17 =	smov.u32 s21;
	s21 =	smov.u32 s26;
	v53 =	vperm.xlane v33, v10;
	v52 =	vmul.f32 v43, v34;
	v34 =	vmovc v60;
	v60 =	vimm.s32 $0x7;
	[tilespmem:s22+$0xFFFFFE00] =	vst v2;
	v57 =	vld [tilespmem:s26+$0x170]  }
0x67d: {  	v35 =	vmovc v3;
	[tilespmem:s22+$0xFFFFFEA0] =	vst v1;
	v58 =	vmul.f32 v4, v58;
	v59 =	vmul.f32 v62, v5;
	v62 =	vimm.s32 $0x0;
	s26 =	sadd.s32 $0x480, s26;
	v43 =	vld [tilespmem:s21+$0xFFFFFE10]  }
0x67e: {  	[tilespmem:s18+$0xFFFFFFD0] =	vst v52  }
0x67f: {  	[tilespmem:s18+$0x60] =	vst v42  }
0x680: {  	[tilespmem:s18+$0xF0] =	vst v41  }
0x681: {  	v0 =	vmul.f32 v55, v50;
	[tilespmem:s22+$0x210] =	vst v58  }
0x682: {  	v61 =	vperm.xlane v24, v60;
	v24 =	vmul.f32 v31, v15;
	[tilespmem:s22+$0xFFFFFF30] =	vst v59  }
0x683: {  	v28 =	vmul.f32 v28, v17;
	[tilespmem:s22+$0xFFFFFFC0] =	vst v0  }
0x684: {  	v31 =	vmul.f32 v38, v16;
	v2 =	vld [tilespmem:s21+$0x220];
	[tilespmem:s18+$0x180] =	vst v24  }
0x685: {  	v1 =	vmul.f32 v56, v48;
	[tilespmem:s18+$0xFFFFFE30] =	vst v28  }
0x686: {  	v58 =	vmul.f32 v54, v51;
	[tilespmem:s18+$0xFFFFFEC0] =	vst v31  }
0x687: {  	[tilespmem:s22+$0x50] =	vst v1;
	v59 =	vmul.f32 v57, v49  }
0x688: {  	v3 =	vmul.f32 v43, v47;
	[tilespmem:s22+$0xE0] =	vst v58  }
0x689: {  	[tilespmem:s22+$0x170] =	vst v59;
	v0 =	vmul.f32 v2, v61  }
0x68a: {  	v41 =	vld [tilespmem:s21+$0xFFFFFEB0];
	[tilespmem:s22+$0xFFFFFE10] =	vst v3  }
0x68b: {  	v42 =	vld [tilespmem:s21+$0xFFFFFF40];
	[tilespmem:s22+$0x220] =	vst v0  }
0x68c: {  	v5 =	vld [tilespmem:$0x1FFC0]  }
0x68d: {  	v39 =	vmul.f32 v39, v18;
	v38 =	vld [tilespmem:s21+$0xFFFFFE20]  }
0x68e: {  	v4 =	vmul.f32 v22, v11  }
0x68f: {  	v50 =	vld [tilespmem:s17+$0xFFFFFFE0];
	v43 =	vmul.f32 v25, v12;
	[tilespmem:s18+$0xFFFFFF50] =	vst v39  }
0x690: {  	v1 =	vmul.f32 v41, v44;
	[tilespmem:s11+$0xFFFFFFE0] =	vst v4;
	v4 =	vld [tilespmem:s21+$0xFFFFFFD0]  }
0x691: {  	v10 =	vld [tilespmem:s21+$0x180];
	[tilespmem:s11+$0x100] =	vst v43;
	v5 =	vmul.f32 v23, v5  }
0x692: {  	v46 =	vmul.f32 v42, v46;
	[tilespmem:s22+$0xFFFFFEB0] =	vst v1;
	v0 =	vmul.f32 v38, v45;
	v45 =	vld [tilespmem:s21+$0xF0]  }
0x693: {  	[tilespmem:s11+$0x70] =	vst v5;
	v5 =	vld [tilespmem:s21+$0x60]  }
0x694: {  	v47 =	vmul.f32 v40, v13;
	[tilespmem:s22+$0xFFFFFF40] =	vst v46;
	v1 =	vld [tilespmem:s21+$0xFFFFFEC0]  }
0x695: {  	v54 =	vld [tilespmem:s17+$0x190];
	[tilespmem:s22+$0xFFFFFE20] =	vst v0;
	v48 =	vmul.f32 v4, v34  }
0x696: {  	[tilespmem:s11+$0x190] =	vst v47;
	v10 =	vmul.f32 v10, v53;
	v11 =	vld [tilespmem:s21+$0xFFFFFE30]  }
0x697: {  	v51 =	vperm.xlane v27, v60;
	v49 =	vld [tilespmem:s21+$0xFFFFFF50];
	v3 =	vmul.f32 v45, v36;
	[tilespmem:s22+$0xFFFFFFD0] =	vst v48  }
0x698: {  	[tilespmem:s22+$0x180] =	vst v10;
	v56 =	vld [tilespmem:s21+$0xFFFFFFE0];
	v4 =	vmul.f32 v5, v35  }
0x699: {  	v52 =	vld [tilespmem:s17+$0x70];
	v0 =	vmul.f32 v1, v51;
	[tilespmem:s22+$0xF0] =	vst v3;
	v5 =	vperm.xlane v37, v60  }
0x69a: {  	v53 =	vld [tilespmem:s17+$0x100];
	v3 =	vmul.f32 v54, v19;
	[tilespmem:s22+$0x60] =	vst v4;
	v4 =	vperm.xlane v30, v60  }
0x69b: {  	v10 =	vperm.xlane v26, v60;
	[tilespmem:s22+$0xFFFFFEC0] =	vst v0;
	v5 =	vmul.f32 v11, v5  }
0x69c: {  	[tilespmem:s18+$0x190] =	vst v3;
	v57 =	vld [tilespmem:s21+$0x70];
	v55 =	vmul.f32 v49, v4;
	v4 =	vmul.f32 v50, v14  }
0x69d: {  	v58 =	vld [tilespmem:s21+$0x100];
	v2 =	vmul.f32 v56, v10;
	[tilespmem:s22+$0xFFFFFE30] =	vst v5  }
0x69e: {  	v5 =	vmul.f32 v52, v21;
	[tilespmem:s18+$0xFFFFFFE0] =	vst v4;
	v4 =	vld [tilespmem:s21+$0x190]  }
0x69f: {  	v59 =	vperm.xlane v29, v60;
	v11 =	vmul.f32 v53, v20;
	[tilespmem:s22+$0xFFFFFFE0] =	vst v2  }
0x6a0: {  	[tilespmem:s18+$0x70] =	vst v5;
	v5 =	vperm.xlane v32, v60  }
0x6a1: {  	v10 =	vperm.xlane v33, v60;
	[tilespmem:s18+$0x100] =	vst v11;
	v0 =	vmul.f32 v57, v59  }
0x6a2: {  	[tilespmem:s22+$0xFFFFFF50] =	vst v55;
	v1 =	vmul.f32 v58, v5  }
0x6a3: {  	s9 =	sadd.s32 $0x1, s9;
	[tilespmem:s22+$0x70] =	vst v0;
	v61 =	vmul.f32 v4, v10  }
0x6a4: {  	p0 =	sne.s32 s9, $0x7D;
	[tilespmem:s22+$0x100] =	vst v1  }
.Ltmp6:
0x6a5: {  	[tilespmem:s22+$0x190] =	vst v61;
	(pc) =	sbr.rel @p0 .LBB2_10-.Ltmp6, $4  }
0x6a6: {  	[spmem:s2] =	stream.indirect.scatter.add.f32 [tilespmem:s15], [sflag:$0x5], $0x90, s10, s19, $0xb8;
	[tilespmem:$0x183C0] =	vst v63  }
0x6a7: {  	_ =	swait.ge [sflag:s16], $0x2D00  }
0x6a8: {  	[sflag:s16] =	ssyncset.done $0x0  }
0x6a9: {  	[sflag:s16] =	ssyncadd.s32 $0xFFFFD300  }
0x6aa: {  	[bflag:$0x0] =	sbarrier.arrive $0xFFFF  }
0x6ab: {  	s9 =	rddreg [dreg:$0x8]  }
0x6ac: {  	s11 =	rddreg [dreg:$0xb]  }
0x6ad: {  	s17 =	rddreg [dreg:$0xd]  }
0x6ae: {  	[hbm:s9], [sflag:s17] =	dma.local [spmem:s11], $0x15F0  }
0x6af: {  	_ =	swait.ge [sflag:s16], $0x15F0  }
0x6b0: {  	s25 =	rddreg [dreg:$0xc]  }
0x6b1: {  	s26 =	rddreg [dreg:$0x9];
	s11 =	sadd.s32 $0x1, s25  }
0x6b2: {  	p0 =	sne.s32 s11, s26  }
.Ltmp7:
0x6b3: {  	_ = 	snop;
	(pc) =	sbr.rel @p0 .LBB2_1-.Ltmp7, $4  }
0x6b4: {  	[sflag:s16] =	ssyncset.done $0x0  }
0x6b5: {  	[sflag:s16] =	ssyncadd.s32 $0xFFFFEA10  }
0x6b6: {  	[bflag:$0x0] =	sbarrier.arrive $0xFFFF  }
0x6b7: {  	v0 =	vimm.f32 $0.0e+00  }
0x6b8: {  	_ =	sfence.sel $0x180000  }
0x6b9: {  	[bflag:$0x0] =	sbarrier.arrive $0xFFFF  }
0x6ba: {  	_ =	strace $0x90000047  }
0x6bb: {  	s0 =	stileid.u32;
	[bflag:$0x2] =	sbarrier.arrive $0xFFFF  }
0x6bc: {  	p0 =	sne.s32 s0, $0x0;
	s0 =	rddreg [dreg:$0x3]  }
0x6bd: {  	s0 =	sadd.s32 @!p0 $0x100000, s0  }
0x6be: {  	[sflag:s0] =	ssyncadd.tile.s32 @!p0 $0x1;
	_ =	shalt  }
.Lfunc_end2:
_tile_overlayer_lowered:
.L_overlay_start_2:
0x6bf: {  	(tag) =	ssettag $0x2  }
0x6c0: {  	s0 =	rddreg [dreg:$0x0];
	s2 =	stileid.u32  }
0x6c1: {  	s1 =	rddreg [dreg:$0x1];
	p0 =	sne.s32 s2, $0x0  }
0x6c2: {  	s3 =	rddreg [dreg:$0x2];
	[bflag:$0x3] =	sbarrier.arrive $0xFFFF;
	s2 =	simm.s32 @!p0 $0x1C05  }
0x6c3: {  	[timem:s3], [sflag:s2] =	dma.local @!p0 [hbm:s0], s1  }
0x6c4: {  	s0 =	simm.s32 @!p0 $0x5  }
0x6c5: {  	_ =	swait.ge @!p0 [sflag:s0], s1  }
0x6c6: {  	s1 =	ssub.s32 @!p0 $0x0, s1;
	[sflag:s0] =	ssyncset.done @!p0 $0x0  }
0x6c7: {  	[sflag:s0] =	ssyncadd.s32 @!p0 s1  }
0x6c8: {  	[bflag:$0x3] =	sbarrier.arrive $0xFFFF  }
0x6c9: {  	_ =	shalt  }

</sc_bundles>
